<compile_context>
chip_gen: v7x
topology: tpu7x:2x2x1
jax: 0.10.2.dev20260603
libtpu: 0.0.44.dev20260713+nightly
codegen_flags: <defaults>
</compile_context>

<pallas_src>
import functools

import jax
import jax.numpy as jnp
from jax import lax
from jax.experimental import pallas as pl
from jax.experimental.pallas import tpu as pltpu
from jax.experimental.pallas import tpu_sc as plsc

N = 10000
E = 320000
D = 128
G = 64
NC, NS = 2, 16
NW = NC * NS
EPW = E // NW
K = 80
NCHUNK = EPW // K
NP = 10240
RPT = NP // NS
RCH = 32
RBLK = 1000
NBLK = N // RBLK


def _agg_body(x_hbm, src_hbm, dst_hbm, out_hbm,
              sidx0, sidx1, sidx2, sidx3, sidx4, sidx5, sidx6, sidx7,
              didx0, didx1, didx2, didx3, didx4, didx5, didx6, didx7,
              rows0, rows1, rows2, rows3, zbuf, acc,
              semi0, semi1, semi2, semi3, semi4, semi5, semi6, semi7,
              semg0, semg1, semg2, semg3):
    c = lax.axis_index("c")
    s = lax.axis_index("s")

    w = s * NC + c
    base = w * EPW
    sidx = (sidx0, sidx1, sidx2, sidx3, sidx4, sidx5, sidx6, sidx7)
    didx = (didx0, didx1, didx2, didx3, didx4, didx5, didx6, didx7)
    rows = (rows0, rows1, rows2, rows3)
    semi = (semi0, semi1, semi2, semi3, semi4, semi5, semi6, semi7)
    semg = (semg0, semg1, semg2, semg3)

    def _start_idx(i, q):
        pltpu.async_copy(src_hbm.at[pl.ds(base + i * K, K)], sidx[q], semi[q])
        pltpu.async_copy(dst_hbm.at[pl.ds(base + i * K, K)], didx[q], semi[q])

    def _wait_idx(i, q):
        pltpu.make_async_copy(src_hbm.at[pl.ds(base + i * K, K)], sidx[q], semi[q]).wait()
        pltpu.make_async_copy(dst_hbm.at[pl.ds(base + i * K, K)], didx[q], semi[q]).wait()

    def _start_gather(r, q):
        pltpu.async_copy(x_hbm.at[sidx[q]], rows[r], semg[r])

    def _wait_gather(r, q):
        pltpu.make_async_copy(x_hbm.at[sidx[q]], rows[r], semg[r]).wait()

    def _stage(jt, a):
        r, q = a % 4, a % 8
        r3, q3 = (a + 3) % 4, (a + 3) % 8
        q5 = (a + 5) % 8

        @pl.when(jt + 3 < NCHUNK)
        def _():
            _wait_idx(jt + 3, q3)
            _start_gather(r3, q3)

        @pl.when(jt + 5 < NCHUNK)
        def _():
            _start_idx(jt + 5, q5)

        _wait_gather(r, q)
        pltpu.sync_copy(rows[r], acc.at[didx[q]], add=True)

    for i in range(5):
        _start_idx(i, i)
    for i in range(3):
        _wait_idx(i, i)
        _start_gather(i, i)

    def _zrow(i, carry):
        rr = i // 8
        jj = i - rr * 8
        zbuf[rr, pl.ds(jj * 16, 16)] = jnp.zeros((16,), jnp.float32)
        return carry

    lax.fori_loop(0, RCH * 8, _zrow, 0)
    for j in range(RPT // RCH):
        pltpu.sync_copy(zbuf, acc.at[pl.ds(s * RPT + j * RCH, RCH)])
    plsc.subcore_barrier()

    NMAIN = (NCHUNK // 8) * 8

    @pl.loop(0, NMAIN, step=8)
    def _chunks(j):
        for a in range(8):
            _stage(j + a, a)

    for jj in range(NMAIN, NCHUNK):
        _stage(jnp.int32(jj), jj % 8)

    plsc.subcore_barrier()
    pltpu.sync_copy(acc.at[pl.ds(s * RPT, RPT)], out_hbm.at[c, pl.ds(s * RPT, RPT)])


@functools.cache
def _make_agg():
    return pl.kernel(
        _agg_body,
        out_type=jax.ShapeDtypeStruct((NC, NP, D), jnp.float32),
        mesh=plsc.VectorSubcoreMesh(
            core_axis_name="c", subcore_axis_name="s", num_cores=NC, num_subcores=NS
        ),
        scratch_types=(
            [pltpu.VMEM((K,), jnp.int32)] * 16
            + [pltpu.VMEM((K, D), jnp.float32)] * 4
            + [pltpu.VMEM((RCH, D), jnp.float32)]
            + [pltpu.VMEM_SHARED((NP, D), jnp.float32)]
            + [pltpu.SemaphoreType.DMA] * 12
        ),
    )


def _agg(x, src, dst):
    return _make_agg()(x, src, dst)


def _mlp_block(x_ref, p_ref, wa_ref, ba_ref, wb_ref, bb_ref, o_ref):
    hin = x_ref[...] + p_ref[0] + p_ref[1]
    t = jnp.dot(hin, wa_ref[...], preferred_element_type=jnp.float32) + ba_ref[...]
    t = jax.nn.sigmoid(t)
    h = jnp.dot(t, wb_ref[...], preferred_element_type=jnp.float32) + bb_ref[...]
    o_ref[...] = jnp.maximum(h, 0.0)


def _mlp(x, p, wa, ba, wb, bb):
    row_spec = pl.BlockSpec((RBLK, D), lambda i: (i, 0))
    full = pl.BlockSpec((D, D), lambda i: (0, 0))
    bias = pl.BlockSpec((1, D), lambda i: (0, 0))
    return pl.pallas_call(
        _mlp_block,
        grid=(NBLK,),
        in_specs=[
            row_spec,
            pl.BlockSpec((NC, RBLK, D), lambda i: (0, i, 0)),
            full, bias, full, bias,
        ],
        out_specs=row_spec,
        out_shape=jax.ShapeDtypeStruct((N, D), jnp.float32),
    )(x, p, wa, ba, wb, bb)


def _pool_block(x_ref, p_ref, wa_ref, ba_ref, wb_ref, bb_ref, batch_ref,
                wf1_ref, bf1_ref, wf2_ref, bf2_ref, o_ref, acc, cnt):
    i = pl.program_id(0)

    @pl.when(i == 0)
    def _init():
        acc[...] = jnp.zeros((G, D), jnp.float32)
        cnt[...] = jnp.zeros((G, D), jnp.float32)

    hin = x_ref[...] + p_ref[0] + p_ref[1]
    t = jnp.dot(hin, wa_ref[...], preferred_element_type=jnp.float32) + ba_ref[...]
    t = jax.nn.sigmoid(t)
    h = jnp.dot(t, wb_ref[...], preferred_element_type=jnp.float32) + bb_ref[...]
    h = jnp.maximum(h, 0.0)

    b = batch_ref[0, 0, :]
    gids = lax.broadcasted_iota(jnp.int32, (G, RBLK), 0)
    mask = (b[None, :] == gids).astype(jnp.float32)
    acc[...] += jnp.dot(mask, h, preferred_element_type=jnp.float32)
    cnt[...] += jnp.sum(mask, axis=1, keepdims=True)

    @pl.when(i == NBLK - 1)
    def _head():
        pooled = acc[...] / jnp.maximum(cnt[...], 1.0)
        o = jnp.dot(pooled, wf1_ref[...], preferred_element_type=jnp.float32) + bf1_ref[...]
        o = jax.nn.sigmoid(o)
        o_ref[...] = jnp.dot(o, wf2_ref[...], preferred_element_type=jnp.float32) + bf2_ref[...]


def _pool_head(x, p, wa, ba, wb, bb, batch3, wf1, bf1, wf2, bf2):
    row_spec = pl.BlockSpec((RBLK, D), lambda i: (i, 0))
    full = pl.BlockSpec((D, D), lambda i: (0, 0))
    bias = pl.BlockSpec((1, D), lambda i: (0, 0))
    return pl.pallas_call(
        _pool_block,
        grid=(NBLK,),
        in_specs=[
            row_spec,
            pl.BlockSpec((NC, RBLK, D), lambda i: (0, i, 0)),
            full, bias, full, bias,
            pl.BlockSpec((1, 1, RBLK), lambda i: (i, 0, 0)),
            full, bias, full, bias,
        ],
        out_specs=pl.BlockSpec((G, D), lambda i: (0, 0)),
        out_shape=jax.ShapeDtypeStruct((G, D), jnp.float32),
        scratch_shapes=[
            pltpu.VMEM((G, D), jnp.float32),
            pltpu.VMEM((G, D), jnp.float32),
        ],
    )(x, p, wa, ba, wb, bb, batch3, wf1, bf1, wf2, bf2)


def kernel(x, W1, b1, W2, b2, W3, b3, W4, b4, Wf1, bf1, Wf2, bf2, edge_index, batch):
    src = edge_index[0].astype(jnp.int32)
    dst = edge_index[1].astype(jnp.int32)
    batch3 = batch.astype(jnp.int32).reshape(NBLK, 1, RBLK)

    p1 = _agg(x, src, dst)
    h1 = _mlp(x, p1, W1, b1.reshape(1, D), W2, b2.reshape(1, D))
    p2 = _agg(h1, src, dst)
    return _pool_head(
        h1, p2, W3, b3.reshape(1, D), W4, b4.reshape(1, D), batch3,
        Wf1, bf1.reshape(1, D), Wf2, bf2.reshape(1, D),
    )

# --- scband reference (transcript-rebuilt; emitter-appended) ---
"""Pipeline reference for scband-ginencoder-61186104099701 (READ-ONLY COPY).

The authoritative reference and input builder live on the scoring server;
editing this copy changes nothing except your own understanding.
"""

import jax, jax.numpy as jnp
import numpy as np

N_NODES = 10000
N_EDGES = 320000
D_IN = 128
D_HID = 128
D_EMB = 128
N_GRAPHS = 64


def setup_inputs(seed: int = 0) -> dict:
    key = jax.random.key(seed)
    ks = [jax.random.fold_in(key, i) for i in range(20)]
    x = jax.random.normal(ks[0], (N_NODES, D_IN), dtype=jnp.float32)
    edge_index = jax.random.randint(ks[1], (2, N_EDGES), 0, N_NODES, dtype=jnp.int64)
    batch = jnp.sort(jax.random.randint(ks[2], (N_NODES,), 0, N_GRAPHS, dtype=jnp.int64))
    s = 0.05
    inp = {
        'x': x,
        'W1': jax.random.normal(ks[3], (D_IN, D_HID), dtype=jnp.float32) * s,
        'b1': jnp.zeros((D_HID,), dtype=jnp.float32),
        'W2': jax.random.normal(ks[4], (D_HID, D_HID), dtype=jnp.float32) * s,
        'b2': jnp.zeros((D_HID,), dtype=jnp.float32),
        'W3': jax.random.normal(ks[5], (D_HID, D_HID), dtype=jnp.float32) * s,
        'b3': jnp.zeros((D_HID,), dtype=jnp.float32),
        'W4': jax.random.normal(ks[6], (D_HID, D_HID), dtype=jnp.float32) * s,
        'b4': jnp.zeros((D_HID,), dtype=jnp.float32),
        'Wf1': jax.random.normal(ks[7], (D_HID, D_HID), dtype=jnp.float32) * s,
        'bf1': jnp.zeros((D_HID,), dtype=jnp.float32),
        'Wf2': jax.random.normal(ks[8], (D_HID, D_EMB), dtype=jnp.float32) * s,
        'bf2': jnp.zeros((D_EMB,), dtype=jnp.float32),
        'edge_index': edge_index,
        'batch': batch,
    }
    return inp


def _gin_conv(x, edge_index, Wa, ba, Wb, bb):
    src = edge_index[0]
    dst = edge_index[1]
    # sum aggregation of neighbor features (PyG GINConv, eps=0)
    agg = jax.ops.segment_sum(jnp.take(x, src, axis=0), dst, num_segments=N_NODES)
    h = x + agg  # (1 + eps) * x + aggregate, eps = 0
    h = jnp.dot(h, Wa) + ba
    h = jax.nn.sigmoid(h)
    h = jnp.dot(h, Wb) + bb
    return h


def reference(x, W1, b1, W2, b2, W3, b3, W4, b4, Wf1, bf1, Wf2, bf2, edge_index, batch):
    h = _gin_conv(x, edge_index, W1, b1, W2, b2)
    h = jax.nn.relu(h)
    h = _gin_conv(h, edge_index, W3, b3, W4, b4)
    h = jax.nn.relu(h)
    # global_mean_pool over batch assignment
    sums = jax.ops.segment_sum(h, batch, num_segments=N_GRAPHS)
    counts = jax.ops.segment_sum(jnp.ones((N_NODES,), dtype=jnp.float32), batch, num_segments=N_GRAPHS)
    pooled = sums / jnp.clip(counts, 1.0, None)[:, None]
    out = jax.nn.sigmoid(jnp.dot(pooled, Wf1) + bf1)
    embeddings = jnp.dot(out, Wf2) + bf2
    return embeddings

if __name__ == "__main__":
    import jax
    _d = setup_inputs()
    print(jax.jit(kernel)(*tuple(_d.values())))

</pallas_src>

<mosaic_0001>
#map = affine_map<(d0, d1) -> (0, 0)>
#map1 = affine_map<(d0, d1) -> (0)>
#map2 = affine_map<(d0, d1) -> (0, 0, 0)>
module attributes {stable_mosaic.version = 14 : i64} {
  func.func @_agg_body(%arg0: i32, %arg1: i32, %arg2: memref<10000x128xf32, #tpu.memory_space<hbm>>, %arg3: memref<320000xi32, #tpu.memory_space<hbm>>, %arg4: memref<320000xi32, #tpu.memory_space<hbm>>, %arg5: memref<2x10240x128xf32, #tpu.memory_space<hbm>>, %arg6: memref<80xi32, #tpu.memory_space<vmem>>, %arg7: memref<80xi32, #tpu.memory_space<vmem>>, %arg8: memref<80xi32, #tpu.memory_space<vmem>>, %arg9: memref<80xi32, #tpu.memory_space<vmem>>, %arg10: memref<80xi32, #tpu.memory_space<vmem>>, %arg11: memref<80xi32, #tpu.memory_space<vmem>>, %arg12: memref<80xi32, #tpu.memory_space<vmem>>, %arg13: memref<80xi32, #tpu.memory_space<vmem>>, %arg14: memref<80xi32, #tpu.memory_space<vmem>>, %arg15: memref<80xi32, #tpu.memory_space<vmem>>, %arg16: memref<80xi32, #tpu.memory_space<vmem>>, %arg17: memref<80xi32, #tpu.memory_space<vmem>>, %arg18: memref<80xi32, #tpu.memory_space<vmem>>, %arg19: memref<80xi32, #tpu.memory_space<vmem>>, %arg20: memref<80xi32, #tpu.memory_space<vmem>>, %arg21: memref<80xi32, #tpu.memory_space<vmem>>, %arg22: memref<80x128xf32, #tpu.memory_space<vmem>>, %arg23: memref<80x128xf32, #tpu.memory_space<vmem>>, %arg24: memref<80x128xf32, #tpu.memory_space<vmem>>, %arg25: memref<80x128xf32, #tpu.memory_space<vmem>>, %arg26: memref<32x128xf32, #tpu.memory_space<vmem>>, %arg27: memref<10240x128xf32, #tpu.memory_space<vmem_shared>>, %arg28: memref<!tpu.dma_semaphore, #tpu.memory_space<semaphore_mem>>, %arg29: memref<!tpu.dma_semaphore, #tpu.memory_space<semaphore_mem>>, %arg30: memref<!tpu.dma_semaphore, #tpu.memory_space<semaphore_mem>>, %arg31: memref<!tpu.dma_semaphore, #tpu.memory_space<semaphore_mem>>, %arg32: memref<!tpu.dma_semaphore, #tpu.memory_space<semaphore_mem>>, %arg33: memref<!tpu.dma_semaphore, #tpu.memory_space<semaphore_mem>>, %arg34: memref<!tpu.dma_semaphore, #tpu.memory_space<semaphore_mem>>, %arg35: memref<!tpu.dma_semaphore, #tpu.memory_space<semaphore_mem>>, %arg36: memref<!tpu.dma_semaphore, #tpu.memory_space<semaphore_mem>>, %arg37: memref<!tpu.dma_semaphore, #tpu.memory_space<semaphore_mem>>, %arg38: memref<!tpu.dma_semaphore, #tpu.memory_space<semaphore_mem>>, %arg39: memref<!tpu.dma_semaphore, #tpu.memory_space<semaphore_mem>>) attributes {dimension_semantics = [#tpu.dimension_semantics<core_parallel>, #tpu.dimension_semantics<subcore_parallel>], iteration_bounds = array<i64: 2, 16>, scalar_prefetch = 0 : i64, scratch_operands = 34 : i64, tpu.core_type = #tpu.core_type<sc_vector_subcore>, window_params = [{transform_indices = #map}, {transform_indices = #map1}, {transform_indices = #map1}, {transform_indices = #map2}]} {
    %mul3A = arith.constant 2 : i32
    %mul3A_0 = arith.muli %arg1, %mul3A : i32
    %add3A = arith.addi %mul3A_0, %arg0 : i32
    %mul3A_1 = arith.constant 10000 : i32
    %mul3A_2 = arith.muli %add3A, %mul3A_1 : i32
    %add3A_3 = arith.constant 0 : i32
    %add3A_4 = arith.addi %mul3A_2, %add3A_3 : i32
    %dma_start3A = tpu.memref_slice %arg3[%add3A_4] : memref<320000xi32, #tpu.memory_space<hbm>> -> memref<80xi32, #tpu.memory_space<hbm>>
    %dma_start3A_5 = tpu.memref_slice %arg3[%add3A_4] : memref<320000xi32, #tpu.memory_space<hbm>> -> memref<80xi32, #tpu.memory_space<hbm>>
    tpu.enqueue_dma source(%dma_start3A_5 : memref<80xi32, #tpu.memory_space<hbm>>) target(%arg6 : memref<80xi32, #tpu.memory_space<vmem>>) target_semaphore(%arg28 : memref<!tpu.dma_semaphore, #tpu.memory_space<semaphore_mem>>)
    %add3A_6 = arith.constant 0 : i32
    %add3A_7 = arith.addi %mul3A_2, %add3A_6 : i32
    %dma_start3A_8 = tpu.memref_slice %arg4[%add3A_7] : memref<320000xi32, #tpu.memory_space<hbm>> -> memref<80xi32, #tpu.memory_space<hbm>>
    %dma_start3A_9 = tpu.memref_slice %arg4[%add3A_7] : memref<320000xi32, #tpu.memory_space<hbm>> -> memref<80xi32, #tpu.memory_space<hbm>>
    tpu.enqueue_dma source(%dma_start3A_9 : memref<80xi32, #tpu.memory_space<hbm>>) target(%arg14 : memref<80xi32, #tpu.memory_space<vmem>>) target_semaphore(%arg28 : memref<!tpu.dma_semaphore, #tpu.memory_space<semaphore_mem>>)
    %add3A_10 = arith.constant 80 : i32
    %add3A_11 = arith.addi %mul3A_2, %add3A_10 : i32
    %dma_start3A_12 = tpu.memref_slice %arg3[%add3A_11] : memref<320000xi32, #tpu.memory_space<hbm>> -> memref<80xi32, #tpu.memory_space<hbm>>
    %dma_start3A_13 = tpu.memref_slice %arg3[%add3A_11] : memref<320000xi32, #tpu.memory_space<hbm>> -> memref<80xi32, #tpu.memory_space<hbm>>
    tpu.enqueue_dma source(%dma_start3A_13 : memref<80xi32, #tpu.memory_space<hbm>>) target(%arg7 : memref<80xi32, #tpu.memory_space<vmem>>) target_semaphore(%arg29 : memref<!tpu.dma_semaphore, #tpu.memory_space<semaphore_mem>>)
    %add3A_14 = arith.constant 80 : i32
    %add3A_15 = arith.addi %mul3A_2, %add3A_14 : i32
    %dma_start3A_16 = tpu.memref_slice %arg4[%add3A_15] : memref<320000xi32, #tpu.memory_space<hbm>> -> memref<80xi32, #tpu.memory_space<hbm>>
    %dma_start3A_17 = tpu.memref_slice %arg4[%add3A_15] : memref<320000xi32, #tpu.memory_space<hbm>> -> memref<80xi32, #tpu.memory_space<hbm>>
    tpu.enqueue_dma source(%dma_start3A_17 : memref<80xi32, #tpu.memory_space<hbm>>) target(%arg15 : memref<80xi32, #tpu.memory_space<vmem>>) target_semaphore(%arg29 : memref<!tpu.dma_semaphore, #tpu.memory_space<semaphore_mem>>)
    %add3A_18 = arith.constant 160 : i32
    %add3A_19 = arith.addi %mul3A_2, %add3A_18 : i32
    %dma_start3A_20 = tpu.memref_slice %arg3[%add3A_19] : memref<320000xi32, #tpu.memory_space<hbm>> -> memref<80xi32, #tpu.memory_space<hbm>>
    %dma_start3A_21 = tpu.memref_slice %arg3[%add3A_19] : memref<320000xi32, #tpu.memory_space<hbm>> -> memref<80xi32, #tpu.memory_space<hbm>>
    tpu.enqueue_dma source(%dma_start3A_21 : memref<80xi32, #tpu.memory_space<hbm>>) target(%arg8 : memref<80xi32, #tpu.memory_space<vmem>>) target_semaphore(%arg30 : memref<!tpu.dma_semaphore, #tpu.memory_space<semaphore_mem>>)
    %add3A_22 = arith.constant 160 : i32
    %add3A_23 = arith.addi %mul3A_2, %add3A_22 : i32
    %dma_start3A_24 = tpu.memref_slice %arg4[%add3A_23] : memref<320000xi32, #tpu.memory_space<hbm>> -> memref<80xi32, #tpu.memory_space<hbm>>
    %dma_start3A_25 = tpu.memref_slice %arg4[%add3A_23] : memref<320000xi32, #tpu.memory_space<hbm>> -> memref<80xi32, #tpu.memory_space<hbm>>
    tpu.enqueue_dma source(%dma_start3A_25 : memref<80xi32, #tpu.memory_space<hbm>>) target(%arg16 : memref<80xi32, #tpu.memory_space<vmem>>) target_semaphore(%arg30 : memref<!tpu.dma_semaphore, #tpu.memory_space<semaphore_mem>>)
    %add3A_26 = arith.constant 240 : i32
    %add3A_27 = arith.addi %mul3A_2, %add3A_26 : i32
    %dma_start3A_28 = tpu.memref_slice %arg3[%add3A_27] : memref<320000xi32, #tpu.memory_space<hbm>> -> memref<80xi32, #tpu.memory_space<hbm>>
    %dma_start3A_29 = tpu.memref_slice %arg3[%add3A_27] : memref<320000xi32, #tpu.memory_space<hbm>> -> memref<80xi32, #tpu.memory_space<hbm>>
    tpu.enqueue_dma source(%dma_start3A_29 : memref<80xi32, #tpu.memory_space<hbm>>) target(%arg9 : memref<80xi32, #tpu.memory_space<vmem>>) target_semaphore(%arg31 : memref<!tpu.dma_semaphore, #tpu.memory_space<semaphore_mem>>)
    %add3A_30 = arith.constant 240 : i32
    %add3A_31 = arith.addi %mul3A_2, %add3A_30 : i32
    %dma_start3A_32 = tpu.memref_slice %arg4[%add3A_31] : memref<320000xi32, #tpu.memory_space<hbm>> -> memref<80xi32, #tpu.memory_space<hbm>>
    %dma_start3A_33 = tpu.memref_slice %arg4[%add3A_31] : memref<320000xi32, #tpu.memory_space<hbm>> -> memref<80xi32, #tpu.memory_space<hbm>>
    tpu.enqueue_dma source(%dma_start3A_33 : memref<80xi32, #tpu.memory_space<hbm>>) target(%arg17 : memref<80xi32, #tpu.memory_space<vmem>>) target_semaphore(%arg31 : memref<!tpu.dma_semaphore, #tpu.memory_space<semaphore_mem>>)
    %add3A_34 = arith.constant 320 : i32
    %add3A_35 = arith.addi %mul3A_2, %add3A_34 : i32
    %dma_start3A_36 = tpu.memref_slice %arg3[%add3A_35] : memref<320000xi32, #tpu.memory_space<hbm>> -> memref<80xi32, #tpu.memory_space<hbm>>
    %dma_start3A_37 = tpu.memref_slice %arg3[%add3A_35] : memref<320000xi32, #tpu.memory_space<hbm>> -> memref<80xi32, #tpu.memory_space<hbm>>
    tpu.enqueue_dma source(%dma_start3A_37 : memref<80xi32, #tpu.memory_space<hbm>>) target(%arg10 : memref<80xi32, #tpu.memory_space<vmem>>) target_semaphore(%arg32 : memref<!tpu.dma_semaphore, #tpu.memory_space<semaphore_mem>>)
    %add3A_38 = arith.constant 320 : i32
    %add3A_39 = arith.addi %mul3A_2, %add3A_38 : i32
    %dma_start3A_40 = tpu.memref_slice %arg4[%add3A_39] : memref<320000xi32, #tpu.memory_space<hbm>> -> memref<80xi32, #tpu.memory_space<hbm>>
    %dma_start3A_41 = tpu.memref_slice %arg4[%add3A_39] : memref<320000xi32, #tpu.memory_space<hbm>> -> memref<80xi32, #tpu.memory_space<hbm>>
    tpu.enqueue_dma source(%dma_start3A_41 : memref<80xi32, #tpu.memory_space<hbm>>) target(%arg18 : memref<80xi32, #tpu.memory_space<vmem>>) target_semaphore(%arg32 : memref<!tpu.dma_semaphore, #tpu.memory_space<semaphore_mem>>)
    %add3A_42 = arith.constant 0 : i32
    %add3A_43 = arith.addi %mul3A_2, %add3A_42 : i32
    %dma_wait3A = tpu.memref_slice %arg3[%add3A_43] : memref<320000xi32, #tpu.memory_space<hbm>> -> memref<80xi32, #tpu.memory_space<hbm>>
    %dma_wait3A_44 = tpu.memref_slice %arg3[%add3A_43] : memref<320000xi32, #tpu.memory_space<hbm>> -> memref<80xi32, #tpu.memory_space<hbm>>
    tpu.wait_dma2 semaphore(%arg28 : memref<!tpu.dma_semaphore, #tpu.memory_space<semaphore_mem>>) src(%dma_wait3A_44 : memref<80xi32, #tpu.memory_space<hbm>>) dst(%arg6 : memref<80xi32, #tpu.memory_space<vmem>>)
    %add3A_45 = arith.constant 0 : i32
    %add3A_46 = arith.addi %mul3A_2, %add3A_45 : i32
    %dma_wait3A_47 = tpu.memref_slice %arg4[%add3A_46] : memref<320000xi32, #tpu.memory_space<hbm>> -> memref<80xi32, #tpu.memory_space<hbm>>
    %dma_wait3A_48 = tpu.memref_slice %arg4[%add3A_46] : memref<320000xi32, #tpu.memory_space<hbm>> -> memref<80xi32, #tpu.memory_space<hbm>>
    tpu.wait_dma2 semaphore(%arg28 : memref<!tpu.dma_semaphore, #tpu.memory_space<semaphore_mem>>) src(%dma_wait3A_48 : memref<80xi32, #tpu.memory_space<hbm>>) dst(%arg14 : memref<80xi32, #tpu.memory_space<vmem>>)
    %dma_start3A_49 = arith.constant 0 : i32
    %dma_start3A_50 = arith.constant 0 : i32
    %dma_start3A_51 = tpu.memref_slice %arg2[%dma_start3A_49, %dma_start3A_50] : memref<10000x128xf32, #tpu.memory_space<hbm>> -> memref<10000x128xf32, #tpu.memory_space<hbm>>
    tpu.enqueue_indirect_dma source(%dma_start3A_51 : memref<10000x128xf32, #tpu.memory_space<hbm>>) target(%arg22 : memref<80x128xf32, #tpu.memory_space<vmem>>) offsets(%arg6 : memref<80xi32, #tpu.memory_space<vmem>>) semaphore(%arg36 : memref<!tpu.dma_semaphore, #tpu.memory_space<semaphore_mem>>)
    %add3A_52 = arith.constant 80 : i32
    %add3A_53 = arith.addi %mul3A_2, %add3A_52 : i32
    %dma_wait3A_54 = tpu.memref_slice %arg3[%add3A_53] : memref<320000xi32, #tpu.memory_space<hbm>> -> memref<80xi32, #tpu.memory_space<hbm>>
    %dma_wait3A_55 = tpu.memref_slice %arg3[%add3A_53] : memref<320000xi32, #tpu.memory_space<hbm>> -> memref<80xi32, #tpu.memory_space<hbm>>
    tpu.wait_dma2 semaphore(%arg29 : memref<!tpu.dma_semaphore, #tpu.memory_space<semaphore_mem>>) src(%dma_wait3A_55 : memref<80xi32, #tpu.memory_space<hbm>>) dst(%arg7 : memref<80xi32, #tpu.memory_space<vmem>>)
    %add3A_56 = arith.constant 80 : i32
    %add3A_57 = arith.addi %mul3A_2, %add3A_56 : i32
    %dma_wait3A_58 = tpu.memref_slice %arg4[%add3A_57] : memref<320000xi32, #tpu.memory_space<hbm>> -> memref<80xi32, #tpu.memory_space<hbm>>
    %dma_wait3A_59 = tpu.memref_slice %arg4[%add3A_57] : memref<320000xi32, #tpu.memory_space<hbm>> -> memref<80xi32, #tpu.memory_space<hbm>>
    tpu.wait_dma2 semaphore(%arg29 : memref<!tpu.dma_semaphore, #tpu.memory_space<semaphore_mem>>) src(%dma_wait3A_59 : memref<80xi32, #tpu.memory_space<hbm>>) dst(%arg15 : memref<80xi32, #tpu.memory_space<vmem>>)
    %dma_start3A_60 = arith.constant 0 : i32
    %dma_start3A_61 = arith.constant 0 : i32
    %dma_start3A_62 = tpu.memref_slice %arg2[%dma_start3A_60, %dma_start3A_61] : memref<10000x128xf32, #tpu.memory_space<hbm>> -> memref<10000x128xf32, #tpu.memory_space<hbm>>
    tpu.enqueue_indirect_dma source(%dma_start3A_62 : memref<10000x128xf32, #tpu.memory_space<hbm>>) target(%arg23 : memref<80x128xf32, #tpu.memory_space<vmem>>) offsets(%arg7 : memref<80xi32, #tpu.memory_space<vmem>>) semaphore(%arg37 : memref<!tpu.dma_semaphore, #tpu.memory_space<semaphore_mem>>)
    %add3A_63 = arith.constant 160 : i32
    %add3A_64 = arith.addi %mul3A_2, %add3A_63 : i32
    %dma_wait3A_65 = tpu.memref_slice %arg3[%add3A_64] : memref<320000xi32, #tpu.memory_space<hbm>> -> memref<80xi32, #tpu.memory_space<hbm>>
    %dma_wait3A_66 = tpu.memref_slice %arg3[%add3A_64] : memref<320000xi32, #tpu.memory_space<hbm>> -> memref<80xi32, #tpu.memory_space<hbm>>
    tpu.wait_dma2 semaphore(%arg30 : memref<!tpu.dma_semaphore, #tpu.memory_space<semaphore_mem>>) src(%dma_wait3A_66 : memref<80xi32, #tpu.memory_space<hbm>>) dst(%arg8 : memref<80xi32, #tpu.memory_space<vmem>>)
    %add3A_67 = arith.constant 160 : i32
    %add3A_68 = arith.addi %mul3A_2, %add3A_67 : i32
    %dma_wait3A_69 = tpu.memref_slice %arg4[%add3A_68] : memref<320000xi32, #tpu.memory_space<hbm>> -> memref<80xi32, #tpu.memory_space<hbm>>
    %dma_wait3A_70 = tpu.memref_slice %arg4[%add3A_68] : memref<320000xi32, #tpu.memory_space<hbm>> -> memref<80xi32, #tpu.memory_space<hbm>>
    tpu.wait_dma2 semaphore(%arg30 : memref<!tpu.dma_semaphore, #tpu.memory_space<semaphore_mem>>) src(%dma_wait3A_70 : memref<80xi32, #tpu.memory_space<hbm>>) dst(%arg16 : memref<80xi32, #tpu.memory_space<vmem>>)
    %dma_start3A_71 = arith.constant 0 : i32
    %dma_start3A_72 = arith.constant 0 : i32
    %dma_start3A_73 = tpu.memref_slice %arg2[%dma_start3A_71, %dma_start3A_72] : memref<10000x128xf32, #tpu.memory_space<hbm>> -> memref<10000x128xf32, #tpu.memory_space<hbm>>
    tpu.enqueue_indirect_dma source(%dma_start3A_73 : memref<10000x128xf32, #tpu.memory_space<hbm>>) target(%arg24 : memref<80x128xf32, #tpu.memory_space<vmem>>) offsets(%arg8 : memref<80xi32, #tpu.memory_space<vmem>>) semaphore(%arg38 : memref<!tpu.dma_semaphore, #tpu.memory_space<semaphore_mem>>)
    %scan3A = arith.constant 0 : i32
    %scan3A_74 = arith.constant 0 : i32
    %scan3A_75 = arith.constant 256 : i32
    %scan3A_76 = arith.addi %scan3A_74, %scan3A_75 : i32
    %scan3A_77 = arith.constant 1 : i32
    scf.for %scan3A_271 = %scan3A_74 to %scan3A_76 step %scan3A_77  : i32 {
      %jit3A = arith.constant 8 : i32
      %div3A = arith.divsi %scan3A_271, %jit3A : i32
      %sign3A = arith.constant 0 : i32
      %sign3A_272 = arith.cmpi sgt, %scan3A_271, %sign3A : i32
      %sign3A_273 = arith.extui %sign3A_272 : i1 to i32
      %sign3A_274 = arith.constant 0 : i32
      %sign3A_275 = arith.cmpi slt, %scan3A_271, %sign3A_274 : i32
      %sign3A_276 = arith.extui %sign3A_275 : i1 to i32
      %sign3A_277 = arith.subi %sign3A_273, %sign3A_276 : i32
      %sign3A_278 = arith.constant 0 : i32
      %sign3A_279 = arith.cmpi sgt, %jit3A, %sign3A_278 : i32
      %sign3A_280 = arith.extui %sign3A_279 : i1 to i32
      %sign3A_281 = arith.constant 0 : i32
      %sign3A_282 = arith.cmpi slt, %jit3A, %sign3A_281 : i32
      %sign3A_283 = arith.extui %sign3A_282 : i1 to i32
      %sign3A_284 = arith.subi %sign3A_280, %sign3A_283 : i32
      %ne3A = arith.cmpi ne, %sign3A_277, %sign3A_284 : i32
      %rem3A = arith.remsi %scan3A_271, %jit3A : i32
      %ne3A_285 = arith.constant 0 : i32
      %ne3A_286 = arith.cmpi ne, %rem3A, %ne3A_285 : i32
      %and3A = arith.andi %ne3A, %ne3A_286 : i1
      %sub3A = arith.constant 1 : i32
      %sub3A_287 = arith.subi %div3A, %sub3A : i32
      %select_n3A = arith.select %and3A, %sub3A_287, %div3A : i32
      %mul3A_288 = arith.constant 8 : i32
      %mul3A_289 = arith.muli %select_n3A, %mul3A_288 : i32
      %sub3A_290 = arith.subi %scan3A_271, %mul3A_289 : i32
      %broadcast_in_dim3A = arith.constant 0.000000e+00 : f32
      %broadcast_in_dim3A_291 = vector.broadcast %broadcast_in_dim3A : f32 to vector<16xf32>
      %mul3A_292 = arith.constant 16 : i32
      %mul3A_293 = arith.muli %sub3A_290, %mul3A_292 : i32
      %swap3A = arith.index_cast %select_n3A : i32 to index
      %swap3A_294 = arith.index_cast %mul3A_293 : i32 to index
      %swap3A_295 = tpu.vector_load %arg26[%swap3A, %swap3A_294] {strides = array<i32>} : memref<32x128xf32, #tpu.memory_space<vmem>>, vector<1x16xf32>,
      %swap3A_296 = vector.shape_cast %swap3A_295 : vector<1x16xf32> to vector<16xf32>
      %swap3A_297 = vector.shape_cast %broadcast_in_dim3A_291 : vector<16xf32> to vector<1x16xf32>
      tpu.vector_store %arg26[%swap3A, %swap3A_294], %swap3A_297 {strides = array<i32>} : memref<32x128xf32, #tpu.memory_space<vmem>>, vector<1x16xf32>,
    }
    %scan3A_78 = arith.constant 256 : i32
    %mul3A_79 = arith.constant 640 : i32
    %mul3A_80 = arith.muli %arg1, %mul3A_79 : i32
    %add3A_81 = arith.constant 0 : i32
    %add3A_82 = arith.addi %mul3A_80, %add3A_81 : i32
    "tpu.region"() ({
      %run_scoped3A = tpu.sem_alloc : memref<!tpu.dma_semaphore, #tpu.memory_space<semaphore_mem>>
      %dma_start3A_271 = arith.constant 0 : i32
      %dma_start3A_272 = tpu.memref_slice %arg27[%add3A_82, %dma_start3A_271] : memref<10240x128xf32, #tpu.memory_space<vmem_shared>> -> memref<32x128xf32, #tpu.memory_space<vmem_shared>>
      %dma_start3A_273 = arith.constant 0 : i32
      %dma_start3A_274 = tpu.memref_slice %arg27[%add3A_82, %dma_start3A_273] : memref<10240x128xf32, #tpu.memory_space<vmem_shared>> -> memref<32x128xf32, #tpu.memory_space<vmem_shared>>
      tpu.enqueue_dma source(%arg26 : memref<32x128xf32, #tpu.memory_space<vmem>>) target(%dma_start3A_274 : memref<32x128xf32, #tpu.memory_space<vmem_shared>>) target_semaphore(%run_scoped3A : memref<!tpu.dma_semaphore, #tpu.memory_space<semaphore_mem>>)
      %dma_wait3A_275 = arith.constant 0 : i32
      %dma_wait3A_276 = tpu.memref_slice %arg27[%add3A_82, %dma_wait3A_275] : memref<10240x128xf32, #tpu.memory_space<vmem_shared>> -> memref<32x128xf32, #tpu.memory_space<vmem_shared>>
      %dma_wait3A_277 = arith.constant 0 : i32
      %dma_wait3A_278 = tpu.memref_slice %arg27[%add3A_82, %dma_wait3A_277] : memref<10240x128xf32, #tpu.memory_space<vmem_shared>> -> memref<32x128xf32, #tpu.memory_space<vmem_shared>>
      tpu.wait_dma2 semaphore(%run_scoped3A : memref<!tpu.dma_semaphore, #tpu.memory_space<semaphore_mem>>) src(%arg26 : memref<32x128xf32, #tpu.memory_space<vmem>>) dst(%dma_wait3A_278 : memref<32x128xf32, #tpu.memory_space<vmem_shared>>)
      tpu.yield
    }) : () -> ()
    %mul3A_83 = arith.constant 640 : i32
    %mul3A_84 = arith.muli %arg1, %mul3A_83 : i32
    %add3A_85 = arith.constant 32 : i32
    %add3A_86 = arith.addi %mul3A_84, %add3A_85 : i32
    "tpu.region"() ({
      %run_scoped3A = tpu.sem_alloc : memref<!tpu.dma_semaphore, #tpu.memory_space<semaphore_mem>>
      %dma_start3A_271 = arith.constant 0 : i32
      %dma_start3A_272 = tpu.memref_slice %arg27[%add3A_86, %dma_start3A_271] : memref<10240x128xf32, #tpu.memory_space<vmem_shared>> -> memref<32x128xf32, #tpu.memory_space<vmem_shared>>
      %dma_start3A_273 = arith.constant 0 : i32
      %dma_start3A_274 = tpu.memref_slice %arg27[%add3A_86, %dma_start3A_273] : memref<10240x128xf32, #tpu.memory_space<vmem_shared>> -> memref<32x128xf32, #tpu.memory_space<vmem_shared>>
      tpu.enqueue_dma source(%arg26 : memref<32x128xf32, #tpu.memory_space<vmem>>) target(%dma_start3A_274 : memref<32x128xf32, #tpu.memory_space<vmem_shared>>) target_semaphore(%run_scoped3A : memref<!tpu.dma_semaphore, #tpu.memory_space<semaphore_mem>>)
      %dma_wait3A_275 = arith.constant 0 : i32
      %dma_wait3A_276 = tpu.memref_slice %arg27[%add3A_86, %dma_wait3A_275] : memref<10240x128xf32, #tpu.memory_space<vmem_shared>> -> memref<32x128xf32, #tpu.memory_space<vmem_shared>>
      %dma_wait3A_277 = arith.constant 0 : i32
      %dma_wait3A_278 = tpu.memref_slice %arg27[%add3A_86, %dma_wait3A_277] : memref<10240x128xf32, #tpu.memory_space<vmem_shared>> -> memref<32x128xf32, #tpu.memory_space<vmem_shared>>
      tpu.wait_dma2 semaphore(%run_scoped3A : memref<!tpu.dma_semaphore, #tpu.memory_space<semaphore_mem>>) src(%arg26 : memref<32x128xf32, #tpu.memory_space<vmem>>) dst(%dma_wait3A_278 : memref<32x128xf32, #tpu.memory_space<vmem_shared>>)
      tpu.yield
    }) : () -> ()
    %mul3A_87 = arith.constant 640 : i32
    %mul3A_88 = arith.muli %arg1, %mul3A_87 : i32
    %add3A_89 = arith.constant 64 : i32
    %add3A_90 = arith.addi %mul3A_88, %add3A_89 : i32
    "tpu.region"() ({
      %run_scoped3A = tpu.sem_alloc : memref<!tpu.dma_semaphore, #tpu.memory_space<semaphore_mem>>
      %dma_start3A_271 = arith.constant 0 : i32
      %dma_start3A_272 = tpu.memref_slice %arg27[%add3A_90, %dma_start3A_271] : memref<10240x128xf32, #tpu.memory_space<vmem_shared>> -> memref<32x128xf32, #tpu.memory_space<vmem_shared>>
      %dma_start3A_273 = arith.constant 0 : i32
      %dma_start3A_274 = tpu.memref_slice %arg27[%add3A_90, %dma_start3A_273] : memref<10240x128xf32, #tpu.memory_space<vmem_shared>> -> memref<32x128xf32, #tpu.memory_space<vmem_shared>>
      tpu.enqueue_dma source(%arg26 : memref<32x128xf32, #tpu.memory_space<vmem>>) target(%dma_start3A_274 : memref<32x128xf32, #tpu.memory_space<vmem_shared>>) target_semaphore(%run_scoped3A : memref<!tpu.dma_semaphore, #tpu.memory_space<semaphore_mem>>)
      %dma_wait3A_275 = arith.constant 0 : i32
      %dma_wait3A_276 = tpu.memref_slice %arg27[%add3A_90, %dma_wait3A_275] : memref<10240x128xf32, #tpu.memory_space<vmem_shared>> -> memref<32x128xf32, #tpu.memory_space<vmem_shared>>
      %dma_wait3A_277 = arith.constant 0 : i32
      %dma_wait3A_278 = tpu.memref_slice %arg27[%add3A_90, %dma_wait3A_277] : memref<10240x128xf32, #tpu.memory_space<vmem_shared>> -> memref<32x128xf32, #tpu.memory_space<vmem_shared>>
      tpu.wait_dma2 semaphore(%run_scoped3A : memref<!tpu.dma_semaphore, #tpu.memory_space<semaphore_mem>>) src(%arg26 : memref<32x128xf32, #tpu.memory_space<vmem>>) dst(%dma_wait3A_278 : memref<32x128xf32, #tpu.memory_space<vmem_shared>>)
      tpu.yield
    }) : () -> ()
    %mul3A_91 = arith.constant 640 : i32
    %mul3A_92 = arith.muli %arg1, %mul3A_91 : i32
    %add3A_93 = arith.constant 96 : i32
    %add3A_94 = arith.addi %mul3A_92, %add3A_93 : i32
    "tpu.region"() ({
      %run_scoped3A = tpu.sem_alloc : memref<!tpu.dma_semaphore, #tpu.memory_space<semaphore_mem>>
      %dma_start3A_271 = arith.constant 0 : i32
      %dma_start3A_272 = tpu.memref_slice %arg27[%add3A_94, %dma_start3A_271] : memref<10240x128xf32, #tpu.memory_space<vmem_shared>> -> memref<32x128xf32, #tpu.memory_space<vmem_shared>>
      %dma_start3A_273 = arith.constant 0 : i32
      %dma_start3A_274 = tpu.memref_slice %arg27[%add3A_94, %dma_start3A_273] : memref<10240x128xf32, #tpu.memory_space<vmem_shared>> -> memref<32x128xf32, #tpu.memory_space<vmem_shared>>
      tpu.enqueue_dma source(%arg26 : memref<32x128xf32, #tpu.memory_space<vmem>>) target(%dma_start3A_274 : memref<32x128xf32, #tpu.memory_space<vmem_shared>>) target_semaphore(%run_scoped3A : memref<!tpu.dma_semaphore, #tpu.memory_space<semaphore_mem>>)
      %dma_wait3A_275 = arith.constant 0 : i32
      %dma_wait3A_276 = tpu.memref_slice %arg27[%add3A_94, %dma_wait3A_275] : memref<10240x128xf32, #tpu.memory_space<vmem_shared>> -> memref<32x128xf32, #tpu.memory_space<vmem_shared>>
      %dma_wait3A_277 = arith.constant 0 : i32
      %dma_wait3A_278 = tpu.memref_slice %arg27[%add3A_94, %dma_wait3A_277] : memref<10240x128xf32, #tpu.memory_space<vmem_shared>> -> memref<32x128xf32, #tpu.memory_space<vmem_shared>>
      tpu.wait_dma2 semaphore(%run_scoped3A : memref<!tpu.dma_semaphore, #tpu.memory_space<semaphore_mem>>) src(%arg26 : memref<32x128xf32, #tpu.memory_space<vmem>>) dst(%dma_wait3A_278 : memref<32x128xf32, #tpu.memory_space<vmem_shared>>)
      tpu.yield
    }) : () -> ()
    %mul3A_95 = arith.constant 640 : i32
    %mul3A_96 = arith.muli %arg1, %mul3A_95 : i32
    %add3A_97 = arith.constant 128 : i32
    %add3A_98 = arith.addi %mul3A_96, %add3A_97 : i32
    "tpu.region"() ({
      %run_scoped3A = tpu.sem_alloc : memref<!tpu.dma_semaphore, #tpu.memory_space<semaphore_mem>>
      %dma_start3A_271 = arith.constant 0 : i32
      %dma_start3A_272 = tpu.memref_slice %arg27[%add3A_98, %dma_start3A_271] : memref<10240x128xf32, #tpu.memory_space<vmem_shared>> -> memref<32x128xf32, #tpu.memory_space<vmem_shared>>
      %dma_start3A_273 = arith.constant 0 : i32
      %dma_start3A_274 = tpu.memref_slice %arg27[%add3A_98, %dma_start3A_273] : memref<10240x128xf32, #tpu.memory_space<vmem_shared>> -> memref<32x128xf32, #tpu.memory_space<vmem_shared>>
      tpu.enqueue_dma source(%arg26 : memref<32x128xf32, #tpu.memory_space<vmem>>) target(%dma_start3A_274 : memref<32x128xf32, #tpu.memory_space<vmem_shared>>) target_semaphore(%run_scoped3A : memref<!tpu.dma_semaphore, #tpu.memory_space<semaphore_mem>>)
      %dma_wait3A_275 = arith.constant 0 : i32
      %dma_wait3A_276 = tpu.memref_slice %arg27[%add3A_98, %dma_wait3A_275] : memref<10240x128xf32, #tpu.memory_space<vmem_shared>> -> memref<32x128xf32, #tpu.memory_space<vmem_shared>>
      %dma_wait3A_277 = arith.constant 0 : i32
      %dma_wait3A_278 = tpu.memref_slice %arg27[%add3A_98, %dma_wait3A_277] : memref<10240x128xf32, #tpu.memory_space<vmem_shared>> -> memref<32x128xf32, #tpu.memory_space<vmem_shared>>
      tpu.wait_dma2 semaphore(%run_scoped3A : memref<!tpu.dma_semaphore, #tpu.memory_space<semaphore_mem>>) src(%arg26 : memref<32x128xf32, #tpu.memory_space<vmem>>) dst(%dma_wait3A_278 : memref<32x128xf32, #tpu.memory_space<vmem_shared>>)
      tpu.yield
    }) : () -> ()
    %mul3A_99 = arith.constant 640 : i32
    %mul3A_100 = arith.muli %arg1, %mul3A_99 : i32
    %add3A_101 = arith.constant 160 : i32
    %add3A_102 = arith.addi %mul3A_100, %add3A_101 : i32
    "tpu.region"() ({
      %run_scoped3A = tpu.sem_alloc : memref<!tpu.dma_semaphore, #tpu.memory_space<semaphore_mem>>
      %dma_start3A_271 = arith.constant 0 : i32
      %dma_start3A_272 = tpu.memref_slice %arg27[%add3A_102, %dma_start3A_271] : memref<10240x128xf32, #tpu.memory_space<vmem_shared>> -> memref<32x128xf32, #tpu.memory_space<vmem_shared>>
      %dma_start3A_273 = arith.constant 0 : i32
      %dma_start3A_274 = tpu.memref_slice %arg27[%add3A_102, %dma_start3A_273] : memref<10240x128xf32, #tpu.memory_space<vmem_shared>> -> memref<32x128xf32, #tpu.memory_space<vmem_shared>>
      tpu.enqueue_dma source(%arg26 : memref<32x128xf32, #tpu.memory_space<vmem>>) target(%dma_start3A_274 : memref<32x128xf32, #tpu.memory_space<vmem_shared>>) target_semaphore(%run_scoped3A : memref<!tpu.dma_semaphore, #tpu.memory_space<semaphore_mem>>)
      %dma_wait3A_275 = arith.constant 0 : i32
      %dma_wait3A_276 = tpu.memref_slice %arg27[%add3A_102, %dma_wait3A_275] : memref<10240x128xf32, #tpu.memory_space<vmem_shared>> -> memref<32x128xf32, #tpu.memory_space<vmem_shared>>
      %dma_wait3A_277 = arith.constant 0 : i32
      %dma_wait3A_278 = tpu.memref_slice %arg27[%add3A_102, %dma_wait3A_277] : memref<10240x128xf32, #tpu.memory_space<vmem_shared>> -> memref<32x128xf32, #tpu.memory_space<vmem_shared>>
      tpu.wait_dma2 semaphore(%run_scoped3A : memref<!tpu.dma_semaphore, #tpu.memory_space<semaphore_mem>>) src(%arg26 : memref<32x128xf32, #tpu.memory_space<vmem>>) dst(%dma_wait3A_278 : memref<32x128xf32, #tpu.memory_space<vmem_shared>>)
      tpu.yield
    }) : () -> ()
    %mul3A_103 = arith.constant 640 : i32
    %mul3A_104 = arith.muli %arg1, %mul3A_103 : i32
    %add3A_105 = arith.constant 192 : i32
    %add3A_106 = arith.addi %mul3A_104, %add3A_105 : i32
    "tpu.region"() ({
      %run_scoped3A = tpu.sem_alloc : memref<!tpu.dma_semaphore, #tpu.memory_space<semaphore_mem>>
      %dma_start3A_271 = arith.constant 0 : i32
      %dma_start3A_272 = tpu.memref_slice %arg27[%add3A_106, %dma_start3A_271] : memref<10240x128xf32, #tpu.memory_space<vmem_shared>> -> memref<32x128xf32, #tpu.memory_space<vmem_shared>>
      %dma_start3A_273 = arith.constant 0 : i32
      %dma_start3A_274 = tpu.memref_slice %arg27[%add3A_106, %dma_start3A_273] : memref<10240x128xf32, #tpu.memory_space<vmem_shared>> -> memref<32x128xf32, #tpu.memory_space<vmem_shared>>
      tpu.enqueue_dma source(%arg26 : memref<32x128xf32, #tpu.memory_space<vmem>>) target(%dma_start3A_274 : memref<32x128xf32, #tpu.memory_space<vmem_shared>>) target_semaphore(%run_scoped3A : memref<!tpu.dma_semaphore, #tpu.memory_space<semaphore_mem>>)
      %dma_wait3A_275 = arith.constant 0 : i32
      %dma_wait3A_276 = tpu.memref_slice %arg27[%add3A_106, %dma_wait3A_275] : memref<10240x128xf32, #tpu.memory_space<vmem_shared>> -> memref<32x128xf32, #tpu.memory_space<vmem_shared>>
      %dma_wait3A_277 = arith.constant 0 : i32
      %dma_wait3A_278 = tpu.memref_slice %arg27[%add3A_106, %dma_wait3A_277] : memref<10240x128xf32, #tpu.memory_space<vmem_shared>> -> memref<32x128xf32, #tpu.memory_space<vmem_shared>>
      tpu.wait_dma2 semaphore(%run_scoped3A : memref<!tpu.dma_semaphore, #tpu.memory_space<semaphore_mem>>) src(%arg26 : memref<32x128xf32, #tpu.memory_space<vmem>>) dst(%dma_wait3A_278 : memref<32x128xf32, #tpu.memory_space<vmem_shared>>)
      tpu.yield
    }) : () -> ()
    %mul3A_107 = arith.constant 640 : i32
    %mul3A_108 = arith.muli %arg1, %mul3A_107 : i32
    %add3A_109 = arith.constant 224 : i32
    %add3A_110 = arith.addi %mul3A_108, %add3A_109 : i32
    "tpu.region"() ({
      %run_scoped3A = tpu.sem_alloc : memref<!tpu.dma_semaphore, #tpu.memory_space<semaphore_mem>>
      %dma_start3A_271 = arith.constant 0 : i32
      %dma_start3A_272 = tpu.memref_slice %arg27[%add3A_110, %dma_start3A_271] : memref<10240x128xf32, #tpu.memory_space<vmem_shared>> -> memref<32x128xf32, #tpu.memory_space<vmem_shared>>
      %dma_start3A_273 = arith.constant 0 : i32
      %dma_start3A_274 = tpu.memref_slice %arg27[%add3A_110, %dma_start3A_273] : memref<10240x128xf32, #tpu.memory_space<vmem_shared>> -> memref<32x128xf32, #tpu.memory_space<vmem_shared>>
      tpu.enqueue_dma source(%arg26 : memref<32x128xf32, #tpu.memory_space<vmem>>) target(%dma_start3A_274 : memref<32x128xf32, #tpu.memory_space<vmem_shared>>) target_semaphore(%run_scoped3A : memref<!tpu.dma_semaphore, #tpu.memory_space<semaphore_mem>>)
      %dma_wait3A_275 = arith.constant 0 : i32
      %dma_wait3A_276 = tpu.memref_slice %arg27[%add3A_110, %dma_wait3A_275] : memref<10240x128xf32, #tpu.memory_space<vmem_shared>> -> memref<32x128xf32, #tpu.memory_space<vmem_shared>>
      %dma_wait3A_277 = arith.constant 0 : i32
      %dma_wait3A_278 = tpu.memref_slice %arg27[%add3A_110, %dma_wait3A_277] : memref<10240x128xf32, #tpu.memory_space<vmem_shared>> -> memref<32x128xf32, #tpu.memory_space<vmem_shared>>
      tpu.wait_dma2 semaphore(%run_scoped3A : memref<!tpu.dma_semaphore, #tpu.memory_space<semaphore_mem>>) src(%arg26 : memref<32x128xf32, #tpu.memory_space<vmem>>) dst(%dma_wait3A_278 : memref<32x128xf32, #tpu.memory_space<vmem_shared>>)
      tpu.yield
    }) : () -> ()
    %mul3A_111 = arith.constant 640 : i32
    %mul3A_112 = arith.muli %arg1, %mul3A_111 : i32
    %add3A_113 = arith.constant 256 : i32
    %add3A_114 = arith.addi %mul3A_112, %add3A_113 : i32
    "tpu.region"() ({
      %run_scoped3A = tpu.sem_alloc : memref<!tpu.dma_semaphore, #tpu.memory_space<semaphore_mem>>
      %dma_start3A_271 = arith.constant 0 : i32
      %dma_start3A_272 = tpu.memref_slice %arg27[%add3A_114, %dma_start3A_271] : memref<10240x128xf32, #tpu.memory_space<vmem_shared>> -> memref<32x128xf32, #tpu.memory_space<vmem_shared>>
      %dma_start3A_273 = arith.constant 0 : i32
      %dma_start3A_274 = tpu.memref_slice %arg27[%add3A_114, %dma_start3A_273] : memref<10240x128xf32, #tpu.memory_space<vmem_shared>> -> memref<32x128xf32, #tpu.memory_space<vmem_shared>>
      tpu.enqueue_dma source(%arg26 : memref<32x128xf32, #tpu.memory_space<vmem>>) target(%dma_start3A_274 : memref<32x128xf32, #tpu.memory_space<vmem_shared>>) target_semaphore(%run_scoped3A : memref<!tpu.dma_semaphore, #tpu.memory_space<semaphore_mem>>)
      %dma_wait3A_275 = arith.constant 0 : i32
      %dma_wait3A_276 = tpu.memref_slice %arg27[%add3A_114, %dma_wait3A_275] : memref<10240x128xf32, #tpu.memory_space<vmem_shared>> -> memref<32x128xf32, #tpu.memory_space<vmem_shared>>
      %dma_wait3A_277 = arith.constant 0 : i32
      %dma_wait3A_278 = tpu.memref_slice %arg27[%add3A_114, %dma_wait3A_277] : memref<10240x128xf32, #tpu.memory_space<vmem_shared>> -> memref<32x128xf32, #tpu.memory_space<vmem_shared>>
      tpu.wait_dma2 semaphore(%run_scoped3A : memref<!tpu.dma_semaphore, #tpu.memory_space<semaphore_mem>>) src(%arg26 : memref<32x128xf32, #tpu.memory_space<vmem>>) dst(%dma_wait3A_278 : memref<32x128xf32, #tpu.memory_space<vmem_shared>>)
      tpu.yield
    }) : () -> ()
    %mul3A_115 = arith.constant 640 : i32
    %mul3A_116 = arith.muli %arg1, %mul3A_115 : i32
    %add3A_117 = arith.constant 288 : i32
    %add3A_118 = arith.addi %mul3A_116, %add3A_117 : i32
    "tpu.region"() ({
      %run_scoped3A = tpu.sem_alloc : memref<!tpu.dma_semaphore, #tpu.memory_space<semaphore_mem>>
      %dma_start3A_271 = arith.constant 0 : i32
      %dma_start3A_272 = tpu.memref_slice %arg27[%add3A_118, %dma_start3A_271] : memref<10240x128xf32, #tpu.memory_space<vmem_shared>> -> memref<32x128xf32, #tpu.memory_space<vmem_shared>>
      %dma_start3A_273 = arith.constant 0 : i32
      %dma_start3A_274 = tpu.memref_slice %arg27[%add3A_118, %dma_start3A_273] : memref<10240x128xf32, #tpu.memory_space<vmem_shared>> -> memref<32x128xf32, #tpu.memory_space<vmem_shared>>
      tpu.enqueue_dma source(%arg26 : memref<32x128xf32, #tpu.memory_space<vmem>>) target(%dma_start3A_274 : memref<32x128xf32, #tpu.memory_space<vmem_shared>>) target_semaphore(%run_scoped3A : memref<!tpu.dma_semaphore, #tpu.memory_space<semaphore_mem>>)
      %dma_wait3A_275 = arith.constant 0 : i32
      %dma_wait3A_276 = tpu.memref_slice %arg27[%add3A_118, %dma_wait3A_275] : memref<10240x128xf32, #tpu.memory_space<vmem_shared>> -> memref<32x128xf32, #tpu.memory_space<vmem_shared>>
      %dma_wait3A_277 = arith.constant 0 : i32
      %dma_wait3A_278 = tpu.memref_slice %arg27[%add3A_118, %dma_wait3A_277] : memref<10240x128xf32, #tpu.memory_space<vmem_shared>> -> memref<32x128xf32, #tpu.memory_space<vmem_shared>>
      tpu.wait_dma2 semaphore(%run_scoped3A : memref<!tpu.dma_semaphore, #tpu.memory_space<semaphore_mem>>) src(%arg26 : memref<32x128xf32, #tpu.memory_space<vmem>>) dst(%dma_wait3A_278 : memref<32x128xf32, #tpu.memory_space<vmem_shared>>)
      tpu.yield
    }) : () -> ()
    %mul3A_119 = arith.constant 640 : i32
    %mul3A_120 = arith.muli %arg1, %mul3A_119 : i32
    %add3A_121 = arith.constant 320 : i32
    %add3A_122 = arith.addi %mul3A_120, %add3A_121 : i32
    "tpu.region"() ({
      %run_scoped3A = tpu.sem_alloc : memref<!tpu.dma_semaphore, #tpu.memory_space<semaphore_mem>>
      %dma_start3A_271 = arith.constant 0 : i32
      %dma_start3A_272 = tpu.memref_slice %arg27[%add3A_122, %dma_start3A_271] : memref<10240x128xf32, #tpu.memory_space<vmem_shared>> -> memref<32x128xf32, #tpu.memory_space<vmem_shared>>
      %dma_start3A_273 = arith.constant 0 : i32
      %dma_start3A_274 = tpu.memref_slice %arg27[%add3A_122, %dma_start3A_273] : memref<10240x128xf32, #tpu.memory_space<vmem_shared>> -> memref<32x128xf32, #tpu.memory_space<vmem_shared>>
      tpu.enqueue_dma source(%arg26 : memref<32x128xf32, #tpu.memory_space<vmem>>) target(%dma_start3A_274 : memref<32x128xf32, #tpu.memory_space<vmem_shared>>) target_semaphore(%run_scoped3A : memref<!tpu.dma_semaphore, #tpu.memory_space<semaphore_mem>>)
      %dma_wait3A_275 = arith.constant 0 : i32
      %dma_wait3A_276 = tpu.memref_slice %arg27[%add3A_122, %dma_wait3A_275] : memref<10240x128xf32, #tpu.memory_space<vmem_shared>> -> memref<32x128xf32, #tpu.memory_space<vmem_shared>>
      %dma_wait3A_277 = arith.constant 0 : i32
      %dma_wait3A_278 = tpu.memref_slice %arg27[%add3A_122, %dma_wait3A_277] : memref<10240x128xf32, #tpu.memory_space<vmem_shared>> -> memref<32x128xf32, #tpu.memory_space<vmem_shared>>
      tpu.wait_dma2 semaphore(%run_scoped3A : memref<!tpu.dma_semaphore, #tpu.memory_space<semaphore_mem>>) src(%arg26 : memref<32x128xf32, #tpu.memory_space<vmem>>) dst(%dma_wait3A_278 : memref<32x128xf32, #tpu.memory_space<vmem_shared>>)
      tpu.yield
    }) : () -> ()
    %mul3A_123 = arith.constant 640 : i32
    %mul3A_124 = arith.muli %arg1, %mul3A_123 : i32
    %add3A_125 = arith.constant 352 : i32
    %add3A_126 = arith.addi %mul3A_124, %add3A_125 : i32
    "tpu.region"() ({
      %run_scoped3A = tpu.sem_alloc : memref<!tpu.dma_semaphore, #tpu.memory_space<semaphore_mem>>
      %dma_start3A_271 = arith.constant 0 : i32
      %dma_start3A_272 = tpu.memref_slice %arg27[%add3A_126, %dma_start3A_271] : memref<10240x128xf32, #tpu.memory_space<vmem_shared>> -> memref<32x128xf32, #tpu.memory_space<vmem_shared>>
      %dma_start3A_273 = arith.constant 0 : i32
      %dma_start3A_274 = tpu.memref_slice %arg27[%add3A_126, %dma_start3A_273] : memref<10240x128xf32, #tpu.memory_space<vmem_shared>> -> memref<32x128xf32, #tpu.memory_space<vmem_shared>>
      tpu.enqueue_dma source(%arg26 : memref<32x128xf32, #tpu.memory_space<vmem>>) target(%dma_start3A_274 : memref<32x128xf32, #tpu.memory_space<vmem_shared>>) target_semaphore(%run_scoped3A : memref<!tpu.dma_semaphore, #tpu.memory_space<semaphore_mem>>)
      %dma_wait3A_275 = arith.constant 0 : i32
      %dma_wait3A_276 = tpu.memref_slice %arg27[%add3A_126, %dma_wait3A_275] : memref<10240x128xf32, #tpu.memory_space<vmem_shared>> -> memref<32x128xf32, #tpu.memory_space<vmem_shared>>
      %dma_wait3A_277 = arith.constant 0 : i32
      %dma_wait3A_278 = tpu.memref_slice %arg27[%add3A_126, %dma_wait3A_277] : memref<10240x128xf32, #tpu.memory_space<vmem_shared>> -> memref<32x128xf32, #tpu.memory_space<vmem_shared>>
      tpu.wait_dma2 semaphore(%run_scoped3A : memref<!tpu.dma_semaphore, #tpu.memory_space<semaphore_mem>>) src(%arg26 : memref<32x128xf32, #tpu.memory_space<vmem>>) dst(%dma_wait3A_278 : memref<32x128xf32, #tpu.memory_space<vmem_shared>>)
      tpu.yield
    }) : () -> ()
    %mul3A_127 = arith.constant 640 : i32
    %mul3A_128 = arith.muli %arg1, %mul3A_127 : i32
    %add3A_129 = arith.constant 384 : i32
    %add3A_130 = arith.addi %mul3A_128, %add3A_129 : i32
    "tpu.region"() ({
      %run_scoped3A = tpu.sem_alloc : memref<!tpu.dma_semaphore, #tpu.memory_space<semaphore_mem>>
      %dma_start3A_271 = arith.constant 0 : i32
      %dma_start3A_272 = tpu.memref_slice %arg27[%add3A_130, %dma_start3A_271] : memref<10240x128xf32, #tpu.memory_space<vmem_shared>> -> memref<32x128xf32, #tpu.memory_space<vmem_shared>>
      %dma_start3A_273 = arith.constant 0 : i32
      %dma_start3A_274 = tpu.memref_slice %arg27[%add3A_130, %dma_start3A_273] : memref<10240x128xf32, #tpu.memory_space<vmem_shared>> -> memref<32x128xf32, #tpu.memory_space<vmem_shared>>
      tpu.enqueue_dma source(%arg26 : memref<32x128xf32, #tpu.memory_space<vmem>>) target(%dma_start3A_274 : memref<32x128xf32, #tpu.memory_space<vmem_shared>>) target_semaphore(%run_scoped3A : memref<!tpu.dma_semaphore, #tpu.memory_space<semaphore_mem>>)
      %dma_wait3A_275 = arith.constant 0 : i32
      %dma_wait3A_276 = tpu.memref_slice %arg27[%add3A_130, %dma_wait3A_275] : memref<10240x128xf32, #tpu.memory_space<vmem_shared>> -> memref<32x128xf32, #tpu.memory_space<vmem_shared>>
      %dma_wait3A_277 = arith.constant 0 : i32
      %dma_wait3A_278 = tpu.memref_slice %arg27[%add3A_130, %dma_wait3A_277] : memref<10240x128xf32, #tpu.memory_space<vmem_shared>> -> memref<32x128xf32, #tpu.memory_space<vmem_shared>>
      tpu.wait_dma2 semaphore(%run_scoped3A : memref<!tpu.dma_semaphore, #tpu.memory_space<semaphore_mem>>) src(%arg26 : memref<32x128xf32, #tpu.memory_space<vmem>>) dst(%dma_wait3A_278 : memref<32x128xf32, #tpu.memory_space<vmem_shared>>)
      tpu.yield
    }) : () -> ()
    %mul3A_131 = arith.constant 640 : i32
    %mul3A_132 = arith.muli %arg1, %mul3A_131 : i32
    %add3A_133 = arith.constant 416 : i32
    %add3A_134 = arith.addi %mul3A_132, %add3A_133 : i32
    "tpu.region"() ({
      %run_scoped3A = tpu.sem_alloc : memref<!tpu.dma_semaphore, #tpu.memory_space<semaphore_mem>>
      %dma_start3A_271 = arith.constant 0 : i32
      %dma_start3A_272 = tpu.memref_slice %arg27[%add3A_134, %dma_start3A_271] : memref<10240x128xf32, #tpu.memory_space<vmem_shared>> -> memref<32x128xf32, #tpu.memory_space<vmem_shared>>
      %dma_start3A_273 = arith.constant 0 : i32
      %dma_start3A_274 = tpu.memref_slice %arg27[%add3A_134, %dma_start3A_273] : memref<10240x128xf32, #tpu.memory_space<vmem_shared>> -> memref<32x128xf32, #tpu.memory_space<vmem_shared>>
      tpu.enqueue_dma source(%arg26 : memref<32x128xf32, #tpu.memory_space<vmem>>) target(%dma_start3A_274 : memref<32x128xf32, #tpu.memory_space<vmem_shared>>) target_semaphore(%run_scoped3A : memref<!tpu.dma_semaphore, #tpu.memory_space<semaphore_mem>>)
      %dma_wait3A_275 = arith.constant 0 : i32
      %dma_wait3A_276 = tpu.memref_slice %arg27[%add3A_134, %dma_wait3A_275] : memref<10240x128xf32, #tpu.memory_space<vmem_shared>> -> memref<32x128xf32, #tpu.memory_space<vmem_shared>>
      %dma_wait3A_277 = arith.constant 0 : i32
      %dma_wait3A_278 = tpu.memref_slice %arg27[%add3A_134, %dma_wait3A_277] : memref<10240x128xf32, #tpu.memory_space<vmem_shared>> -> memref<32x128xf32, #tpu.memory_space<vmem_shared>>
      tpu.wait_dma2 semaphore(%run_scoped3A : memref<!tpu.dma_semaphore, #tpu.memory_space<semaphore_mem>>) src(%arg26 : memref<32x128xf32, #tpu.memory_space<vmem>>) dst(%dma_wait3A_278 : memref<32x128xf32, #tpu.memory_space<vmem_shared>>)
      tpu.yield
    }) : () -> ()
    %mul3A_135 = arith.constant 640 : i32
    %mul3A_136 = arith.muli %arg1, %mul3A_135 : i32
    %add3A_137 = arith.constant 448 : i32
    %add3A_138 = arith.addi %mul3A_136, %add3A_137 : i32
    "tpu.region"() ({
      %run_scoped3A = tpu.sem_alloc : memref<!tpu.dma_semaphore, #tpu.memory_space<semaphore_mem>>
      %dma_start3A_271 = arith.constant 0 : i32
      %dma_start3A_272 = tpu.memref_slice %arg27[%add3A_138, %dma_start3A_271] : memref<10240x128xf32, #tpu.memory_space<vmem_shared>> -> memref<32x128xf32, #tpu.memory_space<vmem_shared>>
      %dma_start3A_273 = arith.constant 0 : i32
      %dma_start3A_274 = tpu.memref_slice %arg27[%add3A_138, %dma_start3A_273] : memref<10240x128xf32, #tpu.memory_space<vmem_shared>> -> memref<32x128xf32, #tpu.memory_space<vmem_shared>>
      tpu.enqueue_dma source(%arg26 : memref<32x128xf32, #tpu.memory_space<vmem>>) target(%dma_start3A_274 : memref<32x128xf32, #tpu.memory_space<vmem_shared>>) target_semaphore(%run_scoped3A : memref<!tpu.dma_semaphore, #tpu.memory_space<semaphore_mem>>)
      %dma_wait3A_275 = arith.constant 0 : i32
      %dma_wait3A_276 = tpu.memref_slice %arg27[%add3A_138, %dma_wait3A_275] : memref<10240x128xf32, #tpu.memory_space<vmem_shared>> -> memref<32x128xf32, #tpu.memory_space<vmem_shared>>
      %dma_wait3A_277 = arith.constant 0 : i32
      %dma_wait3A_278 = tpu.memref_slice %arg27[%add3A_138, %dma_wait3A_277] : memref<10240x128xf32, #tpu.memory_space<vmem_shared>> -> memref<32x128xf32, #tpu.memory_space<vmem_shared>>
      tpu.wait_dma2 semaphore(%run_scoped3A : memref<!tpu.dma_semaphore, #tpu.memory_space<semaphore_mem>>) src(%arg26 : memref<32x128xf32, #tpu.memory_space<vmem>>) dst(%dma_wait3A_278 : memref<32x128xf32, #tpu.memory_space<vmem_shared>>)
      tpu.yield
    }) : () -> ()
    %mul3A_139 = arith.constant 640 : i32
    %mul3A_140 = arith.muli %arg1, %mul3A_139 : i32
    %add3A_141 = arith.constant 480 : i32
    %add3A_142 = arith.addi %mul3A_140, %add3A_141 : i32
    "tpu.region"() ({
      %run_scoped3A = tpu.sem_alloc : memref<!tpu.dma_semaphore, #tpu.memory_space<semaphore_mem>>
      %dma_start3A_271 = arith.constant 0 : i32
      %dma_start3A_272 = tpu.memref_slice %arg27[%add3A_142, %dma_start3A_271] : memref<10240x128xf32, #tpu.memory_space<vmem_shared>> -> memref<32x128xf32, #tpu.memory_space<vmem_shared>>
      %dma_start3A_273 = arith.constant 0 : i32
      %dma_start3A_274 = tpu.memref_slice %arg27[%add3A_142, %dma_start3A_273] : memref<10240x128xf32, #tpu.memory_space<vmem_shared>> -> memref<32x128xf32, #tpu.memory_space<vmem_shared>>
      tpu.enqueue_dma source(%arg26 : memref<32x128xf32, #tpu.memory_space<vmem>>) target(%dma_start3A_274 : memref<32x128xf32, #tpu.memory_space<vmem_shared>>) target_semaphore(%run_scoped3A : memref<!tpu.dma_semaphore, #tpu.memory_space<semaphore_mem>>)
      %dma_wait3A_275 = arith.constant 0 : i32
      %dma_wait3A_276 = tpu.memref_slice %arg27[%add3A_142, %dma_wait3A_275] : memref<10240x128xf32, #tpu.memory_space<vmem_shared>> -> memref<32x128xf32, #tpu.memory_space<vmem_shared>>
      %dma_wait3A_277 = arith.constant 0 : i32
      %dma_wait3A_278 = tpu.memref_slice %arg27[%add3A_142, %dma_wait3A_277] : memref<10240x128xf32, #tpu.memory_space<vmem_shared>> -> memref<32x128xf32, #tpu.memory_space<vmem_shared>>
      tpu.wait_dma2 semaphore(%run_scoped3A : memref<!tpu.dma_semaphore, #tpu.memory_space<semaphore_mem>>) src(%arg26 : memref<32x128xf32, #tpu.memory_space<vmem>>) dst(%dma_wait3A_278 : memref<32x128xf32, #tpu.memory_space<vmem_shared>>)
      tpu.yield
    }) : () -> ()
    %mul3A_143 = arith.constant 640 : i32
    %mul3A_144 = arith.muli %arg1, %mul3A_143 : i32
    %add3A_145 = arith.constant 512 : i32
    %add3A_146 = arith.addi %mul3A_144, %add3A_145 : i32
    "tpu.region"() ({
      %run_scoped3A = tpu.sem_alloc : memref<!tpu.dma_semaphore, #tpu.memory_space<semaphore_mem>>
      %dma_start3A_271 = arith.constant 0 : i32
      %dma_start3A_272 = tpu.memref_slice %arg27[%add3A_146, %dma_start3A_271] : memref<10240x128xf32, #tpu.memory_space<vmem_shared>> -> memref<32x128xf32, #tpu.memory_space<vmem_shared>>
      %dma_start3A_273 = arith.constant 0 : i32
      %dma_start3A_274 = tpu.memref_slice %arg27[%add3A_146, %dma_start3A_273] : memref<10240x128xf32, #tpu.memory_space<vmem_shared>> -> memref<32x128xf32, #tpu.memory_space<vmem_shared>>
      tpu.enqueue_dma source(%arg26 : memref<32x128xf32, #tpu.memory_space<vmem>>) target(%dma_start3A_274 : memref<32x128xf32, #tpu.memory_space<vmem_shared>>) target_semaphore(%run_scoped3A : memref<!tpu.dma_semaphore, #tpu.memory_space<semaphore_mem>>)
      %dma_wait3A_275 = arith.constant 0 : i32
      %dma_wait3A_276 = tpu.memref_slice %arg27[%add3A_146, %dma_wait3A_275] : memref<10240x128xf32, #tpu.memory_space<vmem_shared>> -> memref<32x128xf32, #tpu.memory_space<vmem_shared>>
      %dma_wait3A_277 = arith.constant 0 : i32
      %dma_wait3A_278 = tpu.memref_slice %arg27[%add3A_146, %dma_wait3A_277] : memref<10240x128xf32, #tpu.memory_space<vmem_shared>> -> memref<32x128xf32, #tpu.memory_space<vmem_shared>>
      tpu.wait_dma2 semaphore(%run_scoped3A : memref<!tpu.dma_semaphore, #tpu.memory_space<semaphore_mem>>) src(%arg26 : memref<32x128xf32, #tpu.memory_space<vmem>>) dst(%dma_wait3A_278 : memref<32x128xf32, #tpu.memory_space<vmem_shared>>)
      tpu.yield
    }) : () -> ()
    %mul3A_147 = arith.constant 640 : i32
    %mul3A_148 = arith.muli %arg1, %mul3A_147 : i32
    %add3A_149 = arith.constant 544 : i32
    %add3A_150 = arith.addi %mul3A_148, %add3A_149 : i32
    "tpu.region"() ({
      %run_scoped3A = tpu.sem_alloc : memref<!tpu.dma_semaphore, #tpu.memory_space<semaphore_mem>>
      %dma_start3A_271 = arith.constant 0 : i32
      %dma_start3A_272 = tpu.memref_slice %arg27[%add3A_150, %dma_start3A_271] : memref<10240x128xf32, #tpu.memory_space<vmem_shared>> -> memref<32x128xf32, #tpu.memory_space<vmem_shared>>
      %dma_start3A_273 = arith.constant 0 : i32
      %dma_start3A_274 = tpu.memref_slice %arg27[%add3A_150, %dma_start3A_273] : memref<10240x128xf32, #tpu.memory_space<vmem_shared>> -> memref<32x128xf32, #tpu.memory_space<vmem_shared>>
      tpu.enqueue_dma source(%arg26 : memref<32x128xf32, #tpu.memory_space<vmem>>) target(%dma_start3A_274 : memref<32x128xf32, #tpu.memory_space<vmem_shared>>) target_semaphore(%run_scoped3A : memref<!tpu.dma_semaphore, #tpu.memory_space<semaphore_mem>>)
      %dma_wait3A_275 = arith.constant 0 : i32
      %dma_wait3A_276 = tpu.memref_slice %arg27[%add3A_150, %dma_wait3A_275] : memref<10240x128xf32, #tpu.memory_space<vmem_shared>> -> memref<32x128xf32, #tpu.memory_space<vmem_shared>>
      %dma_wait3A_277 = arith.constant 0 : i32
      %dma_wait3A_278 = tpu.memref_slice %arg27[%add3A_150, %dma_wait3A_277] : memref<10240x128xf32, #tpu.memory_space<vmem_shared>> -> memref<32x128xf32, #tpu.memory_space<vmem_shared>>
      tpu.wait_dma2 semaphore(%run_scoped3A : memref<!tpu.dma_semaphore, #tpu.memory_space<semaphore_mem>>) src(%arg26 : memref<32x128xf32, #tpu.memory_space<vmem>>) dst(%dma_wait3A_278 : memref<32x128xf32, #tpu.memory_space<vmem_shared>>)
      tpu.yield
    }) : () -> ()
    %mul3A_151 = arith.constant 640 : i32
    %mul3A_152 = arith.muli %arg1, %mul3A_151 : i32
    %add3A_153 = arith.constant 576 : i32
    %add3A_154 = arith.addi %mul3A_152, %add3A_153 : i32
    "tpu.region"() ({
      %run_scoped3A = tpu.sem_alloc : memref<!tpu.dma_semaphore, #tpu.memory_space<semaphore_mem>>
      %dma_start3A_271 = arith.constant 0 : i32
      %dma_start3A_272 = tpu.memref_slice %arg27[%add3A_154, %dma_start3A_271] : memref<10240x128xf32, #tpu.memory_space<vmem_shared>> -> memref<32x128xf32, #tpu.memory_space<vmem_shared>>
      %dma_start3A_273 = arith.constant 0 : i32
      %dma_start3A_274 = tpu.memref_slice %arg27[%add3A_154, %dma_start3A_273] : memref<10240x128xf32, #tpu.memory_space<vmem_shared>> -> memref<32x128xf32, #tpu.memory_space<vmem_shared>>
      tpu.enqueue_dma source(%arg26 : memref<32x128xf32, #tpu.memory_space<vmem>>) target(%dma_start3A_274 : memref<32x128xf32, #tpu.memory_space<vmem_shared>>) target_semaphore(%run_scoped3A : memref<!tpu.dma_semaphore, #tpu.memory_space<semaphore_mem>>)
      %dma_wait3A_275 = arith.constant 0 : i32
      %dma_wait3A_276 = tpu.memref_slice %arg27[%add3A_154, %dma_wait3A_275] : memref<10240x128xf32, #tpu.memory_space<vmem_shared>> -> memref<32x128xf32, #tpu.memory_space<vmem_shared>>
      %dma_wait3A_277 = arith.constant 0 : i32
      %dma_wait3A_278 = tpu.memref_slice %arg27[%add3A_154, %dma_wait3A_277] : memref<10240x128xf32, #tpu.memory_space<vmem_shared>> -> memref<32x128xf32, #tpu.memory_space<vmem_shared>>
      tpu.wait_dma2 semaphore(%run_scoped3A : memref<!tpu.dma_semaphore, #tpu.memory_space<semaphore_mem>>) src(%arg26 : memref<32x128xf32, #tpu.memory_space<vmem>>) dst(%dma_wait3A_278 : memref<32x128xf32, #tpu.memory_space<vmem_shared>>)
      tpu.yield
    }) : () -> ()
    %mul3A_155 = arith.constant 640 : i32
    %mul3A_156 = arith.muli %arg1, %mul3A_155 : i32
    %add3A_157 = arith.constant 608 : i32
    %add3A_158 = arith.addi %mul3A_156, %add3A_157 : i32
    "tpu.region"() ({
      %run_scoped3A = tpu.sem_alloc : memref<!tpu.dma_semaphore, #tpu.memory_space<semaphore_mem>>
      %dma_start3A_271 = arith.constant 0 : i32
      %dma_start3A_272 = tpu.memref_slice %arg27[%add3A_158, %dma_start3A_271] : memref<10240x128xf32, #tpu.memory_space<vmem_shared>> -> memref<32x128xf32, #tpu.memory_space<vmem_shared>>
      %dma_start3A_273 = arith.constant 0 : i32
      %dma_start3A_274 = tpu.memref_slice %arg27[%add3A_158, %dma_start3A_273] : memref<10240x128xf32, #tpu.memory_space<vmem_shared>> -> memref<32x128xf32, #tpu.memory_space<vmem_shared>>
      tpu.enqueue_dma source(%arg26 : memref<32x128xf32, #tpu.memory_space<vmem>>) target(%dma_start3A_274 : memref<32x128xf32, #tpu.memory_space<vmem_shared>>) target_semaphore(%run_scoped3A : memref<!tpu.dma_semaphore, #tpu.memory_space<semaphore_mem>>)
      %dma_wait3A_275 = arith.constant 0 : i32
      %dma_wait3A_276 = tpu.memref_slice %arg27[%add3A_158, %dma_wait3A_275] : memref<10240x128xf32, #tpu.memory_space<vmem_shared>> -> memref<32x128xf32, #tpu.memory_space<vmem_shared>>
      %dma_wait3A_277 = arith.constant 0 : i32
      %dma_wait3A_278 = tpu.memref_slice %arg27[%add3A_158, %dma_wait3A_277] : memref<10240x128xf32, #tpu.memory_space<vmem_shared>> -> memref<32x128xf32, #tpu.memory_space<vmem_shared>>
      tpu.wait_dma2 semaphore(%run_scoped3A : memref<!tpu.dma_semaphore, #tpu.memory_space<semaphore_mem>>) src(%arg26 : memref<32x128xf32, #tpu.memory_space<vmem>>) dst(%dma_wait3A_278 : memref<32x128xf32, #tpu.memory_space<vmem_shared>>)
      tpu.yield
    }) : () -> ()
    %barrier3A = arith.constant 0 : index
    tpu.barrier barrier_id(%barrier3A)
    %scan3A_159 = arith.constant 0 : i32
    %scan3A_160 = arith.constant 15 : i32
    %scan3A_161 = arith.addi %scan3A_159, %scan3A_160 : i32
    %scan3A_162 = arith.constant 1 : i32
    scf.for %scan3A_271 = %scan3A_159 to %scan3A_161 step %scan3A_162  : i32 {
      %mul3A_272 = arith.constant 8 : i32
      %mul3A_273 = arith.muli %scan3A_271, %mul3A_272 : i32
      %add3A_274 = arith.constant 0 : i32
      %add3A_275 = arith.addi %add3A_274, %mul3A_273 : i32
      %add3A_276 = arith.constant 0 : i32
      %add3A_277 = arith.addi %add3A_275, %add3A_276 : i32
      %add3A_278 = arith.constant 3 : i32
      %add3A_279 = arith.addi %add3A_277, %add3A_278 : i32
      %lt3A_280 = arith.constant 125 : i32
      %lt3A_281 = arith.cmpi slt, %add3A_279, %lt3A_280 : i32
      %convert_element_type3A_282 = arith.extui %lt3A_281 : i1 to i32
      %cond3A_283 = arith.constant 0 : i32
      %cond3A_284 = arith.cmpi ne, %convert_element_type3A_282, %cond3A_283 : i32
      scf.if %cond3A_284 {
        %add3A_428 = arith.constant 3 : i32
        %add3A_429 = arith.addi %add3A_277, %add3A_428 : i32
        %mul3A_430 = arith.constant 80 : i32
        %mul3A_431 = arith.muli %add3A_429, %mul3A_430 : i32
        %add3A_432 = arith.addi %mul3A_2, %mul3A_431 : i32
        %dma_wait3A_433 = tpu.memref_slice %arg3[%add3A_432] : memref<320000xi32, #tpu.memory_space<hbm>> -> memref<80xi32, #tpu.memory_space<hbm>>
        %dma_wait3A_434 = tpu.memref_slice %arg3[%add3A_432] : memref<320000xi32, #tpu.memory_space<hbm>> -> memref<80xi32, #tpu.memory_space<hbm>>
        tpu.wait_dma2 semaphore(%arg31 : memref<!tpu.dma_semaphore, #tpu.memory_space<semaphore_mem>>) src(%dma_wait3A_434 : memref<80xi32, #tpu.memory_space<hbm>>) dst(%arg9 : memref<80xi32, #tpu.memory_space<vmem>>)
        %mul3A_435 = arith.constant 80 : i32
        %mul3A_436 = arith.muli %add3A_429, %mul3A_435 : i32
        %add3A_437 = arith.addi %mul3A_2, %mul3A_436 : i32
        %dma_wait3A_438 = tpu.memref_slice %arg4[%add3A_437] : memref<320000xi32, #tpu.memory_space<hbm>> -> memref<80xi32, #tpu.memory_space<hbm>>
        %dma_wait3A_439 = tpu.memref_slice %arg4[%add3A_437] : memref<320000xi32, #tpu.memory_space<hbm>> -> memref<80xi32, #tpu.memory_space<hbm>>
        tpu.wait_dma2 semaphore(%arg31 : memref<!tpu.dma_semaphore, #tpu.memory_space<semaphore_mem>>) src(%dma_wait3A_439 : memref<80xi32, #tpu.memory_space<hbm>>) dst(%arg17 : memref<80xi32, #tpu.memory_space<vmem>>)
        %dma_start3A_440 = arith.constant 0 : i32
        %dma_start3A_441 = arith.constant 0 : i32
        %dma_start3A_442 = tpu.memref_slice %arg2[%dma_start3A_440, %dma_start3A_441] : memref<10000x128xf32, #tpu.memory_space<hbm>> -> memref<10000x128xf32, #tpu.memory_space<hbm>>
        tpu.enqueue_indirect_dma source(%dma_start3A_442 : memref<10000x128xf32, #tpu.memory_space<hbm>>) target(%arg25 : memref<80x128xf32, #tpu.memory_space<vmem>>) offsets(%arg9 : memref<80xi32, #tpu.memory_space<vmem>>) semaphore(%arg39 : memref<!tpu.dma_semaphore, #tpu.memory_space<semaphore_mem>>)
      } else {
      }
      %add3A_285 = arith.constant 5 : i32
      %add3A_286 = arith.addi %add3A_277, %add3A_285 : i32
      %lt3A_287 = arith.constant 125 : i32
      %lt3A_288 = arith.cmpi slt, %add3A_286, %lt3A_287 : i32
      %convert_element_type3A_289 = arith.extui %lt3A_288 : i1 to i32
      %cond3A_290 = arith.constant 0 : i32
      %cond3A_291 = arith.cmpi ne, %convert_element_type3A_289, %cond3A_290 : i32
      scf.if %cond3A_291 {
        %add3A_428 = arith.constant 5 : i32
        %add3A_429 = arith.addi %add3A_277, %add3A_428 : i32
        %mul3A_430 = arith.constant 80 : i32
        %mul3A_431 = arith.muli %add3A_429, %mul3A_430 : i32
        %add3A_432 = arith.addi %mul3A_2, %mul3A_431 : i32
        %dma_start3A_433 = tpu.memref_slice %arg3[%add3A_432] : memref<320000xi32, #tpu.memory_space<hbm>> -> memref<80xi32, #tpu.memory_space<hbm>>
        %dma_start3A_434 = tpu.memref_slice %arg3[%add3A_432] : memref<320000xi32, #tpu.memory_space<hbm>> -> memref<80xi32, #tpu.memory_space<hbm>>
        tpu.enqueue_dma source(%dma_start3A_434 : memref<80xi32, #tpu.memory_space<hbm>>) target(%arg11 : memref<80xi32, #tpu.memory_space<vmem>>) target_semaphore(%arg33 : memref<!tpu.dma_semaphore, #tpu.memory_space<semaphore_mem>>)
        %mul3A_435 = arith.constant 80 : i32
        %mul3A_436 = arith.muli %add3A_429, %mul3A_435 : i32
        %add3A_437 = arith.addi %mul3A_2, %mul3A_436 : i32
        %dma_start3A_438 = tpu.memref_slice %arg4[%add3A_437] : memref<320000xi32, #tpu.memory_space<hbm>> -> memref<80xi32, #tpu.memory_space<hbm>>
        %dma_start3A_439 = tpu.memref_slice %arg4[%add3A_437] : memref<320000xi32, #tpu.memory_space<hbm>> -> memref<80xi32, #tpu.memory_space<hbm>>
        tpu.enqueue_dma source(%dma_start3A_439 : memref<80xi32, #tpu.memory_space<hbm>>) target(%arg19 : memref<80xi32, #tpu.memory_space<vmem>>) target_semaphore(%arg33 : memref<!tpu.dma_semaphore, #tpu.memory_space<semaphore_mem>>)
      } else {
      }
      %dma_wait3A_292 = arith.constant 0 : i32
      %dma_wait3A_293 = arith.constant 0 : i32
      %dma_wait3A_294 = tpu.memref_slice %arg2[%dma_wait3A_292, %dma_wait3A_293] : memref<10000x128xf32, #tpu.memory_space<hbm>> -> memref<10000x128xf32, #tpu.memory_space<hbm>>
      tpu.wait_indirect_dma semaphore(%arg36 : memref<!tpu.dma_semaphore, #tpu.memory_space<semaphore_mem>>) src(%dma_wait3A_294 : memref<10000x128xf32, #tpu.memory_space<hbm>>) dst(%arg22 : memref<80x128xf32, #tpu.memory_space<vmem>>)
      "tpu.region"() ({
        %run_scoped3A = tpu.sem_alloc : memref<!tpu.dma_semaphore, #tpu.memory_space<semaphore_mem>>
        %dma_start3A_428 = arith.constant 0 : i32
        %dma_start3A_429 = arith.constant 0 : i32
        %dma_start3A_430 = tpu.memref_slice %arg27[%dma_start3A_428, %dma_start3A_429] : memref<10240x128xf32, #tpu.memory_space<vmem_shared>> -> memref<10240x128xf32, #tpu.memory_space<vmem_shared>>
        tpu.enqueue_indirect_dma source(%arg22 : memref<80x128xf32, #tpu.memory_space<vmem>>) target(%dma_start3A_430 : memref<10240x128xf32, #tpu.memory_space<vmem_shared>>) offsets(%arg14 : memref<80xi32, #tpu.memory_space<vmem>>) semaphore(%run_scoped3A : memref<!tpu.dma_semaphore, #tpu.memory_space<semaphore_mem>>) {add = true}
        %dma_wait3A_431 = arith.constant 0 : i32
        %dma_wait3A_432 = arith.constant 0 : i32
        %dma_wait3A_433 = tpu.memref_slice %arg27[%dma_wait3A_431, %dma_wait3A_432] : memref<10240x128xf32, #tpu.memory_space<vmem_shared>> -> memref<10240x128xf32, #tpu.memory_space<vmem_shared>>
        tpu.wait_indirect_dma semaphore(%run_scoped3A : memref<!tpu.dma_semaphore, #tpu.memory_space<semaphore_mem>>) src(%arg22 : memref<80x128xf32, #tpu.memory_space<vmem>>) dst(%dma_wait3A_433 : memref<10240x128xf32, #tpu.memory_space<vmem_shared>>)
        tpu.yield
      }) : () -> ()
      %add3A_295 = arith.constant 1 : i32
      %add3A_296 = arith.addi %add3A_275, %add3A_295 : i32
      %add3A_297 = arith.constant 3 : i32
      %add3A_298 = arith.addi %add3A_296, %add3A_297 : i32
      %lt3A_299 = arith.constant 125 : i32
      %lt3A_300 = arith.cmpi slt, %add3A_298, %lt3A_299 : i32
      %convert_element_type3A_301 = arith.extui %lt3A_300 : i1 to i32
      %cond3A_302 = arith.constant 0 : i32
      %cond3A_303 = arith.cmpi ne, %convert_element_type3A_301, %cond3A_302 : i32
      scf.if %cond3A_303 {
        %add3A_428 = arith.constant 3 : i32
        %add3A_429 = arith.addi %add3A_296, %add3A_428 : i32
        %mul3A_430 = arith.constant 80 : i32
        %mul3A_431 = arith.muli %add3A_429, %mul3A_430 : i32
        %add3A_432 = arith.addi %mul3A_2, %mul3A_431 : i32
        %dma_wait3A_433 = tpu.memref_slice %arg3[%add3A_432] : memref<320000xi32, #tpu.memory_space<hbm>> -> memref<80xi32, #tpu.memory_space<hbm>>
        %dma_wait3A_434 = tpu.memref_slice %arg3[%add3A_432] : memref<320000xi32, #tpu.memory_space<hbm>> -> memref<80xi32, #tpu.memory_space<hbm>>
        tpu.wait_dma2 semaphore(%arg32 : memref<!tpu.dma_semaphore, #tpu.memory_space<semaphore_mem>>) src(%dma_wait3A_434 : memref<80xi32, #tpu.memory_space<hbm>>) dst(%arg10 : memref<80xi32, #tpu.memory_space<vmem>>)
        %mul3A_435 = arith.constant 80 : i32
        %mul3A_436 = arith.muli %add3A_429, %mul3A_435 : i32
        %add3A_437 = arith.addi %mul3A_2, %mul3A_436 : i32
        %dma_wait3A_438 = tpu.memref_slice %arg4[%add3A_437] : memref<320000xi32, #tpu.memory_space<hbm>> -> memref<80xi32, #tpu.memory_space<hbm>>
        %dma_wait3A_439 = tpu.memref_slice %arg4[%add3A_437] : memref<320000xi32, #tpu.memory_space<hbm>> -> memref<80xi32, #tpu.memory_space<hbm>>
        tpu.wait_dma2 semaphore(%arg32 : memref<!tpu.dma_semaphore, #tpu.memory_space<semaphore_mem>>) src(%dma_wait3A_439 : memref<80xi32, #tpu.memory_space<hbm>>) dst(%arg18 : memref<80xi32, #tpu.memory_space<vmem>>)
        %dma_start3A_440 = arith.constant 0 : i32
        %dma_start3A_441 = arith.constant 0 : i32
        %dma_start3A_442 = tpu.memref_slice %arg2[%dma_start3A_440, %dma_start3A_441] : memref<10000x128xf32, #tpu.memory_space<hbm>> -> memref<10000x128xf32, #tpu.memory_space<hbm>>
        tpu.enqueue_indirect_dma source(%dma_start3A_442 : memref<10000x128xf32, #tpu.memory_space<hbm>>) target(%arg22 : memref<80x128xf32, #tpu.memory_space<vmem>>) offsets(%arg10 : memref<80xi32, #tpu.memory_space<vmem>>) semaphore(%arg36 : memref<!tpu.dma_semaphore, #tpu.memory_space<semaphore_mem>>)
      } else {
      }
      %add3A_304 = arith.constant 5 : i32
      %add3A_305 = arith.addi %add3A_296, %add3A_304 : i32
      %lt3A_306 = arith.constant 125 : i32
      %lt3A_307 = arith.cmpi slt, %add3A_305, %lt3A_306 : i32
      %convert_element_type3A_308 = arith.extui %lt3A_307 : i1 to i32
      %cond3A_309 = arith.constant 0 : i32
      %cond3A_310 = arith.cmpi ne, %convert_element_type3A_308, %cond3A_309 : i32
      scf.if %cond3A_310 {
        %add3A_428 = arith.constant 5 : i32
        %add3A_429 = arith.addi %add3A_296, %add3A_428 : i32
        %mul3A_430 = arith.constant 80 : i32
        %mul3A_431 = arith.muli %add3A_429, %mul3A_430 : i32
        %add3A_432 = arith.addi %mul3A_2, %mul3A_431 : i32
        %dma_start3A_433 = tpu.memref_slice %arg3[%add3A_432] : memref<320000xi32, #tpu.memory_space<hbm>> -> memref<80xi32, #tpu.memory_space<hbm>>
        %dma_start3A_434 = tpu.memref_slice %arg3[%add3A_432] : memref<320000xi32, #tpu.memory_space<hbm>> -> memref<80xi32, #tpu.memory_space<hbm>>
        tpu.enqueue_dma source(%dma_start3A_434 : memref<80xi32, #tpu.memory_space<hbm>>) target(%arg12 : memref<80xi32, #tpu.memory_space<vmem>>) target_semaphore(%arg34 : memref<!tpu.dma_semaphore, #tpu.memory_space<semaphore_mem>>)
        %mul3A_435 = arith.constant 80 : i32
        %mul3A_436 = arith.muli %add3A_429, %mul3A_435 : i32
        %add3A_437 = arith.addi %mul3A_2, %mul3A_436 : i32
        %dma_start3A_438 = tpu.memref_slice %arg4[%add3A_437] : memref<320000xi32, #tpu.memory_space<hbm>> -> memref<80xi32, #tpu.memory_space<hbm>>
        %dma_start3A_439 = tpu.memref_slice %arg4[%add3A_437] : memref<320000xi32, #tpu.memory_space<hbm>> -> memref<80xi32, #tpu.memory_space<hbm>>
        tpu.enqueue_dma source(%dma_start3A_439 : memref<80xi32, #tpu.memory_space<hbm>>) target(%arg20 : memref<80xi32, #tpu.memory_space<vmem>>) target_semaphore(%arg34 : memref<!tpu.dma_semaphore, #tpu.memory_space<semaphore_mem>>)
      } else {
      }
      %dma_wait3A_311 = arith.constant 0 : i32
      %dma_wait3A_312 = arith.constant 0 : i32
      %dma_wait3A_313 = tpu.memref_slice %arg2[%dma_wait3A_311, %dma_wait3A_312] : memref<10000x128xf32, #tpu.memory_space<hbm>> -> memref<10000x128xf32, #tpu.memory_space<hbm>>
      tpu.wait_indirect_dma semaphore(%arg37 : memref<!tpu.dma_semaphore, #tpu.memory_space<semaphore_mem>>) src(%dma_wait3A_313 : memref<10000x128xf32, #tpu.memory_space<hbm>>) dst(%arg23 : memref<80x128xf32, #tpu.memory_space<vmem>>)
      "tpu.region"() ({
        %run_scoped3A = tpu.sem_alloc : memref<!tpu.dma_semaphore, #tpu.memory_space<semaphore_mem>>
        %dma_start3A_428 = arith.constant 0 : i32
        %dma_start3A_429 = arith.constant 0 : i32
        %dma_start3A_430 = tpu.memref_slice %arg27[%dma_start3A_428, %dma_start3A_429] : memref<10240x128xf32, #tpu.memory_space<vmem_shared>> -> memref<10240x128xf32, #tpu.memory_space<vmem_shared>>
        tpu.enqueue_indirect_dma source(%arg23 : memref<80x128xf32, #tpu.memory_space<vmem>>) target(%dma_start3A_430 : memref<10240x128xf32, #tpu.memory_space<vmem_shared>>) offsets(%arg15 : memref<80xi32, #tpu.memory_space<vmem>>) semaphore(%run_scoped3A : memref<!tpu.dma_semaphore, #tpu.memory_space<semaphore_mem>>) {add = true}
        %dma_wait3A_431 = arith.constant 0 : i32
        %dma_wait3A_432 = arith.constant 0 : i32
        %dma_wait3A_433 = tpu.memref_slice %arg27[%dma_wait3A_431, %dma_wait3A_432] : memref<10240x128xf32, #tpu.memory_space<vmem_shared>> -> memref<10240x128xf32, #tpu.memory_space<vmem_shared>>
        tpu.wait_indirect_dma semaphore(%run_scoped3A : memref<!tpu.dma_semaphore, #tpu.memory_space<semaphore_mem>>) src(%arg23 : memref<80x128xf32, #tpu.memory_space<vmem>>) dst(%dma_wait3A_433 : memref<10240x128xf32, #tpu.memory_space<vmem_shared>>)
        tpu.yield
      }) : () -> ()
      %add3A_314 = arith.constant 2 : i32
      %add3A_315 = arith.addi %add3A_275, %add3A_314 : i32
      %add3A_316 = arith.constant 3 : i32
      %add3A_317 = arith.addi %add3A_315, %add3A_316 : i32
      %lt3A_318 = arith.constant 125 : i32
      %lt3A_319 = arith.cmpi slt, %add3A_317, %lt3A_318 : i32
      %convert_element_type3A_320 = arith.extui %lt3A_319 : i1 to i32
      %cond3A_321 = arith.constant 0 : i32
      %cond3A_322 = arith.cmpi ne, %convert_element_type3A_320, %cond3A_321 : i32
      scf.if %cond3A_322 {
        %add3A_428 = arith.constant 3 : i32
        %add3A_429 = arith.addi %add3A_315, %add3A_428 : i32
        %mul3A_430 = arith.constant 80 : i32
        %mul3A_431 = arith.muli %add3A_429, %mul3A_430 : i32
        %add3A_432 = arith.addi %mul3A_2, %mul3A_431 : i32
        %dma_wait3A_433 = tpu.memref_slice %arg3[%add3A_432] : memref<320000xi32, #tpu.memory_space<hbm>> -> memref<80xi32, #tpu.memory_space<hbm>>
        %dma_wait3A_434 = tpu.memref_slice %arg3[%add3A_432] : memref<320000xi32, #tpu.memory_space<hbm>> -> memref<80xi32, #tpu.memory_space<hbm>>
        tpu.wait_dma2 semaphore(%arg33 : memref<!tpu.dma_semaphore, #tpu.memory_space<semaphore_mem>>) src(%dma_wait3A_434 : memref<80xi32, #tpu.memory_space<hbm>>) dst(%arg11 : memref<80xi32, #tpu.memory_space<vmem>>)
        %mul3A_435 = arith.constant 80 : i32
        %mul3A_436 = arith.muli %add3A_429, %mul3A_435 : i32
        %add3A_437 = arith.addi %mul3A_2, %mul3A_436 : i32
        %dma_wait3A_438 = tpu.memref_slice %arg4[%add3A_437] : memref<320000xi32, #tpu.memory_space<hbm>> -> memref<80xi32, #tpu.memory_space<hbm>>
        %dma_wait3A_439 = tpu.memref_slice %arg4[%add3A_437] : memref<320000xi32, #tpu.memory_space<hbm>> -> memref<80xi32, #tpu.memory_space<hbm>>
        tpu.wait_dma2 semaphore(%arg33 : memref<!tpu.dma_semaphore, #tpu.memory_space<semaphore_mem>>) src(%dma_wait3A_439 : memref<80xi32, #tpu.memory_space<hbm>>) dst(%arg19 : memref<80xi32, #tpu.memory_space<vmem>>)
        %dma_start3A_440 = arith.constant 0 : i32
        %dma_start3A_441 = arith.constant 0 : i32
        %dma_start3A_442 = tpu.memref_slice %arg2[%dma_start3A_440, %dma_start3A_441] : memref<10000x128xf32, #tpu.memory_space<hbm>> -> memref<10000x128xf32, #tpu.memory_space<hbm>>
        tpu.enqueue_indirect_dma source(%dma_start3A_442 : memref<10000x128xf32, #tpu.memory_space<hbm>>) target(%arg23 : memref<80x128xf32, #tpu.memory_space<vmem>>) offsets(%arg11 : memref<80xi32, #tpu.memory_space<vmem>>) semaphore(%arg37 : memref<!tpu.dma_semaphore, #tpu.memory_space<semaphore_mem>>)
      } else {
      }
      %add3A_323 = arith.constant 5 : i32
      %add3A_324 = arith.addi %add3A_315, %add3A_323 : i32
      %lt3A_325 = arith.constant 125 : i32
      %lt3A_326 = arith.cmpi slt, %add3A_324, %lt3A_325 : i32
      %convert_element_type3A_327 = arith.extui %lt3A_326 : i1 to i32
      %cond3A_328 = arith.constant 0 : i32
      %cond3A_329 = arith.cmpi ne, %convert_element_type3A_327, %cond3A_328 : i32
      scf.if %cond3A_329 {
        %add3A_428 = arith.constant 5 : i32
        %add3A_429 = arith.addi %add3A_315, %add3A_428 : i32
        %mul3A_430 = arith.constant 80 : i32
        %mul3A_431 = arith.muli %add3A_429, %mul3A_430 : i32
        %add3A_432 = arith.addi %mul3A_2, %mul3A_431 : i32
        %dma_start3A_433 = tpu.memref_slice %arg3[%add3A_432] : memref<320000xi32, #tpu.memory_space<hbm>> -> memref<80xi32, #tpu.memory_space<hbm>>
        %dma_start3A_434 = tpu.memref_slice %arg3[%add3A_432] : memref<320000xi32, #tpu.memory_space<hbm>> -> memref<80xi32, #tpu.memory_space<hbm>>
        tpu.enqueue_dma source(%dma_start3A_434 : memref<80xi32, #tpu.memory_space<hbm>>) target(%arg13 : memref<80xi32, #tpu.memory_space<vmem>>) target_semaphore(%arg35 : memref<!tpu.dma_semaphore, #tpu.memory_space<semaphore_mem>>)
        %mul3A_435 = arith.constant 80 : i32
        %mul3A_436 = arith.muli %add3A_429, %mul3A_435 : i32
        %add3A_437 = arith.addi %mul3A_2, %mul3A_436 : i32
        %dma_start3A_438 = tpu.memref_slice %arg4[%add3A_437] : memref<320000xi32, #tpu.memory_space<hbm>> -> memref<80xi32, #tpu.memory_space<hbm>>
        %dma_start3A_439 = tpu.memref_slice %arg4[%add3A_437] : memref<320000xi32, #tpu.memory_space<hbm>> -> memref<80xi32, #tpu.memory_space<hbm>>
        tpu.enqueue_dma source(%dma_start3A_439 : memref<80xi32, #tpu.memory_space<hbm>>) target(%arg21 : memref<80xi32, #tpu.memory_space<vmem>>) target_semaphore(%arg35 : memref<!tpu.dma_semaphore, #tpu.memory_space<semaphore_mem>>)
      } else {
      }
      %dma_wait3A_330 = arith.constant 0 : i32
      %dma_wait3A_331 = arith.constant 0 : i32
      %dma_wait3A_332 = tpu.memref_slice %arg2[%dma_wait3A_330, %dma_wait3A_331] : memref<10000x128xf32, #tpu.memory_space<hbm>> -> memref<10000x128xf32, #tpu.memory_space<hbm>>
      tpu.wait_indirect_dma semaphore(%arg38 : memref<!tpu.dma_semaphore, #tpu.memory_space<semaphore_mem>>) src(%dma_wait3A_332 : memref<10000x128xf32, #tpu.memory_space<hbm>>) dst(%arg24 : memref<80x128xf32, #tpu.memory_space<vmem>>)
      "tpu.region"() ({
        %run_scoped3A = tpu.sem_alloc : memref<!tpu.dma_semaphore, #tpu.memory_space<semaphore_mem>>
        %dma_start3A_428 = arith.constant 0 : i32
        %dma_start3A_429 = arith.constant 0 : i32
        %dma_start3A_430 = tpu.memref_slice %arg27[%dma_start3A_428, %dma_start3A_429] : memref<10240x128xf32, #tpu.memory_space<vmem_shared>> -> memref<10240x128xf32, #tpu.memory_space<vmem_shared>>
        tpu.enqueue_indirect_dma source(%arg24 : memref<80x128xf32, #tpu.memory_space<vmem>>) target(%dma_start3A_430 : memref<10240x128xf32, #tpu.memory_space<vmem_shared>>) offsets(%arg16 : memref<80xi32, #tpu.memory_space<vmem>>) semaphore(%run_scoped3A : memref<!tpu.dma_semaphore, #tpu.memory_space<semaphore_mem>>) {add = true}
        %dma_wait3A_431 = arith.constant 0 : i32
        %dma_wait3A_432 = arith.constant 0 : i32
        %dma_wait3A_433 = tpu.memref_slice %arg27[%dma_wait3A_431, %dma_wait3A_432] : memref<10240x128xf32, #tpu.memory_space<vmem_shared>> -> memref<10240x128xf32, #tpu.memory_space<vmem_shared>>
        tpu.wait_indirect_dma semaphore(%run_scoped3A : memref<!tpu.dma_semaphore, #tpu.memory_space<semaphore_mem>>) src(%arg24 : memref<80x128xf32, #tpu.memory_space<vmem>>) dst(%dma_wait3A_433 : memref<10240x128xf32, #tpu.memory_space<vmem_shared>>)
        tpu.yield
      }) : () -> ()
      %add3A_333 = arith.constant 3 : i32
      %add3A_334 = arith.addi %add3A_275, %add3A_333 : i32
      %add3A_335 = arith.constant 3 : i32
      %add3A_336 = arith.addi %add3A_334, %add3A_335 : i32
      %lt3A_337 = arith.constant 125 : i32
      %lt3A_338 = arith.cmpi slt, %add3A_336, %lt3A_337 : i32
      %convert_element_type3A_339 = arith.extui %lt3A_338 : i1 to i32
      %cond3A_340 = arith.constant 0 : i32
      %cond3A_341 = arith.cmpi ne, %convert_element_type3A_339, %cond3A_340 : i32
      scf.if %cond3A_341 {
        %add3A_428 = arith.constant 3 : i32
        %add3A_429 = arith.addi %add3A_334, %add3A_428 : i32
        %mul3A_430 = arith.constant 80 : i32
        %mul3A_431 = arith.muli %add3A_429, %mul3A_430 : i32
        %add3A_432 = arith.addi %mul3A_2, %mul3A_431 : i32
        %dma_wait3A_433 = tpu.memref_slice %arg3[%add3A_432] : memref<320000xi32, #tpu.memory_space<hbm>> -> memref<80xi32, #tpu.memory_space<hbm>>
        %dma_wait3A_434 = tpu.memref_slice %arg3[%add3A_432] : memref<320000xi32, #tpu.memory_space<hbm>> -> memref<80xi32, #tpu.memory_space<hbm>>
        tpu.wait_dma2 semaphore(%arg34 : memref<!tpu.dma_semaphore, #tpu.memory_space<semaphore_mem>>) src(%dma_wait3A_434 : memref<80xi32, #tpu.memory_space<hbm>>) dst(%arg12 : memref<80xi32, #tpu.memory_space<vmem>>)
        %mul3A_435 = arith.constant 80 : i32
        %mul3A_436 = arith.muli %add3A_429, %mul3A_435 : i32
        %add3A_437 = arith.addi %mul3A_2, %mul3A_436 : i32
        %dma_wait3A_438 = tpu.memref_slice %arg4[%add3A_437] : memref<320000xi32, #tpu.memory_space<hbm>> -> memref<80xi32, #tpu.memory_space<hbm>>
        %dma_wait3A_439 = tpu.memref_slice %arg4[%add3A_437] : memref<320000xi32, #tpu.memory_space<hbm>> -> memref<80xi32, #tpu.memory_space<hbm>>
        tpu.wait_dma2 semaphore(%arg34 : memref<!tpu.dma_semaphore, #tpu.memory_space<semaphore_mem>>) src(%dma_wait3A_439 : memref<80xi32, #tpu.memory_space<hbm>>) dst(%arg20 : memref<80xi32, #tpu.memory_space<vmem>>)
        %dma_start3A_440 = arith.constant 0 : i32
        %dma_start3A_441 = arith.constant 0 : i32
        %dma_start3A_442 = tpu.memref_slice %arg2[%dma_start3A_440, %dma_start3A_441] : memref<10000x128xf32, #tpu.memory_space<hbm>> -> memref<10000x128xf32, #tpu.memory_space<hbm>>
        tpu.enqueue_indirect_dma source(%dma_start3A_442 : memref<10000x128xf32, #tpu.memory_space<hbm>>) target(%arg24 : memref<80x128xf32, #tpu.memory_space<vmem>>) offsets(%arg12 : memref<80xi32, #tpu.memory_space<vmem>>) semaphore(%arg38 : memref<!tpu.dma_semaphore, #tpu.memory_space<semaphore_mem>>)
      } else {
      }
      %add3A_342 = arith.constant 5 : i32
      %add3A_343 = arith.addi %add3A_334, %add3A_342 : i32
      %lt3A_344 = arith.constant 125 : i32
      %lt3A_345 = arith.cmpi slt, %add3A_343, %lt3A_344 : i32
      %convert_element_type3A_346 = arith.extui %lt3A_345 : i1 to i32
      %cond3A_347 = arith.constant 0 : i32
      %cond3A_348 = arith.cmpi ne, %convert_element_type3A_346, %cond3A_347 : i32
      scf.if %cond3A_348 {
        %add3A_428 = arith.constant 5 : i32
        %add3A_429 = arith.addi %add3A_334, %add3A_428 : i32
        %mul3A_430 = arith.constant 80 : i32
        %mul3A_431 = arith.muli %add3A_429, %mul3A_430 : i32
        %add3A_432 = arith.addi %mul3A_2, %mul3A_431 : i32
        %dma_start3A_433 = tpu.memref_slice %arg3[%add3A_432] : memref<320000xi32, #tpu.memory_space<hbm>> -> memref<80xi32, #tpu.memory_space<hbm>>
        %dma_start3A_434 = tpu.memref_slice %arg3[%add3A_432] : memref<320000xi32, #tpu.memory_space<hbm>> -> memref<80xi32, #tpu.memory_space<hbm>>
        tpu.enqueue_dma source(%dma_start3A_434 : memref<80xi32, #tpu.memory_space<hbm>>) target(%arg6 : memref<80xi32, #tpu.memory_space<vmem>>) target_semaphore(%arg28 : memref<!tpu.dma_semaphore, #tpu.memory_space<semaphore_mem>>)
        %mul3A_435 = arith.constant 80 : i32
        %mul3A_436 = arith.muli %add3A_429, %mul3A_435 : i32
        %add3A_437 = arith.addi %mul3A_2, %mul3A_436 : i32
        %dma_start3A_438 = tpu.memref_slice %arg4[%add3A_437] : memref<320000xi32, #tpu.memory_space<hbm>> -> memref<80xi32, #tpu.memory_space<hbm>>
        %dma_start3A_439 = tpu.memref_slice %arg4[%add3A_437] : memref<320000xi32, #tpu.memory_space<hbm>> -> memref<80xi32, #tpu.memory_space<hbm>>
        tpu.enqueue_dma source(%dma_start3A_439 : memref<80xi32, #tpu.memory_space<hbm>>) target(%arg14 : memref<80xi32, #tpu.memory_space<vmem>>) target_semaphore(%arg28 : memref<!tpu.dma_semaphore, #tpu.memory_space<semaphore_mem>>)
      } else {
      }
      %dma_wait3A_349 = arith.constant 0 : i32
      %dma_wait3A_350 = arith.constant 0 : i32
      %dma_wait3A_351 = tpu.memref_slice %arg2[%dma_wait3A_349, %dma_wait3A_350] : memref<10000x128xf32, #tpu.memory_space<hbm>> -> memref<10000x128xf32, #tpu.memory_space<hbm>>
      tpu.wait_indirect_dma semaphore(%arg39 : memref<!tpu.dma_semaphore, #tpu.memory_space<semaphore_mem>>) src(%dma_wait3A_351 : memref<10000x128xf32, #tpu.memory_space<hbm>>) dst(%arg25 : memref<80x128xf32, #tpu.memory_space<vmem>>)
      "tpu.region"() ({
        %run_scoped3A = tpu.sem_alloc : memref<!tpu.dma_semaphore, #tpu.memory_space<semaphore_mem>>
        %dma_start3A_428 = arith.constant 0 : i32
        %dma_start3A_429 = arith.constant 0 : i32
        %dma_start3A_430 = tpu.memref_slice %arg27[%dma_start3A_428, %dma_start3A_429] : memref<10240x128xf32, #tpu.memory_space<vmem_shared>> -> memref<10240x128xf32, #tpu.memory_space<vmem_shared>>
        tpu.enqueue_indirect_dma source(%arg25 : memref<80x128xf32, #tpu.memory_space<vmem>>) target(%dma_start3A_430 : memref<10240x128xf32, #tpu.memory_space<vmem_shared>>) offsets(%arg17 : memref<80xi32, #tpu.memory_space<vmem>>) semaphore(%run_scoped3A : memref<!tpu.dma_semaphore, #tpu.memory_space<semaphore_mem>>) {add = true}
        %dma_wait3A_431 = arith.constant 0 : i32
        %dma_wait3A_432 = arith.constant 0 : i32
        %dma_wait3A_433 = tpu.memref_slice %arg27[%dma_wait3A_431, %dma_wait3A_432] : memref<10240x128xf32, #tpu.memory_space<vmem_shared>> -> memref<10240x128xf32, #tpu.memory_space<vmem_shared>>
        tpu.wait_indirect_dma semaphore(%run_scoped3A : memref<!tpu.dma_semaphore, #tpu.memory_space<semaphore_mem>>) src(%arg25 : memref<80x128xf32, #tpu.memory_space<vmem>>) dst(%dma_wait3A_433 : memref<10240x128xf32, #tpu.memory_space<vmem_shared>>)
        tpu.yield
      }) : () -> ()
      %add3A_352 = arith.constant 4 : i32
      %add3A_353 = arith.addi %add3A_275, %add3A_352 : i32
      %add3A_354 = arith.constant 3 : i32
      %add3A_355 = arith.addi %add3A_353, %add3A_354 : i32
      %lt3A_356 = arith.constant 125 : i32
      %lt3A_357 = arith.cmpi slt, %add3A_355, %lt3A_356 : i32
      %convert_element_type3A_358 = arith.extui %lt3A_357 : i1 to i32
      %cond3A_359 = arith.constant 0 : i32
      %cond3A_360 = arith.cmpi ne, %convert_element_type3A_358, %cond3A_359 : i32
      scf.if %cond3A_360 {
        %add3A_428 = arith.constant 3 : i32
        %add3A_429 = arith.addi %add3A_353, %add3A_428 : i32
        %mul3A_430 = arith.constant 80 : i32
        %mul3A_431 = arith.muli %add3A_429, %mul3A_430 : i32
        %add3A_432 = arith.addi %mul3A_2, %mul3A_431 : i32
        %dma_wait3A_433 = tpu.memref_slice %arg3[%add3A_432] : memref<320000xi32, #tpu.memory_space<hbm>> -> memref<80xi32, #tpu.memory_space<hbm>>
        %dma_wait3A_434 = tpu.memref_slice %arg3[%add3A_432] : memref<320000xi32, #tpu.memory_space<hbm>> -> memref<80xi32, #tpu.memory_space<hbm>>
        tpu.wait_dma2 semaphore(%arg35 : memref<!tpu.dma_semaphore, #tpu.memory_space<semaphore_mem>>) src(%dma_wait3A_434 : memref<80xi32, #tpu.memory_space<hbm>>) dst(%arg13 : memref<80xi32, #tpu.memory_space<vmem>>)
        %mul3A_435 = arith.constant 80 : i32
        %mul3A_436 = arith.muli %add3A_429, %mul3A_435 : i32
        %add3A_437 = arith.addi %mul3A_2, %mul3A_436 : i32
        %dma_wait3A_438 = tpu.memref_slice %arg4[%add3A_437] : memref<320000xi32, #tpu.memory_space<hbm>> -> memref<80xi32, #tpu.memory_space<hbm>>
        %dma_wait3A_439 = tpu.memref_slice %arg4[%add3A_437] : memref<320000xi32, #tpu.memory_space<hbm>> -> memref<80xi32, #tpu.memory_space<hbm>>
        tpu.wait_dma2 semaphore(%arg35 : memref<!tpu.dma_semaphore, #tpu.memory_space<semaphore_mem>>) src(%dma_wait3A_439 : memref<80xi32, #tpu.memory_space<hbm>>) dst(%arg21 : memref<80xi32, #tpu.memory_space<vmem>>)
        %dma_start3A_440 = arith.constant 0 : i32
        %dma_start3A_441 = arith.constant 0 : i32
        %dma_start3A_442 = tpu.memref_slice %arg2[%dma_start3A_440, %dma_start3A_441] : memref<10000x128xf32, #tpu.memory_space<hbm>> -> memref<10000x128xf32, #tpu.memory_space<hbm>>
        tpu.enqueue_indirect_dma source(%dma_start3A_442 : memref<10000x128xf32, #tpu.memory_space<hbm>>) target(%arg25 : memref<80x128xf32, #tpu.memory_space<vmem>>) offsets(%arg13 : memref<80xi32, #tpu.memory_space<vmem>>) semaphore(%arg39 : memref<!tpu.dma_semaphore, #tpu.memory_space<semaphore_mem>>)
      } else {
      }
      %add3A_361 = arith.constant 5 : i32
      %add3A_362 = arith.addi %add3A_353, %add3A_361 : i32
      %lt3A_363 = arith.constant 125 : i32
      %lt3A_364 = arith.cmpi slt, %add3A_362, %lt3A_363 : i32
      %convert_element_type3A_365 = arith.extui %lt3A_364 : i1 to i32
      %cond3A_366 = arith.constant 0 : i32
      %cond3A_367 = arith.cmpi ne, %convert_element_type3A_365, %cond3A_366 : i32
      scf.if %cond3A_367 {
        %add3A_428 = arith.constant 5 : i32
        %add3A_429 = arith.addi %add3A_353, %add3A_428 : i32
        %mul3A_430 = arith.constant 80 : i32
        %mul3A_431 = arith.muli %add3A_429, %mul3A_430 : i32
        %add3A_432 = arith.addi %mul3A_2, %mul3A_431 : i32
        %dma_start3A_433 = tpu.memref_slice %arg3[%add3A_432] : memref<320000xi32, #tpu.memory_space<hbm>> -> memref<80xi32, #tpu.memory_space<hbm>>
        %dma_start3A_434 = tpu.memref_slice %arg3[%add3A_432] : memref<320000xi32, #tpu.memory_space<hbm>> -> memref<80xi32, #tpu.memory_space<hbm>>
        tpu.enqueue_dma source(%dma_start3A_434 : memref<80xi32, #tpu.memory_space<hbm>>) target(%arg7 : memref<80xi32, #tpu.memory_space<vmem>>) target_semaphore(%arg29 : memref<!tpu.dma_semaphore, #tpu.memory_space<semaphore_mem>>)
        %mul3A_435 = arith.constant 80 : i32
        %mul3A_436 = arith.muli %add3A_429, %mul3A_435 : i32
        %add3A_437 = arith.addi %mul3A_2, %mul3A_436 : i32
        %dma_start3A_438 = tpu.memref_slice %arg4[%add3A_437] : memref<320000xi32, #tpu.memory_space<hbm>> -> memref<80xi32, #tpu.memory_space<hbm>>
        %dma_start3A_439 = tpu.memref_slice %arg4[%add3A_437] : memref<320000xi32, #tpu.memory_space<hbm>> -> memref<80xi32, #tpu.memory_space<hbm>>
        tpu.enqueue_dma source(%dma_start3A_439 : memref<80xi32, #tpu.memory_space<hbm>>) target(%arg15 : memref<80xi32, #tpu.memory_space<vmem>>) target_semaphore(%arg29 : memref<!tpu.dma_semaphore, #tpu.memory_space<semaphore_mem>>)
      } else {
      }
      %dma_wait3A_368 = arith.constant 0 : i32
      %dma_wait3A_369 = arith.constant 0 : i32
      %dma_wait3A_370 = tpu.memref_slice %arg2[%dma_wait3A_368, %dma_wait3A_369] : memref<10000x128xf32, #tpu.memory_space<hbm>> -> memref<10000x128xf32, #tpu.memory_space<hbm>>
      tpu.wait_indirect_dma semaphore(%arg36 : memref<!tpu.dma_semaphore, #tpu.memory_space<semaphore_mem>>) src(%dma_wait3A_370 : memref<10000x128xf32, #tpu.memory_space<hbm>>) dst(%arg22 : memref<80x128xf32, #tpu.memory_space<vmem>>)
      "tpu.region"() ({
        %run_scoped3A = tpu.sem_alloc : memref<!tpu.dma_semaphore, #tpu.memory_space<semaphore_mem>>
        %dma_start3A_428 = arith.constant 0 : i32
        %dma_start3A_429 = arith.constant 0 : i32
        %dma_start3A_430 = tpu.memref_slice %arg27[%dma_start3A_428, %dma_start3A_429] : memref<10240x128xf32, #tpu.memory_space<vmem_shared>> -> memref<10240x128xf32, #tpu.memory_space<vmem_shared>>
        tpu.enqueue_indirect_dma source(%arg22 : memref<80x128xf32, #tpu.memory_space<vmem>>) target(%dma_start3A_430 : memref<10240x128xf32, #tpu.memory_space<vmem_shared>>) offsets(%arg18 : memref<80xi32, #tpu.memory_space<vmem>>) semaphore(%run_scoped3A : memref<!tpu.dma_semaphore, #tpu.memory_space<semaphore_mem>>) {add = true}
        %dma_wait3A_431 = arith.constant 0 : i32
        %dma_wait3A_432 = arith.constant 0 : i32
        %dma_wait3A_433 = tpu.memref_slice %arg27[%dma_wait3A_431, %dma_wait3A_432] : memref<10240x128xf32, #tpu.memory_space<vmem_shared>> -> memref<10240x128xf32, #tpu.memory_space<vmem_shared>>
        tpu.wait_indirect_dma semaphore(%run_scoped3A : memref<!tpu.dma_semaphore, #tpu.memory_space<semaphore_mem>>) src(%arg22 : memref<80x128xf32, #tpu.memory_space<vmem>>) dst(%dma_wait3A_433 : memref<10240x128xf32, #tpu.memory_space<vmem_shared>>)
        tpu.yield
      }) : () -> ()
      %add3A_371 = arith.constant 5 : i32
      %add3A_372 = arith.addi %add3A_275, %add3A_371 : i32
      %add3A_373 = arith.constant 3 : i32
      %add3A_374 = arith.addi %add3A_372, %add3A_373 : i32
      %lt3A_375 = arith.constant 125 : i32
      %lt3A_376 = arith.cmpi slt, %add3A_374, %lt3A_375 : i32
      %convert_element_type3A_377 = arith.extui %lt3A_376 : i1 to i32
      %cond3A_378 = arith.constant 0 : i32
      %cond3A_379 = arith.cmpi ne, %convert_element_type3A_377, %cond3A_378 : i32
      scf.if %cond3A_379 {
        %add3A_428 = arith.constant 3 : i32
        %add3A_429 = arith.addi %add3A_372, %add3A_428 : i32
        %mul3A_430 = arith.constant 80 : i32
        %mul3A_431 = arith.muli %add3A_429, %mul3A_430 : i32
        %add3A_432 = arith.addi %mul3A_2, %mul3A_431 : i32
        %dma_wait3A_433 = tpu.memref_slice %arg3[%add3A_432] : memref<320000xi32, #tpu.memory_space<hbm>> -> memref<80xi32, #tpu.memory_space<hbm>>
        %dma_wait3A_434 = tpu.memref_slice %arg3[%add3A_432] : memref<320000xi32, #tpu.memory_space<hbm>> -> memref<80xi32, #tpu.memory_space<hbm>>
        tpu.wait_dma2 semaphore(%arg28 : memref<!tpu.dma_semaphore, #tpu.memory_space<semaphore_mem>>) src(%dma_wait3A_434 : memref<80xi32, #tpu.memory_space<hbm>>) dst(%arg6 : memref<80xi32, #tpu.memory_space<vmem>>)
        %mul3A_435 = arith.constant 80 : i32
        %mul3A_436 = arith.muli %add3A_429, %mul3A_435 : i32
        %add3A_437 = arith.addi %mul3A_2, %mul3A_436 : i32
        %dma_wait3A_438 = tpu.memref_slice %arg4[%add3A_437] : memref<320000xi32, #tpu.memory_space<hbm>> -> memref<80xi32, #tpu.memory_space<hbm>>
        %dma_wait3A_439 = tpu.memref_slice %arg4[%add3A_437] : memref<320000xi32, #tpu.memory_space<hbm>> -> memref<80xi32, #tpu.memory_space<hbm>>
        tpu.wait_dma2 semaphore(%arg28 : memref<!tpu.dma_semaphore, #tpu.memory_space<semaphore_mem>>) src(%dma_wait3A_439 : memref<80xi32, #tpu.memory_space<hbm>>) dst(%arg14 : memref<80xi32, #tpu.memory_space<vmem>>)
        %dma_start3A_440 = arith.constant 0 : i32
        %dma_start3A_441 = arith.constant 0 : i32
        %dma_start3A_442 = tpu.memref_slice %arg2[%dma_start3A_440, %dma_start3A_441] : memref<10000x128xf32, #tpu.memory_space<hbm>> -> memref<10000x128xf32, #tpu.memory_space<hbm>>
        tpu.enqueue_indirect_dma source(%dma_start3A_442 : memref<10000x128xf32, #tpu.memory_space<hbm>>) target(%arg22 : memref<80x128xf32, #tpu.memory_space<vmem>>) offsets(%arg6 : memref<80xi32, #tpu.memory_space<vmem>>) semaphore(%arg36 : memref<!tpu.dma_semaphore, #tpu.memory_space<semaphore_mem>>)
      } else {
      }
      %add3A_380 = arith.constant 5 : i32
      %add3A_381 = arith.addi %add3A_372, %add3A_380 : i32
      %lt3A_382 = arith.constant 125 : i32
      %lt3A_383 = arith.cmpi slt, %add3A_381, %lt3A_382 : i32
      %convert_element_type3A_384 = arith.extui %lt3A_383 : i1 to i32
      %cond3A_385 = arith.constant 0 : i32
      %cond3A_386 = arith.cmpi ne, %convert_element_type3A_384, %cond3A_385 : i32
      scf.if %cond3A_386 {
        %add3A_428 = arith.constant 5 : i32
        %add3A_429 = arith.addi %add3A_372, %add3A_428 : i32
        %mul3A_430 = arith.constant 80 : i32
        %mul3A_431 = arith.muli %add3A_429, %mul3A_430 : i32
        %add3A_432 = arith.addi %mul3A_2, %mul3A_431 : i32
        %dma_start3A_433 = tpu.memref_slice %arg3[%add3A_432] : memref<320000xi32, #tpu.memory_space<hbm>> -> memref<80xi32, #tpu.memory_space<hbm>>
        %dma_start3A_434 = tpu.memref_slice %arg3[%add3A_432] : memref<320000xi32, #tpu.memory_space<hbm>> -> memref<80xi32, #tpu.memory_space<hbm>>
        tpu.enqueue_dma source(%dma_start3A_434 : memref<80xi32, #tpu.memory_space<hbm>>) target(%arg8 : memref<80xi32, #tpu.memory_space<vmem>>) target_semaphore(%arg30 : memref<!tpu.dma_semaphore, #tpu.memory_space<semaphore_mem>>)
        %mul3A_435 = arith.constant 80 : i32
        %mul3A_436 = arith.muli %add3A_429, %mul3A_435 : i32
        %add3A_437 = arith.addi %mul3A_2, %mul3A_436 : i32
        %dma_start3A_438 = tpu.memref_slice %arg4[%add3A_437] : memref<320000xi32, #tpu.memory_space<hbm>> -> memref<80xi32, #tpu.memory_space<hbm>>
        %dma_start3A_439 = tpu.memref_slice %arg4[%add3A_437] : memref<320000xi32, #tpu.memory_space<hbm>> -> memref<80xi32, #tpu.memory_space<hbm>>
        tpu.enqueue_dma source(%dma_start3A_439 : memref<80xi32, #tpu.memory_space<hbm>>) target(%arg16 : memref<80xi32, #tpu.memory_space<vmem>>) target_semaphore(%arg30 : memref<!tpu.dma_semaphore, #tpu.memory_space<semaphore_mem>>)
      } else {
      }
      %dma_wait3A_387 = arith.constant 0 : i32
      %dma_wait3A_388 = arith.constant 0 : i32
      %dma_wait3A_389 = tpu.memref_slice %arg2[%dma_wait3A_387, %dma_wait3A_388] : memref<10000x128xf32, #tpu.memory_space<hbm>> -> memref<10000x128xf32, #tpu.memory_space<hbm>>
      tpu.wait_indirect_dma semaphore(%arg37 : memref<!tpu.dma_semaphore, #tpu.memory_space<semaphore_mem>>) src(%dma_wait3A_389 : memref<10000x128xf32, #tpu.memory_space<hbm>>) dst(%arg23 : memref<80x128xf32, #tpu.memory_space<vmem>>)
      "tpu.region"() ({
        %run_scoped3A = tpu.sem_alloc : memref<!tpu.dma_semaphore, #tpu.memory_space<semaphore_mem>>
        %dma_start3A_428 = arith.constant 0 : i32
        %dma_start3A_429 = arith.constant 0 : i32
        %dma_start3A_430 = tpu.memref_slice %arg27[%dma_start3A_428, %dma_start3A_429] : memref<10240x128xf32, #tpu.memory_space<vmem_shared>> -> memref<10240x128xf32, #tpu.memory_space<vmem_shared>>
        tpu.enqueue_indirect_dma source(%arg23 : memref<80x128xf32, #tpu.memory_space<vmem>>) target(%dma_start3A_430 : memref<10240x128xf32, #tpu.memory_space<vmem_shared>>) offsets(%arg19 : memref<80xi32, #tpu.memory_space<vmem>>) semaphore(%run_scoped3A : memref<!tpu.dma_semaphore, #tpu.memory_space<semaphore_mem>>) {add = true}
        %dma_wait3A_431 = arith.constant 0 : i32
        %dma_wait3A_432 = arith.constant 0 : i32
        %dma_wait3A_433 = tpu.memref_slice %arg27[%dma_wait3A_431, %dma_wait3A_432] : memref<10240x128xf32, #tpu.memory_space<vmem_shared>> -> memref<10240x128xf32, #tpu.memory_space<vmem_shared>>
        tpu.wait_indirect_dma semaphore(%run_scoped3A : memref<!tpu.dma_semaphore, #tpu.memory_space<semaphore_mem>>) src(%arg23 : memref<80x128xf32, #tpu.memory_space<vmem>>) dst(%dma_wait3A_433 : memref<10240x128xf32, #tpu.memory_space<vmem_shared>>)
        tpu.yield
      }) : () -> ()
      %add3A_390 = arith.constant 6 : i32
      %add3A_391 = arith.addi %add3A_275, %add3A_390 : i32
      %add3A_392 = arith.constant 3 : i32
      %add3A_393 = arith.addi %add3A_391, %add3A_392 : i32
      %lt3A_394 = arith.constant 125 : i32
      %lt3A_395 = arith.cmpi slt, %add3A_393, %lt3A_394 : i32
      %convert_element_type3A_396 = arith.extui %lt3A_395 : i1 to i32
      %cond3A_397 = arith.constant 0 : i32
      %cond3A_398 = arith.cmpi ne, %convert_element_type3A_396, %cond3A_397 : i32
      scf.if %cond3A_398 {
        %add3A_428 = arith.constant 3 : i32
        %add3A_429 = arith.addi %add3A_391, %add3A_428 : i32
        %mul3A_430 = arith.constant 80 : i32
        %mul3A_431 = arith.muli %add3A_429, %mul3A_430 : i32
        %add3A_432 = arith.addi %mul3A_2, %mul3A_431 : i32
        %dma_wait3A_433 = tpu.memref_slice %arg3[%add3A_432] : memref<320000xi32, #tpu.memory_space<hbm>> -> memref<80xi32, #tpu.memory_space<hbm>>
        %dma_wait3A_434 = tpu.memref_slice %arg3[%add3A_432] : memref<320000xi32, #tpu.memory_space<hbm>> -> memref<80xi32, #tpu.memory_space<hbm>>
        tpu.wait_dma2 semaphore(%arg29 : memref<!tpu.dma_semaphore, #tpu.memory_space<semaphore_mem>>) src(%dma_wait3A_434 : memref<80xi32, #tpu.memory_space<hbm>>) dst(%arg7 : memref<80xi32, #tpu.memory_space<vmem>>)
        %mul3A_435 = arith.constant 80 : i32
        %mul3A_436 = arith.muli %add3A_429, %mul3A_435 : i32
        %add3A_437 = arith.addi %mul3A_2, %mul3A_436 : i32
        %dma_wait3A_438 = tpu.memref_slice %arg4[%add3A_437] : memref<320000xi32, #tpu.memory_space<hbm>> -> memref<80xi32, #tpu.memory_space<hbm>>
        %dma_wait3A_439 = tpu.memref_slice %arg4[%add3A_437] : memref<320000xi32, #tpu.memory_space<hbm>> -> memref<80xi32, #tpu.memory_space<hbm>>
        tpu.wait_dma2 semaphore(%arg29 : memref<!tpu.dma_semaphore, #tpu.memory_space<semaphore_mem>>) src(%dma_wait3A_439 : memref<80xi32, #tpu.memory_space<hbm>>) dst(%arg15 : memref<80xi32, #tpu.memory_space<vmem>>)
        %dma_start3A_440 = arith.constant 0 : i32
        %dma_start3A_441 = arith.constant 0 : i32
        %dma_start3A_442 = tpu.memref_slice %arg2[%dma_start3A_440, %dma_start3A_441] : memref<10000x128xf32, #tpu.memory_space<hbm>> -> memref<10000x128xf32, #tpu.memory_space<hbm>>
        tpu.enqueue_indirect_dma source(%dma_start3A_442 : memref<10000x128xf32, #tpu.memory_space<hbm>>) target(%arg23 : memref<80x128xf32, #tpu.memory_space<vmem>>) offsets(%arg7 : memref<80xi32, #tpu.memory_space<vmem>>) semaphore(%arg37 : memref<!tpu.dma_semaphore, #tpu.memory_space<semaphore_mem>>)
      } else {
      }
      %add3A_399 = arith.constant 5 : i32
      %add3A_400 = arith.addi %add3A_391, %add3A_399 : i32
      %lt3A_401 = arith.constant 125 : i32
      %lt3A_402 = arith.cmpi slt, %add3A_400, %lt3A_401 : i32
      %convert_element_type3A_403 = arith.extui %lt3A_402 : i1 to i32
      %cond3A_404 = arith.constant 0 : i32
      %cond3A_405 = arith.cmpi ne, %convert_element_type3A_403, %cond3A_404 : i32
      scf.if %cond3A_405 {
        %add3A_428 = arith.constant 5 : i32
        %add3A_429 = arith.addi %add3A_391, %add3A_428 : i32
        %mul3A_430 = arith.constant 80 : i32
        %mul3A_431 = arith.muli %add3A_429, %mul3A_430 : i32
        %add3A_432 = arith.addi %mul3A_2, %mul3A_431 : i32
        %dma_start3A_433 = tpu.memref_slice %arg3[%add3A_432] : memref<320000xi32, #tpu.memory_space<hbm>> -> memref<80xi32, #tpu.memory_space<hbm>>
        %dma_start3A_434 = tpu.memref_slice %arg3[%add3A_432] : memref<320000xi32, #tpu.memory_space<hbm>> -> memref<80xi32, #tpu.memory_space<hbm>>
        tpu.enqueue_dma source(%dma_start3A_434 : memref<80xi32, #tpu.memory_space<hbm>>) target(%arg9 : memref<80xi32, #tpu.memory_space<vmem>>) target_semaphore(%arg31 : memref<!tpu.dma_semaphore, #tpu.memory_space<semaphore_mem>>)
        %mul3A_435 = arith.constant 80 : i32
        %mul3A_436 = arith.muli %add3A_429, %mul3A_435 : i32
        %add3A_437 = arith.addi %mul3A_2, %mul3A_436 : i32
        %dma_start3A_438 = tpu.memref_slice %arg4[%add3A_437] : memref<320000xi32, #tpu.memory_space<hbm>> -> memref<80xi32, #tpu.memory_space<hbm>>
        %dma_start3A_439 = tpu.memref_slice %arg4[%add3A_437] : memref<320000xi32, #tpu.memory_space<hbm>> -> memref<80xi32, #tpu.memory_space<hbm>>
        tpu.enqueue_dma source(%dma_start3A_439 : memref<80xi32, #tpu.memory_space<hbm>>) target(%arg17 : memref<80xi32, #tpu.memory_space<vmem>>) target_semaphore(%arg31 : memref<!tpu.dma_semaphore, #tpu.memory_space<semaphore_mem>>)
      } else {
      }
      %dma_wait3A_406 = arith.constant 0 : i32
      %dma_wait3A_407 = arith.constant 0 : i32
      %dma_wait3A_408 = tpu.memref_slice %arg2[%dma_wait3A_406, %dma_wait3A_407] : memref<10000x128xf32, #tpu.memory_space<hbm>> -> memref<10000x128xf32, #tpu.memory_space<hbm>>
      tpu.wait_indirect_dma semaphore(%arg38 : memref<!tpu.dma_semaphore, #tpu.memory_space<semaphore_mem>>) src(%dma_wait3A_408 : memref<10000x128xf32, #tpu.memory_space<hbm>>) dst(%arg24 : memref<80x128xf32, #tpu.memory_space<vmem>>)
      "tpu.region"() ({
        %run_scoped3A = tpu.sem_alloc : memref<!tpu.dma_semaphore, #tpu.memory_space<semaphore_mem>>
        %dma_start3A_428 = arith.constant 0 : i32
        %dma_start3A_429 = arith.constant 0 : i32
        %dma_start3A_430 = tpu.memref_slice %arg27[%dma_start3A_428, %dma_start3A_429] : memref<10240x128xf32, #tpu.memory_space<vmem_shared>> -> memref<10240x128xf32, #tpu.memory_space<vmem_shared>>
        tpu.enqueue_indirect_dma source(%arg24 : memref<80x128xf32, #tpu.memory_space<vmem>>) target(%dma_start3A_430 : memref<10240x128xf32, #tpu.memory_space<vmem_shared>>) offsets(%arg20 : memref<80xi32, #tpu.memory_space<vmem>>) semaphore(%run_scoped3A : memref<!tpu.dma_semaphore, #tpu.memory_space<semaphore_mem>>) {add = true}
        %dma_wait3A_431 = arith.constant 0 : i32
        %dma_wait3A_432 = arith.constant 0 : i32
        %dma_wait3A_433 = tpu.memref_slice %arg27[%dma_wait3A_431, %dma_wait3A_432] : memref<10240x128xf32, #tpu.memory_space<vmem_shared>> -> memref<10240x128xf32, #tpu.memory_space<vmem_shared>>
        tpu.wait_indirect_dma semaphore(%run_scoped3A : memref<!tpu.dma_semaphore, #tpu.memory_space<semaphore_mem>>) src(%arg24 : memref<80x128xf32, #tpu.memory_space<vmem>>) dst(%dma_wait3A_433 : memref<10240x128xf32, #tpu.memory_space<vmem_shared>>)
        tpu.yield
      }) : () -> ()
      %add3A_409 = arith.constant 7 : i32
      %add3A_410 = arith.addi %add3A_275, %add3A_409 : i32
      %add3A_411 = arith.constant 3 : i32
      %add3A_412 = arith.addi %add3A_410, %add3A_411 : i32
      %lt3A_413 = arith.constant 125 : i32
      %lt3A_414 = arith.cmpi slt, %add3A_412, %lt3A_413 : i32
      %convert_element_type3A_415 = arith.extui %lt3A_414 : i1 to i32
      %cond3A_416 = arith.constant 0 : i32
      %cond3A_417 = arith.cmpi ne, %convert_element_type3A_415, %cond3A_416 : i32
      scf.if %cond3A_417 {
        %add3A_428 = arith.constant 3 : i32
        %add3A_429 = arith.addi %add3A_410, %add3A_428 : i32
        %mul3A_430 = arith.constant 80 : i32
        %mul3A_431 = arith.muli %add3A_429, %mul3A_430 : i32
        %add3A_432 = arith.addi %mul3A_2, %mul3A_431 : i32
        %dma_wait3A_433 = tpu.memref_slice %arg3[%add3A_432] : memref<320000xi32, #tpu.memory_space<hbm>> -> memref<80xi32, #tpu.memory_space<hbm>>
        %dma_wait3A_434 = tpu.memref_slice %arg3[%add3A_432] : memref<320000xi32, #tpu.memory_space<hbm>> -> memref<80xi32, #tpu.memory_space<hbm>>
        tpu.wait_dma2 semaphore(%arg30 : memref<!tpu.dma_semaphore, #tpu.memory_space<semaphore_mem>>) src(%dma_wait3A_434 : memref<80xi32, #tpu.memory_space<hbm>>) dst(%arg8 : memref<80xi32, #tpu.memory_space<vmem>>)
        %mul3A_435 = arith.constant 80 : i32
        %mul3A_436 = arith.muli %add3A_429, %mul3A_435 : i32
        %add3A_437 = arith.addi %mul3A_2, %mul3A_436 : i32
        %dma_wait3A_438 = tpu.memref_slice %arg4[%add3A_437] : memref<320000xi32, #tpu.memory_space<hbm>> -> memref<80xi32, #tpu.memory_space<hbm>>
        %dma_wait3A_439 = tpu.memref_slice %arg4[%add3A_437] : memref<320000xi32, #tpu.memory_space<hbm>> -> memref<80xi32, #tpu.memory_space<hbm>>
        tpu.wait_dma2 semaphore(%arg30 : memref<!tpu.dma_semaphore, #tpu.memory_space<semaphore_mem>>) src(%dma_wait3A_439 : memref<80xi32, #tpu.memory_space<hbm>>) dst(%arg16 : memref<80xi32, #tpu.memory_space<vmem>>)
        %dma_start3A_440 = arith.constant 0 : i32
        %dma_start3A_441 = arith.constant 0 : i32
        %dma_start3A_442 = tpu.memref_slice %arg2[%dma_start3A_440, %dma_start3A_441] : memref<10000x128xf32, #tpu.memory_space<hbm>> -> memref<10000x128xf32, #tpu.memory_space<hbm>>
        tpu.enqueue_indirect_dma source(%dma_start3A_442 : memref<10000x128xf32, #tpu.memory_space<hbm>>) target(%arg24 : memref<80x128xf32, #tpu.memory_space<vmem>>) offsets(%arg8 : memref<80xi32, #tpu.memory_space<vmem>>) semaphore(%arg38 : memref<!tpu.dma_semaphore, #tpu.memory_space<semaphore_mem>>)
      } else {
      }
      %add3A_418 = arith.constant 5 : i32
      %add3A_419 = arith.addi %add3A_410, %add3A_418 : i32
      %lt3A_420 = arith.constant 125 : i32
      %lt3A_421 = arith.cmpi slt, %add3A_419, %lt3A_420 : i32
      %convert_element_type3A_422 = arith.extui %lt3A_421 : i1 to i32
      %cond3A_423 = arith.constant 0 : i32
      %cond3A_424 = arith.cmpi ne, %convert_element_type3A_422, %cond3A_423 : i32
      scf.if %cond3A_424 {
        %add3A_428 = arith.constant 5 : i32
        %add3A_429 = arith.addi %add3A_410, %add3A_428 : i32
        %mul3A_430 = arith.constant 80 : i32
        %mul3A_431 = arith.muli %add3A_429, %mul3A_430 : i32
        %add3A_432 = arith.addi %mul3A_2, %mul3A_431 : i32
        %dma_start3A_433 = tpu.memref_slice %arg3[%add3A_432] : memref<320000xi32, #tpu.memory_space<hbm>> -> memref<80xi32, #tpu.memory_space<hbm>>
        %dma_start3A_434 = tpu.memref_slice %arg3[%add3A_432] : memref<320000xi32, #tpu.memory_space<hbm>> -> memref<80xi32, #tpu.memory_space<hbm>>
        tpu.enqueue_dma source(%dma_start3A_434 : memref<80xi32, #tpu.memory_space<hbm>>) target(%arg10 : memref<80xi32, #tpu.memory_space<vmem>>) target_semaphore(%arg32 : memref<!tpu.dma_semaphore, #tpu.memory_space<semaphore_mem>>)
        %mul3A_435 = arith.constant 80 : i32
        %mul3A_436 = arith.muli %add3A_429, %mul3A_435 : i32
        %add3A_437 = arith.addi %mul3A_2, %mul3A_436 : i32
        %dma_start3A_438 = tpu.memref_slice %arg4[%add3A_437] : memref<320000xi32, #tpu.memory_space<hbm>> -> memref<80xi32, #tpu.memory_space<hbm>>
        %dma_start3A_439 = tpu.memref_slice %arg4[%add3A_437] : memref<320000xi32, #tpu.memory_space<hbm>> -> memref<80xi32, #tpu.memory_space<hbm>>
        tpu.enqueue_dma source(%dma_start3A_439 : memref<80xi32, #tpu.memory_space<hbm>>) target(%arg18 : memref<80xi32, #tpu.memory_space<vmem>>) target_semaphore(%arg32 : memref<!tpu.dma_semaphore, #tpu.memory_space<semaphore_mem>>)
      } else {
      }
      %dma_wait3A_425 = arith.constant 0 : i32
      %dma_wait3A_426 = arith.constant 0 : i32
      %dma_wait3A_427 = tpu.memref_slice %arg2[%dma_wait3A_425, %dma_wait3A_426] : memref<10000x128xf32, #tpu.memory_space<hbm>> -> memref<10000x128xf32, #tpu.memory_space<hbm>>
      tpu.wait_indirect_dma semaphore(%arg39 : memref<!tpu.dma_semaphore, #tpu.memory_space<semaphore_mem>>) src(%dma_wait3A_427 : memref<10000x128xf32, #tpu.memory_space<hbm>>) dst(%arg25 : memref<80x128xf32, #tpu.memory_space<vmem>>)
      "tpu.region"() ({
        %run_scoped3A = tpu.sem_alloc : memref<!tpu.dma_semaphore, #tpu.memory_space<semaphore_mem>>
        %dma_start3A_428 = arith.constant 0 : i32
        %dma_start3A_429 = arith.constant 0 : i32
        %dma_start3A_430 = tpu.memref_slice %arg27[%dma_start3A_428, %dma_start3A_429] : memref<10240x128xf32, #tpu.memory_space<vmem_shared>> -> memref<10240x128xf32, #tpu.memory_space<vmem_shared>>
        tpu.enqueue_indirect_dma source(%arg25 : memref<80x128xf32, #tpu.memory_space<vmem>>) target(%dma_start3A_430 : memref<10240x128xf32, #tpu.memory_space<vmem_shared>>) offsets(%arg21 : memref<80xi32, #tpu.memory_space<vmem>>) semaphore(%run_scoped3A : memref<!tpu.dma_semaphore, #tpu.memory_space<semaphore_mem>>) {add = true}
        %dma_wait3A_431 = arith.constant 0 : i32
        %dma_wait3A_432 = arith.constant 0 : i32
        %dma_wait3A_433 = tpu.memref_slice %arg27[%dma_wait3A_431, %dma_wait3A_432] : memref<10240x128xf32, #tpu.memory_space<vmem_shared>> -> memref<10240x128xf32, #tpu.memory_space<vmem_shared>>
        tpu.wait_indirect_dma semaphore(%run_scoped3A : memref<!tpu.dma_semaphore, #tpu.memory_space<semaphore_mem>>) src(%arg25 : memref<80x128xf32, #tpu.memory_space<vmem>>) dst(%dma_wait3A_433 : memref<10240x128xf32, #tpu.memory_space<vmem_shared>>)
        tpu.yield
      }) : () -> ()
    }
    %scan3A_163 = arith.constant 15 : i32
    %add3A_164 = arith.constant 120 : i32
    %add3A_165 = arith.constant 3 : i32
    %add3A_166 = arith.addi %add3A_164, %add3A_165 : i32
    %lt3A = arith.constant 125 : i32
    %lt3A_167 = arith.cmpi slt, %add3A_166, %lt3A : i32
    %convert_element_type3A = arith.extui %lt3A_167 : i1 to i32
    %cond3A = arith.constant 120 : i32
    %cond3A_168 = arith.constant 0 : i32
    %cond3A_169 = arith.cmpi ne, %convert_element_type3A, %cond3A_168 : i32
    scf.if %cond3A_169 {
      %add3A_271 = arith.constant 3 : i32
      %add3A_272 = arith.addi %cond3A, %add3A_271 : i32
      %mul3A_273 = arith.constant 80 : i32
      %mul3A_274 = arith.muli %add3A_272, %mul3A_273 : i32
      %add3A_275 = arith.addi %mul3A_2, %mul3A_274 : i32
      %dma_wait3A_276 = tpu.memref_slice %arg3[%add3A_275] : memref<320000xi32, #tpu.memory_space<hbm>> -> memref<80xi32, #tpu.memory_space<hbm>>
      %dma_wait3A_277 = tpu.memref_slice %arg3[%add3A_275] : memref<320000xi32, #tpu.memory_space<hbm>> -> memref<80xi32, #tpu.memory_space<hbm>>
      tpu.wait_dma2 semaphore(%arg31 : memref<!tpu.dma_semaphore, #tpu.memory_space<semaphore_mem>>) src(%dma_wait3A_277 : memref<80xi32, #tpu.memory_space<hbm>>) dst(%arg9 : memref<80xi32, #tpu.memory_space<vmem>>)
      %mul3A_278 = arith.constant 80 : i32
      %mul3A_279 = arith.muli %add3A_272, %mul3A_278 : i32
      %add3A_280 = arith.addi %mul3A_2, %mul3A_279 : i32
      %dma_wait3A_281 = tpu.memref_slice %arg4[%add3A_280] : memref<320000xi32, #tpu.memory_space<hbm>> -> memref<80xi32, #tpu.memory_space<hbm>>
      %dma_wait3A_282 = tpu.memref_slice %arg4[%add3A_280] : memref<320000xi32, #tpu.memory_space<hbm>> -> memref<80xi32, #tpu.memory_space<hbm>>
      tpu.wait_dma2 semaphore(%arg31 : memref<!tpu.dma_semaphore, #tpu.memory_space<semaphore_mem>>) src(%dma_wait3A_282 : memref<80xi32, #tpu.memory_space<hbm>>) dst(%arg17 : memref<80xi32, #tpu.memory_space<vmem>>)
      %dma_start3A_283 = arith.constant 0 : i32
      %dma_start3A_284 = arith.constant 0 : i32
      %dma_start3A_285 = tpu.memref_slice %arg2[%dma_start3A_283, %dma_start3A_284] : memref<10000x128xf32, #tpu.memory_space<hbm>> -> memref<10000x128xf32, #tpu.memory_space<hbm>>
      tpu.enqueue_indirect_dma source(%dma_start3A_285 : memref<10000x128xf32, #tpu.memory_space<hbm>>) target(%arg25 : memref<80x128xf32, #tpu.memory_space<vmem>>) offsets(%arg9 : memref<80xi32, #tpu.memory_space<vmem>>) semaphore(%arg39 : memref<!tpu.dma_semaphore, #tpu.memory_space<semaphore_mem>>)
    } else {
    }
    %add3A_170 = arith.constant 120 : i32
    %add3A_171 = arith.constant 5 : i32
    %add3A_172 = arith.addi %add3A_170, %add3A_171 : i32
    %lt3A_173 = arith.constant 125 : i32
    %lt3A_174 = arith.cmpi slt, %add3A_172, %lt3A_173 : i32
    %convert_element_type3A_175 = arith.extui %lt3A_174 : i1 to i32
    %cond3A_176 = arith.constant 120 : i32
    %cond3A_177 = arith.constant 0 : i32
    %cond3A_178 = arith.cmpi ne, %convert_element_type3A_175, %cond3A_177 : i32
    scf.if %cond3A_178 {
      %add3A_271 = arith.constant 5 : i32
      %add3A_272 = arith.addi %cond3A_176, %add3A_271 : i32
      %mul3A_273 = arith.constant 80 : i32
      %mul3A_274 = arith.muli %add3A_272, %mul3A_273 : i32
      %add3A_275 = arith.addi %mul3A_2, %mul3A_274 : i32
      %dma_start3A_276 = tpu.memref_slice %arg3[%add3A_275] : memref<320000xi32, #tpu.memory_space<hbm>> -> memref<80xi32, #tpu.memory_space<hbm>>
      %dma_start3A_277 = tpu.memref_slice %arg3[%add3A_275] : memref<320000xi32, #tpu.memory_space<hbm>> -> memref<80xi32, #tpu.memory_space<hbm>>
      tpu.enqueue_dma source(%dma_start3A_277 : memref<80xi32, #tpu.memory_space<hbm>>) target(%arg11 : memref<80xi32, #tpu.memory_space<vmem>>) target_semaphore(%arg33 : memref<!tpu.dma_semaphore, #tpu.memory_space<semaphore_mem>>)
      %mul3A_278 = arith.constant 80 : i32
      %mul3A_279 = arith.muli %add3A_272, %mul3A_278 : i32
      %add3A_280 = arith.addi %mul3A_2, %mul3A_279 : i32
      %dma_start3A_281 = tpu.memref_slice %arg4[%add3A_280] : memref<320000xi32, #tpu.memory_space<hbm>> -> memref<80xi32, #tpu.memory_space<hbm>>
      %dma_start3A_282 = tpu.memref_slice %arg4[%add3A_280] : memref<320000xi32, #tpu.memory_space<hbm>> -> memref<80xi32, #tpu.memory_space<hbm>>
      tpu.enqueue_dma source(%dma_start3A_282 : memref<80xi32, #tpu.memory_space<hbm>>) target(%arg19 : memref<80xi32, #tpu.memory_space<vmem>>) target_semaphore(%arg33 : memref<!tpu.dma_semaphore, #tpu.memory_space<semaphore_mem>>)
    } else {
    }
    %dma_wait3A_179 = arith.constant 0 : i32
    %dma_wait3A_180 = arith.constant 0 : i32
    %dma_wait3A_181 = tpu.memref_slice %arg2[%dma_wait3A_179, %dma_wait3A_180] : memref<10000x128xf32, #tpu.memory_space<hbm>> -> memref<10000x128xf32, #tpu.memory_space<hbm>>
    tpu.wait_indirect_dma semaphore(%arg36 : memref<!tpu.dma_semaphore, #tpu.memory_space<semaphore_mem>>) src(%dma_wait3A_181 : memref<10000x128xf32, #tpu.memory_space<hbm>>) dst(%arg22 : memref<80x128xf32, #tpu.memory_space<vmem>>)
    "tpu.region"() ({
      %run_scoped3A = tpu.sem_alloc : memref<!tpu.dma_semaphore, #tpu.memory_space<semaphore_mem>>
      %dma_start3A_271 = arith.constant 0 : i32
      %dma_start3A_272 = arith.constant 0 : i32
      %dma_start3A_273 = tpu.memref_slice %arg27[%dma_start3A_271, %dma_start3A_272] : memref<10240x128xf32, #tpu.memory_space<vmem_shared>> -> memref<10240x128xf32, #tpu.memory_space<vmem_shared>>
      tpu.enqueue_indirect_dma source(%arg22 : memref<80x128xf32, #tpu.memory_space<vmem>>) target(%dma_start3A_273 : memref<10240x128xf32, #tpu.memory_space<vmem_shared>>) offsets(%arg14 : memref<80xi32, #tpu.memory_space<vmem>>) semaphore(%run_scoped3A : memref<!tpu.dma_semaphore, #tpu.memory_space<semaphore_mem>>) {add = true}
      %dma_wait3A_274 = arith.constant 0 : i32
      %dma_wait3A_275 = arith.constant 0 : i32
      %dma_wait3A_276 = tpu.memref_slice %arg27[%dma_wait3A_274, %dma_wait3A_275] : memref<10240x128xf32, #tpu.memory_space<vmem_shared>> -> memref<10240x128xf32, #tpu.memory_space<vmem_shared>>
      tpu.wait_indirect_dma semaphore(%run_scoped3A : memref<!tpu.dma_semaphore, #tpu.memory_space<semaphore_mem>>) src(%arg22 : memref<80x128xf32, #tpu.memory_space<vmem>>) dst(%dma_wait3A_276 : memref<10240x128xf32, #tpu.memory_space<vmem_shared>>)
      tpu.yield
    }) : () -> ()
    %add3A_182 = arith.constant 121 : i32
    %add3A_183 = arith.constant 3 : i32
    %add3A_184 = arith.addi %add3A_182, %add3A_183 : i32
    %lt3A_185 = arith.constant 125 : i32
    %lt3A_186 = arith.cmpi slt, %add3A_184, %lt3A_185 : i32
    %convert_element_type3A_187 = arith.extui %lt3A_186 : i1 to i32
    %cond3A_188 = arith.constant 121 : i32
    %cond3A_189 = arith.constant 0 : i32
    %cond3A_190 = arith.cmpi ne, %convert_element_type3A_187, %cond3A_189 : i32
    scf.if %cond3A_190 {
      %add3A_271 = arith.constant 3 : i32
      %add3A_272 = arith.addi %cond3A_188, %add3A_271 : i32
      %mul3A_273 = arith.constant 80 : i32
      %mul3A_274 = arith.muli %add3A_272, %mul3A_273 : i32
      %add3A_275 = arith.addi %mul3A_2, %mul3A_274 : i32
      %dma_wait3A_276 = tpu.memref_slice %arg3[%add3A_275] : memref<320000xi32, #tpu.memory_space<hbm>> -> memref<80xi32, #tpu.memory_space<hbm>>
      %dma_wait3A_277 = tpu.memref_slice %arg3[%add3A_275] : memref<320000xi32, #tpu.memory_space<hbm>> -> memref<80xi32, #tpu.memory_space<hbm>>
      tpu.wait_dma2 semaphore(%arg32 : memref<!tpu.dma_semaphore, #tpu.memory_space<semaphore_mem>>) src(%dma_wait3A_277 : memref<80xi32, #tpu.memory_space<hbm>>) dst(%arg10 : memref<80xi32, #tpu.memory_space<vmem>>)
      %mul3A_278 = arith.constant 80 : i32
      %mul3A_279 = arith.muli %add3A_272, %mul3A_278 : i32
      %add3A_280 = arith.addi %mul3A_2, %mul3A_279 : i32
      %dma_wait3A_281 = tpu.memref_slice %arg4[%add3A_280] : memref<320000xi32, #tpu.memory_space<hbm>> -> memref<80xi32, #tpu.memory_space<hbm>>
      %dma_wait3A_282 = tpu.memref_slice %arg4[%add3A_280] : memref<320000xi32, #tpu.memory_space<hbm>> -> memref<80xi32, #tpu.memory_space<hbm>>
      tpu.wait_dma2 semaphore(%arg32 : memref<!tpu.dma_semaphore, #tpu.memory_space<semaphore_mem>>) src(%dma_wait3A_282 : memref<80xi32, #tpu.memory_space<hbm>>) dst(%arg18 : memref<80xi32, #tpu.memory_space<vmem>>)
      %dma_start3A_283 = arith.constant 0 : i32
      %dma_start3A_284 = arith.constant 0 : i32
      %dma_start3A_285 = tpu.memref_slice %arg2[%dma_start3A_283, %dma_start3A_284] : memref<10000x128xf32, #tpu.memory_space<hbm>> -> memref<10000x128xf32, #tpu.memory_space<hbm>>
      tpu.enqueue_indirect_dma source(%dma_start3A_285 : memref<10000x128xf32, #tpu.memory_space<hbm>>) target(%arg22 : memref<80x128xf32, #tpu.memory_space<vmem>>) offsets(%arg10 : memref<80xi32, #tpu.memory_space<vmem>>) semaphore(%arg36 : memref<!tpu.dma_semaphore, #tpu.memory_space<semaphore_mem>>)
    } else {
    }
    %add3A_191 = arith.constant 121 : i32
    %add3A_192 = arith.constant 5 : i32
    %add3A_193 = arith.addi %add3A_191, %add3A_192 : i32
    %lt3A_194 = arith.constant 125 : i32
    %lt3A_195 = arith.cmpi slt, %add3A_193, %lt3A_194 : i32
    %convert_element_type3A_196 = arith.extui %lt3A_195 : i1 to i32
    %cond3A_197 = arith.constant 121 : i32
    %cond3A_198 = arith.constant 0 : i32
    %cond3A_199 = arith.cmpi ne, %convert_element_type3A_196, %cond3A_198 : i32
    scf.if %cond3A_199 {
      %add3A_271 = arith.constant 5 : i32
      %add3A_272 = arith.addi %cond3A_197, %add3A_271 : i32
      %mul3A_273 = arith.constant 80 : i32
      %mul3A_274 = arith.muli %add3A_272, %mul3A_273 : i32
      %add3A_275 = arith.addi %mul3A_2, %mul3A_274 : i32
      %dma_start3A_276 = tpu.memref_slice %arg3[%add3A_275] : memref<320000xi32, #tpu.memory_space<hbm>> -> memref<80xi32, #tpu.memory_space<hbm>>
      %dma_start3A_277 = tpu.memref_slice %arg3[%add3A_275] : memref<320000xi32, #tpu.memory_space<hbm>> -> memref<80xi32, #tpu.memory_space<hbm>>
      tpu.enqueue_dma source(%dma_start3A_277 : memref<80xi32, #tpu.memory_space<hbm>>) target(%arg12 : memref<80xi32, #tpu.memory_space<vmem>>) target_semaphore(%arg34 : memref<!tpu.dma_semaphore, #tpu.memory_space<semaphore_mem>>)
      %mul3A_278 = arith.constant 80 : i32
      %mul3A_279 = arith.muli %add3A_272, %mul3A_278 : i32
      %add3A_280 = arith.addi %mul3A_2, %mul3A_279 : i32
      %dma_start3A_281 = tpu.memref_slice %arg4[%add3A_280] : memref<320000xi32, #tpu.memory_space<hbm>> -> memref<80xi32, #tpu.memory_space<hbm>>
      %dma_start3A_282 = tpu.memref_slice %arg4[%add3A_280] : memref<320000xi32, #tpu.memory_space<hbm>> -> memref<80xi32, #tpu.memory_space<hbm>>
      tpu.enqueue_dma source(%dma_start3A_282 : memref<80xi32, #tpu.memory_space<hbm>>) target(%arg20 : memref<80xi32, #tpu.memory_space<vmem>>) target_semaphore(%arg34 : memref<!tpu.dma_semaphore, #tpu.memory_space<semaphore_mem>>)
    } else {
    }
    %dma_wait3A_200 = arith.constant 0 : i32
    %dma_wait3A_201 = arith.constant 0 : i32
    %dma_wait3A_202 = tpu.memref_slice %arg2[%dma_wait3A_200, %dma_wait3A_201] : memref<10000x128xf32, #tpu.memory_space<hbm>> -> memref<10000x128xf32, #tpu.memory_space<hbm>>
    tpu.wait_indirect_dma semaphore(%arg37 : memref<!tpu.dma_semaphore, #tpu.memory_space<semaphore_mem>>) src(%dma_wait3A_202 : memref<10000x128xf32, #tpu.memory_space<hbm>>) dst(%arg23 : memref<80x128xf32, #tpu.memory_space<vmem>>)
    "tpu.region"() ({
      %run_scoped3A = tpu.sem_alloc : memref<!tpu.dma_semaphore, #tpu.memory_space<semaphore_mem>>
      %dma_start3A_271 = arith.constant 0 : i32
      %dma_start3A_272 = arith.constant 0 : i32
      %dma_start3A_273 = tpu.memref_slice %arg27[%dma_start3A_271, %dma_start3A_272] : memref<10240x128xf32, #tpu.memory_space<vmem_shared>> -> memref<10240x128xf32, #tpu.memory_space<vmem_shared>>
      tpu.enqueue_indirect_dma source(%arg23 : memref<80x128xf32, #tpu.memory_space<vmem>>) target(%dma_start3A_273 : memref<10240x128xf32, #tpu.memory_space<vmem_shared>>) offsets(%arg15 : memref<80xi32, #tpu.memory_space<vmem>>) semaphore(%run_scoped3A : memref<!tpu.dma_semaphore, #tpu.memory_space<semaphore_mem>>) {add = true}
      %dma_wait3A_274 = arith.constant 0 : i32
      %dma_wait3A_275 = arith.constant 0 : i32
      %dma_wait3A_276 = tpu.memref_slice %arg27[%dma_wait3A_274, %dma_wait3A_275] : memref<10240x128xf32, #tpu.memory_space<vmem_shared>> -> memref<10240x128xf32, #tpu.memory_space<vmem_shared>>
      tpu.wait_indirect_dma semaphore(%run_scoped3A : memref<!tpu.dma_semaphore, #tpu.memory_space<semaphore_mem>>) src(%arg23 : memref<80x128xf32, #tpu.memory_space<vmem>>) dst(%dma_wait3A_276 : memref<10240x128xf32, #tpu.memory_space<vmem_shared>>)
      tpu.yield
    }) : () -> ()
    %add3A_203 = arith.constant 122 : i32
    %add3A_204 = arith.constant 3 : i32
    %add3A_205 = arith.addi %add3A_203, %add3A_204 : i32
    %lt3A_206 = arith.constant 125 : i32
    %lt3A_207 = arith.cmpi slt, %add3A_205, %lt3A_206 : i32
    %convert_element_type3A_208 = arith.extui %lt3A_207 : i1 to i32
    %cond3A_209 = arith.constant 122 : i32
    %cond3A_210 = arith.constant 0 : i32
    %cond3A_211 = arith.cmpi ne, %convert_element_type3A_208, %cond3A_210 : i32
    scf.if %cond3A_211 {
      %add3A_271 = arith.constant 3 : i32
      %add3A_272 = arith.addi %cond3A_209, %add3A_271 : i32
      %mul3A_273 = arith.constant 80 : i32
      %mul3A_274 = arith.muli %add3A_272, %mul3A_273 : i32
      %add3A_275 = arith.addi %mul3A_2, %mul3A_274 : i32
      %dma_wait3A_276 = tpu.memref_slice %arg3[%add3A_275] : memref<320000xi32, #tpu.memory_space<hbm>> -> memref<80xi32, #tpu.memory_space<hbm>>
      %dma_wait3A_277 = tpu.memref_slice %arg3[%add3A_275] : memref<320000xi32, #tpu.memory_space<hbm>> -> memref<80xi32, #tpu.memory_space<hbm>>
      tpu.wait_dma2 semaphore(%arg33 : memref<!tpu.dma_semaphore, #tpu.memory_space<semaphore_mem>>) src(%dma_wait3A_277 : memref<80xi32, #tpu.memory_space<hbm>>) dst(%arg11 : memref<80xi32, #tpu.memory_space<vmem>>)
      %mul3A_278 = arith.constant 80 : i32
      %mul3A_279 = arith.muli %add3A_272, %mul3A_278 : i32
      %add3A_280 = arith.addi %mul3A_2, %mul3A_279 : i32
      %dma_wait3A_281 = tpu.memref_slice %arg4[%add3A_280] : memref<320000xi32, #tpu.memory_space<hbm>> -> memref<80xi32, #tpu.memory_space<hbm>>
      %dma_wait3A_282 = tpu.memref_slice %arg4[%add3A_280] : memref<320000xi32, #tpu.memory_space<hbm>> -> memref<80xi32, #tpu.memory_space<hbm>>
      tpu.wait_dma2 semaphore(%arg33 : memref<!tpu.dma_semaphore, #tpu.memory_space<semaphore_mem>>) src(%dma_wait3A_282 : memref<80xi32, #tpu.memory_space<hbm>>) dst(%arg19 : memref<80xi32, #tpu.memory_space<vmem>>)
      %dma_start3A_283 = arith.constant 0 : i32
      %dma_start3A_284 = arith.constant 0 : i32
      %dma_start3A_285 = tpu.memref_slice %arg2[%dma_start3A_283, %dma_start3A_284] : memref<10000x128xf32, #tpu.memory_space<hbm>> -> memref<10000x128xf32, #tpu.memory_space<hbm>>
      tpu.enqueue_indirect_dma source(%dma_start3A_285 : memref<10000x128xf32, #tpu.memory_space<hbm>>) target(%arg23 : memref<80x128xf32, #tpu.memory_space<vmem>>) offsets(%arg11 : memref<80xi32, #tpu.memory_space<vmem>>) semaphore(%arg37 : memref<!tpu.dma_semaphore, #tpu.memory_space<semaphore_mem>>)
    } else {
    }
    %add3A_212 = arith.constant 122 : i32
    %add3A_213 = arith.constant 5 : i32
    %add3A_214 = arith.addi %add3A_212, %add3A_213 : i32
    %lt3A_215 = arith.constant 125 : i32
    %lt3A_216 = arith.cmpi slt, %add3A_214, %lt3A_215 : i32
    %convert_element_type3A_217 = arith.extui %lt3A_216 : i1 to i32
    %cond3A_218 = arith.constant 122 : i32
    %cond3A_219 = arith.constant 0 : i32
    %cond3A_220 = arith.cmpi ne, %convert_element_type3A_217, %cond3A_219 : i32
    scf.if %cond3A_220 {
      %add3A_271 = arith.constant 5 : i32
      %add3A_272 = arith.addi %cond3A_218, %add3A_271 : i32
      %mul3A_273 = arith.constant 80 : i32
      %mul3A_274 = arith.muli %add3A_272, %mul3A_273 : i32
      %add3A_275 = arith.addi %mul3A_2, %mul3A_274 : i32
      %dma_start3A_276 = tpu.memref_slice %arg3[%add3A_275] : memref<320000xi32, #tpu.memory_space<hbm>> -> memref<80xi32, #tpu.memory_space<hbm>>
      %dma_start3A_277 = tpu.memref_slice %arg3[%add3A_275] : memref<320000xi32, #tpu.memory_space<hbm>> -> memref<80xi32, #tpu.memory_space<hbm>>
      tpu.enqueue_dma source(%dma_start3A_277 : memref<80xi32, #tpu.memory_space<hbm>>) target(%arg13 : memref<80xi32, #tpu.memory_space<vmem>>) target_semaphore(%arg35 : memref<!tpu.dma_semaphore, #tpu.memory_space<semaphore_mem>>)
      %mul3A_278 = arith.constant 80 : i32
      %mul3A_279 = arith.muli %add3A_272, %mul3A_278 : i32
      %add3A_280 = arith.addi %mul3A_2, %mul3A_279 : i32
      %dma_start3A_281 = tpu.memref_slice %arg4[%add3A_280] : memref<320000xi32, #tpu.memory_space<hbm>> -> memref<80xi32, #tpu.memory_space<hbm>>
      %dma_start3A_282 = tpu.memref_slice %arg4[%add3A_280] : memref<320000xi32, #tpu.memory_space<hbm>> -> memref<80xi32, #tpu.memory_space<hbm>>
      tpu.enqueue_dma source(%dma_start3A_282 : memref<80xi32, #tpu.memory_space<hbm>>) target(%arg21 : memref<80xi32, #tpu.memory_space<vmem>>) target_semaphore(%arg35 : memref<!tpu.dma_semaphore, #tpu.memory_space<semaphore_mem>>)
    } else {
    }
    %dma_wait3A_221 = arith.constant 0 : i32
    %dma_wait3A_222 = arith.constant 0 : i32
    %dma_wait3A_223 = tpu.memref_slice %arg2[%dma_wait3A_221, %dma_wait3A_222] : memref<10000x128xf32, #tpu.memory_space<hbm>> -> memref<10000x128xf32, #tpu.memory_space<hbm>>
    tpu.wait_indirect_dma semaphore(%arg38 : memref<!tpu.dma_semaphore, #tpu.memory_space<semaphore_mem>>) src(%dma_wait3A_223 : memref<10000x128xf32, #tpu.memory_space<hbm>>) dst(%arg24 : memref<80x128xf32, #tpu.memory_space<vmem>>)
    "tpu.region"() ({
      %run_scoped3A = tpu.sem_alloc : memref<!tpu.dma_semaphore, #tpu.memory_space<semaphore_mem>>
      %dma_start3A_271 = arith.constant 0 : i32
      %dma_start3A_272 = arith.constant 0 : i32
      %dma_start3A_273 = tpu.memref_slice %arg27[%dma_start3A_271, %dma_start3A_272] : memref<10240x128xf32, #tpu.memory_space<vmem_shared>> -> memref<10240x128xf32, #tpu.memory_space<vmem_shared>>
      tpu.enqueue_indirect_dma source(%arg24 : memref<80x128xf32, #tpu.memory_space<vmem>>) target(%dma_start3A_273 : memref<10240x128xf32, #tpu.memory_space<vmem_shared>>) offsets(%arg16 : memref<80xi32, #tpu.memory_space<vmem>>) semaphore(%run_scoped3A : memref<!tpu.dma_semaphore, #tpu.memory_space<semaphore_mem>>) {add = true}
      %dma_wait3A_274 = arith.constant 0 : i32
      %dma_wait3A_275 = arith.constant 0 : i32
      %dma_wait3A_276 = tpu.memref_slice %arg27[%dma_wait3A_274, %dma_wait3A_275] : memref<10240x128xf32, #tpu.memory_space<vmem_shared>> -> memref<10240x128xf32, #tpu.memory_space<vmem_shared>>
      tpu.wait_indirect_dma semaphore(%run_scoped3A : memref<!tpu.dma_semaphore, #tpu.memory_space<semaphore_mem>>) src(%arg24 : memref<80x128xf32, #tpu.memory_space<vmem>>) dst(%dma_wait3A_276 : memref<10240x128xf32, #tpu.memory_space<vmem_shared>>)
      tpu.yield
    }) : () -> ()
    %add3A_224 = arith.constant 123 : i32
    %add3A_225 = arith.constant 3 : i32
    %add3A_226 = arith.addi %add3A_224, %add3A_225 : i32
    %lt3A_227 = arith.constant 125 : i32
    %lt3A_228 = arith.cmpi slt, %add3A_226, %lt3A_227 : i32
    %convert_element_type3A_229 = arith.extui %lt3A_228 : i1 to i32
    %cond3A_230 = arith.constant 123 : i32
    %cond3A_231 = arith.constant 0 : i32
    %cond3A_232 = arith.cmpi ne, %convert_element_type3A_229, %cond3A_231 : i32
    scf.if %cond3A_232 {
      %add3A_271 = arith.constant 3 : i32
      %add3A_272 = arith.addi %cond3A_230, %add3A_271 : i32
      %mul3A_273 = arith.constant 80 : i32
      %mul3A_274 = arith.muli %add3A_272, %mul3A_273 : i32
      %add3A_275 = arith.addi %mul3A_2, %mul3A_274 : i32
      %dma_wait3A_276 = tpu.memref_slice %arg3[%add3A_275] : memref<320000xi32, #tpu.memory_space<hbm>> -> memref<80xi32, #tpu.memory_space<hbm>>
      %dma_wait3A_277 = tpu.memref_slice %arg3[%add3A_275] : memref<320000xi32, #tpu.memory_space<hbm>> -> memref<80xi32, #tpu.memory_space<hbm>>
      tpu.wait_dma2 semaphore(%arg34 : memref<!tpu.dma_semaphore, #tpu.memory_space<semaphore_mem>>) src(%dma_wait3A_277 : memref<80xi32, #tpu.memory_space<hbm>>) dst(%arg12 : memref<80xi32, #tpu.memory_space<vmem>>)
      %mul3A_278 = arith.constant 80 : i32
      %mul3A_279 = arith.muli %add3A_272, %mul3A_278 : i32
      %add3A_280 = arith.addi %mul3A_2, %mul3A_279 : i32
      %dma_wait3A_281 = tpu.memref_slice %arg4[%add3A_280] : memref<320000xi32, #tpu.memory_space<hbm>> -> memref<80xi32, #tpu.memory_space<hbm>>
      %dma_wait3A_282 = tpu.memref_slice %arg4[%add3A_280] : memref<320000xi32, #tpu.memory_space<hbm>> -> memref<80xi32, #tpu.memory_space<hbm>>
      tpu.wait_dma2 semaphore(%arg34 : memref<!tpu.dma_semaphore, #tpu.memory_space<semaphore_mem>>) src(%dma_wait3A_282 : memref<80xi32, #tpu.memory_space<hbm>>) dst(%arg20 : memref<80xi32, #tpu.memory_space<vmem>>)
      %dma_start3A_283 = arith.constant 0 : i32
      %dma_start3A_284 = arith.constant 0 : i32
      %dma_start3A_285 = tpu.memref_slice %arg2[%dma_start3A_283, %dma_start3A_284] : memref<10000x128xf32, #tpu.memory_space<hbm>> -> memref<10000x128xf32, #tpu.memory_space<hbm>>
      tpu.enqueue_indirect_dma source(%dma_start3A_285 : memref<10000x128xf32, #tpu.memory_space<hbm>>) target(%arg24 : memref<80x128xf32, #tpu.memory_space<vmem>>) offsets(%arg12 : memref<80xi32, #tpu.memory_space<vmem>>) semaphore(%arg38 : memref<!tpu.dma_semaphore, #tpu.memory_space<semaphore_mem>>)
    } else {
    }
    %add3A_233 = arith.constant 123 : i32
    %add3A_234 = arith.constant 5 : i32
    %add3A_235 = arith.addi %add3A_233, %add3A_234 : i32
    %lt3A_236 = arith.constant 125 : i32
    %lt3A_237 = arith.cmpi slt, %add3A_235, %lt3A_236 : i32
    %convert_element_type3A_238 = arith.extui %lt3A_237 : i1 to i32
    %cond3A_239 = arith.constant 123 : i32
    %cond3A_240 = arith.constant 0 : i32
    %cond3A_241 = arith.cmpi ne, %convert_element_type3A_238, %cond3A_240 : i32
    scf.if %cond3A_241 {
      %add3A_271 = arith.constant 5 : i32
      %add3A_272 = arith.addi %cond3A_239, %add3A_271 : i32
      %mul3A_273 = arith.constant 80 : i32
      %mul3A_274 = arith.muli %add3A_272, %mul3A_273 : i32
      %add3A_275 = arith.addi %mul3A_2, %mul3A_274 : i32
      %dma_start3A_276 = tpu.memref_slice %arg3[%add3A_275] : memref<320000xi32, #tpu.memory_space<hbm>> -> memref<80xi32, #tpu.memory_space<hbm>>
      %dma_start3A_277 = tpu.memref_slice %arg3[%add3A_275] : memref<320000xi32, #tpu.memory_space<hbm>> -> memref<80xi32, #tpu.memory_space<hbm>>
      tpu.enqueue_dma source(%dma_start3A_277 : memref<80xi32, #tpu.memory_space<hbm>>) target(%arg6 : memref<80xi32, #tpu.memory_space<vmem>>) target_semaphore(%arg28 : memref<!tpu.dma_semaphore, #tpu.memory_space<semaphore_mem>>)
      %mul3A_278 = arith.constant 80 : i32
      %mul3A_279 = arith.muli %add3A_272, %mul3A_278 : i32
      %add3A_280 = arith.addi %mul3A_2, %mul3A_279 : i32
      %dma_start3A_281 = tpu.memref_slice %arg4[%add3A_280] : memref<320000xi32, #tpu.memory_space<hbm>> -> memref<80xi32, #tpu.memory_space<hbm>>
      %dma_start3A_282 = tpu.memref_slice %arg4[%add3A_280] : memref<320000xi32, #tpu.memory_space<hbm>> -> memref<80xi32, #tpu.memory_space<hbm>>
      tpu.enqueue_dma source(%dma_start3A_282 : memref<80xi32, #tpu.memory_space<hbm>>) target(%arg14 : memref<80xi32, #tpu.memory_space<vmem>>) target_semaphore(%arg28 : memref<!tpu.dma_semaphore, #tpu.memory_space<semaphore_mem>>)
    } else {
    }
    %dma_wait3A_242 = arith.constant 0 : i32
    %dma_wait3A_243 = arith.constant 0 : i32
    %dma_wait3A_244 = tpu.memref_slice %arg2[%dma_wait3A_242, %dma_wait3A_243] : memref<10000x128xf32, #tpu.memory_space<hbm>> -> memref<10000x128xf32, #tpu.memory_space<hbm>>
    tpu.wait_indirect_dma semaphore(%arg39 : memref<!tpu.dma_semaphore, #tpu.memory_space<semaphore_mem>>) src(%dma_wait3A_244 : memref<10000x128xf32, #tpu.memory_space<hbm>>) dst(%arg25 : memref<80x128xf32, #tpu.memory_space<vmem>>)
    "tpu.region"() ({
      %run_scoped3A = tpu.sem_alloc : memref<!tpu.dma_semaphore, #tpu.memory_space<semaphore_mem>>
      %dma_start3A_271 = arith.constant 0 : i32
      %dma_start3A_272 = arith.constant 0 : i32
      %dma_start3A_273 = tpu.memref_slice %arg27[%dma_start3A_271, %dma_start3A_272] : memref<10240x128xf32, #tpu.memory_space<vmem_shared>> -> memref<10240x128xf32, #tpu.memory_space<vmem_shared>>
      tpu.enqueue_indirect_dma source(%arg25 : memref<80x128xf32, #tpu.memory_space<vmem>>) target(%dma_start3A_273 : memref<10240x128xf32, #tpu.memory_space<vmem_shared>>) offsets(%arg17 : memref<80xi32, #tpu.memory_space<vmem>>) semaphore(%run_scoped3A : memref<!tpu.dma_semaphore, #tpu.memory_space<semaphore_mem>>) {add = true}
      %dma_wait3A_274 = arith.constant 0 : i32
      %dma_wait3A_275 = arith.constant 0 : i32
      %dma_wait3A_276 = tpu.memref_slice %arg27[%dma_wait3A_274, %dma_wait3A_275] : memref<10240x128xf32, #tpu.memory_space<vmem_shared>> -> memref<10240x128xf32, #tpu.memory_space<vmem_shared>>
      tpu.wait_indirect_dma semaphore(%run_scoped3A : memref<!tpu.dma_semaphore, #tpu.memory_space<semaphore_mem>>) src(%arg25 : memref<80x128xf32, #tpu.memory_space<vmem>>) dst(%dma_wait3A_276 : memref<10240x128xf32, #tpu.memory_space<vmem_shared>>)
      tpu.yield
    }) : () -> ()
    %add3A_245 = arith.constant 124 : i32
    %add3A_246 = arith.constant 3 : i32
    %add3A_247 = arith.addi %add3A_245, %add3A_246 : i32
    %lt3A_248 = arith.constant 125 : i32
    %lt3A_249 = arith.cmpi slt, %add3A_247, %lt3A_248 : i32
    %convert_element_type3A_250 = arith.extui %lt3A_249 : i1 to i32
    %cond3A_251 = arith.constant 124 : i32
    %cond3A_252 = arith.constant 0 : i32
    %cond3A_253 = arith.cmpi ne, %convert_element_type3A_250, %cond3A_252 : i32
    scf.if %cond3A_253 {
      %add3A_271 = arith.constant 3 : i32
      %add3A_272 = arith.addi %cond3A_251, %add3A_271 : i32
      %mul3A_273 = arith.constant 80 : i32
      %mul3A_274 = arith.muli %add3A_272, %mul3A_273 : i32
      %add3A_275 = arith.addi %mul3A_2, %mul3A_274 : i32
      %dma_wait3A_276 = tpu.memref_slice %arg3[%add3A_275] : memref<320000xi32, #tpu.memory_space<hbm>> -> memref<80xi32, #tpu.memory_space<hbm>>
      %dma_wait3A_277 = tpu.memref_slice %arg3[%add3A_275] : memref<320000xi32, #tpu.memory_space<hbm>> -> memref<80xi32, #tpu.memory_space<hbm>>
      tpu.wait_dma2 semaphore(%arg35 : memref<!tpu.dma_semaphore, #tpu.memory_space<semaphore_mem>>) src(%dma_wait3A_277 : memref<80xi32, #tpu.memory_space<hbm>>) dst(%arg13 : memref<80xi32, #tpu.memory_space<vmem>>)
      %mul3A_278 = arith.constant 80 : i32
      %mul3A_279 = arith.muli %add3A_272, %mul3A_278 : i32
      %add3A_280 = arith.addi %mul3A_2, %mul3A_279 : i32
      %dma_wait3A_281 = tpu.memref_slice %arg4[%add3A_280] : memref<320000xi32, #tpu.memory_space<hbm>> -> memref<80xi32, #tpu.memory_space<hbm>>
      %dma_wait3A_282 = tpu.memref_slice %arg4[%add3A_280] : memref<320000xi32, #tpu.memory_space<hbm>> -> memref<80xi32, #tpu.memory_space<hbm>>
      tpu.wait_dma2 semaphore(%arg35 : memref<!tpu.dma_semaphore, #tpu.memory_space<semaphore_mem>>) src(%dma_wait3A_282 : memref<80xi32, #tpu.memory_space<hbm>>) dst(%arg21 : memref<80xi32, #tpu.memory_space<vmem>>)
      %dma_start3A_283 = arith.constant 0 : i32
      %dma_start3A_284 = arith.constant 0 : i32
      %dma_start3A_285 = tpu.memref_slice %arg2[%dma_start3A_283, %dma_start3A_284] : memref<10000x128xf32, #tpu.memory_space<hbm>> -> memref<10000x128xf32, #tpu.memory_space<hbm>>
      tpu.enqueue_indirect_dma source(%dma_start3A_285 : memref<10000x128xf32, #tpu.memory_space<hbm>>) target(%arg25 : memref<80x128xf32, #tpu.memory_space<vmem>>) offsets(%arg13 : memref<80xi32, #tpu.memory_space<vmem>>) semaphore(%arg39 : memref<!tpu.dma_semaphore, #tpu.memory_space<semaphore_mem>>)
    } else {
    }
    %add3A_254 = arith.constant 124 : i32
    %add3A_255 = arith.constant 5 : i32
    %add3A_256 = arith.addi %add3A_254, %add3A_255 : i32
    %lt3A_257 = arith.constant 125 : i32
    %lt3A_258 = arith.cmpi slt, %add3A_256, %lt3A_257 : i32
    %convert_element_type3A_259 = arith.extui %lt3A_258 : i1 to i32
    %cond3A_260 = arith.constant 124 : i32
    %cond3A_261 = arith.constant 0 : i32
    %cond3A_262 = arith.cmpi ne, %convert_element_type3A_259, %cond3A_261 : i32
    scf.if %cond3A_262 {
      %add3A_271 = arith.constant 5 : i32
      %add3A_272 = arith.addi %cond3A_260, %add3A_271 : i32
      %mul3A_273 = arith.constant 80 : i32
      %mul3A_274 = arith.muli %add3A_272, %mul3A_273 : i32
      %add3A_275 = arith.addi %mul3A_2, %mul3A_274 : i32
      %dma_start3A_276 = tpu.memref_slice %arg3[%add3A_275] : memref<320000xi32, #tpu.memory_space<hbm>> -> memref<80xi32, #tpu.memory_space<hbm>>
      %dma_start3A_277 = tpu.memref_slice %arg3[%add3A_275] : memref<320000xi32, #tpu.memory_space<hbm>> -> memref<80xi32, #tpu.memory_space<hbm>>
      tpu.enqueue_dma source(%dma_start3A_277 : memref<80xi32, #tpu.memory_space<hbm>>) target(%arg7 : memref<80xi32, #tpu.memory_space<vmem>>) target_semaphore(%arg29 : memref<!tpu.dma_semaphore, #tpu.memory_space<semaphore_mem>>)
      %mul3A_278 = arith.constant 80 : i32
      %mul3A_279 = arith.muli %add3A_272, %mul3A_278 : i32
      %add3A_280 = arith.addi %mul3A_2, %mul3A_279 : i32
      %dma_start3A_281 = tpu.memref_slice %arg4[%add3A_280] : memref<320000xi32, #tpu.memory_space<hbm>> -> memref<80xi32, #tpu.memory_space<hbm>>
      %dma_start3A_282 = tpu.memref_slice %arg4[%add3A_280] : memref<320000xi32, #tpu.memory_space<hbm>> -> memref<80xi32, #tpu.memory_space<hbm>>
      tpu.enqueue_dma source(%dma_start3A_282 : memref<80xi32, #tpu.memory_space<hbm>>) target(%arg15 : memref<80xi32, #tpu.memory_space<vmem>>) target_semaphore(%arg29 : memref<!tpu.dma_semaphore, #tpu.memory_space<semaphore_mem>>)
    } else {
    }
    %dma_wait3A_263 = arith.constant 0 : i32
    %dma_wait3A_264 = arith.constant 0 : i32
    %dma_wait3A_265 = tpu.memref_slice %arg2[%dma_wait3A_263, %dma_wait3A_264] : memref<10000x128xf32, #tpu.memory_space<hbm>> -> memref<10000x128xf32, #tpu.memory_space<hbm>>
    tpu.wait_indirect_dma semaphore(%arg36 : memref<!tpu.dma_semaphore, #tpu.memory_space<semaphore_mem>>) src(%dma_wait3A_265 : memref<10000x128xf32, #tpu.memory_space<hbm>>) dst(%arg22 : memref<80x128xf32, #tpu.memory_space<vmem>>)
    "tpu.region"() ({
      %run_scoped3A = tpu.sem_alloc : memref<!tpu.dma_semaphore, #tpu.memory_space<semaphore_mem>>
      %dma_start3A_271 = arith.constant 0 : i32
      %dma_start3A_272 = arith.constant 0 : i32
      %dma_start3A_273 = tpu.memref_slice %arg27[%dma_start3A_271, %dma_start3A_272] : memref<10240x128xf32, #tpu.memory_space<vmem_shared>> -> memref<10240x128xf32, #tpu.memory_space<vmem_shared>>
      tpu.enqueue_indirect_dma source(%arg22 : memref<80x128xf32, #tpu.memory_space<vmem>>) target(%dma_start3A_273 : memref<10240x128xf32, #tpu.memory_space<vmem_shared>>) offsets(%arg18 : memref<80xi32, #tpu.memory_space<vmem>>) semaphore(%run_scoped3A : memref<!tpu.dma_semaphore, #tpu.memory_space<semaphore_mem>>) {add = true}
      %dma_wait3A_274 = arith.constant 0 : i32
      %dma_wait3A_275 = arith.constant 0 : i32
      %dma_wait3A_276 = tpu.memref_slice %arg27[%dma_wait3A_274, %dma_wait3A_275] : memref<10240x128xf32, #tpu.memory_space<vmem_shared>> -> memref<10240x128xf32, #tpu.memory_space<vmem_shared>>
      tpu.wait_indirect_dma semaphore(%run_scoped3A : memref<!tpu.dma_semaphore, #tpu.memory_space<semaphore_mem>>) src(%arg22 : memref<80x128xf32, #tpu.memory_space<vmem>>) dst(%dma_wait3A_276 : memref<10240x128xf32, #tpu.memory_space<vmem_shared>>)
      tpu.yield
    }) : () -> ()
    %barrier3A_266 = arith.constant 0 : index
    tpu.barrier barrier_id(%barrier3A_266)
    %mul3A_267 = arith.constant 640 : i32
    %mul3A_268 = arith.muli %arg1, %mul3A_267 : i32
    %mul3A_269 = arith.constant 640 : i32
    %mul3A_270 = arith.muli %arg1, %mul3A_269 : i32
    "tpu.region"() ({
      %run_scoped3A = tpu.sem_alloc : memref<!tpu.dma_semaphore, #tpu.memory_space<semaphore_mem>>
      %dma_start3A_271 = arith.constant 0 : i32
      %dma_start3A_272 = tpu.memref_slice %arg5[%arg0, %mul3A_270, %dma_start3A_271] : memref<2x10240x128xf32, #tpu.memory_space<hbm>> -> memref<1x640x128xf32, #tpu.memory_space<hbm>>
      %dma_start3A_273 = tpu.memref_squeeze %dma_start3A_272 : memref<1x640x128xf32, #tpu.memory_space<hbm>> -> memref<640x128xf32, #tpu.memory_space<hbm>>
      %dma_start3A_274 = arith.constant 0 : i32
      %dma_start3A_275 = tpu.memref_slice %arg27[%mul3A_268, %dma_start3A_274] : memref<10240x128xf32, #tpu.memory_space<vmem_shared>> -> memref<640x128xf32, #tpu.memory_space<vmem_shared>>
      tpu.enqueue_dma source(%dma_start3A_275 : memref<640x128xf32, #tpu.memory_space<vmem_shared>>) target(%dma_start3A_273 : memref<640x128xf32, #tpu.memory_space<hbm>>) target_semaphore(%run_scoped3A : memref<!tpu.dma_semaphore, #tpu.memory_space<semaphore_mem>>)
      %dma_wait3A_276 = arith.constant 0 : i32
      %dma_wait3A_277 = tpu.memref_slice %arg5[%arg0, %mul3A_270, %dma_wait3A_276] : memref<2x10240x128xf32, #tpu.memory_space<hbm>> -> memref<1x640x128xf32, #tpu.memory_space<hbm>>
      %dma_wait3A_278 = tpu.memref_squeeze %dma_wait3A_277 : memref<1x640x128xf32, #tpu.memory_space<hbm>> -> memref<640x128xf32, #tpu.memory_space<hbm>>
      %dma_wait3A_279 = arith.constant 0 : i32
      %dma_wait3A_280 = tpu.memref_slice %arg27[%mul3A_268, %dma_wait3A_279] : memref<10240x128xf32, #tpu.memory_space<vmem_shared>> -> memref<640x128xf32, #tpu.memory_space<vmem_shared>>
      tpu.wait_dma2 semaphore(%run_scoped3A : memref<!tpu.dma_semaphore, #tpu.memory_space<semaphore_mem>>) src(%dma_wait3A_280 : memref<640x128xf32, #tpu.memory_space<vmem_shared>>) dst(%dma_wait3A_278 : memref<640x128xf32, #tpu.memory_space<hbm>>)
      tpu.yield
    }) : () -> ()
    return
  }
}

#map = affine_map<(d0, d1) -> (0, 0)>
#map1 = affine_map<(d0, d1) -> (0)>
#map2 = affine_map<(d0, d1) -> (0, 0, 0)>
module attributes {stable_mosaic.version = 14 : i64} {
  func.func @_agg_body(%arg0: i32, %arg1: i32, %arg2: memref<10000x128xf32, #tpu.memory_space<hbm>>, %arg3: memref<320000xi32, #tpu.memory_space<hbm>>, %arg4: memref<320000xi32, #tpu.memory_space<hbm>>, %arg5: memref<2x10240x128xf32, #tpu.memory_space<hbm>>, %arg6: memref<80xi32, #tpu.memory_space<vmem>>, %arg7: memref<80xi32, #tpu.memory_space<vmem>>, %arg8: memref<80xi32, #tpu.memory_space<vmem>>, %arg9: memref<80xi32, #tpu.memory_space<vmem>>, %arg10: memref<80xi32, #tpu.memory_space<vmem>>, %arg11: memref<80xi32, #tpu.memory_space<vmem>>, %arg12: memref<80xi32, #tpu.memory_space<vmem>>, %arg13: memref<80xi32, #tpu.memory_space<vmem>>, %arg14: memref<80xi32, #tpu.memory_space<vmem>>, %arg15: memref<80xi32, #tpu.memory_space<vmem>>, %arg16: memref<80xi32, #tpu.memory_space<vmem>>, %arg17: memref<80xi32, #tpu.memory_space<vmem>>, %arg18: memref<80xi32, #tpu.memory_space<vmem>>, %arg19: memref<80xi32, #tpu.memory_space<vmem>>, %arg20: memref<80xi32, #tpu.memory_space<vmem>>, %arg21: memref<80xi32, #tpu.memory_space<vmem>>, %arg22: memref<80x128xf32, #tpu.memory_space<vmem>>, %arg23: memref<80x128xf32, #tpu.memory_space<vmem>>, %arg24: memref<80x128xf32, #tpu.memory_space<vmem>>, %arg25: memref<80x128xf32, #tpu.memory_space<vmem>>, %arg26: memref<32x128xf32, #tpu.memory_space<vmem>>, %arg27: memref<10240x128xf32, #tpu.memory_space<vmem_shared>>, %arg28: memref<!tpu.dma_semaphore, #tpu.memory_space<semaphore_mem>>, %arg29: memref<!tpu.dma_semaphore, #tpu.memory_space<semaphore_mem>>, %arg30: memref<!tpu.dma_semaphore, #tpu.memory_space<semaphore_mem>>, %arg31: memref<!tpu.dma_semaphore, #tpu.memory_space<semaphore_mem>>, %arg32: memref<!tpu.dma_semaphore, #tpu.memory_space<semaphore_mem>>, %arg33: memref<!tpu.dma_semaphore, #tpu.memory_space<semaphore_mem>>, %arg34: memref<!tpu.dma_semaphore, #tpu.memory_space<semaphore_mem>>, %arg35: memref<!tpu.dma_semaphore, #tpu.memory_space<semaphore_mem>>, %arg36: memref<!tpu.dma_semaphore, #tpu.memory_space<semaphore_mem>>, %arg37: memref<!tpu.dma_semaphore, #tpu.memory_space<semaphore_mem>>, %arg38: memref<!tpu.dma_semaphore, #tpu.memory_space<semaphore_mem>>, %arg39: memref<!tpu.dma_semaphore, #tpu.memory_space<semaphore_mem>>) attributes {dimension_semantics = [#tpu.dimension_semantics<core_parallel>, #tpu.dimension_semantics<subcore_parallel>], iteration_bounds = array<i64: 2, 16>, scalar_prefetch = 0 : i64, scratch_operands = 34 : i64, tpu.core_type = #tpu.core_type<sc_vector_subcore>, window_params = [{transform_indices = #map}, {transform_indices = #map1}, {transform_indices = #map1}, {transform_indices = #map2}]} {
    %mul3A = arith.constant 2 : i32
    %mul3A_0 = arith.muli %arg1, %mul3A : i32
    %add3A = arith.addi %mul3A_0, %arg0 : i32
    %mul3A_1 = arith.constant 10000 : i32
    %mul3A_2 = arith.muli %add3A, %mul3A_1 : i32
    %add3A_3 = arith.constant 0 : i32
    %add3A_4 = arith.addi %mul3A_2, %add3A_3 : i32
    %dma_start3A = tpu.memref_slice %arg3[%add3A_4] : memref<320000xi32, #tpu.memory_space<hbm>> -> memref<80xi32, #tpu.memory_space<hbm>>
    %dma_start3A_5 = tpu.memref_slice %arg3[%add3A_4] : memref<320000xi32, #tpu.memory_space<hbm>> -> memref<80xi32, #tpu.memory_space<hbm>>
    tpu.enqueue_dma source(%dma_start3A_5 : memref<80xi32, #tpu.memory_space<hbm>>) target(%arg6 : memref<80xi32, #tpu.memory_space<vmem>>) target_semaphore(%arg28 : memref<!tpu.dma_semaphore, #tpu.memory_space<semaphore_mem>>)
    %add3A_6 = arith.constant 0 : i32
    %add3A_7 = arith.addi %mul3A_2, %add3A_6 : i32
    %dma_start3A_8 = tpu.memref_slice %arg4[%add3A_7] : memref<320000xi32, #tpu.memory_space<hbm>> -> memref<80xi32, #tpu.memory_space<hbm>>
    %dma_start3A_9 = tpu.memref_slice %arg4[%add3A_7] : memref<320000xi32, #tpu.memory_space<hbm>> -> memref<80xi32, #tpu.memory_space<hbm>>
    tpu.enqueue_dma source(%dma_start3A_9 : memref<80xi32, #tpu.memory_space<hbm>>) target(%arg14 : memref<80xi32, #tpu.memory_space<vmem>>) target_semaphore(%arg28 : memref<!tpu.dma_semaphore, #tpu.memory_space<semaphore_mem>>)
    %add3A_10 = arith.constant 80 : i32
    %add3A_11 = arith.addi %mul3A_2, %add3A_10 : i32
    %dma_start3A_12 = tpu.memref_slice %arg3[%add3A_11] : memref<320000xi32, #tpu.memory_space<hbm>> -> memref<80xi32, #tpu.memory_space<hbm>>
    %dma_start3A_13 = tpu.memref_slice %arg3[%add3A_11] : memref<320000xi32, #tpu.memory_space<hbm>> -> memref<80xi32, #tpu.memory_space<hbm>>
    tpu.enqueue_dma source(%dma_start3A_13 : memref<80xi32, #tpu.memory_space<hbm>>) target(%arg7 : memref<80xi32, #tpu.memory_space<vmem>>) target_semaphore(%arg29 : memref<!tpu.dma_semaphore, #tpu.memory_space<semaphore_mem>>)
    %add3A_14 = arith.constant 80 : i32
    %add3A_15 = arith.addi %mul3A_2, %add3A_14 : i32
    %dma_start3A_16 = tpu.memref_slice %arg4[%add3A_15] : memref<320000xi32, #tpu.memory_space<hbm>> -> memref<80xi32, #tpu.memory_space<hbm>>
    %dma_start3A_17 = tpu.memref_slice %arg4[%add3A_15] : memref<320000xi32, #tpu.memory_space<hbm>> -> memref<80xi32, #tpu.memory_space<hbm>>
    tpu.enqueue_dma source(%dma_start3A_17 : memref<80xi32, #tpu.memory_space<hbm>>) target(%arg15 : memref<80xi32, #tpu.memory_space<vmem>>) target_semaphore(%arg29 : memref<!tpu.dma_semaphore, #tpu.memory_space<semaphore_mem>>)
    %add3A_18 = arith.constant 160 : i32
    %add3A_19 = arith.addi %mul3A_2, %add3A_18 : i32
    %dma_start3A_20 = tpu.memref_slice %arg3[%add3A_19] : memref<320000xi32, #tpu.memory_space<hbm>> -> memref<80xi32, #tpu.memory_space<hbm>>
    %dma_start3A_21 = tpu.memref_slice %arg3[%add3A_19] : memref<320000xi32, #tpu.memory_space<hbm>> -> memref<80xi32, #tpu.memory_space<hbm>>
    tpu.enqueue_dma source(%dma_start3A_21 : memref<80xi32, #tpu.memory_space<hbm>>) target(%arg8 : memref<80xi32, #tpu.memory_space<vmem>>) target_semaphore(%arg30 : memref<!tpu.dma_semaphore, #tpu.memory_space<semaphore_mem>>)
    %add3A_22 = arith.constant 160 : i32
    %add3A_23 = arith.addi %mul3A_2, %add3A_22 : i32
    %dma_start3A_24 = tpu.memref_slice %arg4[%add3A_23] : memref<320000xi32, #tpu.memory_space<hbm>> -> memref<80xi32, #tpu.memory_space<hbm>>
    %dma_start3A_25 = tpu.memref_slice %arg4[%add3A_23] : memref<320000xi32, #tpu.memory_space<hbm>> -> memref<80xi32, #tpu.memory_space<hbm>>
    tpu.enqueue_dma source(%dma_start3A_25 : memref<80xi32, #tpu.memory_space<hbm>>) target(%arg16 : memref<80xi32, #tpu.memory_space<vmem>>) target_semaphore(%arg30 : memref<!tpu.dma_semaphore, #tpu.memory_space<semaphore_mem>>)
    %add3A_26 = arith.constant 240 : i32
    %add3A_27 = arith.addi %mul3A_2, %add3A_26 : i32
    %dma_start3A_28 = tpu.memref_slice %arg3[%add3A_27] : memref<320000xi32, #tpu.memory_space<hbm>> -> memref<80xi32, #tpu.memory_space<hbm>>
    %dma_start3A_29 = tpu.memref_slice %arg3[%add3A_27] : memref<320000xi32, #tpu.memory_space<hbm>> -> memref<80xi32, #tpu.memory_space<hbm>>
    tpu.enqueue_dma source(%dma_start3A_29 : memref<80xi32, #tpu.memory_space<hbm>>) target(%arg9 : memref<80xi32, #tpu.memory_space<vmem>>) target_semaphore(%arg31 : memref<!tpu.dma_semaphore, #tpu.memory_space<semaphore_mem>>)
    %add3A_30 = arith.constant 240 : i32
    %add3A_31 = arith.addi %mul3A_2, %add3A_30 : i32
    %dma_start3A_32 = tpu.memref_slice %arg4[%add3A_31] : memref<320000xi32, #tpu.memory_space<hbm>> -> memref<80xi32, #tpu.memory_space<hbm>>
    %dma_start3A_33 = tpu.memref_slice %arg4[%add3A_31] : memref<320000xi32, #tpu.memory_space<hbm>> -> memref<80xi32, #tpu.memory_space<hbm>>
    tpu.enqueue_dma source(%dma_start3A_33 : memref<80xi32, #tpu.memory_space<hbm>>) target(%arg17 : memref<80xi32, #tpu.memory_space<vmem>>) target_semaphore(%arg31 : memref<!tpu.dma_semaphore, #tpu.memory_space<semaphore_mem>>)
    %add3A_34 = arith.constant 320 : i32
    %add3A_35 = arith.addi %mul3A_2, %add3A_34 : i32
    %dma_start3A_36 = tpu.memref_slice %arg3[%add3A_35] : memref<320000xi32, #tpu.memory_space<hbm>> -> memref<80xi32, #tpu.memory_space<hbm>>
    %dma_start3A_37 = tpu.memref_slice %arg3[%add3A_35] : memref<320000xi32, #tpu.memory_space<hbm>> -> memref<80xi32, #tpu.memory_space<hbm>>
    tpu.enqueue_dma source(%dma_start3A_37 : memref<80xi32, #tpu.memory_space<hbm>>) target(%arg10 : memref<80xi32, #tpu.memory_space<vmem>>) target_semaphore(%arg32 : memref<!tpu.dma_semaphore, #tpu.memory_space<semaphore_mem>>)
    %add3A_38 = arith.constant 320 : i32
    %add3A_39 = arith.addi %mul3A_2, %add3A_38 : i32
    %dma_start3A_40 = tpu.memref_slice %arg4[%add3A_39] : memref<320000xi32, #tpu.memory_space<hbm>> -> memref<80xi32, #tpu.memory_space<hbm>>
    %dma_start3A_41 = tpu.memref_slice %arg4[%add3A_39] : memref<320000xi32, #tpu.memory_space<hbm>> -> memref<80xi32, #tpu.memory_space<hbm>>
    tpu.enqueue_dma source(%dma_start3A_41 : memref<80xi32, #tpu.memory_space<hbm>>) target(%arg18 : memref<80xi32, #tpu.memory_space<vmem>>) target_semaphore(%arg32 : memref<!tpu.dma_semaphore, #tpu.memory_space<semaphore_mem>>)
    %add3A_42 = arith.constant 0 : i32
    %add3A_43 = arith.addi %mul3A_2, %add3A_42 : i32
    %dma_wait3A = tpu.memref_slice %arg3[%add3A_43] : memref<320000xi32, #tpu.memory_space<hbm>> -> memref<80xi32, #tpu.memory_space<hbm>>
    %dma_wait3A_44 = tpu.memref_slice %arg3[%add3A_43] : memref<320000xi32, #tpu.memory_space<hbm>> -> memref<80xi32, #tpu.memory_space<hbm>>
    tpu.wait_dma2 semaphore(%arg28 : memref<!tpu.dma_semaphore, #tpu.memory_space<semaphore_mem>>) src(%dma_wait3A_44 : memref<80xi32, #tpu.memory_space<hbm>>) dst(%arg6 : memref<80xi32, #tpu.memory_space<vmem>>)
    %add3A_45 = arith.constant 0 : i32
    %add3A_46 = arith.addi %mul3A_2, %add3A_45 : i32
    %dma_wait3A_47 = tpu.memref_slice %arg4[%add3A_46] : memref<320000xi32, #tpu.memory_space<hbm>> -> memref<80xi32, #tpu.memory_space<hbm>>
    %dma_wait3A_48 = tpu.memref_slice %arg4[%add3A_46] : memref<320000xi32, #tpu.memory_space<hbm>> -> memref<80xi32, #tpu.memory_space<hbm>>
    tpu.wait_dma2 semaphore(%arg28 : memref<!tpu.dma_semaphore, #tpu.memory_space<semaphore_mem>>) src(%dma_wait3A_48 : memref<80xi32, #tpu.memory_space<hbm>>) dst(%arg14 : memref<80xi32, #tpu.memory_space<vmem>>)
    %dma_start3A_49 = arith.constant 0 : i32
    %dma_start3A_50 = arith.constant 0 : i32
    %dma_start3A_51 = tpu.memref_slice %arg2[%dma_start3A_49, %dma_start3A_50] : memref<10000x128xf32, #tpu.memory_space<hbm>> -> memref<10000x128xf32, #tpu.memory_space<hbm>>
    tpu.enqueue_indirect_dma source(%dma_start3A_51 : memref<10000x128xf32, #tpu.memory_space<hbm>>) target(%arg22 : memref<80x128xf32, #tpu.memory_space<vmem>>) offsets(%arg6 : memref<80xi32, #tpu.memory_space<vmem>>) semaphore(%arg36 : memref<!tpu.dma_semaphore, #tpu.memory_space<semaphore_mem>>)
    %add3A_52 = arith.constant 80 : i32
    %add3A_53 = arith.addi %mul3A_2, %add3A_52 : i32
    %dma_wait3A_54 = tpu.memref_slice %arg3[%add3A_53] : memref<320000xi32, #tpu.memory_space<hbm>> -> memref<80xi32, #tpu.memory_space<hbm>>
    %dma_wait3A_55 = tpu.memref_slice %arg3[%add3A_53] : memref<320000xi32, #tpu.memory_space<hbm>> -> memref<80xi32, #tpu.memory_space<hbm>>
    tpu.wait_dma2 semaphore(%arg29 : memref<!tpu.dma_semaphore, #tpu.memory_space<semaphore_mem>>) src(%dma_wait3A_55 : memref<80xi32, #tpu.memory_space<hbm>>) dst(%arg7 : memref<80xi32, #tpu.memory_space<vmem>>)
    %add3A_56 = arith.constant 80 : i32
    %add3A_57 = arith.addi %mul3A_2, %add3A_56 : i32
    %dma_wait3A_58 = tpu.memref_slice %arg4[%add3A_57] : memref<320000xi32, #tpu.memory_space<hbm>> -> memref<80xi32, #tpu.memory_space<hbm>>
    %dma_wait3A_59 = tpu.memref_slice %arg4[%add3A_57] : memref<320000xi32, #tpu.memory_space<hbm>> -> memref<80xi32, #tpu.memory_space<hbm>>
    tpu.wait_dma2 semaphore(%arg29 : memref<!tpu.dma_semaphore, #tpu.memory_space<semaphore_mem>>) src(%dma_wait3A_59 : memref<80xi32, #tpu.memory_space<hbm>>) dst(%arg15 : memref<80xi32, #tpu.memory_space<vmem>>)
    %dma_start3A_60 = arith.constant 0 : i32
    %dma_start3A_61 = arith.constant 0 : i32
    %dma_start3A_62 = tpu.memref_slice %arg2[%dma_start3A_60, %dma_start3A_61] : memref<10000x128xf32, #tpu.memory_space<hbm>> -> memref<10000x128xf32, #tpu.memory_space<hbm>>
    tpu.enqueue_indirect_dma source(%dma_start3A_62 : memref<10000x128xf32, #tpu.memory_space<hbm>>) target(%arg23 : memref<80x128xf32, #tpu.memory_space<vmem>>) offsets(%arg7 : memref<80xi32, #tpu.memory_space<vmem>>) semaphore(%arg37 : memref<!tpu.dma_semaphore, #tpu.memory_space<semaphore_mem>>)
    %add3A_63 = arith.constant 160 : i32
    %add3A_64 = arith.addi %mul3A_2, %add3A_63 : i32
    %dma_wait3A_65 = tpu.memref_slice %arg3[%add3A_64] : memref<320000xi32, #tpu.memory_space<hbm>> -> memref<80xi32, #tpu.memory_space<hbm>>
    %dma_wait3A_66 = tpu.memref_slice %arg3[%add3A_64] : memref<320000xi32, #tpu.memory_space<hbm>> -> memref<80xi32, #tpu.memory_space<hbm>>
    tpu.wait_dma2 semaphore(%arg30 : memref<!tpu.dma_semaphore, #tpu.memory_space<semaphore_mem>>) src(%dma_wait3A_66 : memref<80xi32, #tpu.memory_space<hbm>>) dst(%arg8 : memref<80xi32, #tpu.memory_space<vmem>>)
    %add3A_67 = arith.constant 160 : i32
    %add3A_68 = arith.addi %mul3A_2, %add3A_67 : i32
    %dma_wait3A_69 = tpu.memref_slice %arg4[%add3A_68] : memref<320000xi32, #tpu.memory_space<hbm>> -> memref<80xi32, #tpu.memory_space<hbm>>
    %dma_wait3A_70 = tpu.memref_slice %arg4[%add3A_68] : memref<320000xi32, #tpu.memory_space<hbm>> -> memref<80xi32, #tpu.memory_space<hbm>>
    tpu.wait_dma2 semaphore(%arg30 : memref<!tpu.dma_semaphore, #tpu.memory_space<semaphore_mem>>) src(%dma_wait3A_70 : memref<80xi32, #tpu.memory_space<hbm>>) dst(%arg16 : memref<80xi32, #tpu.memory_space<vmem>>)
    %dma_start3A_71 = arith.constant 0 : i32
    %dma_start3A_72 = arith.constant 0 : i32
    %dma_start3A_73 = tpu.memref_slice %arg2[%dma_start3A_71, %dma_start3A_72] : memref<10000x128xf32, #tpu.memory_space<hbm>> -> memref<10000x128xf32, #tpu.memory_space<hbm>>
    tpu.enqueue_indirect_dma source(%dma_start3A_73 : memref<10000x128xf32, #tpu.memory_space<hbm>>) target(%arg24 : memref<80x128xf32, #tpu.memory_space<vmem>>) offsets(%arg8 : memref<80xi32, #tpu.memory_space<vmem>>) semaphore(%arg38 : memref<!tpu.dma_semaphore, #tpu.memory_space<semaphore_mem>>)
    %scan3A = arith.constant 0 : i32
    %scan3A_74 = arith.constant 0 : i32
    %scan3A_75 = arith.constant 256 : i32
    %scan3A_76 = arith.addi %scan3A_74, %scan3A_75 : i32
    %scan3A_77 = arith.constant 1 : i32
    scf.for %scan3A_271 = %scan3A_74 to %scan3A_76 step %scan3A_77  : i32 {
      %jit3A = arith.constant 8 : i32
      %div3A = arith.divsi %scan3A_271, %jit3A : i32
      %sign3A = arith.constant 0 : i32
      %sign3A_272 = arith.cmpi sgt, %scan3A_271, %sign3A : i32
      %sign3A_273 = arith.extui %sign3A_272 : i1 to i32
      %sign3A_274 = arith.constant 0 : i32
      %sign3A_275 = arith.cmpi slt, %scan3A_271, %sign3A_274 : i32
      %sign3A_276 = arith.extui %sign3A_275 : i1 to i32
      %sign3A_277 = arith.subi %sign3A_273, %sign3A_276 : i32
      %sign3A_278 = arith.constant 0 : i32
      %sign3A_279 = arith.cmpi sgt, %jit3A, %sign3A_278 : i32
      %sign3A_280 = arith.extui %sign3A_279 : i1 to i32
      %sign3A_281 = arith.constant 0 : i32
      %sign3A_282 = arith.cmpi slt, %jit3A, %sign3A_281 : i32
      %sign3A_283 = arith.extui %sign3A_282 : i1 to i32
      %sign3A_284 = arith.subi %sign3A_280, %sign3A_283 : i32
      %ne3A = arith.cmpi ne, %sign3A_277, %sign3A_284 : i32
      %rem3A = arith.remsi %scan3A_271, %jit3A : i32
      %ne3A_285 = arith.constant 0 : i32
      %ne3A_286 = arith.cmpi ne, %rem3A, %ne3A_285 : i32
      %and3A = arith.andi %ne3A, %ne3A_286 : i1
      %sub3A = arith.constant 1 : i32
      %sub3A_287 = arith.subi %div3A, %sub3A : i32
      %select_n3A = arith.select %and3A, %sub3A_287, %div3A : i32
      %mul3A_288 = arith.constant 8 : i32
      %mul3A_289 = arith.muli %select_n3A, %mul3A_288 : i32
      %sub3A_290 = arith.subi %scan3A_271, %mul3A_289 : i32
      %broadcast_in_dim3A = arith.constant 0.000000e+00 : f32
      %broadcast_in_dim3A_291 = vector.broadcast %broadcast_in_dim3A : f32 to vector<16xf32>
      %mul3A_292 = arith.constant 16 : i32
      %mul3A_293 = arith.muli %sub3A_290, %mul3A_292 : i32
      %swap3A = arith.index_cast %select_n3A : i32 to index
      %swap3A_294 = arith.index_cast %mul3A_293 : i32 to index
      %swap3A_295 = tpu.vector_load %arg26[%swap3A, %swap3A_294] {strides = array<i32>} : memref<32x128xf32, #tpu.memory_space<vmem>>, vector<1x16xf32>,
      %swap3A_296 = vector.shape_cast %swap3A_295 : vector<1x16xf32> to vector<16xf32>
      %swap3A_297 = vector.shape_cast %broadcast_in_dim3A_291 : vector<16xf32> to vector<1x16xf32>
      tpu.vector_store %arg26[%swap3A, %swap3A_294], %swap3A_297 {strides = array<i32>} : memref<32x128xf32, #tpu.memory_space<vmem>>, vector<1x16xf32>,
    }
    %scan3A_78 = arith.constant 256 : i32
    %mul3A_79 = arith.constant 640 : i32
    %mul3A_80 = arith.muli %arg1, %mul3A_79 : i32
    %add3A_81 = arith.constant 0 : i32
    %add3A_82 = arith.addi %mul3A_80, %add3A_81 : i32
    "tpu.region"() ({
      %run_scoped3A = tpu.sem_alloc : memref<!tpu.dma_semaphore, #tpu.memory_space<semaphore_mem>>
      %dma_start3A_271 = arith.constant 0 : i32
      %dma_start3A_272 = tpu.memref_slice %arg27[%add3A_82, %dma_start3A_271] : memref<10240x128xf32, #tpu.memory_space<vmem_shared>> -> memref<32x128xf32, #tpu.memory_space<vmem_shared>>
      %dma_start3A_273 = arith.constant 0 : i32
      %dma_start3A_274 = tpu.memref_slice %arg27[%add3A_82, %dma_start3A_273] : memref<10240x128xf32, #tpu.memory_space<vmem_shared>> -> memref<32x128xf32, #tpu.memory_space<vmem_shared>>
      tpu.enqueue_dma source(%arg26 : memref<32x128xf32, #tpu.memory_space<vmem>>) target(%dma_start3A_274 : memref<32x128xf32, #tpu.memory_space<vmem_shared>>) target_semaphore(%run_scoped3A : memref<!tpu.dma_semaphore, #tpu.memory_space<semaphore_mem>>)
      %dma_wait3A_275 = arith.constant 0 : i32
      %dma_wait3A_276 = tpu.memref_slice %arg27[%add3A_82, %dma_wait3A_275] : memref<10240x128xf32, #tpu.memory_space<vmem_shared>> -> memref<32x128xf32, #tpu.memory_space<vmem_shared>>
      %dma_wait3A_277 = arith.constant 0 : i32
      %dma_wait3A_278 = tpu.memref_slice %arg27[%add3A_82, %dma_wait3A_277] : memref<10240x128xf32, #tpu.memory_space<vmem_shared>> -> memref<32x128xf32, #tpu.memory_space<vmem_shared>>
      tpu.wait_dma2 semaphore(%run_scoped3A : memref<!tpu.dma_semaphore, #tpu.memory_space<semaphore_mem>>) src(%arg26 : memref<32x128xf32, #tpu.memory_space<vmem>>) dst(%dma_wait3A_278 : memref<32x128xf32, #tpu.memory_space<vmem_shared>>)
      tpu.yield
    }) : () -> ()
    %mul3A_83 = arith.constant 640 : i32
    %mul3A_84 = arith.muli %arg1, %mul3A_83 : i32
    %add3A_85 = arith.constant 32 : i32
    %add3A_86 = arith.addi %mul3A_84, %add3A_85 : i32
    "tpu.region"() ({
      %run_scoped3A = tpu.sem_alloc : memref<!tpu.dma_semaphore, #tpu.memory_space<semaphore_mem>>
      %dma_start3A_271 = arith.constant 0 : i32
      %dma_start3A_272 = tpu.memref_slice %arg27[%add3A_86, %dma_start3A_271] : memref<10240x128xf32, #tpu.memory_space<vmem_shared>> -> memref<32x128xf32, #tpu.memory_space<vmem_shared>>
      %dma_start3A_273 = arith.constant 0 : i32
      %dma_start3A_274 = tpu.memref_slice %arg27[%add3A_86, %dma_start3A_273] : memref<10240x128xf32, #tpu.memory_space<vmem_shared>> -> memref<32x128xf32, #tpu.memory_space<vmem_shared>>
      tpu.enqueue_dma source(%arg26 : memref<32x128xf32, #tpu.memory_space<vmem>>) target(%dma_start3A_274 : memref<32x128xf32, #tpu.memory_space<vmem_shared>>) target_semaphore(%run_scoped3A : memref<!tpu.dma_semaphore, #tpu.memory_space<semaphore_mem>>)
      %dma_wait3A_275 = arith.constant 0 : i32
      %dma_wait3A_276 = tpu.memref_slice %arg27[%add3A_86, %dma_wait3A_275] : memref<10240x128xf32, #tpu.memory_space<vmem_shared>> -> memref<32x128xf32, #tpu.memory_space<vmem_shared>>
      %dma_wait3A_277 = arith.constant 0 : i32
      %dma_wait3A_278 = tpu.memref_slice %arg27[%add3A_86, %dma_wait3A_277] : memref<10240x128xf32, #tpu.memory_space<vmem_shared>> -> memref<32x128xf32, #tpu.memory_space<vmem_shared>>
      tpu.wait_dma2 semaphore(%run_scoped3A : memref<!tpu.dma_semaphore, #tpu.memory_space<semaphore_mem>>) src(%arg26 : memref<32x128xf32, #tpu.memory_space<vmem>>) dst(%dma_wait3A_278 : memref<32x128xf32, #tpu.memory_space<vmem_shared>>)
      tpu.yield
    }) : () -> ()
    %mul3A_87 = arith.constant 640 : i32
    %mul3A_88 = arith.muli %arg1, %mul3A_87 : i32
    %add3A_89 = arith.constant 64 : i32
    %add3A_90 = arith.addi %mul3A_88, %add3A_89 : i32
    "tpu.region"() ({
      %run_scoped3A = tpu.sem_alloc : memref<!tpu.dma_semaphore, #tpu.memory_space<semaphore_mem>>
      %dma_start3A_271 = arith.constant 0 : i32
      %dma_start3A_272 = tpu.memref_slice %arg27[%add3A_90, %dma_start3A_271] : memref<10240x128xf32, #tpu.memory_space<vmem_shared>> -> memref<32x128xf32, #tpu.memory_space<vmem_shared>>
      %dma_start3A_273 = arith.constant 0 : i32
      %dma_start3A_274 = tpu.memref_slice %arg27[%add3A_90, %dma_start3A_273] : memref<10240x128xf32, #tpu.memory_space<vmem_shared>> -> memref<32x128xf32, #tpu.memory_space<vmem_shared>>
      tpu.enqueue_dma source(%arg26 : memref<32x128xf32, #tpu.memory_space<vmem>>) target(%dma_start3A_274 : memref<32x128xf32, #tpu.memory_space<vmem_shared>>) target_semaphore(%run_scoped3A : memref<!tpu.dma_semaphore, #tpu.memory_space<semaphore_mem>>)
      %dma_wait3A_275 = arith.constant 0 : i32
      %dma_wait3A_276 = tpu.memref_slice %arg27[%add3A_90, %dma_wait3A_275] : memref<10240x128xf32, #tpu.memory_space<vmem_shared>> -> memref<32x128xf32, #tpu.memory_space<vmem_shared>>
      %dma_wait3A_277 = arith.constant 0 : i32
      %dma_wait3A_278 = tpu.memref_slice %arg27[%add3A_90, %dma_wait3A_277] : memref<10240x128xf32, #tpu.memory_space<vmem_shared>> -> memref<32x128xf32, #tpu.memory_space<vmem_shared>>
      tpu.wait_dma2 semaphore(%run_scoped3A : memref<!tpu.dma_semaphore, #tpu.memory_space<semaphore_mem>>) src(%arg26 : memref<32x128xf32, #tpu.memory_space<vmem>>) dst(%dma_wait3A_278 : memref<32x128xf32, #tpu.memory_space<vmem_shared>>)
      tpu.yield
    }) : () -> ()
    %mul3A_91 = arith.constant 640 : i32
    %mul3A_92 = arith.muli %arg1, %mul3A_91 : i32
    %add3A_93 = arith.constant 96 : i32
    %add3A_94 = arith.addi %mul3A_92, %add3A_93 : i32
    "tpu.region"() ({
      %run_scoped3A = tpu.sem_alloc : memref<!tpu.dma_semaphore, #tpu.memory_space<semaphore_mem>>
      %dma_start3A_271 = arith.constant 0 : i32
      %dma_start3A_272 = tpu.memref_slice %arg27[%add3A_94, %dma_start3A_271] : memref<10240x128xf32, #tpu.memory_space<vmem_shared>> -> memref<32x128xf32, #tpu.memory_space<vmem_shared>>
      %dma_start3A_273 = arith.constant 0 : i32
      %dma_start3A_274 = tpu.memref_slice %arg27[%add3A_94, %dma_start3A_273] : memref<10240x128xf32, #tpu.memory_space<vmem_shared>> -> memref<32x128xf32, #tpu.memory_space<vmem_shared>>
      tpu.enqueue_dma source(%arg26 : memref<32x128xf32, #tpu.memory_space<vmem>>) target(%dma_start3A_274 : memref<32x128xf32, #tpu.memory_space<vmem_shared>>) target_semaphore(%run_scoped3A : memref<!tpu.dma_semaphore, #tpu.memory_space<semaphore_mem>>)
      %dma_wait3A_275 = arith.constant 0 : i32
      %dma_wait3A_276 = tpu.memref_slice %arg27[%add3A_94, %dma_wait3A_275] : memref<10240x128xf32, #tpu.memory_space<vmem_shared>> -> memref<32x128xf32, #tpu.memory_space<vmem_shared>>
      %dma_wait3A_277 = arith.constant 0 : i32
      %dma_wait3A_278 = tpu.memref_slice %arg27[%add3A_94, %dma_wait3A_277] : memref<10240x128xf32, #tpu.memory_space<vmem_shared>> -> memref<32x128xf32, #tpu.memory_space<vmem_shared>>
      tpu.wait_dma2 semaphore(%run_scoped3A : memref<!tpu.dma_semaphore, #tpu.memory_space<semaphore_mem>>) src(%arg26 : memref<32x128xf32, #tpu.memory_space<vmem>>) dst(%dma_wait3A_278 : memref<32x128xf32, #tpu.memory_space<vmem_shared>>)
      tpu.yield
    }) : () -> ()
    %mul3A_95 = arith.constant 640 : i32
    %mul3A_96 = arith.muli %arg1, %mul3A_95 : i32
    %add3A_97 = arith.constant 128 : i32
    %add3A_98 = arith.addi %mul3A_96, %add3A_97 : i32
    "tpu.region"() ({
      %run_scoped3A = tpu.sem_alloc : memref<!tpu.dma_semaphore, #tpu.memory_space<semaphore_mem>>
      %dma_start3A_271 = arith.constant 0 : i32
      %dma_start3A_272 = tpu.memref_slice %arg27[%add3A_98, %dma_start3A_271] : memref<10240x128xf32, #tpu.memory_space<vmem_shared>> -> memref<32x128xf32, #tpu.memory_space<vmem_shared>>
      %dma_start3A_273 = arith.constant 0 : i32
      %dma_start3A_274 = tpu.memref_slice %arg27[%add3A_98, %dma_start3A_273] : memref<10240x128xf32, #tpu.memory_space<vmem_shared>> -> memref<32x128xf32, #tpu.memory_space<vmem_shared>>
      tpu.enqueue_dma source(%arg26 : memref<32x128xf32, #tpu.memory_space<vmem>>) target(%dma_start3A_274 : memref<32x128xf32, #tpu.memory_space<vmem_shared>>) target_semaphore(%run_scoped3A : memref<!tpu.dma_semaphore, #tpu.memory_space<semaphore_mem>>)
      %dma_wait3A_275 = arith.constant 0 : i32
      %dma_wait3A_276 = tpu.memref_slice %arg27[%add3A_98, %dma_wait3A_275] : memref<10240x128xf32, #tpu.memory_space<vmem_shared>> -> memref<32x128xf32, #tpu.memory_space<vmem_shared>>
      %dma_wait3A_277 = arith.constant 0 : i32
      %dma_wait3A_278 = tpu.memref_slice %arg27[%add3A_98, %dma_wait3A_277] : memref<10240x128xf32, #tpu.memory_space<vmem_shared>> -> memref<32x128xf32, #tpu.memory_space<vmem_shared>>
      tpu.wait_dma2 semaphore(%run_scoped3A : memref<!tpu.dma_semaphore, #tpu.memory_space<semaphore_mem>>) src(%arg26 : memref<32x128xf32, #tpu.memory_space<vmem>>) dst(%dma_wait3A_278 : memref<32x128xf32, #tpu.memory_space<vmem_shared>>)
      tpu.yield
    }) : () -> ()
    %mul3A_99 = arith.constant 640 : i32
    %mul3A_100 = arith.muli %arg1, %mul3A_99 : i32
    %add3A_101 = arith.constant 160 : i32
    %add3A_102 = arith.addi %mul3A_100, %add3A_101 : i32
    "tpu.region"() ({
      %run_scoped3A = tpu.sem_alloc : memref<!tpu.dma_semaphore, #tpu.memory_space<semaphore_mem>>
      %dma_start3A_271 = arith.constant 0 : i32
      %dma_start3A_272 = tpu.memref_slice %arg27[%add3A_102, %dma_start3A_271] : memref<10240x128xf32, #tpu.memory_space<vmem_shared>> -> memref<32x128xf32, #tpu.memory_space<vmem_shared>>
      %dma_start3A_273 = arith.constant 0 : i32
      %dma_start3A_274 = tpu.memref_slice %arg27[%add3A_102, %dma_start3A_273] : memref<10240x128xf32, #tpu.memory_space<vmem_shared>> -> memref<32x128xf32, #tpu.memory_space<vmem_shared>>
      tpu.enqueue_dma source(%arg26 : memref<32x128xf32, #tpu.memory_space<vmem>>) target(%dma_start3A_274 : memref<32x128xf32, #tpu.memory_space<vmem_shared>>) target_semaphore(%run_scoped3A : memref<!tpu.dma_semaphore, #tpu.memory_space<semaphore_mem>>)
      %dma_wait3A_275 = arith.constant 0 : i32
      %dma_wait3A_276 = tpu.memref_slice %arg27[%add3A_102, %dma_wait3A_275] : memref<10240x128xf32, #tpu.memory_space<vmem_shared>> -> memref<32x128xf32, #tpu.memory_space<vmem_shared>>
      %dma_wait3A_277 = arith.constant 0 : i32
      %dma_wait3A_278 = tpu.memref_slice %arg27[%add3A_102, %dma_wait3A_277] : memref<10240x128xf32, #tpu.memory_space<vmem_shared>> -> memref<32x128xf32, #tpu.memory_space<vmem_shared>>
      tpu.wait_dma2 semaphore(%run_scoped3A : memref<!tpu.dma_semaphore, #tpu.memory_space<semaphore_mem>>) src(%arg26 : memref<32x128xf32, #tpu.memory_space<vmem>>) dst(%dma_wait3A_278 : memref<32x128xf32, #tpu.memory_space<vmem_shared>>)
      tpu.yield
    }) : () -> ()
    %mul3A_103 = arith.constant 640 : i32
    %mul3A_104 = arith.muli %arg1, %mul3A_103 : i32
    %add3A_105 = arith.constant 192 : i32
    %add3A_106 = arith.addi %mul3A_104, %add3A_105 : i32
    "tpu.region"() ({
      %run_scoped3A = tpu.sem_alloc : memref<!tpu.dma_semaphore, #tpu.memory_space<semaphore_mem>>
      %dma_start3A_271 = arith.constant 0 : i32
      %dma_start3A_272 = tpu.memref_slice %arg27[%add3A_106, %dma_start3A_271] : memref<10240x128xf32, #tpu.memory_space<vmem_shared>> -> memref<32x128xf32, #tpu.memory_space<vmem_shared>>
      %dma_start3A_273 = arith.constant 0 : i32
      %dma_start3A_274 = tpu.memref_slice %arg27[%add3A_106, %dma_start3A_273] : memref<10240x128xf32, #tpu.memory_space<vmem_shared>> -> memref<32x128xf32, #tpu.memory_space<vmem_shared>>
      tpu.enqueue_dma source(%arg26 : memref<32x128xf32, #tpu.memory_space<vmem>>) target(%dma_start3A_274 : memref<32x128xf32, #tpu.memory_space<vmem_shared>>) target_semaphore(%run_scoped3A : memref<!tpu.dma_semaphore, #tpu.memory_space<semaphore_mem>>)
      %dma_wait3A_275 = arith.constant 0 : i32
      %dma_wait3A_276 = tpu.memref_slice %arg27[%add3A_106, %dma_wait3A_275] : memref<10240x128xf32, #tpu.memory_space<vmem_shared>> -> memref<32x128xf32, #tpu.memory_space<vmem_shared>>
      %dma_wait3A_277 = arith.constant 0 : i32
      %dma_wait3A_278 = tpu.memref_slice %arg27[%add3A_106, %dma_wait3A_277] : memref<10240x128xf32, #tpu.memory_space<vmem_shared>> -> memref<32x128xf32, #tpu.memory_space<vmem_shared>>
      tpu.wait_dma2 semaphore(%run_scoped3A : memref<!tpu.dma_semaphore, #tpu.memory_space<semaphore_mem>>) src(%arg26 : memref<32x128xf32, #tpu.memory_space<vmem>>) dst(%dma_wait3A_278 : memref<32x128xf32, #tpu.memory_space<vmem_shared>>)
      tpu.yield
    }) : () -> ()
    %mul3A_107 = arith.constant 640 : i32
    %mul3A_108 = arith.muli %arg1, %mul3A_107 : i32
    %add3A_109 = arith.constant 224 : i32
    %add3A_110 = arith.addi %mul3A_108, %add3A_109 : i32
    "tpu.region"() ({
      %run_scoped3A = tpu.sem_alloc : memref<!tpu.dma_semaphore, #tpu.memory_space<semaphore_mem>>
      %dma_start3A_271 = arith.constant 0 : i32
      %dma_start3A_272 = tpu.memref_slice %arg27[%add3A_110, %dma_start3A_271] : memref<10240x128xf32, #tpu.memory_space<vmem_shared>> -> memref<32x128xf32, #tpu.memory_space<vmem_shared>>
      %dma_start3A_273 = arith.constant 0 : i32
      %dma_start3A_274 = tpu.memref_slice %arg27[%add3A_110, %dma_start3A_273] : memref<10240x128xf32, #tpu.memory_space<vmem_shared>> -> memref<32x128xf32, #tpu.memory_space<vmem_shared>>
      tpu.enqueue_dma source(%arg26 : memref<32x128xf32, #tpu.memory_space<vmem>>) target(%dma_start3A_274 : memref<32x128xf32, #tpu.memory_space<vmem_shared>>) target_semaphore(%run_scoped3A : memref<!tpu.dma_semaphore, #tpu.memory_space<semaphore_mem>>)
      %dma_wait3A_275 = arith.constant 0 : i32
      %dma_wait3A_276 = tpu.memref_slice %arg27[%add3A_110, %dma_wait3A_275] : memref<10240x128xf32, #tpu.memory_space<vmem_shared>> -> memref<32x128xf32, #tpu.memory_space<vmem_shared>>
      %dma_wait3A_277 = arith.constant 0 : i32
      %dma_wait3A_278 = tpu.memref_slice %arg27[%add3A_110, %dma_wait3A_277] : memref<10240x128xf32, #tpu.memory_space<vmem_shared>> -> memref<32x128xf32, #tpu.memory_space<vmem_shared>>
      tpu.wait_dma2 semaphore(%run_scoped3A : memref<!tpu.dma_semaphore, #tpu.memory_space<semaphore_mem>>) src(%arg26 : memref<32x128xf32, #tpu.memory_space<vmem>>) dst(%dma_wait3A_278 : memref<32x128xf32, #tpu.memory_space<vmem_shared>>)
      tpu.yield
    }) : () -> ()
    %mul3A_111 = arith.constant 640 : i32
    %mul3A_112 = arith.muli %arg1, %mul3A_111 : i32
    %add3A_113 = arith.constant 256 : i32
    %add3A_114 = arith.addi %mul3A_112, %add3A_113 : i32
    "tpu.region"() ({
      %run_scoped3A = tpu.sem_alloc : memref<!tpu.dma_semaphore, #tpu.memory_space<semaphore_mem>>
      %dma_start3A_271 = arith.constant 0 : i32
      %dma_start3A_272 = tpu.memref_slice %arg27[%add3A_114, %dma_start3A_271] : memref<10240x128xf32, #tpu.memory_space<vmem_shared>> -> memref<32x128xf32, #tpu.memory_space<vmem_shared>>
      %dma_start3A_273 = arith.constant 0 : i32
      %dma_start3A_274 = tpu.memref_slice %arg27[%add3A_114, %dma_start3A_273] : memref<10240x128xf32, #tpu.memory_space<vmem_shared>> -> memref<32x128xf32, #tpu.memory_space<vmem_shared>>
      tpu.enqueue_dma source(%arg26 : memref<32x128xf32, #tpu.memory_space<vmem>>) target(%dma_start3A_274 : memref<32x128xf32, #tpu.memory_space<vmem_shared>>) target_semaphore(%run_scoped3A : memref<!tpu.dma_semaphore, #tpu.memory_space<semaphore_mem>>)
      %dma_wait3A_275 = arith.constant 0 : i32
      %dma_wait3A_276 = tpu.memref_slice %arg27[%add3A_114, %dma_wait3A_275] : memref<10240x128xf32, #tpu.memory_space<vmem_shared>> -> memref<32x128xf32, #tpu.memory_space<vmem_shared>>
      %dma_wait3A_277 = arith.constant 0 : i32
      %dma_wait3A_278 = tpu.memref_slice %arg27[%add3A_114, %dma_wait3A_277] : memref<10240x128xf32, #tpu.memory_space<vmem_shared>> -> memref<32x128xf32, #tpu.memory_space<vmem_shared>>
      tpu.wait_dma2 semaphore(%run_scoped3A : memref<!tpu.dma_semaphore, #tpu.memory_space<semaphore_mem>>) src(%arg26 : memref<32x128xf32, #tpu.memory_space<vmem>>) dst(%dma_wait3A_278 : memref<32x128xf32, #tpu.memory_space<vmem_shared>>)
      tpu.yield
    }) : () -> ()
    %mul3A_115 = arith.constant 640 : i32
    %mul3A_116 = arith.muli %arg1, %mul3A_115 : i32
    %add3A_117 = arith.constant 288 : i32
    %add3A_118 = arith.addi %mul3A_116, %add3A_117 : i32
    "tpu.region"() ({
      %run_scoped3A = tpu.sem_alloc : memref<!tpu.dma_semaphore, #tpu.memory_space<semaphore_mem>>
      %dma_start3A_271 = arith.constant 0 : i32
      %dma_start3A_272 = tpu.memref_slice %arg27[%add3A_118, %dma_start3A_271] : memref<10240x128xf32, #tpu.memory_space<vmem_shared>> -> memref<32x128xf32, #tpu.memory_space<vmem_shared>>
      %dma_start3A_273 = arith.constant 0 : i32
      %dma_start3A_274 = tpu.memref_slice %arg27[%add3A_118, %dma_start3A_273] : memref<10240x128xf32, #tpu.memory_space<vmem_shared>> -> memref<32x128xf32, #tpu.memory_space<vmem_shared>>
      tpu.enqueue_dma source(%arg26 : memref<32x128xf32, #tpu.memory_space<vmem>>) target(%dma_start3A_274 : memref<32x128xf32, #tpu.memory_space<vmem_shared>>) target_semaphore(%run_scoped3A : memref<!tpu.dma_semaphore, #tpu.memory_space<semaphore_mem>>)
      %dma_wait3A_275 = arith.constant 0 : i32
      %dma_wait3A_276 = tpu.memref_slice %arg27[%add3A_118, %dma_wait3A_275] : memref<10240x128xf32, #tpu.memory_space<vmem_shared>> -> memref<32x128xf32, #tpu.memory_space<vmem_shared>>
      %dma_wait3A_277 = arith.constant 0 : i32
      %dma_wait3A_278 = tpu.memref_slice %arg27[%add3A_118, %dma_wait3A_277] : memref<10240x128xf32, #tpu.memory_space<vmem_shared>> -> memref<32x128xf32, #tpu.memory_space<vmem_shared>>
      tpu.wait_dma2 semaphore(%run_scoped3A : memref<!tpu.dma_semaphore, #tpu.memory_space<semaphore_mem>>) src(%arg26 : memref<32x128xf32, #tpu.memory_space<vmem>>) dst(%dma_wait3A_278 : memref<32x128xf32, #tpu.memory_space<vmem_shared>>)
      tpu.yield
    }) : () -> ()
    %mul3A_119 = arith.constant 640 : i32
    %mul3A_120 = arith.muli %arg1, %mul3A_119 : i32
    %add3A_121 = arith.constant 320 : i32
    %add3A_122 = arith.addi %mul3A_120, %add3A_121 : i32
    "tpu.region"() ({
      %run_scoped3A = tpu.sem_alloc : memref<!tpu.dma_semaphore, #tpu.memory_space<semaphore_mem>>
      %dma_start3A_271 = arith.constant 0 : i32
      %dma_start3A_272 = tpu.memref_slice %arg27[%add3A_122, %dma_start3A_271] : memref<10240x128xf32, #tpu.memory_space<vmem_shared>> -> memref<32x128xf32, #tpu.memory_space<vmem_shared>>
      %dma_start3A_273 = arith.constant 0 : i32
      %dma_start3A_274 = tpu.memref_slice %arg27[%add3A_122, %dma_start3A_273] : memref<10240x128xf32, #tpu.memory_space<vmem_shared>> -> memref<32x128xf32, #tpu.memory_space<vmem_shared>>
      tpu.enqueue_dma source(%arg26 : memref<32x128xf32, #tpu.memory_space<vmem>>) target(%dma_start3A_274 : memref<32x128xf32, #tpu.memory_space<vmem_shared>>) target_semaphore(%run_scoped3A : memref<!tpu.dma_semaphore, #tpu.memory_space<semaphore_mem>>)
      %dma_wait3A_275 = arith.constant 0 : i32
      %dma_wait3A_276 = tpu.memref_slice %arg27[%add3A_122, %dma_wait3A_275] : memref<10240x128xf32, #tpu.memory_space<vmem_shared>> -> memref<32x128xf32, #tpu.memory_space<vmem_shared>>
      %dma_wait3A_277 = arith.constant 0 : i32
      %dma_wait3A_278 = tpu.memref_slice %arg27[%add3A_122, %dma_wait3A_277] : memref<10240x128xf32, #tpu.memory_space<vmem_shared>> -> memref<32x128xf32, #tpu.memory_space<vmem_shared>>
      tpu.wait_dma2 semaphore(%run_scoped3A : memref<!tpu.dma_semaphore, #tpu.memory_space<semaphore_mem>>) src(%arg26 : memref<32x128xf32, #tpu.memory_space<vmem>>) dst(%dma_wait3A_278 : memref<32x128xf32, #tpu.memory_space<vmem_shared>>)
      tpu.yield
    }) : () -> ()
    %mul3A_123 = arith.constant 640 : i32
    %mul3A_124 = arith.muli %arg1, %mul3A_123 : i32
    %add3A_125 = arith.constant 352 : i32
    %add3A_126 = arith.addi %mul3A_124, %add3A_125 : i32
    "tpu.region"() ({
      %run_scoped3A = tpu.sem_alloc : memref<!tpu.dma_semaphore, #tpu.memory_space<semaphore_mem>>
      %dma_start3A_271 = arith.constant 0 : i32
      %dma_start3A_272 = tpu.memref_slice %arg27[%add3A_126, %dma_start3A_271] : memref<10240x128xf32, #tpu.memory_space<vmem_shared>> -> memref<32x128xf32, #tpu.memory_space<vmem_shared>>
      %dma_start3A_273 = arith.constant 0 : i32
      %dma_start3A_274 = tpu.memref_slice %arg27[%add3A_126, %dma_start3A_273] : memref<10240x128xf32, #tpu.memory_space<vmem_shared>> -> memref<32x128xf32, #tpu.memory_space<vmem_shared>>
      tpu.enqueue_dma source(%arg26 : memref<32x128xf32, #tpu.memory_space<vmem>>) target(%dma_start3A_274 : memref<32x128xf32, #tpu.memory_space<vmem_shared>>) target_semaphore(%run_scoped3A : memref<!tpu.dma_semaphore, #tpu.memory_space<semaphore_mem>>)
      %dma_wait3A_275 = arith.constant 0 : i32
      %dma_wait3A_276 = tpu.memref_slice %arg27[%add3A_126, %dma_wait3A_275] : memref<10240x128xf32, #tpu.memory_space<vmem_shared>> -> memref<32x128xf32, #tpu.memory_space<vmem_shared>>
      %dma_wait3A_277 = arith.constant 0 : i32
      %dma_wait3A_278 = tpu.memref_slice %arg27[%add3A_126, %dma_wait3A_277] : memref<10240x128xf32, #tpu.memory_space<vmem_shared>> -> memref<32x128xf32, #tpu.memory_space<vmem_shared>>
      tpu.wait_dma2 semaphore(%run_scoped3A : memref<!tpu.dma_semaphore, #tpu.memory_space<semaphore_mem>>) src(%arg26 : memref<32x128xf32, #tpu.memory_space<vmem>>) dst(%dma_wait3A_278 : memref<32x128xf32, #tpu.memory_space<vmem_shared>>)
      tpu.yield
    }) : () -> ()
    %mul3A_127 = arith.constant 640 : i32
    %mul3A_128 = arith.muli %arg1, %mul3A_127 : i32
    %add3A_129 = arith.constant 384 : i32
    %add3A_130 = arith.addi %mul3A_128, %add3A_129 : i32
    "tpu.region"() ({
      %run_scoped3A = tpu.sem_alloc : memref<!tpu.dma_semaphore, #tpu.memory_space<semaphore_mem>>
      %dma_start3A_271 = arith.constant 0 : i32
      %dma_start3A_272 = tpu.memref_slice %arg27[%add3A_130, %dma_start3A_271] : memref<10240x128xf32, #tpu.memory_space<vmem_shared>> -> memref<32x128xf32, #tpu.memory_space<vmem_shared>>
      %dma_start3A_273 = arith.constant 0 : i32
      %dma_start3A_274 = tpu.memref_slice %arg27[%add3A_130, %dma_start3A_273] : memref<10240x128xf32, #tpu.memory_space<vmem_shared>> -> memref<32x128xf32, #tpu.memory_space<vmem_shared>>
      tpu.enqueue_dma source(%arg26 : memref<32x128xf32, #tpu.memory_space<vmem>>) target(%dma_start3A_274 : memref<32x128xf32, #tpu.memory_space<vmem_shared>>) target_semaphore(%run_scoped3A : memref<!tpu.dma_semaphore, #tpu.memory_space<semaphore_mem>>)
      %dma_wait3A_275 = arith.constant 0 : i32
      %dma_wait3A_276 = tpu.memref_slice %arg27[%add3A_130, %dma_wait3A_275] : memref<10240x128xf32, #tpu.memory_space<vmem_shared>> -> memref<32x128xf32, #tpu.memory_space<vmem_shared>>
      %dma_wait3A_277 = arith.constant 0 : i32
      %dma_wait3A_278 = tpu.memref_slice %arg27[%add3A_130, %dma_wait3A_277] : memref<10240x128xf32, #tpu.memory_space<vmem_shared>> -> memref<32x128xf32, #tpu.memory_space<vmem_shared>>
      tpu.wait_dma2 semaphore(%run_scoped3A : memref<!tpu.dma_semaphore, #tpu.memory_space<semaphore_mem>>) src(%arg26 : memref<32x128xf32, #tpu.memory_space<vmem>>) dst(%dma_wait3A_278 : memref<32x128xf32, #tpu.memory_space<vmem_shared>>)
      tpu.yield
    }) : () -> ()
    %mul3A_131 = arith.constant 640 : i32
    %mul3A_132 = arith.muli %arg1, %mul3A_131 : i32
    %add3A_133 = arith.constant 416 : i32
    %add3A_134 = arith.addi %mul3A_132, %add3A_133 : i32
    "tpu.region"() ({
      %run_scoped3A = tpu.sem_alloc : memref<!tpu.dma_semaphore, #tpu.memory_space<semaphore_mem>>
      %dma_start3A_271 = arith.constant 0 : i32
      %dma_start3A_272 = tpu.memref_slice %arg27[%add3A_134, %dma_start3A_271] : memref<10240x128xf32, #tpu.memory_space<vmem_shared>> -> memref<32x128xf32, #tpu.memory_space<vmem_shared>>
      %dma_start3A_273 = arith.constant 0 : i32
      %dma_start3A_274 = tpu.memref_slice %arg27[%add3A_134, %dma_start3A_273] : memref<10240x128xf32, #tpu.memory_space<vmem_shared>> -> memref<32x128xf32, #tpu.memory_space<vmem_shared>>
      tpu.enqueue_dma source(%arg26 : memref<32x128xf32, #tpu.memory_space<vmem>>) target(%dma_start3A_274 : memref<32x128xf32, #tpu.memory_space<vmem_shared>>) target_semaphore(%run_scoped3A : memref<!tpu.dma_semaphore, #tpu.memory_space<semaphore_mem>>)
      %dma_wait3A_275 = arith.constant 0 : i32
      %dma_wait3A_276 = tpu.memref_slice %arg27[%add3A_134, %dma_wait3A_275] : memref<10240x128xf32, #tpu.memory_space<vmem_shared>> -> memref<32x128xf32, #tpu.memory_space<vmem_shared>>
      %dma_wait3A_277 = arith.constant 0 : i32
      %dma_wait3A_278 = tpu.memref_slice %arg27[%add3A_134, %dma_wait3A_277] : memref<10240x128xf32, #tpu.memory_space<vmem_shared>> -> memref<32x128xf32, #tpu.memory_space<vmem_shared>>
      tpu.wait_dma2 semaphore(%run_scoped3A : memref<!tpu.dma_semaphore, #tpu.memory_space<semaphore_mem>>) src(%arg26 : memref<32x128xf32, #tpu.memory_space<vmem>>) dst(%dma_wait3A_278 : memref<32x128xf32, #tpu.memory_space<vmem_shared>>)
      tpu.yield
    }) : () -> ()
    %mul3A_135 = arith.constant 640 : i32
    %mul3A_136 = arith.muli %arg1, %mul3A_135 : i32
    %add3A_137 = arith.constant 448 : i32
    %add3A_138 = arith.addi %mul3A_136, %add3A_137 : i32
    "tpu.region"() ({
      %run_scoped3A = tpu.sem_alloc : memref<!tpu.dma_semaphore, #tpu.memory_space<semaphore_mem>>
      %dma_start3A_271 = arith.constant 0 : i32
      %dma_start3A_272 = tpu.memref_slice %arg27[%add3A_138, %dma_start3A_271] : memref<10240x128xf32, #tpu.memory_space<vmem_shared>> -> memref<32x128xf32, #tpu.memory_space<vmem_shared>>
      %dma_start3A_273 = arith.constant 0 : i32
      %dma_start3A_274 = tpu.memref_slice %arg27[%add3A_138, %dma_start3A_273] : memref<10240x128xf32, #tpu.memory_space<vmem_shared>> -> memref<32x128xf32, #tpu.memory_space<vmem_shared>>
      tpu.enqueue_dma source(%arg26 : memref<32x128xf32, #tpu.memory_space<vmem>>) target(%dma_start3A_274 : memref<32x128xf32, #tpu.memory_space<vmem_shared>>) target_semaphore(%run_scoped3A : memref<!tpu.dma_semaphore, #tpu.memory_space<semaphore_mem>>)
      %dma_wait3A_275 = arith.constant 0 : i32
      %dma_wait3A_276 = tpu.memref_slice %arg27[%add3A_138, %dma_wait3A_275] : memref<10240x128xf32, #tpu.memory_space<vmem_shared>> -> memref<32x128xf32, #tpu.memory_space<vmem_shared>>
      %dma_wait3A_277 = arith.constant 0 : i32
      %dma_wait3A_278 = tpu.memref_slice %arg27[%add3A_138, %dma_wait3A_277] : memref<10240x128xf32, #tpu.memory_space<vmem_shared>> -> memref<32x128xf32, #tpu.memory_space<vmem_shared>>
      tpu.wait_dma2 semaphore(%run_scoped3A : memref<!tpu.dma_semaphore, #tpu.memory_space<semaphore_mem>>) src(%arg26 : memref<32x128xf32, #tpu.memory_space<vmem>>) dst(%dma_wait3A_278 : memref<32x128xf32, #tpu.memory_space<vmem_shared>>)
      tpu.yield
    }) : () -> ()
    %mul3A_139 = arith.constant 640 : i32
    %mul3A_140 = arith.muli %arg1, %mul3A_139 : i32
    %add3A_141 = arith.constant 480 : i32
    %add3A_142 = arith.addi %mul3A_140, %add3A_141 : i32
    "tpu.region"() ({
      %run_scoped3A = tpu.sem_alloc : memref<!tpu.dma_semaphore, #tpu.memory_space<semaphore_mem>>
      %dma_start3A_271 = arith.constant 0 : i32
      %dma_start3A_272 = tpu.memref_slice %arg27[%add3A_142, %dma_start3A_271] : memref<10240x128xf32, #tpu.memory_space<vmem_shared>> -> memref<32x128xf32, #tpu.memory_space<vmem_shared>>
      %dma_start3A_273 = arith.constant 0 : i32
      %dma_start3A_274 = tpu.memref_slice %arg27[%add3A_142, %dma_start3A_273] : memref<10240x128xf32, #tpu.memory_space<vmem_shared>> -> memref<32x128xf32, #tpu.memory_space<vmem_shared>>
      tpu.enqueue_dma source(%arg26 : memref<32x128xf32, #tpu.memory_space<vmem>>) target(%dma_start3A_274 : memref<32x128xf32, #tpu.memory_space<vmem_shared>>) target_semaphore(%run_scoped3A : memref<!tpu.dma_semaphore, #tpu.memory_space<semaphore_mem>>)
      %dma_wait3A_275 = arith.constant 0 : i32
      %dma_wait3A_276 = tpu.memref_slice %arg27[%add3A_142, %dma_wait3A_275] : memref<10240x128xf32, #tpu.memory_space<vmem_shared>> -> memref<32x128xf32, #tpu.memory_space<vmem_shared>>
      %dma_wait3A_277 = arith.constant 0 : i32
      %dma_wait3A_278 = tpu.memref_slice %arg27[%add3A_142, %dma_wait3A_277] : memref<10240x128xf32, #tpu.memory_space<vmem_shared>> -> memref<32x128xf32, #tpu.memory_space<vmem_shared>>
      tpu.wait_dma2 semaphore(%run_scoped3A : memref<!tpu.dma_semaphore, #tpu.memory_space<semaphore_mem>>) src(%arg26 : memref<32x128xf32, #tpu.memory_space<vmem>>) dst(%dma_wait3A_278 : memref<32x128xf32, #tpu.memory_space<vmem_shared>>)
      tpu.yield
    }) : () -> ()
    %mul3A_143 = arith.constant 640 : i32
    %mul3A_144 = arith.muli %arg1, %mul3A_143 : i32
    %add3A_145 = arith.constant 512 : i32
    %add3A_146 = arith.addi %mul3A_144, %add3A_145 : i32
    "tpu.region"() ({
      %run_scoped3A = tpu.sem_alloc : memref<!tpu.dma_semaphore, #tpu.memory_space<semaphore_mem>>
      %dma_start3A_271 = arith.constant 0 : i32
      %dma_start3A_272 = tpu.memref_slice %arg27[%add3A_146, %dma_start3A_271] : memref<10240x128xf32, #tpu.memory_space<vmem_shared>> -> memref<32x128xf32, #tpu.memory_space<vmem_shared>>
      %dma_start3A_273 = arith.constant 0 : i32
      %dma_start3A_274 = tpu.memref_slice %arg27[%add3A_146, %dma_start3A_273] : memref<10240x128xf32, #tpu.memory_space<vmem_shared>> -> memref<32x128xf32, #tpu.memory_space<vmem_shared>>
      tpu.enqueue_dma source(%arg26 : memref<32x128xf32, #tpu.memory_space<vmem>>) target(%dma_start3A_274 : memref<32x128xf32, #tpu.memory_space<vmem_shared>>) target_semaphore(%run_scoped3A : memref<!tpu.dma_semaphore, #tpu.memory_space<semaphore_mem>>)
      %dma_wait3A_275 = arith.constant 0 : i32
      %dma_wait3A_276 = tpu.memref_slice %arg27[%add3A_146, %dma_wait3A_275] : memref<10240x128xf32, #tpu.memory_space<vmem_shared>> -> memref<32x128xf32, #tpu.memory_space<vmem_shared>>
      %dma_wait3A_277 = arith.constant 0 : i32
      %dma_wait3A_278 = tpu.memref_slice %arg27[%add3A_146, %dma_wait3A_277] : memref<10240x128xf32, #tpu.memory_space<vmem_shared>> -> memref<32x128xf32, #tpu.memory_space<vmem_shared>>
      tpu.wait_dma2 semaphore(%run_scoped3A : memref<!tpu.dma_semaphore, #tpu.memory_space<semaphore_mem>>) src(%arg26 : memref<32x128xf32, #tpu.memory_space<vmem>>) dst(%dma_wait3A_278 : memref<32x128xf32, #tpu.memory_space<vmem_shared>>)
      tpu.yield
    }) : () -> ()
    %mul3A_147 = arith.constant 640 : i32
    %mul3A_148 = arith.muli %arg1, %mul3A_147 : i32
    %add3A_149 = arith.constant 544 : i32
    %add3A_150 = arith.addi %mul3A_148, %add3A_149 : i32
    "tpu.region"() ({
      %run_scoped3A = tpu.sem_alloc : memref<!tpu.dma_semaphore, #tpu.memory_space<semaphore_mem>>
      %dma_start3A_271 = arith.constant 0 : i32
      %dma_start3A_272 = tpu.memref_slice %arg27[%add3A_150, %dma_start3A_271] : memref<10240x128xf32, #tpu.memory_space<vmem_shared>> -> memref<32x128xf32, #tpu.memory_space<vmem_shared>>
      %dma_start3A_273 = arith.constant 0 : i32
      %dma_start3A_274 = tpu.memref_slice %arg27[%add3A_150, %dma_start3A_273] : memref<10240x128xf32, #tpu.memory_space<vmem_shared>> -> memref<32x128xf32, #tpu.memory_space<vmem_shared>>
      tpu.enqueue_dma source(%arg26 : memref<32x128xf32, #tpu.memory_space<vmem>>) target(%dma_start3A_274 : memref<32x128xf32, #tpu.memory_space<vmem_shared>>) target_semaphore(%run_scoped3A : memref<!tpu.dma_semaphore, #tpu.memory_space<semaphore_mem>>)
      %dma_wait3A_275 = arith.constant 0 : i32
      %dma_wait3A_276 = tpu.memref_slice %arg27[%add3A_150, %dma_wait3A_275] : memref<10240x128xf32, #tpu.memory_space<vmem_shared>> -> memref<32x128xf32, #tpu.memory_space<vmem_shared>>
      %dma_wait3A_277 = arith.constant 0 : i32
      %dma_wait3A_278 = tpu.memref_slice %arg27[%add3A_150, %dma_wait3A_277] : memref<10240x128xf32, #tpu.memory_space<vmem_shared>> -> memref<32x128xf32, #tpu.memory_space<vmem_shared>>
      tpu.wait_dma2 semaphore(%run_scoped3A : memref<!tpu.dma_semaphore, #tpu.memory_space<semaphore_mem>>) src(%arg26 : memref<32x128xf32, #tpu.memory_space<vmem>>) dst(%dma_wait3A_278 : memref<32x128xf32, #tpu.memory_space<vmem_shared>>)
      tpu.yield
    }) : () -> ()
    %mul3A_151 = arith.constant 640 : i32
    %mul3A_152 = arith.muli %arg1, %mul3A_151 : i32
    %add3A_153 = arith.constant 576 : i32
    %add3A_154 = arith.addi %mul3A_152, %add3A_153 : i32
    "tpu.region"() ({
      %run_scoped3A = tpu.sem_alloc : memref<!tpu.dma_semaphore, #tpu.memory_space<semaphore_mem>>
      %dma_start3A_271 = arith.constant 0 : i32
      %dma_start3A_272 = tpu.memref_slice %arg27[%add3A_154, %dma_start3A_271] : memref<10240x128xf32, #tpu.memory_space<vmem_shared>> -> memref<32x128xf32, #tpu.memory_space<vmem_shared>>
      %dma_start3A_273 = arith.constant 0 : i32
      %dma_start3A_274 = tpu.memref_slice %arg27[%add3A_154, %dma_start3A_273] : memref<10240x128xf32, #tpu.memory_space<vmem_shared>> -> memref<32x128xf32, #tpu.memory_space<vmem_shared>>
      tpu.enqueue_dma source(%arg26 : memref<32x128xf32, #tpu.memory_space<vmem>>) target(%dma_start3A_274 : memref<32x128xf32, #tpu.memory_space<vmem_shared>>) target_semaphore(%run_scoped3A : memref<!tpu.dma_semaphore, #tpu.memory_space<semaphore_mem>>)
      %dma_wait3A_275 = arith.constant 0 : i32
      %dma_wait3A_276 = tpu.memref_slice %arg27[%add3A_154, %dma_wait3A_275] : memref<10240x128xf32, #tpu.memory_space<vmem_shared>> -> memref<32x128xf32, #tpu.memory_space<vmem_shared>>
      %dma_wait3A_277 = arith.constant 0 : i32
      %dma_wait3A_278 = tpu.memref_slice %arg27[%add3A_154, %dma_wait3A_277] : memref<10240x128xf32, #tpu.memory_space<vmem_shared>> -> memref<32x128xf32, #tpu.memory_space<vmem_shared>>
      tpu.wait_dma2 semaphore(%run_scoped3A : memref<!tpu.dma_semaphore, #tpu.memory_space<semaphore_mem>>) src(%arg26 : memref<32x128xf32, #tpu.memory_space<vmem>>) dst(%dma_wait3A_278 : memref<32x128xf32, #tpu.memory_space<vmem_shared>>)
      tpu.yield
    }) : () -> ()
    %mul3A_155 = arith.constant 640 : i32
    %mul3A_156 = arith.muli %arg1, %mul3A_155 : i32
    %add3A_157 = arith.constant 608 : i32
    %add3A_158 = arith.addi %mul3A_156, %add3A_157 : i32
    "tpu.region"() ({
      %run_scoped3A = tpu.sem_alloc : memref<!tpu.dma_semaphore, #tpu.memory_space<semaphore_mem>>
      %dma_start3A_271 = arith.constant 0 : i32
      %dma_start3A_272 = tpu.memref_slice %arg27[%add3A_158, %dma_start3A_271] : memref<10240x128xf32, #tpu.memory_space<vmem_shared>> -> memref<32x128xf32, #tpu.memory_space<vmem_shared>>
      %dma_start3A_273 = arith.constant 0 : i32
      %dma_start3A_274 = tpu.memref_slice %arg27[%add3A_158, %dma_start3A_273] : memref<10240x128xf32, #tpu.memory_space<vmem_shared>> -> memref<32x128xf32, #tpu.memory_space<vmem_shared>>
      tpu.enqueue_dma source(%arg26 : memref<32x128xf32, #tpu.memory_space<vmem>>) target(%dma_start3A_274 : memref<32x128xf32, #tpu.memory_space<vmem_shared>>) target_semaphore(%run_scoped3A : memref<!tpu.dma_semaphore, #tpu.memory_space<semaphore_mem>>)
      %dma_wait3A_275 = arith.constant 0 : i32
      %dma_wait3A_276 = tpu.memref_slice %arg27[%add3A_158, %dma_wait3A_275] : memref<10240x128xf32, #tpu.memory_space<vmem_shared>> -> memref<32x128xf32, #tpu.memory_space<vmem_shared>>
      %dma_wait3A_277 = arith.constant 0 : i32
      %dma_wait3A_278 = tpu.memref_slice %arg27[%add3A_158, %dma_wait3A_277] : memref<10240x128xf32, #tpu.memory_space<vmem_shared>> -> memref<32x128xf32, #tpu.memory_space<vmem_shared>>
      tpu.wait_dma2 semaphore(%run_scoped3A : memref<!tpu.dma_semaphore, #tpu.memory_space<semaphore_mem>>) src(%arg26 : memref<32x128xf32, #tpu.memory_space<vmem>>) dst(%dma_wait3A_278 : memref<32x128xf32, #tpu.memory_space<vmem_shared>>)
      tpu.yield
    }) : () -> ()
    %barrier3A = arith.constant 0 : index
    tpu.barrier barrier_id(%barrier3A)
    %scan3A_159 = arith.constant 0 : i32
    %scan3A_160 = arith.constant 15 : i32
    %scan3A_161 = arith.addi %scan3A_159, %scan3A_160 : i32
    %scan3A_162 = arith.constant 1 : i32
    scf.for %scan3A_271 = %scan3A_159 to %scan3A_161 step %scan3A_162  : i32 {
      %mul3A_272 = arith.constant 8 : i32
      %mul3A_273 = arith.muli %scan3A_271, %mul3A_272 : i32
      %add3A_274 = arith.constant 0 : i32
      %add3A_275 = arith.addi %add3A_274, %mul3A_273 : i32
      %add3A_276 = arith.constant 0 : i32
      %add3A_277 = arith.addi %add3A_275, %add3A_276 : i32
      %add3A_278 = arith.constant 3 : i32
      %add3A_279 = arith.addi %add3A_277, %add3A_278 : i32
      %lt3A_280 = arith.constant 125 : i32
      %lt3A_281 = arith.cmpi slt, %add3A_279, %lt3A_280 : i32
      %convert_element_type3A_282 = arith.extui %lt3A_281 : i1 to i32
      %cond3A_283 = arith.constant 0 : i32
      %cond3A_284 = arith.cmpi ne, %convert_element_type3A_282, %cond3A_283 : i32
      scf.if %cond3A_284 {
        %add3A_428 = arith.constant 3 : i32
        %add3A_429 = arith.addi %add3A_277, %add3A_428 : i32
        %mul3A_430 = arith.constant 80 : i32
        %mul3A_431 = arith.muli %add3A_429, %mul3A_430 : i32
        %add3A_432 = arith.addi %mul3A_2, %mul3A_431 : i32
        %dma_wait3A_433 = tpu.memref_slice %arg3[%add3A_432] : memref<320000xi32, #tpu.memory_space<hbm>> -> memref<80xi32, #tpu.memory_space<hbm>>
        %dma_wait3A_434 = tpu.memref_slice %arg3[%add3A_432] : memref<320000xi32, #tpu.memory_space<hbm>> -> memref<80xi32, #tpu.memory_space<hbm>>
        tpu.wait_dma2 semaphore(%arg31 : memref<!tpu.dma_semaphore, #tpu.memory_space<semaphore_mem>>) src(%dma_wait3A_434 : memref<80xi32, #tpu.memory_space<hbm>>) dst(%arg9 : memref<80xi32, #tpu.memory_space<vmem>>)
        %mul3A_435 = arith.constant 80 : i32
        %mul3A_436 = arith.muli %add3A_429, %mul3A_435 : i32
        %add3A_437 = arith.addi %mul3A_2, %mul3A_436 : i32
        %dma_wait3A_438 = tpu.memref_slice %arg4[%add3A_437] : memref<320000xi32, #tpu.memory_space<hbm>> -> memref<80xi32, #tpu.memory_space<hbm>>
        %dma_wait3A_439 = tpu.memref_slice %arg4[%add3A_437] : memref<320000xi32, #tpu.memory_space<hbm>> -> memref<80xi32, #tpu.memory_space<hbm>>
        tpu.wait_dma2 semaphore(%arg31 : memref<!tpu.dma_semaphore, #tpu.memory_space<semaphore_mem>>) src(%dma_wait3A_439 : memref<80xi32, #tpu.memory_space<hbm>>) dst(%arg17 : memref<80xi32, #tpu.memory_space<vmem>>)
        %dma_start3A_440 = arith.constant 0 : i32
        %dma_start3A_441 = arith.constant 0 : i32
        %dma_start3A_442 = tpu.memref_slice %arg2[%dma_start3A_440, %dma_start3A_441] : memref<10000x128xf32, #tpu.memory_space<hbm>> -> memref<10000x128xf32, #tpu.memory_space<hbm>>
        tpu.enqueue_indirect_dma source(%dma_start3A_442 : memref<10000x128xf32, #tpu.memory_space<hbm>>) target(%arg25 : memref<80x128xf32, #tpu.memory_space<vmem>>) offsets(%arg9 : memref<80xi32, #tpu.memory_space<vmem>>) semaphore(%arg39 : memref<!tpu.dma_semaphore, #tpu.memory_space<semaphore_mem>>)
      } else {
      }
      %add3A_285 = arith.constant 5 : i32
      %add3A_286 = arith.addi %add3A_277, %add3A_285 : i32
      %lt3A_287 = arith.constant 125 : i32
      %lt3A_288 = arith.cmpi slt, %add3A_286, %lt3A_287 : i32
      %convert_element_type3A_289 = arith.extui %lt3A_288 : i1 to i32
      %cond3A_290 = arith.constant 0 : i32
      %cond3A_291 = arith.cmpi ne, %convert_element_type3A_289, %cond3A_290 : i32
      scf.if %cond3A_291 {
        %add3A_428 = arith.constant 5 : i32
        %add3A_429 = arith.addi %add3A_277, %add3A_428 : i32
        %mul3A_430 = arith.constant 80 : i32
        %mul3A_431 = arith.muli %add3A_429, %mul3A_430 : i32
        %add3A_432 = arith.addi %mul3A_2, %mul3A_431 : i32
        %dma_start3A_433 = tpu.memref_slice %arg3[%add3A_432] : memref<320000xi32, #tpu.memory_space<hbm>> -> memref<80xi32, #tpu.memory_space<hbm>>
        %dma_start3A_434 = tpu.memref_slice %arg3[%add3A_432] : memref<320000xi32, #tpu.memory_space<hbm>> -> memref<80xi32, #tpu.memory_space<hbm>>
        tpu.enqueue_dma source(%dma_start3A_434 : memref<80xi32, #tpu.memory_space<hbm>>) target(%arg11 : memref<80xi32, #tpu.memory_space<vmem>>) target_semaphore(%arg33 : memref<!tpu.dma_semaphore, #tpu.memory_space<semaphore_mem>>)
        %mul3A_435 = arith.constant 80 : i32
        %mul3A_436 = arith.muli %add3A_429, %mul3A_435 : i32
        %add3A_437 = arith.addi %mul3A_2, %mul3A_436 : i32
        %dma_start3A_438 = tpu.memref_slice %arg4[%add3A_437] : memref<320000xi32, #tpu.memory_space<hbm>> -> memref<80xi32, #tpu.memory_space<hbm>>
        %dma_start3A_439 = tpu.memref_slice %arg4[%add3A_437] : memref<320000xi32, #tpu.memory_space<hbm>> -> memref<80xi32, #tpu.memory_space<hbm>>
        tpu.enqueue_dma source(%dma_start3A_439 : memref<80xi32, #tpu.memory_space<hbm>>) target(%arg19 : memref<80xi32, #tpu.memory_space<vmem>>) target_semaphore(%arg33 : memref<!tpu.dma_semaphore, #tpu.memory_space<semaphore_mem>>)
      } else {
      }
      %dma_wait3A_292 = arith.constant 0 : i32
      %dma_wait3A_293 = arith.constant 0 : i32
      %dma_wait3A_294 = tpu.memref_slice %arg2[%dma_wait3A_292, %dma_wait3A_293] : memref<10000x128xf32, #tpu.memory_space<hbm>> -> memref<10000x128xf32, #tpu.memory_space<hbm>>
      tpu.wait_indirect_dma semaphore(%arg36 : memref<!tpu.dma_semaphore, #tpu.memory_space<semaphore_mem>>) src(%dma_wait3A_294 : memref<10000x128xf32, #tpu.memory_space<hbm>>) dst(%arg22 : memref<80x128xf32, #tpu.memory_space<vmem>>)
      "tpu.region"() ({
        %run_scoped3A = tpu.sem_alloc : memref<!tpu.dma_semaphore, #tpu.memory_space<semaphore_mem>>
        %dma_start3A_428 = arith.constant 0 : i32
        %dma_start3A_429 = arith.constant 0 : i32
        %dma_start3A_430 = tpu.memref_slice %arg27[%dma_start3A_428, %dma_start3A_429] : memref<10240x128xf32, #tpu.memory_space<vmem_shared>> -> memref<10240x128xf32, #tpu.memory_space<vmem_shared>>
        tpu.enqueue_indirect_dma source(%arg22 : memref<80x128xf32, #tpu.memory_space<vmem>>) target(%dma_start3A_430 : memref<10240x128xf32, #tpu.memory_space<vmem_shared>>) offsets(%arg14 : memref<80xi32, #tpu.memory_space<vmem>>) semaphore(%run_scoped3A : memref<!tpu.dma_semaphore, #tpu.memory_space<semaphore_mem>>) {add = true}
        %dma_wait3A_431 = arith.constant 0 : i32
        %dma_wait3A_432 = arith.constant 0 : i32
        %dma_wait3A_433 = tpu.memref_slice %arg27[%dma_wait3A_431, %dma_wait3A_432] : memref<10240x128xf32, #tpu.memory_space<vmem_shared>> -> memref<10240x128xf32, #tpu.memory_space<vmem_shared>>
        tpu.wait_indirect_dma semaphore(%run_scoped3A : memref<!tpu.dma_semaphore, #tpu.memory_space<semaphore_mem>>) src(%arg22 : memref<80x128xf32, #tpu.memory_space<vmem>>) dst(%dma_wait3A_433 : memref<10240x128xf32, #tpu.memory_space<vmem_shared>>)
        tpu.yield
      }) : () -> ()
      %add3A_295 = arith.constant 1 : i32
      %add3A_296 = arith.addi %add3A_275, %add3A_295 : i32
      %add3A_297 = arith.constant 3 : i32
      %add3A_298 = arith.addi %add3A_296, %add3A_297 : i32
      %lt3A_299 = arith.constant 125 : i32
      %lt3A_300 = arith.cmpi slt, %add3A_298, %lt3A_299 : i32
      %convert_element_type3A_301 = arith.extui %lt3A_300 : i1 to i32
      %cond3A_302 = arith.constant 0 : i32
      %cond3A_303 = arith.cmpi ne, %convert_element_type3A_301, %cond3A_302 : i32
      scf.if %cond3A_303 {
        %add3A_428 = arith.constant 3 : i32
        %add3A_429 = arith.addi %add3A_296, %add3A_428 : i32
        %mul3A_430 = arith.constant 80 : i32
        %mul3A_431 = arith.muli %add3A_429, %mul3A_430 : i32
        %add3A_432 = arith.addi %mul3A_2, %mul3A_431 : i32
        %dma_wait3A_433 = tpu.memref_slice %arg3[%add3A_432] : memref<320000xi32, #tpu.memory_space<hbm>> -> memref<80xi32, #tpu.memory_space<hbm>>
        %dma_wait3A_434 = tpu.memref_slice %arg3[%add3A_432] : memref<320000xi32, #tpu.memory_space<hbm>> -> memref<80xi32, #tpu.memory_space<hbm>>
        tpu.wait_dma2 semaphore(%arg32 : memref<!tpu.dma_semaphore, #tpu.memory_space<semaphore_mem>>) src(%dma_wait3A_434 : memref<80xi32, #tpu.memory_space<hbm>>) dst(%arg10 : memref<80xi32, #tpu.memory_space<vmem>>)
        %mul3A_435 = arith.constant 80 : i32
        %mul3A_436 = arith.muli %add3A_429, %mul3A_435 : i32
        %add3A_437 = arith.addi %mul3A_2, %mul3A_436 : i32
        %dma_wait3A_438 = tpu.memref_slice %arg4[%add3A_437] : memref<320000xi32, #tpu.memory_space<hbm>> -> memref<80xi32, #tpu.memory_space<hbm>>
        %dma_wait3A_439 = tpu.memref_slice %arg4[%add3A_437] : memref<320000xi32, #tpu.memory_space<hbm>> -> memref<80xi32, #tpu.memory_space<hbm>>
        tpu.wait_dma2 semaphore(%arg32 : memref<!tpu.dma_semaphore, #tpu.memory_space<semaphore_mem>>) src(%dma_wait3A_439 : memref<80xi32, #tpu.memory_space<hbm>>) dst(%arg18 : memref<80xi32, #tpu.memory_space<vmem>>)
        %dma_start3A_440 = arith.constant 0 : i32
        %dma_start3A_441 = arith.constant 0 : i32
        %dma_start3A_442 = tpu.memref_slice %arg2[%dma_start3A_440, %dma_start3A_441] : memref<10000x128xf32, #tpu.memory_space<hbm>> -> memref<10000x128xf32, #tpu.memory_space<hbm>>
        tpu.enqueue_indirect_dma source(%dma_start3A_442 : memref<10000x128xf32, #tpu.memory_space<hbm>>) target(%arg22 : memref<80x128xf32, #tpu.memory_space<vmem>>) offsets(%arg10 : memref<80xi32, #tpu.memory_space<vmem>>) semaphore(%arg36 : memref<!tpu.dma_semaphore, #tpu.memory_space<semaphore_mem>>)
      } else {
      }
      %add3A_304 = arith.constant 5 : i32
      %add3A_305 = arith.addi %add3A_296, %add3A_304 : i32
      %lt3A_306 = arith.constant 125 : i32
      %lt3A_307 = arith.cmpi slt, %add3A_305, %lt3A_306 : i32
      %convert_element_type3A_308 = arith.extui %lt3A_307 : i1 to i32
      %cond3A_309 = arith.constant 0 : i32
      %cond3A_310 = arith.cmpi ne, %convert_element_type3A_308, %cond3A_309 : i32
      scf.if %cond3A_310 {
        %add3A_428 = arith.constant 5 : i32
        %add3A_429 = arith.addi %add3A_296, %add3A_428 : i32
        %mul3A_430 = arith.constant 80 : i32
        %mul3A_431 = arith.muli %add3A_429, %mul3A_430 : i32
        %add3A_432 = arith.addi %mul3A_2, %mul3A_431 : i32
        %dma_start3A_433 = tpu.memref_slice %arg3[%add3A_432] : memref<320000xi32, #tpu.memory_space<hbm>> -> memref<80xi32, #tpu.memory_space<hbm>>
        %dma_start3A_434 = tpu.memref_slice %arg3[%add3A_432] : memref<320000xi32, #tpu.memory_space<hbm>> -> memref<80xi32, #tpu.memory_space<hbm>>
        tpu.enqueue_dma source(%dma_start3A_434 : memref<80xi32, #tpu.memory_space<hbm>>) target(%arg12 : memref<80xi32, #tpu.memory_space<vmem>>) target_semaphore(%arg34 : memref<!tpu.dma_semaphore, #tpu.memory_space<semaphore_mem>>)
        %mul3A_435 = arith.constant 80 : i32
        %mul3A_436 = arith.muli %add3A_429, %mul3A_435 : i32
        %add3A_437 = arith.addi %mul3A_2, %mul3A_436 : i32
        %dma_start3A_438 = tpu.memref_slice %arg4[%add3A_437] : memref<320000xi32, #tpu.memory_space<hbm>> -> memref<80xi32, #tpu.memory_space<hbm>>
        %dma_start3A_439 = tpu.memref_slice %arg4[%add3A_437] : memref<320000xi32, #tpu.memory_space<hbm>> -> memref<80xi32, #tpu.memory_space<hbm>>
        tpu.enqueue_dma source(%dma_start3A_439 : memref<80xi32, #tpu.memory_space<hbm>>) target(%arg20 : memref<80xi32, #tpu.memory_space<vmem>>) target_semaphore(%arg34 : memref<!tpu.dma_semaphore, #tpu.memory_space<semaphore_mem>>)
      } else {
      }
      %dma_wait3A_311 = arith.constant 0 : i32
      %dma_wait3A_312 = arith.constant 0 : i32
      %dma_wait3A_313 = tpu.memref_slice %arg2[%dma_wait3A_311, %dma_wait3A_312] : memref<10000x128xf32, #tpu.memory_space<hbm>> -> memref<10000x128xf32, #tpu.memory_space<hbm>>
      tpu.wait_indirect_dma semaphore(%arg37 : memref<!tpu.dma_semaphore, #tpu.memory_space<semaphore_mem>>) src(%dma_wait3A_313 : memref<10000x128xf32, #tpu.memory_space<hbm>>) dst(%arg23 : memref<80x128xf32, #tpu.memory_space<vmem>>)
      "tpu.region"() ({
        %run_scoped3A = tpu.sem_alloc : memref<!tpu.dma_semaphore, #tpu.memory_space<semaphore_mem>>
        %dma_start3A_428 = arith.constant 0 : i32
        %dma_start3A_429 = arith.constant 0 : i32
        %dma_start3A_430 = tpu.memref_slice %arg27[%dma_start3A_428, %dma_start3A_429] : memref<10240x128xf32, #tpu.memory_space<vmem_shared>> -> memref<10240x128xf32, #tpu.memory_space<vmem_shared>>
        tpu.enqueue_indirect_dma source(%arg23 : memref<80x128xf32, #tpu.memory_space<vmem>>) target(%dma_start3A_430 : memref<10240x128xf32, #tpu.memory_space<vmem_shared>>) offsets(%arg15 : memref<80xi32, #tpu.memory_space<vmem>>) semaphore(%run_scoped3A : memref<!tpu.dma_semaphore, #tpu.memory_space<semaphore_mem>>) {add = true}
        %dma_wait3A_431 = arith.constant 0 : i32
        %dma_wait3A_432 = arith.constant 0 : i32
        %dma_wait3A_433 = tpu.memref_slice %arg27[%dma_wait3A_431, %dma_wait3A_432] : memref<10240x128xf32, #tpu.memory_space<vmem_shared>> -> memref<10240x128xf32, #tpu.memory_space<vmem_shared>>
        tpu.wait_indirect_dma semaphore(%run_scoped3A : memref<!tpu.dma_semaphore, #tpu.memory_space<semaphore_mem>>) src(%arg23 : memref<80x128xf32, #tpu.memory_space<vmem>>) dst(%dma_wait3A_433 : memref<10240x128xf32, #tpu.memory_space<vmem_shared>>)
        tpu.yield
      }) : () -> ()
      %add3A_314 = arith.constant 2 : i32
      %add3A_315 = arith.addi %add3A_275, %add3A_314 : i32
      %add3A_316 = arith.constant 3 : i32
      %add3A_317 = arith.addi %add3A_315, %add3A_316 : i32
      %lt3A_318 = arith.constant 125 : i32
      %lt3A_319 = arith.cmpi slt, %add3A_317, %lt3A_318 : i32
      %convert_element_type3A_320 = arith.extui %lt3A_319 : i1 to i32
      %cond3A_321 = arith.constant 0 : i32
      %cond3A_322 = arith.cmpi ne, %convert_element_type3A_320, %cond3A_321 : i32
      scf.if %cond3A_322 {
        %add3A_428 = arith.constant 3 : i32
        %add3A_429 = arith.addi %add3A_315, %add3A_428 : i32
        %mul3A_430 = arith.constant 80 : i32
        %mul3A_431 = arith.muli %add3A_429, %mul3A_430 : i32
        %add3A_432 = arith.addi %mul3A_2, %mul3A_431 : i32
        %dma_wait3A_433 = tpu.memref_slice %arg3[%add3A_432] : memref<320000xi32, #tpu.memory_space<hbm>> -> memref<80xi32, #tpu.memory_space<hbm>>
        %dma_wait3A_434 = tpu.memref_slice %arg3[%add3A_432] : memref<320000xi32, #tpu.memory_space<hbm>> -> memref<80xi32, #tpu.memory_space<hbm>>
        tpu.wait_dma2 semaphore(%arg33 : memref<!tpu.dma_semaphore, #tpu.memory_space<semaphore_mem>>) src(%dma_wait3A_434 : memref<80xi32, #tpu.memory_space<hbm>>) dst(%arg11 : memref<80xi32, #tpu.memory_space<vmem>>)
        %mul3A_435 = arith.constant 80 : i32
        %mul3A_436 = arith.muli %add3A_429, %mul3A_435 : i32
        %add3A_437 = arith.addi %mul3A_2, %mul3A_436 : i32
        %dma_wait3A_438 = tpu.memref_slice %arg4[%add3A_437] : memref<320000xi32, #tpu.memory_space<hbm>> -> memref<80xi32, #tpu.memory_space<hbm>>
        %dma_wait3A_439 = tpu.memref_slice %arg4[%add3A_437] : memref<320000xi32, #tpu.memory_space<hbm>> -> memref<80xi32, #tpu.memory_space<hbm>>
        tpu.wait_dma2 semaphore(%arg33 : memref<!tpu.dma_semaphore, #tpu.memory_space<semaphore_mem>>) src(%dma_wait3A_439 : memref<80xi32, #tpu.memory_space<hbm>>) dst(%arg19 : memref<80xi32, #tpu.memory_space<vmem>>)
        %dma_start3A_440 = arith.constant 0 : i32
        %dma_start3A_441 = arith.constant 0 : i32
        %dma_start3A_442 = tpu.memref_slice %arg2[%dma_start3A_440, %dma_start3A_441] : memref<10000x128xf32, #tpu.memory_space<hbm>> -> memref<10000x128xf32, #tpu.memory_space<hbm>>
        tpu.enqueue_indirect_dma source(%dma_start3A_442 : memref<10000x128xf32, #tpu.memory_space<hbm>>) target(%arg23 : memref<80x128xf32, #tpu.memory_space<vmem>>) offsets(%arg11 : memref<80xi32, #tpu.memory_space<vmem>>) semaphore(%arg37 : memref<!tpu.dma_semaphore, #tpu.memory_space<semaphore_mem>>)
      } else {
      }
      %add3A_323 = arith.constant 5 : i32
      %add3A_324 = arith.addi %add3A_315, %add3A_323 : i32
      %lt3A_325 = arith.constant 125 : i32
      %lt3A_326 = arith.cmpi slt, %add3A_324, %lt3A_325 : i32
      %convert_element_type3A_327 = arith.extui %lt3A_326 : i1 to i32
      %cond3A_328 = arith.constant 0 : i32
      %cond3A_329 = arith.cmpi ne, %convert_element_type3A_327, %cond3A_328 : i32
      scf.if %cond3A_329 {
        %add3A_428 = arith.constant 5 : i32
        %add3A_429 = arith.addi %add3A_315, %add3A_428 : i32
        %mul3A_430 = arith.constant 80 : i32
        %mul3A_431 = arith.muli %add3A_429, %mul3A_430 : i32
        %add3A_432 = arith.addi %mul3A_2, %mul3A_431 : i32
        %dma_start3A_433 = tpu.memref_slice %arg3[%add3A_432] : memref<320000xi32, #tpu.memory_space<hbm>> -> memref<80xi32, #tpu.memory_space<hbm>>
        %dma_start3A_434 = tpu.memref_slice %arg3[%add3A_432] : memref<320000xi32, #tpu.memory_space<hbm>> -> memref<80xi32, #tpu.memory_space<hbm>>
        tpu.enqueue_dma source(%dma_start3A_434 : memref<80xi32, #tpu.memory_space<hbm>>) target(%arg13 : memref<80xi32, #tpu.memory_space<vmem>>) target_semaphore(%arg35 : memref<!tpu.dma_semaphore, #tpu.memory_space<semaphore_mem>>)
        %mul3A_435 = arith.constant 80 : i32
        %mul3A_436 = arith.muli %add3A_429, %mul3A_435 : i32
        %add3A_437 = arith.addi %mul3A_2, %mul3A_436 : i32
        %dma_start3A_438 = tpu.memref_slice %arg4[%add3A_437] : memref<320000xi32, #tpu.memory_space<hbm>> -> memref<80xi32, #tpu.memory_space<hbm>>
        %dma_start3A_439 = tpu.memref_slice %arg4[%add3A_437] : memref<320000xi32, #tpu.memory_space<hbm>> -> memref<80xi32, #tpu.memory_space<hbm>>
        tpu.enqueue_dma source(%dma_start3A_439 : memref<80xi32, #tpu.memory_space<hbm>>) target(%arg21 : memref<80xi32, #tpu.memory_space<vmem>>) target_semaphore(%arg35 : memref<!tpu.dma_semaphore, #tpu.memory_space<semaphore_mem>>)
      } else {
      }
      %dma_wait3A_330 = arith.constant 0 : i32
      %dma_wait3A_331 = arith.constant 0 : i32
      %dma_wait3A_332 = tpu.memref_slice %arg2[%dma_wait3A_330, %dma_wait3A_331] : memref<10000x128xf32, #tpu.memory_space<hbm>> -> memref<10000x128xf32, #tpu.memory_space<hbm>>
      tpu.wait_indirect_dma semaphore(%arg38 : memref<!tpu.dma_semaphore, #tpu.memory_space<semaphore_mem>>) src(%dma_wait3A_332 : memref<10000x128xf32, #tpu.memory_space<hbm>>) dst(%arg24 : memref<80x128xf32, #tpu.memory_space<vmem>>)
      "tpu.region"() ({
        %run_scoped3A = tpu.sem_alloc : memref<!tpu.dma_semaphore, #tpu.memory_space<semaphore_mem>>
        %dma_start3A_428 = arith.constant 0 : i32
        %dma_start3A_429 = arith.constant 0 : i32
        %dma_start3A_430 = tpu.memref_slice %arg27[%dma_start3A_428, %dma_start3A_429] : memref<10240x128xf32, #tpu.memory_space<vmem_shared>> -> memref<10240x128xf32, #tpu.memory_space<vmem_shared>>
        tpu.enqueue_indirect_dma source(%arg24 : memref<80x128xf32, #tpu.memory_space<vmem>>) target(%dma_start3A_430 : memref<10240x128xf32, #tpu.memory_space<vmem_shared>>) offsets(%arg16 : memref<80xi32, #tpu.memory_space<vmem>>) semaphore(%run_scoped3A : memref<!tpu.dma_semaphore, #tpu.memory_space<semaphore_mem>>) {add = true}
        %dma_wait3A_431 = arith.constant 0 : i32
        %dma_wait3A_432 = arith.constant 0 : i32
        %dma_wait3A_433 = tpu.memref_slice %arg27[%dma_wait3A_431, %dma_wait3A_432] : memref<10240x128xf32, #tpu.memory_space<vmem_shared>> -> memref<10240x128xf32, #tpu.memory_space<vmem_shared>>
        tpu.wait_indirect_dma semaphore(%run_scoped3A : memref<!tpu.dma_semaphore, #tpu.memory_space<semaphore_mem>>) src(%arg24 : memref<80x128xf32, #tpu.memory_space<vmem>>) dst(%dma_wait3A_433 : memref<10240x128xf32, #tpu.memory_space<vmem_shared>>)
        tpu.yield
      }) : () -> ()
      %add3A_333 = arith.constant 3 : i32
      %add3A_334 = arith.addi %add3A_275, %add3A_333 : i32
      %add3A_335 = arith.constant 3 : i32
      %add3A_336 = arith.addi %add3A_334, %add3A_335 : i32
      %lt3A_337 = arith.constant 125 : i32
      %lt3A_338 = arith.cmpi slt, %add3A_336, %lt3A_337 : i32
      %convert_element_type3A_339 = arith.extui %lt3A_338 : i1 to i32
      %cond3A_340 = arith.constant 0 : i32
      %cond3A_341 = arith.cmpi ne, %convert_element_type3A_339, %cond3A_340 : i32
      scf.if %cond3A_341 {
        %add3A_428 = arith.constant 3 : i32
        %add3A_429 = arith.addi %add3A_334, %add3A_428 : i32
        %mul3A_430 = arith.constant 80 : i32
        %mul3A_431 = arith.muli %add3A_429, %mul3A_430 : i32
        %add3A_432 = arith.addi %mul3A_2, %mul3A_431 : i32
        %dma_wait3A_433 = tpu.memref_slice %arg3[%add3A_432] : memref<320000xi32, #tpu.memory_space<hbm>> -> memref<80xi32, #tpu.memory_space<hbm>>
        %dma_wait3A_434 = tpu.memref_slice %arg3[%add3A_432] : memref<320000xi32, #tpu.memory_space<hbm>> -> memref<80xi32, #tpu.memory_space<hbm>>
        tpu.wait_dma2 semaphore(%arg34 : memref<!tpu.dma_semaphore, #tpu.memory_space<semaphore_mem>>) src(%dma_wait3A_434 : memref<80xi32, #tpu.memory_space<hbm>>) dst(%arg12 : memref<80xi32, #tpu.memory_space<vmem>>)
        %mul3A_435 = arith.constant 80 : i32
        %mul3A_436 = arith.muli %add3A_429, %mul3A_435 : i32
        %add3A_437 = arith.addi %mul3A_2, %mul3A_436 : i32
        %dma_wait3A_438 = tpu.memref_slice %arg4[%add3A_437] : memref<320000xi32, #tpu.memory_space<hbm>> -> memref<80xi32, #tpu.memory_space<hbm>>
        %dma_wait3A_439 = tpu.memref_slice %arg4[%add3A_437] : memref<320000xi32, #tpu.memory_space<hbm>> -> memref<80xi32, #tpu.memory_space<hbm>>
        tpu.wait_dma2 semaphore(%arg34 : memref<!tpu.dma_semaphore, #tpu.memory_space<semaphore_mem>>) src(%dma_wait3A_439 : memref<80xi32, #tpu.memory_space<hbm>>) dst(%arg20 : memref<80xi32, #tpu.memory_space<vmem>>)
        %dma_start3A_440 = arith.constant 0 : i32
        %dma_start3A_441 = arith.constant 0 : i32
        %dma_start3A_442 = tpu.memref_slice %arg2[%dma_start3A_440, %dma_start3A_441] : memref<10000x128xf32, #tpu.memory_space<hbm>> -> memref<10000x128xf32, #tpu.memory_space<hbm>>
        tpu.enqueue_indirect_dma source(%dma_start3A_442 : memref<10000x128xf32, #tpu.memory_space<hbm>>) target(%arg24 : memref<80x128xf32, #tpu.memory_space<vmem>>) offsets(%arg12 : memref<80xi32, #tpu.memory_space<vmem>>) semaphore(%arg38 : memref<!tpu.dma_semaphore, #tpu.memory_space<semaphore_mem>>)
      } else {
      }
      %add3A_342 = arith.constant 5 : i32
      %add3A_343 = arith.addi %add3A_334, %add3A_342 : i32
      %lt3A_344 = arith.constant 125 : i32
      %lt3A_345 = arith.cmpi slt, %add3A_343, %lt3A_344 : i32
      %convert_element_type3A_346 = arith.extui %lt3A_345 : i1 to i32
      %cond3A_347 = arith.constant 0 : i32
      %cond3A_348 = arith.cmpi ne, %convert_element_type3A_346, %cond3A_347 : i32
      scf.if %cond3A_348 {
        %add3A_428 = arith.constant 5 : i32
        %add3A_429 = arith.addi %add3A_334, %add3A_428 : i32
        %mul3A_430 = arith.constant 80 : i32
        %mul3A_431 = arith.muli %add3A_429, %mul3A_430 : i32
        %add3A_432 = arith.addi %mul3A_2, %mul3A_431 : i32
        %dma_start3A_433 = tpu.memref_slice %arg3[%add3A_432] : memref<320000xi32, #tpu.memory_space<hbm>> -> memref<80xi32, #tpu.memory_space<hbm>>
        %dma_start3A_434 = tpu.memref_slice %arg3[%add3A_432] : memref<320000xi32, #tpu.memory_space<hbm>> -> memref<80xi32, #tpu.memory_space<hbm>>
        tpu.enqueue_dma source(%dma_start3A_434 : memref<80xi32, #tpu.memory_space<hbm>>) target(%arg6 : memref<80xi32, #tpu.memory_space<vmem>>) target_semaphore(%arg28 : memref<!tpu.dma_semaphore, #tpu.memory_space<semaphore_mem>>)
        %mul3A_435 = arith.constant 80 : i32
        %mul3A_436 = arith.muli %add3A_429, %mul3A_435 : i32
        %add3A_437 = arith.addi %mul3A_2, %mul3A_436 : i32
        %dma_start3A_438 = tpu.memref_slice %arg4[%add3A_437] : memref<320000xi32, #tpu.memory_space<hbm>> -> memref<80xi32, #tpu.memory_space<hbm>>
        %dma_start3A_439 = tpu.memref_slice %arg4[%add3A_437] : memref<320000xi32, #tpu.memory_space<hbm>> -> memref<80xi32, #tpu.memory_space<hbm>>
        tpu.enqueue_dma source(%dma_start3A_439 : memref<80xi32, #tpu.memory_space<hbm>>) target(%arg14 : memref<80xi32, #tpu.memory_space<vmem>>) target_semaphore(%arg28 : memref<!tpu.dma_semaphore, #tpu.memory_space<semaphore_mem>>)
      } else {
      }
      %dma_wait3A_349 = arith.constant 0 : i32
      %dma_wait3A_350 = arith.constant 0 : i32
      %dma_wait3A_351 = tpu.memref_slice %arg2[%dma_wait3A_349, %dma_wait3A_350] : memref<10000x128xf32, #tpu.memory_space<hbm>> -> memref<10000x128xf32, #tpu.memory_space<hbm>>
      tpu.wait_indirect_dma semaphore(%arg39 : memref<!tpu.dma_semaphore, #tpu.memory_space<semaphore_mem>>) src(%dma_wait3A_351 : memref<10000x128xf32, #tpu.memory_space<hbm>>) dst(%arg25 : memref<80x128xf32, #tpu.memory_space<vmem>>)
      "tpu.region"() ({
        %run_scoped3A = tpu.sem_alloc : memref<!tpu.dma_semaphore, #tpu.memory_space<semaphore_mem>>
        %dma_start3A_428 = arith.constant 0 : i32
        %dma_start3A_429 = arith.constant 0 : i32
        %dma_start3A_430 = tpu.memref_slice %arg27[%dma_start3A_428, %dma_start3A_429] : memref<10240x128xf32, #tpu.memory_space<vmem_shared>> -> memref<10240x128xf32, #tpu.memory_space<vmem_shared>>
        tpu.enqueue_indirect_dma source(%arg25 : memref<80x128xf32, #tpu.memory_space<vmem>>) target(%dma_start3A_430 : memref<10240x128xf32, #tpu.memory_space<vmem_shared>>) offsets(%arg17 : memref<80xi32, #tpu.memory_space<vmem>>) semaphore(%run_scoped3A : memref<!tpu.dma_semaphore, #tpu.memory_space<semaphore_mem>>) {add = true}
        %dma_wait3A_431 = arith.constant 0 : i32
        %dma_wait3A_432 = arith.constant 0 : i32
        %dma_wait3A_433 = tpu.memref_slice %arg27[%dma_wait3A_431, %dma_wait3A_432] : memref<10240x128xf32, #tpu.memory_space<vmem_shared>> -> memref<10240x128xf32, #tpu.memory_space<vmem_shared>>
        tpu.wait_indirect_dma semaphore(%run_scoped3A : memref<!tpu.dma_semaphore, #tpu.memory_space<semaphore_mem>>) src(%arg25 : memref<80x128xf32, #tpu.memory_space<vmem>>) dst(%dma_wait3A_433 : memref<10240x128xf32, #tpu.memory_space<vmem_shared>>)
        tpu.yield
      }) : () -> ()
      %add3A_352 = arith.constant 4 : i32
      %add3A_353 = arith.addi %add3A_275, %add3A_352 : i32
      %add3A_354 = arith.constant 3 : i32
      %add3A_355 = arith.addi %add3A_353, %add3A_354 : i32
      %lt3A_356 = arith.constant 125 : i32
      %lt3A_357 = arith.cmpi slt, %add3A_355, %lt3A_356 : i32
      %convert_element_type3A_358 = arith.extui %lt3A_357 : i1 to i32
      %cond3A_359 = arith.constant 0 : i32
      %cond3A_360 = arith.cmpi ne, %convert_element_type3A_358, %cond3A_359 : i32
      scf.if %cond3A_360 {
        %add3A_428 = arith.constant 3 : i32
        %add3A_429 = arith.addi %add3A_353, %add3A_428 : i32
        %mul3A_430 = arith.constant 80 : i32
        %mul3A_431 = arith.muli %add3A_429, %mul3A_430 : i32
        %add3A_432 = arith.addi %mul3A_2, %mul3A_431 : i32
        %dma_wait3A_433 = tpu.memref_slice %arg3[%add3A_432] : memref<320000xi32, #tpu.memory_space<hbm>> -> memref<80xi32, #tpu.memory_space<hbm>>
        %dma_wait3A_434 = tpu.memref_slice %arg3[%add3A_432] : memref<320000xi32, #tpu.memory_space<hbm>> -> memref<80xi32, #tpu.memory_space<hbm>>
        tpu.wait_dma2 semaphore(%arg35 : memref<!tpu.dma_semaphore, #tpu.memory_space<semaphore_mem>>) src(%dma_wait3A_434 : memref<80xi32, #tpu.memory_space<hbm>>) dst(%arg13 : memref<80xi32, #tpu.memory_space<vmem>>)
        %mul3A_435 = arith.constant 80 : i32
        %mul3A_436 = arith.muli %add3A_429, %mul3A_435 : i32
        %add3A_437 = arith.addi %mul3A_2, %mul3A_436 : i32
        %dma_wait3A_438 = tpu.memref_slice %arg4[%add3A_437] : memref<320000xi32, #tpu.memory_space<hbm>> -> memref<80xi32, #tpu.memory_space<hbm>>
        %dma_wait3A_439 = tpu.memref_slice %arg4[%add3A_437] : memref<320000xi32, #tpu.memory_space<hbm>> -> memref<80xi32, #tpu.memory_space<hbm>>
        tpu.wait_dma2 semaphore(%arg35 : memref<!tpu.dma_semaphore, #tpu.memory_space<semaphore_mem>>) src(%dma_wait3A_439 : memref<80xi32, #tpu.memory_space<hbm>>) dst(%arg21 : memref<80xi32, #tpu.memory_space<vmem>>)
        %dma_start3A_440 = arith.constant 0 : i32
        %dma_start3A_441 = arith.constant 0 : i32
        %dma_start3A_442 = tpu.memref_slice %arg2[%dma_start3A_440, %dma_start3A_441] : memref<10000x128xf32, #tpu.memory_space<hbm>> -> memref<10000x128xf32, #tpu.memory_space<hbm>>
        tpu.enqueue_indirect_dma source(%dma_start3A_442 : memref<10000x128xf32, #tpu.memory_space<hbm>>) target(%arg25 : memref<80x128xf32, #tpu.memory_space<vmem>>) offsets(%arg13 : memref<80xi32, #tpu.memory_space<vmem>>) semaphore(%arg39 : memref<!tpu.dma_semaphore, #tpu.memory_space<semaphore_mem>>)
      } else {
      }
      %add3A_361 = arith.constant 5 : i32
      %add3A_362 = arith.addi %add3A_353, %add3A_361 : i32
      %lt3A_363 = arith.constant 125 : i32
      %lt3A_364 = arith.cmpi slt, %add3A_362, %lt3A_363 : i32
      %convert_element_type3A_365 = arith.extui %lt3A_364 : i1 to i32
      %cond3A_366 = arith.constant 0 : i32
      %cond3A_367 = arith.cmpi ne, %convert_element_type3A_365, %cond3A_366 : i32
      scf.if %cond3A_367 {
        %add3A_428 = arith.constant 5 : i32
        %add3A_429 = arith.addi %add3A_353, %add3A_428 : i32
        %mul3A_430 = arith.constant 80 : i32
        %mul3A_431 = arith.muli %add3A_429, %mul3A_430 : i32
        %add3A_432 = arith.addi %mul3A_2, %mul3A_431 : i32
        %dma_start3A_433 = tpu.memref_slice %arg3[%add3A_432] : memref<320000xi32, #tpu.memory_space<hbm>> -> memref<80xi32, #tpu.memory_space<hbm>>
        %dma_start3A_434 = tpu.memref_slice %arg3[%add3A_432] : memref<320000xi32, #tpu.memory_space<hbm>> -> memref<80xi32, #tpu.memory_space<hbm>>
        tpu.enqueue_dma source(%dma_start3A_434 : memref<80xi32, #tpu.memory_space<hbm>>) target(%arg7 : memref<80xi32, #tpu.memory_space<vmem>>) target_semaphore(%arg29 : memref<!tpu.dma_semaphore, #tpu.memory_space<semaphore_mem>>)
        %mul3A_435 = arith.constant 80 : i32
        %mul3A_436 = arith.muli %add3A_429, %mul3A_435 : i32
        %add3A_437 = arith.addi %mul3A_2, %mul3A_436 : i32
        %dma_start3A_438 = tpu.memref_slice %arg4[%add3A_437] : memref<320000xi32, #tpu.memory_space<hbm>> -> memref<80xi32, #tpu.memory_space<hbm>>
        %dma_start3A_439 = tpu.memref_slice %arg4[%add3A_437] : memref<320000xi32, #tpu.memory_space<hbm>> -> memref<80xi32, #tpu.memory_space<hbm>>
        tpu.enqueue_dma source(%dma_start3A_439 : memref<80xi32, #tpu.memory_space<hbm>>) target(%arg15 : memref<80xi32, #tpu.memory_space<vmem>>) target_semaphore(%arg29 : memref<!tpu.dma_semaphore, #tpu.memory_space<semaphore_mem>>)
      } else {
      }
      %dma_wait3A_368 = arith.constant 0 : i32
      %dma_wait3A_369 = arith.constant 0 : i32
      %dma_wait3A_370 = tpu.memref_slice %arg2[%dma_wait3A_368, %dma_wait3A_369] : memref<10000x128xf32, #tpu.memory_space<hbm>> -> memref<10000x128xf32, #tpu.memory_space<hbm>>
      tpu.wait_indirect_dma semaphore(%arg36 : memref<!tpu.dma_semaphore, #tpu.memory_space<semaphore_mem>>) src(%dma_wait3A_370 : memref<10000x128xf32, #tpu.memory_space<hbm>>) dst(%arg22 : memref<80x128xf32, #tpu.memory_space<vmem>>)
      "tpu.region"() ({
        %run_scoped3A = tpu.sem_alloc : memref<!tpu.dma_semaphore, #tpu.memory_space<semaphore_mem>>
        %dma_start3A_428 = arith.constant 0 : i32
        %dma_start3A_429 = arith.constant 0 : i32
        %dma_start3A_430 = tpu.memref_slice %arg27[%dma_start3A_428, %dma_start3A_429] : memref<10240x128xf32, #tpu.memory_space<vmem_shared>> -> memref<10240x128xf32, #tpu.memory_space<vmem_shared>>
        tpu.enqueue_indirect_dma source(%arg22 : memref<80x128xf32, #tpu.memory_space<vmem>>) target(%dma_start3A_430 : memref<10240x128xf32, #tpu.memory_space<vmem_shared>>) offsets(%arg18 : memref<80xi32, #tpu.memory_space<vmem>>) semaphore(%run_scoped3A : memref<!tpu.dma_semaphore, #tpu.memory_space<semaphore_mem>>) {add = true}
        %dma_wait3A_431 = arith.constant 0 : i32
        %dma_wait3A_432 = arith.constant 0 : i32
        %dma_wait3A_433 = tpu.memref_slice %arg27[%dma_wait3A_431, %dma_wait3A_432] : memref<10240x128xf32, #tpu.memory_space<vmem_shared>> -> memref<10240x128xf32, #tpu.memory_space<vmem_shared>>
        tpu.wait_indirect_dma semaphore(%run_scoped3A : memref<!tpu.dma_semaphore, #tpu.memory_space<semaphore_mem>>) src(%arg22 : memref<80x128xf32, #tpu.memory_space<vmem>>) dst(%dma_wait3A_433 : memref<10240x128xf32, #tpu.memory_space<vmem_shared>>)
        tpu.yield
      }) : () -> ()
      %add3A_371 = arith.constant 5 : i32
      %add3A_372 = arith.addi %add3A_275, %add3A_371 : i32
      %add3A_373 = arith.constant 3 : i32
      %add3A_374 = arith.addi %add3A_372, %add3A_373 : i32
      %lt3A_375 = arith.constant 125 : i32
      %lt3A_376 = arith.cmpi slt, %add3A_374, %lt3A_375 : i32
      %convert_element_type3A_377 = arith.extui %lt3A_376 : i1 to i32
      %cond3A_378 = arith.constant 0 : i32
      %cond3A_379 = arith.cmpi ne, %convert_element_type3A_377, %cond3A_378 : i32
      scf.if %cond3A_379 {
        %add3A_428 = arith.constant 3 : i32
        %add3A_429 = arith.addi %add3A_372, %add3A_428 : i32
        %mul3A_430 = arith.constant 80 : i32
        %mul3A_431 = arith.muli %add3A_429, %mul3A_430 : i32
        %add3A_432 = arith.addi %mul3A_2, %mul3A_431 : i32
        %dma_wait3A_433 = tpu.memref_slice %arg3[%add3A_432] : memref<320000xi32, #tpu.memory_space<hbm>> -> memref<80xi32, #tpu.memory_space<hbm>>
        %dma_wait3A_434 = tpu.memref_slice %arg3[%add3A_432] : memref<320000xi32, #tpu.memory_space<hbm>> -> memref<80xi32, #tpu.memory_space<hbm>>
        tpu.wait_dma2 semaphore(%arg28 : memref<!tpu.dma_semaphore, #tpu.memory_space<semaphore_mem>>) src(%dma_wait3A_434 : memref<80xi32, #tpu.memory_space<hbm>>) dst(%arg6 : memref<80xi32, #tpu.memory_space<vmem>>)
        %mul3A_435 = arith.constant 80 : i32
        %mul3A_436 = arith.muli %add3A_429, %mul3A_435 : i32
        %add3A_437 = arith.addi %mul3A_2, %mul3A_436 : i32
        %dma_wait3A_438 = tpu.memref_slice %arg4[%add3A_437] : memref<320000xi32, #tpu.memory_space<hbm>> -> memref<80xi32, #tpu.memory_space<hbm>>
        %dma_wait3A_439 = tpu.memref_slice %arg4[%add3A_437] : memref<320000xi32, #tpu.memory_space<hbm>> -> memref<80xi32, #tpu.memory_space<hbm>>
        tpu.wait_dma2 semaphore(%arg28 : memref<!tpu.dma_semaphore, #tpu.memory_space<semaphore_mem>>) src(%dma_wait3A_439 : memref<80xi32, #tpu.memory_space<hbm>>) dst(%arg14 : memref<80xi32, #tpu.memory_space<vmem>>)
        %dma_start3A_440 = arith.constant 0 : i32
        %dma_start3A_441 = arith.constant 0 : i32
        %dma_start3A_442 = tpu.memref_slice %arg2[%dma_start3A_440, %dma_start3A_441] : memref<10000x128xf32, #tpu.memory_space<hbm>> -> memref<10000x128xf32, #tpu.memory_space<hbm>>
        tpu.enqueue_indirect_dma source(%dma_start3A_442 : memref<10000x128xf32, #tpu.memory_space<hbm>>) target(%arg22 : memref<80x128xf32, #tpu.memory_space<vmem>>) offsets(%arg6 : memref<80xi32, #tpu.memory_space<vmem>>) semaphore(%arg36 : memref<!tpu.dma_semaphore, #tpu.memory_space<semaphore_mem>>)
      } else {
      }
      %add3A_380 = arith.constant 5 : i32
      %add3A_381 = arith.addi %add3A_372, %add3A_380 : i32
      %lt3A_382 = arith.constant 125 : i32
      %lt3A_383 = arith.cmpi slt, %add3A_381, %lt3A_382 : i32
      %convert_element_type3A_384 = arith.extui %lt3A_383 : i1 to i32
      %cond3A_385 = arith.constant 0 : i32
      %cond3A_386 = arith.cmpi ne, %convert_element_type3A_384, %cond3A_385 : i32
      scf.if %cond3A_386 {
        %add3A_428 = arith.constant 5 : i32
        %add3A_429 = arith.addi %add3A_372, %add3A_428 : i32
        %mul3A_430 = arith.constant 80 : i32
        %mul3A_431 = arith.muli %add3A_429, %mul3A_430 : i32
        %add3A_432 = arith.addi %mul3A_2, %mul3A_431 : i32
        %dma_start3A_433 = tpu.memref_slice %arg3[%add3A_432] : memref<320000xi32, #tpu.memory_space<hbm>> -> memref<80xi32, #tpu.memory_space<hbm>>
        %dma_start3A_434 = tpu.memref_slice %arg3[%add3A_432] : memref<320000xi32, #tpu.memory_space<hbm>> -> memref<80xi32, #tpu.memory_space<hbm>>
        tpu.enqueue_dma source(%dma_start3A_434 : memref<80xi32, #tpu.memory_space<hbm>>) target(%arg8 : memref<80xi32, #tpu.memory_space<vmem>>) target_semaphore(%arg30 : memref<!tpu.dma_semaphore, #tpu.memory_space<semaphore_mem>>)
        %mul3A_435 = arith.constant 80 : i32
        %mul3A_436 = arith.muli %add3A_429, %mul3A_435 : i32
        %add3A_437 = arith.addi %mul3A_2, %mul3A_436 : i32
        %dma_start3A_438 = tpu.memref_slice %arg4[%add3A_437] : memref<320000xi32, #tpu.memory_space<hbm>> -> memref<80xi32, #tpu.memory_space<hbm>>
        %dma_start3A_439 = tpu.memref_slice %arg4[%add3A_437] : memref<320000xi32, #tpu.memory_space<hbm>> -> memref<80xi32, #tpu.memory_space<hbm>>
        tpu.enqueue_dma source(%dma_start3A_439 : memref<80xi32, #tpu.memory_space<hbm>>) target(%arg16 : memref<80xi32, #tpu.memory_space<vmem>>) target_semaphore(%arg30 : memref<!tpu.dma_semaphore, #tpu.memory_space<semaphore_mem>>)
      } else {
      }
      %dma_wait3A_387 = arith.constant 0 : i32
      %dma_wait3A_388 = arith.constant 0 : i32
      %dma_wait3A_389 = tpu.memref_slice %arg2[%dma_wait3A_387, %dma_wait3A_388] : memref<10000x128xf32, #tpu.memory_space<hbm>> -> memref<10000x128xf32, #tpu.memory_space<hbm>>
      tpu.wait_indirect_dma semaphore(%arg37 : memref<!tpu.dma_semaphore, #tpu.memory_space<semaphore_mem>>) src(%dma_wait3A_389 : memref<10000x128xf32, #tpu.memory_space<hbm>>) dst(%arg23 : memref<80x128xf32, #tpu.memory_space<vmem>>)
      "tpu.region"() ({
        %run_scoped3A = tpu.sem_alloc : memref<!tpu.dma_semaphore, #tpu.memory_space<semaphore_mem>>
        %dma_start3A_428 = arith.constant 0 : i32
        %dma_start3A_429 = arith.constant 0 : i32
        %dma_start3A_430 = tpu.memref_slice %arg27[%dma_start3A_428, %dma_start3A_429] : memref<10240x128xf32, #tpu.memory_space<vmem_shared>> -> memref<10240x128xf32, #tpu.memory_space<vmem_shared>>
        tpu.enqueue_indirect_dma source(%arg23 : memref<80x128xf32, #tpu.memory_space<vmem>>) target(%dma_start3A_430 : memref<10240x128xf32, #tpu.memory_space<vmem_shared>>) offsets(%arg19 : memref<80xi32, #tpu.memory_space<vmem>>) semaphore(%run_scoped3A : memref<!tpu.dma_semaphore, #tpu.memory_space<semaphore_mem>>) {add = true}
        %dma_wait3A_431 = arith.constant 0 : i32
        %dma_wait3A_432 = arith.constant 0 : i32
        %dma_wait3A_433 = tpu.memref_slice %arg27[%dma_wait3A_431, %dma_wait3A_432] : memref<10240x128xf32, #tpu.memory_space<vmem_shared>> -> memref<10240x128xf32, #tpu.memory_space<vmem_shared>>
        tpu.wait_indirect_dma semaphore(%run_scoped3A : memref<!tpu.dma_semaphore, #tpu.memory_space<semaphore_mem>>) src(%arg23 : memref<80x128xf32, #tpu.memory_space<vmem>>) dst(%dma_wait3A_433 : memref<10240x128xf32, #tpu.memory_space<vmem_shared>>)
        tpu.yield
      }) : () -> ()
      %add3A_390 = arith.constant 6 : i32
      %add3A_391 = arith.addi %add3A_275, %add3A_390 : i32
      %add3A_392 = arith.constant 3 : i32
      %add3A_393 = arith.addi %add3A_391, %add3A_392 : i32
      %lt3A_394 = arith.constant 125 : i32
      %lt3A_395 = arith.cmpi slt, %add3A_393, %lt3A_394 : i32
      %convert_element_type3A_396 = arith.extui %lt3A_395 : i1 to i32
      %cond3A_397 = arith.constant 0 : i32
      %cond3A_398 = arith.cmpi ne, %convert_element_type3A_396, %cond3A_397 : i32
      scf.if %cond3A_398 {
        %add3A_428 = arith.constant 3 : i32
        %add3A_429 = arith.addi %add3A_391, %add3A_428 : i32
        %mul3A_430 = arith.constant 80 : i32
        %mul3A_431 = arith.muli %add3A_429, %mul3A_430 : i32
        %add3A_432 = arith.addi %mul3A_2, %mul3A_431 : i32
        %dma_wait3A_433 = tpu.memref_slice %arg3[%add3A_432] : memref<320000xi32, #tpu.memory_space<hbm>> -> memref<80xi32, #tpu.memory_space<hbm>>
        %dma_wait3A_434 = tpu.memref_slice %arg3[%add3A_432] : memref<320000xi32, #tpu.memory_space<hbm>> -> memref<80xi32, #tpu.memory_space<hbm>>
        tpu.wait_dma2 semaphore(%arg29 : memref<!tpu.dma_semaphore, #tpu.memory_space<semaphore_mem>>) src(%dma_wait3A_434 : memref<80xi32, #tpu.memory_space<hbm>>) dst(%arg7 : memref<80xi32, #tpu.memory_space<vmem>>)
        %mul3A_435 = arith.constant 80 : i32
        %mul3A_436 = arith.muli %add3A_429, %mul3A_435 : i32
        %add3A_437 = arith.addi %mul3A_2, %mul3A_436 : i32
        %dma_wait3A_438 = tpu.memref_slice %arg4[%add3A_437] : memref<320000xi32, #tpu.memory_space<hbm>> -> memref<80xi32, #tpu.memory_space<hbm>>
        %dma_wait3A_439 = tpu.memref_slice %arg4[%add3A_437] : memref<320000xi32, #tpu.memory_space<hbm>> -> memref<80xi32, #tpu.memory_space<hbm>>
        tpu.wait_dma2 semaphore(%arg29 : memref<!tpu.dma_semaphore, #tpu.memory_space<semaphore_mem>>) src(%dma_wait3A_439 : memref<80xi32, #tpu.memory_space<hbm>>) dst(%arg15 : memref<80xi32, #tpu.memory_space<vmem>>)
        %dma_start3A_440 = arith.constant 0 : i32
        %dma_start3A_441 = arith.constant 0 : i32
        %dma_start3A_442 = tpu.memref_slice %arg2[%dma_start3A_440, %dma_start3A_441] : memref<10000x128xf32, #tpu.memory_space<hbm>> -> memref<10000x128xf32, #tpu.memory_space<hbm>>
        tpu.enqueue_indirect_dma source(%dma_start3A_442 : memref<10000x128xf32, #tpu.memory_space<hbm>>) target(%arg23 : memref<80x128xf32, #tpu.memory_space<vmem>>) offsets(%arg7 : memref<80xi32, #tpu.memory_space<vmem>>) semaphore(%arg37 : memref<!tpu.dma_semaphore, #tpu.memory_space<semaphore_mem>>)
      } else {
      }
      %add3A_399 = arith.constant 5 : i32
      %add3A_400 = arith.addi %add3A_391, %add3A_399 : i32
      %lt3A_401 = arith.constant 125 : i32
      %lt3A_402 = arith.cmpi slt, %add3A_400, %lt3A_401 : i32
      %convert_element_type3A_403 = arith.extui %lt3A_402 : i1 to i32
      %cond3A_404 = arith.constant 0 : i32
      %cond3A_405 = arith.cmpi ne, %convert_element_type3A_403, %cond3A_404 : i32
      scf.if %cond3A_405 {
        %add3A_428 = arith.constant 5 : i32
        %add3A_429 = arith.addi %add3A_391, %add3A_428 : i32
        %mul3A_430 = arith.constant 80 : i32
        %mul3A_431 = arith.muli %add3A_429, %mul3A_430 : i32
        %add3A_432 = arith.addi %mul3A_2, %mul3A_431 : i32
        %dma_start3A_433 = tpu.memref_slice %arg3[%add3A_432] : memref<320000xi32, #tpu.memory_space<hbm>> -> memref<80xi32, #tpu.memory_space<hbm>>
        %dma_start3A_434 = tpu.memref_slice %arg3[%add3A_432] : memref<320000xi32, #tpu.memory_space<hbm>> -> memref<80xi32, #tpu.memory_space<hbm>>
        tpu.enqueue_dma source(%dma_start3A_434 : memref<80xi32, #tpu.memory_space<hbm>>) target(%arg9 : memref<80xi32, #tpu.memory_space<vmem>>) target_semaphore(%arg31 : memref<!tpu.dma_semaphore, #tpu.memory_space<semaphore_mem>>)
        %mul3A_435 = arith.constant 80 : i32
        %mul3A_436 = arith.muli %add3A_429, %mul3A_435 : i32
        %add3A_437 = arith.addi %mul3A_2, %mul3A_436 : i32
        %dma_start3A_438 = tpu.memref_slice %arg4[%add3A_437] : memref<320000xi32, #tpu.memory_space<hbm>> -> memref<80xi32, #tpu.memory_space<hbm>>
        %dma_start3A_439 = tpu.memref_slice %arg4[%add3A_437] : memref<320000xi32, #tpu.memory_space<hbm>> -> memref<80xi32, #tpu.memory_space<hbm>>
        tpu.enqueue_dma source(%dma_start3A_439 : memref<80xi32, #tpu.memory_space<hbm>>) target(%arg17 : memref<80xi32, #tpu.memory_space<vmem>>) target_semaphore(%arg31 : memref<!tpu.dma_semaphore, #tpu.memory_space<semaphore_mem>>)
      } else {
      }
      %dma_wait3A_406 = arith.constant 0 : i32
      %dma_wait3A_407 = arith.constant 0 : i32
      %dma_wait3A_408 = tpu.memref_slice %arg2[%dma_wait3A_406, %dma_wait3A_407] : memref<10000x128xf32, #tpu.memory_space<hbm>> -> memref<10000x128xf32, #tpu.memory_space<hbm>>
      tpu.wait_indirect_dma semaphore(%arg38 : memref<!tpu.dma_semaphore, #tpu.memory_space<semaphore_mem>>) src(%dma_wait3A_408 : memref<10000x128xf32, #tpu.memory_space<hbm>>) dst(%arg24 : memref<80x128xf32, #tpu.memory_space<vmem>>)
      "tpu.region"() ({
        %run_scoped3A = tpu.sem_alloc : memref<!tpu.dma_semaphore, #tpu.memory_space<semaphore_mem>>
        %dma_start3A_428 = arith.constant 0 : i32
        %dma_start3A_429 = arith.constant 0 : i32
        %dma_start3A_430 = tpu.memref_slice %arg27[%dma_start3A_428, %dma_start3A_429] : memref<10240x128xf32, #tpu.memory_space<vmem_shared>> -> memref<10240x128xf32, #tpu.memory_space<vmem_shared>>
        tpu.enqueue_indirect_dma source(%arg24 : memref<80x128xf32, #tpu.memory_space<vmem>>) target(%dma_start3A_430 : memref<10240x128xf32, #tpu.memory_space<vmem_shared>>) offsets(%arg20 : memref<80xi32, #tpu.memory_space<vmem>>) semaphore(%run_scoped3A : memref<!tpu.dma_semaphore, #tpu.memory_space<semaphore_mem>>) {add = true}
        %dma_wait3A_431 = arith.constant 0 : i32
        %dma_wait3A_432 = arith.constant 0 : i32
        %dma_wait3A_433 = tpu.memref_slice %arg27[%dma_wait3A_431, %dma_wait3A_432] : memref<10240x128xf32, #tpu.memory_space<vmem_shared>> -> memref<10240x128xf32, #tpu.memory_space<vmem_shared>>
        tpu.wait_indirect_dma semaphore(%run_scoped3A : memref<!tpu.dma_semaphore, #tpu.memory_space<semaphore_mem>>) src(%arg24 : memref<80x128xf32, #tpu.memory_space<vmem>>) dst(%dma_wait3A_433 : memref<10240x128xf32, #tpu.memory_space<vmem_shared>>)
        tpu.yield
      }) : () -> ()
      %add3A_409 = arith.constant 7 : i32
      %add3A_410 = arith.addi %add3A_275, %add3A_409 : i32
      %add3A_411 = arith.constant 3 : i32
      %add3A_412 = arith.addi %add3A_410, %add3A_411 : i32
      %lt3A_413 = arith.constant 125 : i32
      %lt3A_414 = arith.cmpi slt, %add3A_412, %lt3A_413 : i32
      %convert_element_type3A_415 = arith.extui %lt3A_414 : i1 to i32
      %cond3A_416 = arith.constant 0 : i32
      %cond3A_417 = arith.cmpi ne, %convert_element_type3A_415, %cond3A_416 : i32
      scf.if %cond3A_417 {
        %add3A_428 = arith.constant 3 : i32
        %add3A_429 = arith.addi %add3A_410, %add3A_428 : i32
        %mul3A_430 = arith.constant 80 : i32
        %mul3A_431 = arith.muli %add3A_429, %mul3A_430 : i32
        %add3A_432 = arith.addi %mul3A_2, %mul3A_431 : i32
        %dma_wait3A_433 = tpu.memref_slice %arg3[%add3A_432] : memref<320000xi32, #tpu.memory_space<hbm>> -> memref<80xi32, #tpu.memory_space<hbm>>
        %dma_wait3A_434 = tpu.memref_slice %arg3[%add3A_432] : memref<320000xi32, #tpu.memory_space<hbm>> -> memref<80xi32, #tpu.memory_space<hbm>>
        tpu.wait_dma2 semaphore(%arg30 : memref<!tpu.dma_semaphore, #tpu.memory_space<semaphore_mem>>) src(%dma_wait3A_434 : memref<80xi32, #tpu.memory_space<hbm>>) dst(%arg8 : memref<80xi32, #tpu.memory_space<vmem>>)
        %mul3A_435 = arith.constant 80 : i32
        %mul3A_436 = arith.muli %add3A_429, %mul3A_435 : i32
        %add3A_437 = arith.addi %mul3A_2, %mul3A_436 : i32
        %dma_wait3A_438 = tpu.memref_slice %arg4[%add3A_437] : memref<320000xi32, #tpu.memory_space<hbm>> -> memref<80xi32, #tpu.memory_space<hbm>>
        %dma_wait3A_439 = tpu.memref_slice %arg4[%add3A_437] : memref<320000xi32, #tpu.memory_space<hbm>> -> memref<80xi32, #tpu.memory_space<hbm>>
        tpu.wait_dma2 semaphore(%arg30 : memref<!tpu.dma_semaphore, #tpu.memory_space<semaphore_mem>>) src(%dma_wait3A_439 : memref<80xi32, #tpu.memory_space<hbm>>) dst(%arg16 : memref<80xi32, #tpu.memory_space<vmem>>)
        %dma_start3A_440 = arith.constant 0 : i32
        %dma_start3A_441 = arith.constant 0 : i32
        %dma_start3A_442 = tpu.memref_slice %arg2[%dma_start3A_440, %dma_start3A_441] : memref<10000x128xf32, #tpu.memory_space<hbm>> -> memref<10000x128xf32, #tpu.memory_space<hbm>>
        tpu.enqueue_indirect_dma source(%dma_start3A_442 : memref<10000x128xf32, #tpu.memory_space<hbm>>) target(%arg24 : memref<80x128xf32, #tpu.memory_space<vmem>>) offsets(%arg8 : memref<80xi32, #tpu.memory_space<vmem>>) semaphore(%arg38 : memref<!tpu.dma_semaphore, #tpu.memory_space<semaphore_mem>>)
      } else {
      }
      %add3A_418 = arith.constant 5 : i32
      %add3A_419 = arith.addi %add3A_410, %add3A_418 : i32
      %lt3A_420 = arith.constant 125 : i32
      %lt3A_421 = arith.cmpi slt, %add3A_419, %lt3A_420 : i32
      %convert_element_type3A_422 = arith.extui %lt3A_421 : i1 to i32
      %cond3A_423 = arith.constant 0 : i32
      %cond3A_424 = arith.cmpi ne, %convert_element_type3A_422, %cond3A_423 : i32
      scf.if %cond3A_424 {
        %add3A_428 = arith.constant 5 : i32
        %add3A_429 = arith.addi %add3A_410, %add3A_428 : i32
        %mul3A_430 = arith.constant 80 : i32
        %mul3A_431 = arith.muli %add3A_429, %mul3A_430 : i32
        %add3A_432 = arith.addi %mul3A_2, %mul3A_431 : i32
        %dma_start3A_433 = tpu.memref_slice %arg3[%add3A_432] : memref<320000xi32, #tpu.memory_space<hbm>> -> memref<80xi32, #tpu.memory_space<hbm>>
        %dma_start3A_434 = tpu.memref_slice %arg3[%add3A_432] : memref<320000xi32, #tpu.memory_space<hbm>> -> memref<80xi32, #tpu.memory_space<hbm>>
        tpu.enqueue_dma source(%dma_start3A_434 : memref<80xi32, #tpu.memory_space<hbm>>) target(%arg10 : memref<80xi32, #tpu.memory_space<vmem>>) target_semaphore(%arg32 : memref<!tpu.dma_semaphore, #tpu.memory_space<semaphore_mem>>)
        %mul3A_435 = arith.constant 80 : i32
        %mul3A_436 = arith.muli %add3A_429, %mul3A_435 : i32
        %add3A_437 = arith.addi %mul3A_2, %mul3A_436 : i32
        %dma_start3A_438 = tpu.memref_slice %arg4[%add3A_437] : memref<320000xi32, #tpu.memory_space<hbm>> -> memref<80xi32, #tpu.memory_space<hbm>>
        %dma_start3A_439 = tpu.memref_slice %arg4[%add3A_437] : memref<320000xi32, #tpu.memory_space<hbm>> -> memref<80xi32, #tpu.memory_space<hbm>>
        tpu.enqueue_dma source(%dma_start3A_439 : memref<80xi32, #tpu.memory_space<hbm>>) target(%arg18 : memref<80xi32, #tpu.memory_space<vmem>>) target_semaphore(%arg32 : memref<!tpu.dma_semaphore, #tpu.memory_space<semaphore_mem>>)
      } else {
      }
      %dma_wait3A_425 = arith.constant 0 : i32
      %dma_wait3A_426 = arith.constant 0 : i32
      %dma_wait3A_427 = tpu.memref_slice %arg2[%dma_wait3A_425, %dma_wait3A_426] : memref<10000x128xf32, #tpu.memory_space<hbm>> -> memref<10000x128xf32, #tpu.memory_space<hbm>>
      tpu.wait_indirect_dma semaphore(%arg39 : memref<!tpu.dma_semaphore, #tpu.memory_space<semaphore_mem>>) src(%dma_wait3A_427 : memref<10000x128xf32, #tpu.memory_space<hbm>>) dst(%arg25 : memref<80x128xf32, #tpu.memory_space<vmem>>)
      "tpu.region"() ({
        %run_scoped3A = tpu.sem_alloc : memref<!tpu.dma_semaphore, #tpu.memory_space<semaphore_mem>>
        %dma_start3A_428 = arith.constant 0 : i32
        %dma_start3A_429 = arith.constant 0 : i32
        %dma_start3A_430 = tpu.memref_slice %arg27[%dma_start3A_428, %dma_start3A_429] : memref<10240x128xf32, #tpu.memory_space<vmem_shared>> -> memref<10240x128xf32, #tpu.memory_space<vmem_shared>>
        tpu.enqueue_indirect_dma source(%arg25 : memref<80x128xf32, #tpu.memory_space<vmem>>) target(%dma_start3A_430 : memref<10240x128xf32, #tpu.memory_space<vmem_shared>>) offsets(%arg21 : memref<80xi32, #tpu.memory_space<vmem>>) semaphore(%run_scoped3A : memref<!tpu.dma_semaphore, #tpu.memory_space<semaphore_mem>>) {add = true}
        %dma_wait3A_431 = arith.constant 0 : i32
        %dma_wait3A_432 = arith.constant 0 : i32
        %dma_wait3A_433 = tpu.memref_slice %arg27[%dma_wait3A_431, %dma_wait3A_432] : memref<10240x128xf32, #tpu.memory_space<vmem_shared>> -> memref<10240x128xf32, #tpu.memory_space<vmem_shared>>
        tpu.wait_indirect_dma semaphore(%run_scoped3A : memref<!tpu.dma_semaphore, #tpu.memory_space<semaphore_mem>>) src(%arg25 : memref<80x128xf32, #tpu.memory_space<vmem>>) dst(%dma_wait3A_433 : memref<10240x128xf32, #tpu.memory_space<vmem_shared>>)
        tpu.yield
      }) : () -> ()
    }
    %scan3A_163 = arith.constant 15 : i32
    %add3A_164 = arith.constant 120 : i32
    %add3A_165 = arith.constant 3 : i32
    %add3A_166 = arith.addi %add3A_164, %add3A_165 : i32
    %lt3A = arith.constant 125 : i32
    %lt3A_167 = arith.cmpi slt, %add3A_166, %lt3A : i32
    %convert_element_type3A = arith.extui %lt3A_167 : i1 to i32
    %cond3A = arith.constant 120 : i32
    %cond3A_168 = arith.constant 0 : i32
    %cond3A_169 = arith.cmpi ne, %convert_element_type3A, %cond3A_168 : i32
    scf.if %cond3A_169 {
      %add3A_271 = arith.constant 3 : i32
      %add3A_272 = arith.addi %cond3A, %add3A_271 : i32
      %mul3A_273 = arith.constant 80 : i32
      %mul3A_274 = arith.muli %add3A_272, %mul3A_273 : i32
      %add3A_275 = arith.addi %mul3A_2, %mul3A_274 : i32
      %dma_wait3A_276 = tpu.memref_slice %arg3[%add3A_275] : memref<320000xi32, #tpu.memory_space<hbm>> -> memref<80xi32, #tpu.memory_space<hbm>>
      %dma_wait3A_277 = tpu.memref_slice %arg3[%add3A_275] : memref<320000xi32, #tpu.memory_space<hbm>> -> memref<80xi32, #tpu.memory_space<hbm>>
      tpu.wait_dma2 semaphore(%arg31 : memref<!tpu.dma_semaphore, #tpu.memory_space<semaphore_mem>>) src(%dma_wait3A_277 : memref<80xi32, #tpu.memory_space<hbm>>) dst(%arg9 : memref<80xi32, #tpu.memory_space<vmem>>)
      %mul3A_278 = arith.constant 80 : i32
      %mul3A_279 = arith.muli %add3A_272, %mul3A_278 : i32
      %add3A_280 = arith.addi %mul3A_2, %mul3A_279 : i32
      %dma_wait3A_281 = tpu.memref_slice %arg4[%add3A_280] : memref<320000xi32, #tpu.memory_space<hbm>> -> memref<80xi32, #tpu.memory_space<hbm>>
      %dma_wait3A_282 = tpu.memref_slice %arg4[%add3A_280] : memref<320000xi32, #tpu.memory_space<hbm>> -> memref<80xi32, #tpu.memory_space<hbm>>
      tpu.wait_dma2 semaphore(%arg31 : memref<!tpu.dma_semaphore, #tpu.memory_space<semaphore_mem>>) src(%dma_wait3A_282 : memref<80xi32, #tpu.memory_space<hbm>>) dst(%arg17 : memref<80xi32, #tpu.memory_space<vmem>>)
      %dma_start3A_283 = arith.constant 0 : i32
      %dma_start3A_284 = arith.constant 0 : i32
      %dma_start3A_285 = tpu.memref_slice %arg2[%dma_start3A_283, %dma_start3A_284] : memref<10000x128xf32, #tpu.memory_space<hbm>> -> memref<10000x128xf32, #tpu.memory_space<hbm>>
      tpu.enqueue_indirect_dma source(%dma_start3A_285 : memref<10000x128xf32, #tpu.memory_space<hbm>>) target(%arg25 : memref<80x128xf32, #tpu.memory_space<vmem>>) offsets(%arg9 : memref<80xi32, #tpu.memory_space<vmem>>) semaphore(%arg39 : memref<!tpu.dma_semaphore, #tpu.memory_space<semaphore_mem>>)
    } else {
    }
    %add3A_170 = arith.constant 120 : i32
    %add3A_171 = arith.constant 5 : i32
    %add3A_172 = arith.addi %add3A_170, %add3A_171 : i32
    %lt3A_173 = arith.constant 125 : i32
    %lt3A_174 = arith.cmpi slt, %add3A_172, %lt3A_173 : i32
    %convert_element_type3A_175 = arith.extui %lt3A_174 : i1 to i32
    %cond3A_176 = arith.constant 120 : i32
    %cond3A_177 = arith.constant 0 : i32
    %cond3A_178 = arith.cmpi ne, %convert_element_type3A_175, %cond3A_177 : i32
    scf.if %cond3A_178 {
      %add3A_271 = arith.constant 5 : i32
      %add3A_272 = arith.addi %cond3A_176, %add3A_271 : i32
      %mul3A_273 = arith.constant 80 : i32
      %mul3A_274 = arith.muli %add3A_272, %mul3A_273 : i32
      %add3A_275 = arith.addi %mul3A_2, %mul3A_274 : i32
      %dma_start3A_276 = tpu.memref_slice %arg3[%add3A_275] : memref<320000xi32, #tpu.memory_space<hbm>> -> memref<80xi32, #tpu.memory_space<hbm>>
      %dma_start3A_277 = tpu.memref_slice %arg3[%add3A_275] : memref<320000xi32, #tpu.memory_space<hbm>> -> memref<80xi32, #tpu.memory_space<hbm>>
      tpu.enqueue_dma source(%dma_start3A_277 : memref<80xi32, #tpu.memory_space<hbm>>) target(%arg11 : memref<80xi32, #tpu.memory_space<vmem>>) target_semaphore(%arg33 : memref<!tpu.dma_semaphore, #tpu.memory_space<semaphore_mem>>)
      %mul3A_278 = arith.constant 80 : i32
      %mul3A_279 = arith.muli %add3A_272, %mul3A_278 : i32
      %add3A_280 = arith.addi %mul3A_2, %mul3A_279 : i32
      %dma_start3A_281 = tpu.memref_slice %arg4[%add3A_280] : memref<320000xi32, #tpu.memory_space<hbm>> -> memref<80xi32, #tpu.memory_space<hbm>>
      %dma_start3A_282 = tpu.memref_slice %arg4[%add3A_280] : memref<320000xi32, #tpu.memory_space<hbm>> -> memref<80xi32, #tpu.memory_space<hbm>>
      tpu.enqueue_dma source(%dma_start3A_282 : memref<80xi32, #tpu.memory_space<hbm>>) target(%arg19 : memref<80xi32, #tpu.memory_space<vmem>>) target_semaphore(%arg33 : memref<!tpu.dma_semaphore, #tpu.memory_space<semaphore_mem>>)
    } else {
    }
    %dma_wait3A_179 = arith.constant 0 : i32
    %dma_wait3A_180 = arith.constant 0 : i32
    %dma_wait3A_181 = tpu.memref_slice %arg2[%dma_wait3A_179, %dma_wait3A_180] : memref<10000x128xf32, #tpu.memory_space<hbm>> -> memref<10000x128xf32, #tpu.memory_space<hbm>>
    tpu.wait_indirect_dma semaphore(%arg36 : memref<!tpu.dma_semaphore, #tpu.memory_space<semaphore_mem>>) src(%dma_wait3A_181 : memref<10000x128xf32, #tpu.memory_space<hbm>>) dst(%arg22 : memref<80x128xf32, #tpu.memory_space<vmem>>)
    "tpu.region"() ({
      %run_scoped3A = tpu.sem_alloc : memref<!tpu.dma_semaphore, #tpu.memory_space<semaphore_mem>>
      %dma_start3A_271 = arith.constant 0 : i32
      %dma_start3A_272 = arith.constant 0 : i32
      %dma_start3A_273 = tpu.memref_slice %arg27[%dma_start3A_271, %dma_start3A_272] : memref<10240x128xf32, #tpu.memory_space<vmem_shared>> -> memref<10240x128xf32, #tpu.memory_space<vmem_shared>>
      tpu.enqueue_indirect_dma source(%arg22 : memref<80x128xf32, #tpu.memory_space<vmem>>) target(%dma_start3A_273 : memref<10240x128xf32, #tpu.memory_space<vmem_shared>>) offsets(%arg14 : memref<80xi32, #tpu.memory_space<vmem>>) semaphore(%run_scoped3A : memref<!tpu.dma_semaphore, #tpu.memory_space<semaphore_mem>>) {add = true}
      %dma_wait3A_274 = arith.constant 0 : i32
      %dma_wait3A_275 = arith.constant 0 : i32
      %dma_wait3A_276 = tpu.memref_slice %arg27[%dma_wait3A_274, %dma_wait3A_275] : memref<10240x128xf32, #tpu.memory_space<vmem_shared>> -> memref<10240x128xf32, #tpu.memory_space<vmem_shared>>
      tpu.wait_indirect_dma semaphore(%run_scoped3A : memref<!tpu.dma_semaphore, #tpu.memory_space<semaphore_mem>>) src(%arg22 : memref<80x128xf32, #tpu.memory_space<vmem>>) dst(%dma_wait3A_276 : memref<10240x128xf32, #tpu.memory_space<vmem_shared>>)
      tpu.yield
    }) : () -> ()
    %add3A_182 = arith.constant 121 : i32
    %add3A_183 = arith.constant 3 : i32
    %add3A_184 = arith.addi %add3A_182, %add3A_183 : i32
    %lt3A_185 = arith.constant 125 : i32
    %lt3A_186 = arith.cmpi slt, %add3A_184, %lt3A_185 : i32
    %convert_element_type3A_187 = arith.extui %lt3A_186 : i1 to i32
    %cond3A_188 = arith.constant 121 : i32
    %cond3A_189 = arith.constant 0 : i32
    %cond3A_190 = arith.cmpi ne, %convert_element_type3A_187, %cond3A_189 : i32
    scf.if %cond3A_190 {
      %add3A_271 = arith.constant 3 : i32
      %add3A_272 = arith.addi %cond3A_188, %add3A_271 : i32
      %mul3A_273 = arith.constant 80 : i32
      %mul3A_274 = arith.muli %add3A_272, %mul3A_273 : i32
      %add3A_275 = arith.addi %mul3A_2, %mul3A_274 : i32
      %dma_wait3A_276 = tpu.memref_slice %arg3[%add3A_275] : memref<320000xi32, #tpu.memory_space<hbm>> -> memref<80xi32, #tpu.memory_space<hbm>>
      %dma_wait3A_277 = tpu.memref_slice %arg3[%add3A_275] : memref<320000xi32, #tpu.memory_space<hbm>> -> memref<80xi32, #tpu.memory_space<hbm>>
      tpu.wait_dma2 semaphore(%arg32 : memref<!tpu.dma_semaphore, #tpu.memory_space<semaphore_mem>>) src(%dma_wait3A_277 : memref<80xi32, #tpu.memory_space<hbm>>) dst(%arg10 : memref<80xi32, #tpu.memory_space<vmem>>)
      %mul3A_278 = arith.constant 80 : i32
      %mul3A_279 = arith.muli %add3A_272, %mul3A_278 : i32
      %add3A_280 = arith.addi %mul3A_2, %mul3A_279 : i32
      %dma_wait3A_281 = tpu.memref_slice %arg4[%add3A_280] : memref<320000xi32, #tpu.memory_space<hbm>> -> memref<80xi32, #tpu.memory_space<hbm>>
      %dma_wait3A_282 = tpu.memref_slice %arg4[%add3A_280] : memref<320000xi32, #tpu.memory_space<hbm>> -> memref<80xi32, #tpu.memory_space<hbm>>
      tpu.wait_dma2 semaphore(%arg32 : memref<!tpu.dma_semaphore, #tpu.memory_space<semaphore_mem>>) src(%dma_wait3A_282 : memref<80xi32, #tpu.memory_space<hbm>>) dst(%arg18 : memref<80xi32, #tpu.memory_space<vmem>>)
      %dma_start3A_283 = arith.constant 0 : i32
      %dma_start3A_284 = arith.constant 0 : i32
      %dma_start3A_285 = tpu.memref_slice %arg2[%dma_start3A_283, %dma_start3A_284] : memref<10000x128xf32, #tpu.memory_space<hbm>> -> memref<10000x128xf32, #tpu.memory_space<hbm>>
      tpu.enqueue_indirect_dma source(%dma_start3A_285 : memref<10000x128xf32, #tpu.memory_space<hbm>>) target(%arg22 : memref<80x128xf32, #tpu.memory_space<vmem>>) offsets(%arg10 : memref<80xi32, #tpu.memory_space<vmem>>) semaphore(%arg36 : memref<!tpu.dma_semaphore, #tpu.memory_space<semaphore_mem>>)
    } else {
    }
    %add3A_191 = arith.constant 121 : i32
    %add3A_192 = arith.constant 5 : i32
    %add3A_193 = arith.addi %add3A_191, %add3A_192 : i32
    %lt3A_194 = arith.constant 125 : i32
    %lt3A_195 = arith.cmpi slt, %add3A_193, %lt3A_194 : i32
    %convert_element_type3A_196 = arith.extui %lt3A_195 : i1 to i32
    %cond3A_197 = arith.constant 121 : i32
    %cond3A_198 = arith.constant 0 : i32
    %cond3A_199 = arith.cmpi ne, %convert_element_type3A_196, %cond3A_198 : i32
    scf.if %cond3A_199 {
      %add3A_271 = arith.constant 5 : i32
      %add3A_272 = arith.addi %cond3A_197, %add3A_271 : i32
      %mul3A_273 = arith.constant 80 : i32
      %mul3A_274 = arith.muli %add3A_272, %mul3A_273 : i32
      %add3A_275 = arith.addi %mul3A_2, %mul3A_274 : i32
      %dma_start3A_276 = tpu.memref_slice %arg3[%add3A_275] : memref<320000xi32, #tpu.memory_space<hbm>> -> memref<80xi32, #tpu.memory_space<hbm>>
      %dma_start3A_277 = tpu.memref_slice %arg3[%add3A_275] : memref<320000xi32, #tpu.memory_space<hbm>> -> memref<80xi32, #tpu.memory_space<hbm>>
      tpu.enqueue_dma source(%dma_start3A_277 : memref<80xi32, #tpu.memory_space<hbm>>) target(%arg12 : memref<80xi32, #tpu.memory_space<vmem>>) target_semaphore(%arg34 : memref<!tpu.dma_semaphore, #tpu.memory_space<semaphore_mem>>)
      %mul3A_278 = arith.constant 80 : i32
      %mul3A_279 = arith.muli %add3A_272, %mul3A_278 : i32
      %add3A_280 = arith.addi %mul3A_2, %mul3A_279 : i32
      %dma_start3A_281 = tpu.memref_slice %arg4[%add3A_280] : memref<320000xi32, #tpu.memory_space<hbm>> -> memref<80xi32, #tpu.memory_space<hbm>>
      %dma_start3A_282 = tpu.memref_slice %arg4[%add3A_280] : memref<320000xi32, #tpu.memory_space<hbm>> -> memref<80xi32, #tpu.memory_space<hbm>>
      tpu.enqueue_dma source(%dma_start3A_282 : memref<80xi32, #tpu.memory_space<hbm>>) target(%arg20 : memref<80xi32, #tpu.memory_space<vmem>>) target_semaphore(%arg34 : memref<!tpu.dma_semaphore, #tpu.memory_space<semaphore_mem>>)
    } else {
    }
    %dma_wait3A_200 = arith.constant 0 : i32
    %dma_wait3A_201 = arith.constant 0 : i32
    %dma_wait3A_202 = tpu.memref_slice %arg2[%dma_wait3A_200, %dma_wait3A_201] : memref<10000x128xf32, #tpu.memory_space<hbm>> -> memref<10000x128xf32, #tpu.memory_space<hbm>>
    tpu.wait_indirect_dma semaphore(%arg37 : memref<!tpu.dma_semaphore, #tpu.memory_space<semaphore_mem>>) src(%dma_wait3A_202 : memref<10000x128xf32, #tpu.memory_space<hbm>>) dst(%arg23 : memref<80x128xf32, #tpu.memory_space<vmem>>)
    "tpu.region"() ({
      %run_scoped3A = tpu.sem_alloc : memref<!tpu.dma_semaphore, #tpu.memory_space<semaphore_mem>>
      %dma_start3A_271 = arith.constant 0 : i32
      %dma_start3A_272 = arith.constant 0 : i32
      %dma_start3A_273 = tpu.memref_slice %arg27[%dma_start3A_271, %dma_start3A_272] : memref<10240x128xf32, #tpu.memory_space<vmem_shared>> -> memref<10240x128xf32, #tpu.memory_space<vmem_shared>>
      tpu.enqueue_indirect_dma source(%arg23 : memref<80x128xf32, #tpu.memory_space<vmem>>) target(%dma_start3A_273 : memref<10240x128xf32, #tpu.memory_space<vmem_shared>>) offsets(%arg15 : memref<80xi32, #tpu.memory_space<vmem>>) semaphore(%run_scoped3A : memref<!tpu.dma_semaphore, #tpu.memory_space<semaphore_mem>>) {add = true}
      %dma_wait3A_274 = arith.constant 0 : i32
      %dma_wait3A_275 = arith.constant 0 : i32
      %dma_wait3A_276 = tpu.memref_slice %arg27[%dma_wait3A_274, %dma_wait3A_275] : memref<10240x128xf32, #tpu.memory_space<vmem_shared>> -> memref<10240x128xf32, #tpu.memory_space<vmem_shared>>
      tpu.wait_indirect_dma semaphore(%run_scoped3A : memref<!tpu.dma_semaphore, #tpu.memory_space<semaphore_mem>>) src(%arg23 : memref<80x128xf32, #tpu.memory_space<vmem>>) dst(%dma_wait3A_276 : memref<10240x128xf32, #tpu.memory_space<vmem_shared>>)
      tpu.yield
    }) : () -> ()
    %add3A_203 = arith.constant 122 : i32
    %add3A_204 = arith.constant 3 : i32
    %add3A_205 = arith.addi %add3A_203, %add3A_204 : i32
    %lt3A_206 = arith.constant 125 : i32
    %lt3A_207 = arith.cmpi slt, %add3A_205, %lt3A_206 : i32
    %convert_element_type3A_208 = arith.extui %lt3A_207 : i1 to i32
    %cond3A_209 = arith.constant 122 : i32
    %cond3A_210 = arith.constant 0 : i32
    %cond3A_211 = arith.cmpi ne, %convert_element_type3A_208, %cond3A_210 : i32
    scf.if %cond3A_211 {
      %add3A_271 = arith.constant 3 : i32
      %add3A_272 = arith.addi %cond3A_209, %add3A_271 : i32
      %mul3A_273 = arith.constant 80 : i32
      %mul3A_274 = arith.muli %add3A_272, %mul3A_273 : i32
      %add3A_275 = arith.addi %mul3A_2, %mul3A_274 : i32
      %dma_wait3A_276 = tpu.memref_slice %arg3[%add3A_275] : memref<320000xi32, #tpu.memory_space<hbm>> -> memref<80xi32, #tpu.memory_space<hbm>>
      %dma_wait3A_277 = tpu.memref_slice %arg3[%add3A_275] : memref<320000xi32, #tpu.memory_space<hbm>> -> memref<80xi32, #tpu.memory_space<hbm>>
      tpu.wait_dma2 semaphore(%arg33 : memref<!tpu.dma_semaphore, #tpu.memory_space<semaphore_mem>>) src(%dma_wait3A_277 : memref<80xi32, #tpu.memory_space<hbm>>) dst(%arg11 : memref<80xi32, #tpu.memory_space<vmem>>)
      %mul3A_278 = arith.constant 80 : i32
      %mul3A_279 = arith.muli %add3A_272, %mul3A_278 : i32
      %add3A_280 = arith.addi %mul3A_2, %mul3A_279 : i32
      %dma_wait3A_281 = tpu.memref_slice %arg4[%add3A_280] : memref<320000xi32, #tpu.memory_space<hbm>> -> memref<80xi32, #tpu.memory_space<hbm>>
      %dma_wait3A_282 = tpu.memref_slice %arg4[%add3A_280] : memref<320000xi32, #tpu.memory_space<hbm>> -> memref<80xi32, #tpu.memory_space<hbm>>
      tpu.wait_dma2 semaphore(%arg33 : memref<!tpu.dma_semaphore, #tpu.memory_space<semaphore_mem>>) src(%dma_wait3A_282 : memref<80xi32, #tpu.memory_space<hbm>>) dst(%arg19 : memref<80xi32, #tpu.memory_space<vmem>>)
      %dma_start3A_283 = arith.constant 0 : i32
      %dma_start3A_284 = arith.constant 0 : i32
      %dma_start3A_285 = tpu.memref_slice %arg2[%dma_start3A_283, %dma_start3A_284] : memref<10000x128xf32, #tpu.memory_space<hbm>> -> memref<10000x128xf32, #tpu.memory_space<hbm>>
      tpu.enqueue_indirect_dma source(%dma_start3A_285 : memref<10000x128xf32, #tpu.memory_space<hbm>>) target(%arg23 : memref<80x128xf32, #tpu.memory_space<vmem>>) offsets(%arg11 : memref<80xi32, #tpu.memory_space<vmem>>) semaphore(%arg37 : memref<!tpu.dma_semaphore, #tpu.memory_space<semaphore_mem>>)
    } else {
    }
    %add3A_212 = arith.constant 122 : i32
    %add3A_213 = arith.constant 5 : i32
    %add3A_214 = arith.addi %add3A_212, %add3A_213 : i32
    %lt3A_215 = arith.constant 125 : i32
    %lt3A_216 = arith.cmpi slt, %add3A_214, %lt3A_215 : i32
    %convert_element_type3A_217 = arith.extui %lt3A_216 : i1 to i32
    %cond3A_218 = arith.constant 122 : i32
    %cond3A_219 = arith.constant 0 : i32
    %cond3A_220 = arith.cmpi ne, %convert_element_type3A_217, %cond3A_219 : i32
    scf.if %cond3A_220 {
      %add3A_271 = arith.constant 5 : i32
      %add3A_272 = arith.addi %cond3A_218, %add3A_271 : i32
      %mul3A_273 = arith.constant 80 : i32
      %mul3A_274 = arith.muli %add3A_272, %mul3A_273 : i32
      %add3A_275 = arith.addi %mul3A_2, %mul3A_274 : i32
      %dma_start3A_276 = tpu.memref_slice %arg3[%add3A_275] : memref<320000xi32, #tpu.memory_space<hbm>> -> memref<80xi32, #tpu.memory_space<hbm>>
      %dma_start3A_277 = tpu.memref_slice %arg3[%add3A_275] : memref<320000xi32, #tpu.memory_space<hbm>> -> memref<80xi32, #tpu.memory_space<hbm>>
      tpu.enqueue_dma source(%dma_start3A_277 : memref<80xi32, #tpu.memory_space<hbm>>) target(%arg13 : memref<80xi32, #tpu.memory_space<vmem>>) target_semaphore(%arg35 : memref<!tpu.dma_semaphore, #tpu.memory_space<semaphore_mem>>)
      %mul3A_278 = arith.constant 80 : i32
      %mul3A_279 = arith.muli %add3A_272, %mul3A_278 : i32
      %add3A_280 = arith.addi %mul3A_2, %mul3A_279 : i32
      %dma_start3A_281 = tpu.memref_slice %arg4[%add3A_280] : memref<320000xi32, #tpu.memory_space<hbm>> -> memref<80xi32, #tpu.memory_space<hbm>>
      %dma_start3A_282 = tpu.memref_slice %arg4[%add3A_280] : memref<320000xi32, #tpu.memory_space<hbm>> -> memref<80xi32, #tpu.memory_space<hbm>>
      tpu.enqueue_dma source(%dma_start3A_282 : memref<80xi32, #tpu.memory_space<hbm>>) target(%arg21 : memref<80xi32, #tpu.memory_space<vmem>>) target_semaphore(%arg35 : memref<!tpu.dma_semaphore, #tpu.memory_space<semaphore_mem>>)
    } else {
    }
    %dma_wait3A_221 = arith.constant 0 : i32
    %dma_wait3A_222 = arith.constant 0 : i32
    %dma_wait3A_223 = tpu.memref_slice %arg2[%dma_wait3A_221, %dma_wait3A_222] : memref<10000x128xf32, #tpu.memory_space<hbm>> -> memref<10000x128xf32, #tpu.memory_space<hbm>>
    tpu.wait_indirect_dma semaphore(%arg38 : memref<!tpu.dma_semaphore, #tpu.memory_space<semaphore_mem>>) src(%dma_wait3A_223 : memref<10000x128xf32, #tpu.memory_space<hbm>>) dst(%arg24 : memref<80x128xf32, #tpu.memory_space<vmem>>)
    "tpu.region"() ({
      %run_scoped3A = tpu.sem_alloc : memref<!tpu.dma_semaphore, #tpu.memory_space<semaphore_mem>>
      %dma_start3A_271 = arith.constant 0 : i32
      %dma_start3A_272 = arith.constant 0 : i32
      %dma_start3A_273 = tpu.memref_slice %arg27[%dma_start3A_271, %dma_start3A_272] : memref<10240x128xf32, #tpu.memory_space<vmem_shared>> -> memref<10240x128xf32, #tpu.memory_space<vmem_shared>>
      tpu.enqueue_indirect_dma source(%arg24 : memref<80x128xf32, #tpu.memory_space<vmem>>) target(%dma_start3A_273 : memref<10240x128xf32, #tpu.memory_space<vmem_shared>>) offsets(%arg16 : memref<80xi32, #tpu.memory_space<vmem>>) semaphore(%run_scoped3A : memref<!tpu.dma_semaphore, #tpu.memory_space<semaphore_mem>>) {add = true}
      %dma_wait3A_274 = arith.constant 0 : i32
      %dma_wait3A_275 = arith.constant 0 : i32
      %dma_wait3A_276 = tpu.memref_slice %arg27[%dma_wait3A_274, %dma_wait3A_275] : memref<10240x128xf32, #tpu.memory_space<vmem_shared>> -> memref<10240x128xf32, #tpu.memory_space<vmem_shared>>
      tpu.wait_indirect_dma semaphore(%run_scoped3A : memref<!tpu.dma_semaphore, #tpu.memory_space<semaphore_mem>>) src(%arg24 : memref<80x128xf32, #tpu.memory_space<vmem>>) dst(%dma_wait3A_276 : memref<10240x128xf32, #tpu.memory_space<vmem_shared>>)
      tpu.yield
    }) : () -> ()
    %add3A_224 = arith.constant 123 : i32
    %add3A_225 = arith.constant 3 : i32
    %add3A_226 = arith.addi %add3A_224, %add3A_225 : i32
    %lt3A_227 = arith.constant 125 : i32
    %lt3A_228 = arith.cmpi slt, %add3A_226, %lt3A_227 : i32
    %convert_element_type3A_229 = arith.extui %lt3A_228 : i1 to i32
    %cond3A_230 = arith.constant 123 : i32
    %cond3A_231 = arith.constant 0 : i32
    %cond3A_232 = arith.cmpi ne, %convert_element_type3A_229, %cond3A_231 : i32
    scf.if %cond3A_232 {
      %add3A_271 = arith.constant 3 : i32
      %add3A_272 = arith.addi %cond3A_230, %add3A_271 : i32
      %mul3A_273 = arith.constant 80 : i32
      %mul3A_274 = arith.muli %add3A_272, %mul3A_273 : i32
      %add3A_275 = arith.addi %mul3A_2, %mul3A_274 : i32
      %dma_wait3A_276 = tpu.memref_slice %arg3[%add3A_275] : memref<320000xi32, #tpu.memory_space<hbm>> -> memref<80xi32, #tpu.memory_space<hbm>>
      %dma_wait3A_277 = tpu.memref_slice %arg3[%add3A_275] : memref<320000xi32, #tpu.memory_space<hbm>> -> memref<80xi32, #tpu.memory_space<hbm>>
      tpu.wait_dma2 semaphore(%arg34 : memref<!tpu.dma_semaphore, #tpu.memory_space<semaphore_mem>>) src(%dma_wait3A_277 : memref<80xi32, #tpu.memory_space<hbm>>) dst(%arg12 : memref<80xi32, #tpu.memory_space<vmem>>)
      %mul3A_278 = arith.constant 80 : i32
      %mul3A_279 = arith.muli %add3A_272, %mul3A_278 : i32
      %add3A_280 = arith.addi %mul3A_2, %mul3A_279 : i32
      %dma_wait3A_281 = tpu.memref_slice %arg4[%add3A_280] : memref<320000xi32, #tpu.memory_space<hbm>> -> memref<80xi32, #tpu.memory_space<hbm>>
      %dma_wait3A_282 = tpu.memref_slice %arg4[%add3A_280] : memref<320000xi32, #tpu.memory_space<hbm>> -> memref<80xi32, #tpu.memory_space<hbm>>
      tpu.wait_dma2 semaphore(%arg34 : memref<!tpu.dma_semaphore, #tpu.memory_space<semaphore_mem>>) src(%dma_wait3A_282 : memref<80xi32, #tpu.memory_space<hbm>>) dst(%arg20 : memref<80xi32, #tpu.memory_space<vmem>>)
      %dma_start3A_283 = arith.constant 0 : i32
      %dma_start3A_284 = arith.constant 0 : i32
      %dma_start3A_285 = tpu.memref_slice %arg2[%dma_start3A_283, %dma_start3A_284] : memref<10000x128xf32, #tpu.memory_space<hbm>> -> memref<10000x128xf32, #tpu.memory_space<hbm>>
      tpu.enqueue_indirect_dma source(%dma_start3A_285 : memref<10000x128xf32, #tpu.memory_space<hbm>>) target(%arg24 : memref<80x128xf32, #tpu.memory_space<vmem>>) offsets(%arg12 : memref<80xi32, #tpu.memory_space<vmem>>) semaphore(%arg38 : memref<!tpu.dma_semaphore, #tpu.memory_space<semaphore_mem>>)
    } else {
    }
    %add3A_233 = arith.constant 123 : i32
    %add3A_234 = arith.constant 5 : i32
    %add3A_235 = arith.addi %add3A_233, %add3A_234 : i32
    %lt3A_236 = arith.constant 125 : i32
    %lt3A_237 = arith.cmpi slt, %add3A_235, %lt3A_236 : i32
    %convert_element_type3A_238 = arith.extui %lt3A_237 : i1 to i32
    %cond3A_239 = arith.constant 123 : i32
    %cond3A_240 = arith.constant 0 : i32
    %cond3A_241 = arith.cmpi ne, %convert_element_type3A_238, %cond3A_240 : i32
    scf.if %cond3A_241 {
      %add3A_271 = arith.constant 5 : i32
      %add3A_272 = arith.addi %cond3A_239, %add3A_271 : i32
      %mul3A_273 = arith.constant 80 : i32
      %mul3A_274 = arith.muli %add3A_272, %mul3A_273 : i32
      %add3A_275 = arith.addi %mul3A_2, %mul3A_274 : i32
      %dma_start3A_276 = tpu.memref_slice %arg3[%add3A_275] : memref<320000xi32, #tpu.memory_space<hbm>> -> memref<80xi32, #tpu.memory_space<hbm>>
      %dma_start3A_277 = tpu.memref_slice %arg3[%add3A_275] : memref<320000xi32, #tpu.memory_space<hbm>> -> memref<80xi32, #tpu.memory_space<hbm>>
      tpu.enqueue_dma source(%dma_start3A_277 : memref<80xi32, #tpu.memory_space<hbm>>) target(%arg6 : memref<80xi32, #tpu.memory_space<vmem>>) target_semaphore(%arg28 : memref<!tpu.dma_semaphore, #tpu.memory_space<semaphore_mem>>)
      %mul3A_278 = arith.constant 80 : i32
      %mul3A_279 = arith.muli %add3A_272, %mul3A_278 : i32
      %add3A_280 = arith.addi %mul3A_2, %mul3A_279 : i32
      %dma_start3A_281 = tpu.memref_slice %arg4[%add3A_280] : memref<320000xi32, #tpu.memory_space<hbm>> -> memref<80xi32, #tpu.memory_space<hbm>>
      %dma_start3A_282 = tpu.memref_slice %arg4[%add3A_280] : memref<320000xi32, #tpu.memory_space<hbm>> -> memref<80xi32, #tpu.memory_space<hbm>>
      tpu.enqueue_dma source(%dma_start3A_282 : memref<80xi32, #tpu.memory_space<hbm>>) target(%arg14 : memref<80xi32, #tpu.memory_space<vmem>>) target_semaphore(%arg28 : memref<!tpu.dma_semaphore, #tpu.memory_space<semaphore_mem>>)
    } else {
    }
    %dma_wait3A_242 = arith.constant 0 : i32
    %dma_wait3A_243 = arith.constant 0 : i32
    %dma_wait3A_244 = tpu.memref_slice %arg2[%dma_wait3A_242, %dma_wait3A_243] : memref<10000x128xf32, #tpu.memory_space<hbm>> -> memref<10000x128xf32, #tpu.memory_space<hbm>>
    tpu.wait_indirect_dma semaphore(%arg39 : memref<!tpu.dma_semaphore, #tpu.memory_space<semaphore_mem>>) src(%dma_wait3A_244 : memref<10000x128xf32, #tpu.memory_space<hbm>>) dst(%arg25 : memref<80x128xf32, #tpu.memory_space<vmem>>)
    "tpu.region"() ({
      %run_scoped3A = tpu.sem_alloc : memref<!tpu.dma_semaphore, #tpu.memory_space<semaphore_mem>>
      %dma_start3A_271 = arith.constant 0 : i32
      %dma_start3A_272 = arith.constant 0 : i32
      %dma_start3A_273 = tpu.memref_slice %arg27[%dma_start3A_271, %dma_start3A_272] : memref<10240x128xf32, #tpu.memory_space<vmem_shared>> -> memref<10240x128xf32, #tpu.memory_space<vmem_shared>>
      tpu.enqueue_indirect_dma source(%arg25 : memref<80x128xf32, #tpu.memory_space<vmem>>) target(%dma_start3A_273 : memref<10240x128xf32, #tpu.memory_space<vmem_shared>>) offsets(%arg17 : memref<80xi32, #tpu.memory_space<vmem>>) semaphore(%run_scoped3A : memref<!tpu.dma_semaphore, #tpu.memory_space<semaphore_mem>>) {add = true}
      %dma_wait3A_274 = arith.constant 0 : i32
      %dma_wait3A_275 = arith.constant 0 : i32
      %dma_wait3A_276 = tpu.memref_slice %arg27[%dma_wait3A_274, %dma_wait3A_275] : memref<10240x128xf32, #tpu.memory_space<vmem_shared>> -> memref<10240x128xf32, #tpu.memory_space<vmem_shared>>
      tpu.wait_indirect_dma semaphore(%run_scoped3A : memref<!tpu.dma_semaphore, #tpu.memory_space<semaphore_mem>>) src(%arg25 : memref<80x128xf32, #tpu.memory_space<vmem>>) dst(%dma_wait3A_276 : memref<10240x128xf32, #tpu.memory_space<vmem_shared>>)
      tpu.yield
    }) : () -> ()
    %add3A_245 = arith.constant 124 : i32
    %add3A_246 = arith.constant 3 : i32
    %add3A_247 = arith.addi %add3A_245, %add3A_246 : i32
    %lt3A_248 = arith.constant 125 : i32
    %lt3A_249 = arith.cmpi slt, %add3A_247, %lt3A_248 : i32
    %convert_element_type3A_250 = arith.extui %lt3A_249 : i1 to i32
    %cond3A_251 = arith.constant 124 : i32
    %cond3A_252 = arith.constant 0 : i32
    %cond3A_253 = arith.cmpi ne, %convert_element_type3A_250, %cond3A_252 : i32
    scf.if %cond3A_253 {
      %add3A_271 = arith.constant 3 : i32
      %add3A_272 = arith.addi %cond3A_251, %add3A_271 : i32
      %mul3A_273 = arith.constant 80 : i32
      %mul3A_274 = arith.muli %add3A_272, %mul3A_273 : i32
      %add3A_275 = arith.addi %mul3A_2, %mul3A_274 : i32
      %dma_wait3A_276 = tpu.memref_slice %arg3[%add3A_275] : memref<320000xi32, #tpu.memory_space<hbm>> -> memref<80xi32, #tpu.memory_space<hbm>>
      %dma_wait3A_277 = tpu.memref_slice %arg3[%add3A_275] : memref<320000xi32, #tpu.memory_space<hbm>> -> memref<80xi32, #tpu.memory_space<hbm>>
      tpu.wait_dma2 semaphore(%arg35 : memref<!tpu.dma_semaphore, #tpu.memory_space<semaphore_mem>>) src(%dma_wait3A_277 : memref<80xi32, #tpu.memory_space<hbm>>) dst(%arg13 : memref<80xi32, #tpu.memory_space<vmem>>)
      %mul3A_278 = arith.constant 80 : i32
      %mul3A_279 = arith.muli %add3A_272, %mul3A_278 : i32
      %add3A_280 = arith.addi %mul3A_2, %mul3A_279 : i32
      %dma_wait3A_281 = tpu.memref_slice %arg4[%add3A_280] : memref<320000xi32, #tpu.memory_space<hbm>> -> memref<80xi32, #tpu.memory_space<hbm>>
      %dma_wait3A_282 = tpu.memref_slice %arg4[%add3A_280] : memref<320000xi32, #tpu.memory_space<hbm>> -> memref<80xi32, #tpu.memory_space<hbm>>
      tpu.wait_dma2 semaphore(%arg35 : memref<!tpu.dma_semaphore, #tpu.memory_space<semaphore_mem>>) src(%dma_wait3A_282 : memref<80xi32, #tpu.memory_space<hbm>>) dst(%arg21 : memref<80xi32, #tpu.memory_space<vmem>>)
      %dma_start3A_283 = arith.constant 0 : i32
      %dma_start3A_284 = arith.constant 0 : i32
      %dma_start3A_285 = tpu.memref_slice %arg2[%dma_start3A_283, %dma_start3A_284] : memref<10000x128xf32, #tpu.memory_space<hbm>> -> memref<10000x128xf32, #tpu.memory_space<hbm>>
      tpu.enqueue_indirect_dma source(%dma_start3A_285 : memref<10000x128xf32, #tpu.memory_space<hbm>>) target(%arg25 : memref<80x128xf32, #tpu.memory_space<vmem>>) offsets(%arg13 : memref<80xi32, #tpu.memory_space<vmem>>) semaphore(%arg39 : memref<!tpu.dma_semaphore, #tpu.memory_space<semaphore_mem>>)
    } else {
    }
    %add3A_254 = arith.constant 124 : i32
    %add3A_255 = arith.constant 5 : i32
    %add3A_256 = arith.addi %add3A_254, %add3A_255 : i32
    %lt3A_257 = arith.constant 125 : i32
    %lt3A_258 = arith.cmpi slt, %add3A_256, %lt3A_257 : i32
    %convert_element_type3A_259 = arith.extui %lt3A_258 : i1 to i32
    %cond3A_260 = arith.constant 124 : i32
    %cond3A_261 = arith.constant 0 : i32
    %cond3A_262 = arith.cmpi ne, %convert_element_type3A_259, %cond3A_261 : i32
    scf.if %cond3A_262 {
      %add3A_271 = arith.constant 5 : i32
      %add3A_272 = arith.addi %cond3A_260, %add3A_271 : i32
      %mul3A_273 = arith.constant 80 : i32
      %mul3A_274 = arith.muli %add3A_272, %mul3A_273 : i32
      %add3A_275 = arith.addi %mul3A_2, %mul3A_274 : i32
      %dma_start3A_276 = tpu.memref_slice %arg3[%add3A_275] : memref<320000xi32, #tpu.memory_space<hbm>> -> memref<80xi32, #tpu.memory_space<hbm>>
      %dma_start3A_277 = tpu.memref_slice %arg3[%add3A_275] : memref<320000xi32, #tpu.memory_space<hbm>> -> memref<80xi32, #tpu.memory_space<hbm>>
      tpu.enqueue_dma source(%dma_start3A_277 : memref<80xi32, #tpu.memory_space<hbm>>) target(%arg7 : memref<80xi32, #tpu.memory_space<vmem>>) target_semaphore(%arg29 : memref<!tpu.dma_semaphore, #tpu.memory_space<semaphore_mem>>)
      %mul3A_278 = arith.constant 80 : i32
      %mul3A_279 = arith.muli %add3A_272, %mul3A_278 : i32
      %add3A_280 = arith.addi %mul3A_2, %mul3A_279 : i32
      %dma_start3A_281 = tpu.memref_slice %arg4[%add3A_280] : memref<320000xi32, #tpu.memory_space<hbm>> -> memref<80xi32, #tpu.memory_space<hbm>>
      %dma_start3A_282 = tpu.memref_slice %arg4[%add3A_280] : memref<320000xi32, #tpu.memory_space<hbm>> -> memref<80xi32, #tpu.memory_space<hbm>>
      tpu.enqueue_dma source(%dma_start3A_282 : memref<80xi32, #tpu.memory_space<hbm>>) target(%arg15 : memref<80xi32, #tpu.memory_space<vmem>>) target_semaphore(%arg29 : memref<!tpu.dma_semaphore, #tpu.memory_space<semaphore_mem>>)
    } else {
    }
    %dma_wait3A_263 = arith.constant 0 : i32
    %dma_wait3A_264 = arith.constant 0 : i32
    %dma_wait3A_265 = tpu.memref_slice %arg2[%dma_wait3A_263, %dma_wait3A_264] : memref<10000x128xf32, #tpu.memory_space<hbm>> -> memref<10000x128xf32, #tpu.memory_space<hbm>>
    tpu.wait_indirect_dma semaphore(%arg36 : memref<!tpu.dma_semaphore, #tpu.memory_space<semaphore_mem>>) src(%dma_wait3A_265 : memref<10000x128xf32, #tpu.memory_space<hbm>>) dst(%arg22 : memref<80x128xf32, #tpu.memory_space<vmem>>)
    "tpu.region"() ({
      %run_scoped3A = tpu.sem_alloc : memref<!tpu.dma_semaphore, #tpu.memory_space<semaphore_mem>>
      %dma_start3A_271 = arith.constant 0 : i32
      %dma_start3A_272 = arith.constant 0 : i32
      %dma_start3A_273 = tpu.memref_slice %arg27[%dma_start3A_271, %dma_start3A_272] : memref<10240x128xf32, #tpu.memory_space<vmem_shared>> -> memref<10240x128xf32, #tpu.memory_space<vmem_shared>>
      tpu.enqueue_indirect_dma source(%arg22 : memref<80x128xf32, #tpu.memory_space<vmem>>) target(%dma_start3A_273 : memref<10240x128xf32, #tpu.memory_space<vmem_shared>>) offsets(%arg18 : memref<80xi32, #tpu.memory_space<vmem>>) semaphore(%run_scoped3A : memref<!tpu.dma_semaphore, #tpu.memory_space<semaphore_mem>>) {add = true}
      %dma_wait3A_274 = arith.constant 0 : i32
      %dma_wait3A_275 = arith.constant 0 : i32
      %dma_wait3A_276 = tpu.memref_slice %arg27[%dma_wait3A_274, %dma_wait3A_275] : memref<10240x128xf32, #tpu.memory_space<vmem_shared>> -> memref<10240x128xf32, #tpu.memory_space<vmem_shared>>
      tpu.wait_indirect_dma semaphore(%run_scoped3A : memref<!tpu.dma_semaphore, #tpu.memory_space<semaphore_mem>>) src(%arg22 : memref<80x128xf32, #tpu.memory_space<vmem>>) dst(%dma_wait3A_276 : memref<10240x128xf32, #tpu.memory_space<vmem_shared>>)
      tpu.yield
    }) : () -> ()
    %barrier3A_266 = arith.constant 0 : index
    tpu.barrier barrier_id(%barrier3A_266)
    %mul3A_267 = arith.constant 640 : i32
    %mul3A_268 = arith.muli %arg1, %mul3A_267 : i32
    %mul3A_269 = arith.constant 640 : i32
    %mul3A_270 = arith.muli %arg1, %mul3A_269 : i32
    "tpu.region"() ({
      %run_scoped3A = tpu.sem_alloc : memref<!tpu.dma_semaphore, #tpu.memory_space<semaphore_mem>>
      %dma_start3A_271 = arith.constant 0 : i32
      %dma_start3A_272 = tpu.memref_slice %arg5[%arg0, %mul3A_270, %dma_start3A_271] : memref<2x10240x128xf32, #tpu.memory_space<hbm>> -> memref<1x640x128xf32, #tpu.memory_space<hbm>>
      %dma_start3A_273 = tpu.memref_squeeze %dma_start3A_272 : memref<1x640x128xf32, #tpu.memory_space<hbm>> -> memref<640x128xf32, #tpu.memory_space<hbm>>
      %dma_start3A_274 = arith.constant 0 : i32
      %dma_start3A_275 = tpu.memref_slice %arg27[%mul3A_268, %dma_start3A_274] : memref<10240x128xf32, #tpu.memory_space<vmem_shared>> -> memref<640x128xf32, #tpu.memory_space<vmem_shared>>
      tpu.enqueue_dma source(%dma_start3A_275 : memref<640x128xf32, #tpu.memory_space<vmem_shared>>) target(%dma_start3A_273 : memref<640x128xf32, #tpu.memory_space<hbm>>) target_semaphore(%run_scoped3A : memref<!tpu.dma_semaphore, #tpu.memory_space<semaphore_mem>>)
      %dma_wait3A_276 = arith.constant 0 : i32
      %dma_wait3A_277 = tpu.memref_slice %arg5[%arg0, %mul3A_270, %dma_wait3A_276] : memref<2x10240x128xf32, #tpu.memory_space<hbm>> -> memref<1x640x128xf32, #tpu.memory_space<hbm>>
      %dma_wait3A_278 = tpu.memref_squeeze %dma_wait3A_277 : memref<1x640x128xf32, #tpu.memory_space<hbm>> -> memref<640x128xf32, #tpu.memory_space<hbm>>
      %dma_wait3A_279 = arith.constant 0 : i32
      %dma_wait3A_280 = tpu.memref_slice %arg27[%mul3A_268, %dma_wait3A_279] : memref<10240x128xf32, #tpu.memory_space<vmem_shared>> -> memref<640x128xf32, #tpu.memory_space<vmem_shared>>
      tpu.wait_dma2 semaphore(%run_scoped3A : memref<!tpu.dma_semaphore, #tpu.memory_space<semaphore_mem>>) src(%dma_wait3A_280 : memref<640x128xf32, #tpu.memory_space<vmem_shared>>) dst(%dma_wait3A_278 : memref<640x128xf32, #tpu.memory_space<hbm>>)
      tpu.yield
    }) : () -> ()
    return
  }
}

module attributes {stable_mosaic.version = 14 : i64} {
  func.func @_mlp_block(%arg0: i32, %arg1: memref<1000x128xf32, #tpu.memory_space<vmem>>, %arg2: memref<2x1000x128xf32, #tpu.memory_space<vmem>>, %arg3: memref<128x128xf32, #tpu.memory_space<vmem>>, %arg4: memref<1x128xf32, #tpu.memory_space<vmem>>, %arg5: memref<128x128xf32, #tpu.memory_space<vmem>>, %arg6: memref<1x128xf32, #tpu.memory_space<vmem>>, %arg7: memref<1000x128xf32, #tpu.memory_space<vmem>>) attributes {dimension_semantics = [#tpu.dimension_semantics<arbitrary>], iteration_bounds = array<i64: 10>, scalar_prefetch = 0 : i64, scratch_operands = 0 : i64, tpu.core_type = #tpu.core_type<tc>, window_params = [{transform_indices = @transform_0, window_bounds = array<i64: 1000, 128>}, {transform_indices = @transform_1, window_bounds = array<i64: 2, 1000, 128>}, {pipeline_mode = #tpu.pipeline_mode<synchronous>, transform_indices = @transform_2, window_bounds = array<i64: 128, 128>}, {pipeline_mode = #tpu.pipeline_mode<synchronous>, transform_indices = @transform_3, window_bounds = array<i64: 1, 128>}, {pipeline_mode = #tpu.pipeline_mode<synchronous>, transform_indices = @transform_4, window_bounds = array<i64: 128, 128>}, {pipeline_mode = #tpu.pipeline_mode<synchronous>, transform_indices = @transform_5, window_bounds = array<i64: 1, 128>}, {transform_indices = @transform_6, window_bounds = array<i64: 1000, 128>}]} {
    %get3A = arith.constant 0 : index
    %get3A_0 = arith.constant 0 : index
    %get3A_1 = vector.load %arg1[%get3A, %get3A_0] : memref<1000x128xf32, #tpu.memory_space<vmem>>, vector<1000x128xf32>
    %get3A_2 = arith.constant 0 : index
    %get3A_3 = arith.constant 0 : index
    %get3A_4 = arith.constant 0 : index
    %get3A_5 = vector.load %arg2[%get3A_2, %get3A_3, %get3A_4] : memref<2x1000x128xf32, #tpu.memory_space<vmem>>, vector<1x1000x128xf32>
    %get3A_6 = vector.shape_cast %get3A_5 : vector<1x1000x128xf32> to vector<1000x128xf32>
    %add3A = arith.addf %get3A_1, %get3A_6 : vector<1000x128xf32>
    %get3A_7 = arith.constant 1 : index
    %get3A_8 = arith.constant 0 : index
    %get3A_9 = arith.constant 0 : index
    %get3A_10 = vector.load %arg2[%get3A_7, %get3A_8, %get3A_9] : memref<2x1000x128xf32, #tpu.memory_space<vmem>>, vector<1x1000x128xf32>
    %get3A_11 = vector.shape_cast %get3A_10 : vector<1x1000x128xf32> to vector<1000x128xf32>
    %add3A_12 = arith.addf %add3A, %get3A_11 : vector<1000x128xf32>
    %get3A_13 = arith.constant 0 : index
    %get3A_14 = arith.constant 0 : index
    %get3A_15 = vector.load %arg3[%get3A_13, %get3A_14] : memref<128x128xf32, #tpu.memory_space<vmem>>, vector<128x128xf32>
    %dot_general3A = arith.constant dense<0.000000e+00> : vector<1000x128xf32>
    %dot_general3A_16 = tpu.matmul %add3A_12, %get3A_15, %dot_general3A {dimension_numbers = #tpu.dot_dimension_numbers<[1], [0], [0], [1], [0, 0, 1, 1], [], []>, transpose_lhs_hint = false} : vector<1000x128xf32>, vector<128x128xf32>, vector<1000x128xf32> -> vector<1000x128xf32>
    %get3A_17 = arith.constant 0 : index
    %get3A_18 = arith.constant 0 : index
    %get3A_19 = vector.load %arg4[%get3A_17, %get3A_18] : memref<1x128xf32, #tpu.memory_space<vmem>>, vector<1x128xf32>
    %add3A_20 = vector.broadcast %get3A_19 : vector<1x128xf32> to vector<1000x128xf32>
    %add3A_21 = arith.addf %dot_general3A_16, %add3A_20 : vector<1000x128xf32>
    %logistic3A = arith.negf %add3A_21 : vector<1000x128xf32>
    %logistic3A_22 = math.exp %logistic3A : vector<1000x128xf32>
    %logistic3A_23 = arith.constant 1.000000e+00 : f32
    %logistic3A_24 = vector.broadcast %logistic3A_23 : f32 to vector<1000x128xf32>
    %logistic3A_25 = arith.addf %logistic3A_24, %logistic3A_22 : vector<1000x128xf32>
    %logistic3A_26 = arith.divf %logistic3A_24, %logistic3A_25 : vector<1000x128xf32>
    %get3A_27 = arith.constant 0 : index
    %get3A_28 = arith.constant 0 : index
    %get3A_29 = vector.load %arg5[%get3A_27, %get3A_28] : memref<128x128xf32, #tpu.memory_space<vmem>>, vector<128x128xf32>
    %dot_general3A_30 = arith.constant dense<0.000000e+00> : vector<1000x128xf32>
    %dot_general3A_31 = tpu.matmul %logistic3A_26, %get3A_29, %dot_general3A_30 {dimension_numbers = #tpu.dot_dimension_numbers<[1], [0], [0], [1], [0, 0, 1, 1], [], []>, transpose_lhs_hint = false} : vector<1000x128xf32>, vector<128x128xf32>, vector<1000x128xf32> -> vector<1000x128xf32>
    %get3A_32 = arith.constant 0 : index
    %get3A_33 = arith.constant 0 : index
    %get3A_34 = vector.load %arg6[%get3A_32, %get3A_33] : memref<1x128xf32, #tpu.memory_space<vmem>>, vector<1x128xf32>
    %add3A_35 = vector.broadcast %get3A_34 : vector<1x128xf32> to vector<1000x128xf32>
    %add3A_36 = arith.addf %dot_general3A_31, %add3A_35 : vector<1000x128xf32>
    %max3A = arith.constant 0.000000e+00 : f32
    %max3A_37 = vector.broadcast %max3A : f32 to vector<1000x128xf32>
    %max3A_38 = arith.maximumf %add3A_36, %max3A_37 : vector<1000x128xf32>
    %swap3A = arith.constant 0 : index
    %swap3A_39 = arith.constant 0 : index
    %swap3A_40 = vector.load %arg7[%swap3A, %swap3A_39] : memref<1000x128xf32, #tpu.memory_space<vmem>>, vector<1000x128xf32>
    tpu.vector_store %arg7[%swap3A, %swap3A_39], %max3A_38 {strides = array<i32>} : memref<1000x128xf32, #tpu.memory_space<vmem>>, vector<1000x128xf32>,
    return
  }
  func.func @transform_0(%arg0: i32) -> (i32, i32) {
    %c0_i32 = arith.constant 0 : i32
    %c0_i32_0 = arith.constant 0 : i32
    return %arg0, %c0_i32 : i32, i32
  }
  func.func @transform_1(%arg0: i32) -> (i32, i32, i32) {
    %c0_i32 = arith.constant 0 : i32
    %c0_i32_0 = arith.constant 0 : i32
    %c0_i32_1 = arith.constant 0 : i32
    return %c0_i32, %arg0, %c0_i32_0 : i32, i32, i32
  }
  func.func @transform_2(%arg0: i32) -> (i32, i32) {
    %c0_i32 = arith.constant 0 : i32
    %c0_i32_0 = arith.constant 0 : i32
    %c0_i32_1 = arith.constant 0 : i32
    return %c0_i32, %c0_i32_0 : i32, i32
  }
  func.func @transform_3(%arg0: i32) -> (i32, i32) {
    %c0_i32 = arith.constant 0 : i32
    %c0_i32_0 = arith.constant 0 : i32
    %c0_i32_1 = arith.constant 0 : i32
    return %c0_i32, %c0_i32_0 : i32, i32
  }
  func.func @transform_4(%arg0: i32) -> (i32, i32) {
    %c0_i32 = arith.constant 0 : i32
    %c0_i32_0 = arith.constant 0 : i32
    %c0_i32_1 = arith.constant 0 : i32
    return %c0_i32, %c0_i32_0 : i32, i32
  }
  func.func @transform_5(%arg0: i32) -> (i32, i32) {
    %c0_i32 = arith.constant 0 : i32
    %c0_i32_0 = arith.constant 0 : i32
    %c0_i32_1 = arith.constant 0 : i32
    return %c0_i32, %c0_i32_0 : i32, i32
  }
  func.func @transform_6(%arg0: i32) -> (i32, i32) {
    %c0_i32 = arith.constant 0 : i32
    %c0_i32_0 = arith.constant 0 : i32
    return %arg0, %c0_i32 : i32, i32
  }
}

module attributes {stable_mosaic.version = 14 : i64} {
  func.func @_pool_block(%arg0: i32, %arg1: memref<1000x128xf32, #tpu.memory_space<vmem>>, %arg2: memref<2x1000x128xf32, #tpu.memory_space<vmem>>, %arg3: memref<128x128xf32, #tpu.memory_space<vmem>>, %arg4: memref<1x128xf32, #tpu.memory_space<vmem>>, %arg5: memref<128x128xf32, #tpu.memory_space<vmem>>, %arg6: memref<1x128xf32, #tpu.memory_space<vmem>>, %arg7: memref<1x1x1000xi32, #tpu.memory_space<vmem>>, %arg8: memref<128x128xf32, #tpu.memory_space<vmem>>, %arg9: memref<1x128xf32, #tpu.memory_space<vmem>>, %arg10: memref<128x128xf32, #tpu.memory_space<vmem>>, %arg11: memref<1x128xf32, #tpu.memory_space<vmem>>, %arg12: memref<64x128xf32, #tpu.memory_space<vmem>>, %arg13: memref<64x128xf32, #tpu.memory_space<vmem>>, %arg14: memref<64x128xf32, #tpu.memory_space<vmem>>) attributes {dimension_semantics = [#tpu.dimension_semantics<arbitrary>], iteration_bounds = array<i64: 10>, scalar_prefetch = 0 : i64, scratch_operands = 2 : i64, tpu.core_type = #tpu.core_type<tc>, window_params = [{transform_indices = @transform_0, window_bounds = array<i64: 1000, 128>}, {transform_indices = @transform_1, window_bounds = array<i64: 2, 1000, 128>}, {pipeline_mode = #tpu.pipeline_mode<synchronous>, transform_indices = @transform_2, window_bounds = array<i64: 128, 128>}, {pipeline_mode = #tpu.pipeline_mode<synchronous>, transform_indices = @transform_3, window_bounds = array<i64: 1, 128>}, {pipeline_mode = #tpu.pipeline_mode<synchronous>, transform_indices = @transform_4, window_bounds = array<i64: 128, 128>}, {pipeline_mode = #tpu.pipeline_mode<synchronous>, transform_indices = @transform_5, window_bounds = array<i64: 1, 128>}, {transform_indices = @transform_6, window_bounds = array<i64: 1, 1, 1000>}, {pipeline_mode = #tpu.pipeline_mode<synchronous>, transform_indices = @transform_7, window_bounds = array<i64: 128, 128>}, {pipeline_mode = #tpu.pipeline_mode<synchronous>, transform_indices = @transform_8, window_bounds = array<i64: 1, 128>}, {pipeline_mode = #tpu.pipeline_mode<synchronous>, transform_indices = @transform_9, window_bounds = array<i64: 128, 128>}, {pipeline_mode = #tpu.pipeline_mode<synchronous>, transform_indices = @transform_10, window_bounds = array<i64: 1, 128>}, {pipeline_mode = #tpu.pipeline_mode<synchronous>, transform_indices = @transform_11, window_bounds = array<i64: 64, 128>}]} {
    %eq3A = arith.constant 0 : i32
    %eq3A_0 = arith.cmpi eq, %arg0, %eq3A : i32
    %convert_element_type3A = arith.extui %eq3A_0 : i1 to i32
    %cond3A = arith.constant 0 : i32
    %cond3A_1 = arith.cmpi ne, %convert_element_type3A, %cond3A : i32
    scf.if %cond3A_1 {
      %broadcast_in_dim3A_73 = arith.constant 0.000000e+00 : f32
      %broadcast_in_dim3A_74 = vector.broadcast %broadcast_in_dim3A_73 : f32 to vector<64x128xf32>
      %swap3A_75 = arith.constant 0 : index
      %swap3A_76 = arith.constant 0 : index
      %swap3A_77 = vector.load %arg13[%swap3A_75, %swap3A_76] : memref<64x128xf32, #tpu.memory_space<vmem>>, vector<64x128xf32>
      tpu.vector_store %arg13[%swap3A_75, %swap3A_76], %broadcast_in_dim3A_74 {strides = array<i32>} : memref<64x128xf32, #tpu.memory_space<vmem>>, vector<64x128xf32>,
      %broadcast_in_dim3A_78 = arith.constant 0.000000e+00 : f32
      %broadcast_in_dim3A_79 = vector.broadcast %broadcast_in_dim3A_78 : f32 to vector<64x128xf32>
      %swap3A_80 = arith.constant 0 : index
      %swap3A_81 = arith.constant 0 : index
      %swap3A_82 = vector.load %arg14[%swap3A_80, %swap3A_81] : memref<64x128xf32, #tpu.memory_space<vmem>>, vector<64x128xf32>
      tpu.vector_store %arg14[%swap3A_80, %swap3A_81], %broadcast_in_dim3A_79 {strides = array<i32>} : memref<64x128xf32, #tpu.memory_space<vmem>>, vector<64x128xf32>,
    } else {
    }
    %get3A = arith.constant 0 : index
    %get3A_2 = arith.constant 0 : index
    %get3A_3 = vector.load %arg1[%get3A, %get3A_2] : memref<1000x128xf32, #tpu.memory_space<vmem>>, vector<1000x128xf32>
    %get3A_4 = arith.constant 0 : index
    %get3A_5 = arith.constant 0 : index
    %get3A_6 = arith.constant 0 : index
    %get3A_7 = vector.load %arg2[%get3A_4, %get3A_5, %get3A_6] : memref<2x1000x128xf32, #tpu.memory_space<vmem>>, vector<1x1000x128xf32>
    %get3A_8 = vector.shape_cast %get3A_7 : vector<1x1000x128xf32> to vector<1000x128xf32>
    %add3A = arith.addf %get3A_3, %get3A_8 : vector<1000x128xf32>
    %get3A_9 = arith.constant 1 : index
    %get3A_10 = arith.constant 0 : index
    %get3A_11 = arith.constant 0 : index
    %get3A_12 = vector.load %arg2[%get3A_9, %get3A_10, %get3A_11] : memref<2x1000x128xf32, #tpu.memory_space<vmem>>, vector<1x1000x128xf32>
    %get3A_13 = vector.shape_cast %get3A_12 : vector<1x1000x128xf32> to vector<1000x128xf32>
    %add3A_14 = arith.addf %add3A, %get3A_13 : vector<1000x128xf32>
    %get3A_15 = arith.constant 0 : index
    %get3A_16 = arith.constant 0 : index
    %get3A_17 = vector.load %arg3[%get3A_15, %get3A_16] : memref<128x128xf32, #tpu.memory_space<vmem>>, vector<128x128xf32>
    %dot_general3A = arith.constant dense<0.000000e+00> : vector<1000x128xf32>
    %dot_general3A_18 = tpu.matmul %add3A_14, %get3A_17, %dot_general3A {dimension_numbers = #tpu.dot_dimension_numbers<[1], [0], [0], [1], [0, 0, 1, 1], [], []>, transpose_lhs_hint = false} : vector<1000x128xf32>, vector<128x128xf32>, vector<1000x128xf32> -> vector<1000x128xf32>
    %get3A_19 = arith.constant 0 : index
    %get3A_20 = arith.constant 0 : index
    %get3A_21 = vector.load %arg4[%get3A_19, %get3A_20] : memref<1x128xf32, #tpu.memory_space<vmem>>, vector<1x128xf32>
    %add3A_22 = vector.broadcast %get3A_21 : vector<1x128xf32> to vector<1000x128xf32>
    %add3A_23 = arith.addf %dot_general3A_18, %add3A_22 : vector<1000x128xf32>
    %logistic3A = arith.negf %add3A_23 : vector<1000x128xf32>
    %logistic3A_24 = math.exp %logistic3A : vector<1000x128xf32>
    %logistic3A_25 = arith.constant 1.000000e+00 : f32
    %logistic3A_26 = vector.broadcast %logistic3A_25 : f32 to vector<1000x128xf32>
    %logistic3A_27 = arith.addf %logistic3A_26, %logistic3A_24 : vector<1000x128xf32>
    %logistic3A_28 = arith.divf %logistic3A_26, %logistic3A_27 : vector<1000x128xf32>
    %get3A_29 = arith.constant 0 : index
    %get3A_30 = arith.constant 0 : index
    %get3A_31 = vector.load %arg5[%get3A_29, %get3A_30] : memref<128x128xf32, #tpu.memory_space<vmem>>, vector<128x128xf32>
    %dot_general3A_32 = arith.constant dense<0.000000e+00> : vector<1000x128xf32>
    %dot_general3A_33 = tpu.matmul %logistic3A_28, %get3A_31, %dot_general3A_32 {dimension_numbers = #tpu.dot_dimension_numbers<[1], [0], [0], [1], [0, 0, 1, 1], [], []>, transpose_lhs_hint = false} : vector<1000x128xf32>, vector<128x128xf32>, vector<1000x128xf32> -> vector<1000x128xf32>
    %get3A_34 = arith.constant 0 : index
    %get3A_35 = arith.constant 0 : index
    %get3A_36 = vector.load %arg6[%get3A_34, %get3A_35] : memref<1x128xf32, #tpu.memory_space<vmem>>, vector<1x128xf32>
    %add3A_37 = vector.broadcast %get3A_36 : vector<1x128xf32> to vector<1000x128xf32>
    %add3A_38 = arith.addf %dot_general3A_33, %add3A_37 : vector<1000x128xf32>
    %max3A = arith.constant 0.000000e+00 : f32
    %max3A_39 = vector.broadcast %max3A : f32 to vector<1000x128xf32>
    %max3A_40 = arith.maximumf %add3A_38, %max3A_39 : vector<1000x128xf32>
    %get3A_41 = arith.constant 0 : index
    %get3A_42 = arith.constant 0 : index
    %get3A_43 = arith.constant 0 : index
    %get3A_44 = vector.load %arg7[%get3A_41, %get3A_42, %get3A_43] : memref<1x1x1000xi32, #tpu.memory_space<vmem>>, vector<1x1x1000xi32>
    %get3A_45 = vector.shape_cast %get3A_44 : vector<1x1x1000xi32> to vector<1000xi32>
    %iota3A = tpu.iota {dimensions = array<i32: 0>} : vector<64x1000xi32>
    %broadcast_in_dim3A = vector.shape_cast %get3A_45 : vector<1000xi32> to vector<1x1000xi32>
    %eq3A_46 = vector.broadcast %broadcast_in_dim3A : vector<1x1000xi32> to vector<64x1000xi32>
    %eq3A_47 = arith.cmpi eq, %eq3A_46, %iota3A : vector<64x1000xi32>
    %convert_element_type3A_48 = arith.extui %eq3A_47 : vector<64x1000xi1> to vector<64x1000xi32>
    %convert_element_type3A_49 = arith.sitofp %convert_element_type3A_48 : vector<64x1000xi32> to vector<64x1000xf32>
    %get3A_50 = arith.constant 0 : index
    %get3A_51 = arith.constant 0 : index
    %get3A_52 = vector.load %arg13[%get3A_50, %get3A_51] : memref<64x128xf32, #tpu.memory_space<vmem>>, vector<64x128xf32>
    %dot_general3A_53 = arith.constant dense<0.000000e+00> : vector<64x128xf32>
    %dot_general3A_54 = tpu.matmul %convert_element_type3A_49, %max3A_40, %dot_general3A_53 {dimension_numbers = #tpu.dot_dimension_numbers<[1], [0], [0], [1], [0, 0, 1, 1], [], []>, transpose_lhs_hint = false} : vector<64x1000xf32>, vector<1000x128xf32>, vector<64x128xf32> -> vector<64x128xf32>
    %add3A_55 = arith.addf %get3A_52, %dot_general3A_54 : vector<64x128xf32>
    %swap3A = arith.constant 0 : index
    %swap3A_56 = arith.constant 0 : index
    %swap3A_57 = vector.load %arg13[%swap3A, %swap3A_56] : memref<64x128xf32, #tpu.memory_space<vmem>>, vector<64x128xf32>
    tpu.vector_store %arg13[%swap3A, %swap3A_56], %add3A_55 {strides = array<i32>} : memref<64x128xf32, #tpu.memory_space<vmem>>, vector<64x128xf32>,
    %get3A_58 = arith.constant 0 : index
    %get3A_59 = arith.constant 0 : index
    %get3A_60 = vector.load %arg14[%get3A_58, %get3A_59] : memref<64x128xf32, #tpu.memory_space<vmem>>, vector<64x128xf32>
    %reduce_sum3A = arith.constant dense<0.000000e+00> : vector<64xf32>
    %reduce_sum3A_61 = vector.multi_reduction <add>, %convert_element_type3A_49, %reduce_sum3A [1] : vector<64x1000xf32> to vector<64xf32>
    %broadcast_in_dim3A_62 = vector.shape_cast %reduce_sum3A_61 : vector<64xf32> to vector<64x1xf32>
    %add3A_63 = vector.broadcast %broadcast_in_dim3A_62 : vector<64x1xf32> to vector<64x128xf32>
    %add3A_64 = arith.addf %get3A_60, %add3A_63 : vector<64x128xf32>
    %swap3A_65 = arith.constant 0 : index
    %swap3A_66 = arith.constant 0 : index
    %swap3A_67 = vector.load %arg14[%swap3A_65, %swap3A_66] : memref<64x128xf32, #tpu.memory_space<vmem>>, vector<64x128xf32>
    tpu.vector_store %arg14[%swap3A_65, %swap3A_66], %add3A_64 {strides = array<i32>} : memref<64x128xf32, #tpu.memory_space<vmem>>, vector<64x128xf32>,
    %eq3A_68 = arith.constant 9 : i32
    %eq3A_69 = arith.cmpi eq, %arg0, %eq3A_68 : i32
    %convert_element_type3A_70 = arith.extui %eq3A_69 : i1 to i32
    %cond3A_71 = arith.constant 0 : i32
    %cond3A_72 = arith.cmpi ne, %convert_element_type3A_70, %cond3A_71 : i32
    scf.if %cond3A_72 {
      %get3A_73 = arith.constant 0 : index
      %get3A_74 = arith.constant 0 : index
      %get3A_75 = vector.load %arg13[%get3A_73, %get3A_74] : memref<64x128xf32, #tpu.memory_space<vmem>>, vector<64x128xf32>
      %get3A_76 = arith.constant 0 : index
      %get3A_77 = arith.constant 0 : index
      %get3A_78 = vector.load %arg14[%get3A_76, %get3A_77] : memref<64x128xf32, #tpu.memory_space<vmem>>, vector<64x128xf32>
      %max3A_79 = arith.constant 1.000000e+00 : f32
      %max3A_80 = vector.broadcast %max3A_79 : f32 to vector<64x128xf32>
      %max3A_81 = arith.maximumf %get3A_78, %max3A_80 : vector<64x128xf32>
      %div3A = arith.divf %get3A_75, %max3A_81 : vector<64x128xf32>
      %get3A_82 = arith.constant 0 : index
      %get3A_83 = arith.constant 0 : index
      %get3A_84 = vector.load %arg8[%get3A_82, %get3A_83] : memref<128x128xf32, #tpu.memory_space<vmem>>, vector<128x128xf32>
      %dot_general3A_85 = arith.constant dense<0.000000e+00> : vector<64x128xf32>
      %dot_general3A_86 = tpu.matmul %div3A, %get3A_84, %dot_general3A_85 {dimension_numbers = #tpu.dot_dimension_numbers<[1], [0], [0], [1], [0, 0, 1, 1], [], []>, transpose_lhs_hint = false} : vector<64x128xf32>, vector<128x128xf32>, vector<64x128xf32> -> vector<64x128xf32>
      %get3A_87 = arith.constant 0 : index
      %get3A_88 = arith.constant 0 : index
      %get3A_89 = vector.load %arg9[%get3A_87, %get3A_88] : memref<1x128xf32, #tpu.memory_space<vmem>>, vector<1x128xf32>
      %add3A_90 = vector.broadcast %get3A_89 : vector<1x128xf32> to vector<64x128xf32>
      %add3A_91 = arith.addf %dot_general3A_86, %add3A_90 : vector<64x128xf32>
      %logistic3A_92 = arith.negf %add3A_91 : vector<64x128xf32>
      %logistic3A_93 = math.exp %logistic3A_92 : vector<64x128xf32>
      %logistic3A_94 = arith.constant 1.000000e+00 : f32
      %logistic3A_95 = vector.broadcast %logistic3A_94 : f32 to vector<64x128xf32>
      %logistic3A_96 = arith.addf %logistic3A_95, %logistic3A_93 : vector<64x128xf32>
      %logistic3A_97 = arith.divf %logistic3A_95, %logistic3A_96 : vector<64x128xf32>
      %get3A_98 = arith.constant 0 : index
      %get3A_99 = arith.constant 0 : index
      %get3A_100 = vector.load %arg10[%get3A_98, %get3A_99] : memref<128x128xf32, #tpu.memory_space<vmem>>, vector<128x128xf32>
      %dot_general3A_101 = arith.constant dense<0.000000e+00> : vector<64x128xf32>
      %dot_general3A_102 = tpu.matmul %logistic3A_97, %get3A_100, %dot_general3A_101 {dimension_numbers = #tpu.dot_dimension_numbers<[1], [0], [0], [1], [0, 0, 1, 1], [], []>, transpose_lhs_hint = false} : vector<64x128xf32>, vector<128x128xf32>, vector<64x128xf32> -> vector<64x128xf32>
      %get3A_103 = arith.constant 0 : index
      %get3A_104 = arith.constant 0 : index
      %get3A_105 = vector.load %arg11[%get3A_103, %get3A_104] : memref<1x128xf32, #tpu.memory_space<vmem>>, vector<1x128xf32>
      %add3A_106 = vector.broadcast %get3A_105 : vector<1x128xf32> to vector<64x128xf32>
      %add3A_107 = arith.addf %dot_general3A_102, %add3A_106 : vector<64x128xf32>
      %swap3A_108 = arith.constant 0 : index
      %swap3A_109 = arith.constant 0 : index
      %swap3A_110 = vector.load %arg12[%swap3A_108, %swap3A_109] : memref<64x128xf32, #tpu.memory_space<vmem>>, vector<64x128xf32>
      tpu.vector_store %arg12[%swap3A_108, %swap3A_109], %add3A_107 {strides = array<i32>} : memref<64x128xf32, #tpu.memory_space<vmem>>, vector<64x128xf32>,
    } else {
    }
    return
  }
  func.func @transform_0(%arg0: i32) -> (i32, i32) {
    %c0_i32 = arith.constant 0 : i32
    %c0_i32_0 = arith.constant 0 : i32
    return %arg0, %c0_i32 : i32, i32
  }
  func.func @transform_1(%arg0: i32) -> (i32, i32, i32) {
    %c0_i32 = arith.constant 0 : i32
    %c0_i32_0 = arith.constant 0 : i32
    %c0_i32_1 = arith.constant 0 : i32
    return %c0_i32, %arg0, %c0_i32_0 : i32, i32, i32
  }
  func.func @transform_2(%arg0: i32) -> (i32, i32) {
    %c0_i32 = arith.constant 0 : i32
    %c0_i32_0 = arith.constant 0 : i32
    %c0_i32_1 = arith.constant 0 : i32
    return %c0_i32, %c0_i32_0 : i32, i32
  }
  func.func @transform_3(%arg0: i32) -> (i32, i32) {
    %c0_i32 = arith.constant 0 : i32
    %c0_i32_0 = arith.constant 0 : i32
    %c0_i32_1 = arith.constant 0 : i32
    return %c0_i32, %c0_i32_0 : i32, i32
  }
  func.func @transform_4(%arg0: i32) -> (i32, i32) {
    %c0_i32 = arith.constant 0 : i32
    %c0_i32_0 = arith.constant 0 : i32
    %c0_i32_1 = arith.constant 0 : i32
    return %c0_i32, %c0_i32_0 : i32, i32
  }
  func.func @transform_5(%arg0: i32) -> (i32, i32) {
    %c0_i32 = arith.constant 0 : i32
    %c0_i32_0 = arith.constant 0 : i32
    %c0_i32_1 = arith.constant 0 : i32
    return %c0_i32, %c0_i32_0 : i32, i32
  }
  func.func @transform_6(%arg0: i32) -> (i32, i32, i32) {
    %c0_i32 = arith.constant 0 : i32
    %c0_i32_0 = arith.constant 0 : i32
    %c0_i32_1 = arith.constant 0 : i32
    return %arg0, %c0_i32, %c0_i32_0 : i32, i32, i32
  }
  func.func @transform_7(%arg0: i32) -> (i32, i32) {
    %c0_i32 = arith.constant 0 : i32
    %c0_i32_0 = arith.constant 0 : i32
    %c0_i32_1 = arith.constant 0 : i32
    return %c0_i32, %c0_i32_0 : i32, i32
  }
  func.func @transform_8(%arg0: i32) -> (i32, i32) {
    %c0_i32 = arith.constant 0 : i32
    %c0_i32_0 = arith.constant 0 : i32
    %c0_i32_1 = arith.constant 0 : i32
    return %c0_i32, %c0_i32_0 : i32, i32
  }
  func.func @transform_9(%arg0: i32) -> (i32, i32) {
    %c0_i32 = arith.constant 0 : i32
    %c0_i32_0 = arith.constant 0 : i32
    %c0_i32_1 = arith.constant 0 : i32
    return %c0_i32, %c0_i32_0 : i32, i32
  }
  func.func @transform_10(%arg0: i32) -> (i32, i32) {
    %c0_i32 = arith.constant 0 : i32
    %c0_i32_0 = arith.constant 0 : i32
    %c0_i32_1 = arith.constant 0 : i32
    return %c0_i32, %c0_i32_0 : i32, i32
  }
  func.func @transform_11(%arg0: i32) -> (i32, i32) {
    %c0_i32 = arith.constant 0 : i32
    %c0_i32_0 = arith.constant 0 : i32
    %c0_i32_1 = arith.constant 0 : i32
    return %c0_i32, %c0_i32_0 : i32, i32
  }
}

</mosaic_0001>

<sc_bundles>
// kernel: kernel.6.cloned.1.call-start
scs
__scs_entry_jumppad:
0x0: {  	(pc) =	sbr.rel $0x88, $3  }
0x1: {  	(tag) =	ssettag $0x0;
	lr =	simm.s32 $0x1  }
0x2: {  	[smem:$0x3F92] =	sst lr;
	_ =	strace $0xD0000000  }
0x3: {  	_ = 	snop  }
0x4: {  	_ = 	snop  }
0x5: {  	_ = 	snop  }
0x6: {  	_ = 	snop  }
0x7: {  	_ = 	snop  }
__scs_overlays_trampoline_lowered:
0x8: {  	[smem:$0x3FA1] =	sst s0  }
0x9: {  	[smem:$0x3FA2] =	sst s1  }
0xa: {  	[smem:$0x3FA3] =	sst s2  }
0xb: {  	[smem:$0x3FA4] =	sst s3  }
0xc: {  	[smem:$0x3FA5] =	sst s4  }
0xd: {  	[smem:$0x3FA6] =	sst s5  }
0xe: {  	[smem:$0x3FA7] =	sst s6  }
0xf: {  	[smem:$0x3FA8] =	sst s7  }
0x10: {  	[smem:$0x3FA9] =	sst s8  }
0x11: {  	[smem:$0x3FAA] =	sst s9;
	s0 =	simm.s32 @!p0 $0x0  }
0x12: {  	s1 =	sld [smem:$0x3F90];
	s0 =	simm.s32 @p0 $0x1  }
0x13: {  	[smem:$0x3FAB] =	sst s0;
	s0 =	simm.s32 @!p1 $0x0  }
0x14: {  	s2 =	sld [smem:$0x3F8F];
	s0 =	simm.s32 @p1 $0x1  }
0x15: {  	[smem:$0x3FAC] =	sst s0;
	s0 =	simm.s32 @!p2 $0x0  }
0x16: {  	s3 =	sld [smem:$0x3FDB];
	s0 =	simm.s32 @p2 $0x1  }
0x17: {  	s4 =	simm.s32 $0x1BF5;
	[smem:$0x3FAE] =	sst s0  }
0x18: {  	s0 =	sld [smem:$0x3F91];
	_ =	swait.ge [sflag:s4], $0x0  }
0x19: {  	s7 =	sld [smem:$0x3F92]  }
0x1a: {  	s8 =	sadd.s32 $0xFFFFE003, lr  }
0x1b: {  	s9 =	sadd.s32 $0xFFFFFEF7, lr;
	s5 =	simm.s32 $0xFFFFFFFF;
	p2 =	slt.u32 s8, $0xFFFFF086  }
0x1c: {  	p1 =	slt.u32 s9, $0xF7A;
	s5 =	simm.s32 @!p2 $0x0  }
0x1d: {  	s5 =	simm.s32 @p1 $0x1;
	p0 =	seq.s32 s7, s2  }
0x1e: {  	s7 =	smul.u32 @!p0 $0xF7A, s2;
	p2 =	seq.s32 @!p0 s5, $0x0  }
0x1f: {  	s9 =	smul.u32 $0xF7A, s1;
	s8 =	simm.s32 @!p0 $0x1BF5;
	p2 =	por !p2, p0  }
0x20: {  	[sflag:s8] =	ssyncset.s32 @!p0 $0xFFFFF086;
	s6 =	sadd.s32 @!p0 s3, s7;
	s7 =	simm.s32 @!p0 $0x108  }
0x21: {  	s3 =	sadd.s32 s3, s9;
	s6 =	sadd.s32 @!p0 $0x88, s6;
	s7 =	simm.s32 @p2 $0x1082  }
0x22: {  	[simem:s7], [sflag:s8] =	dma.local @!p0 [hbm:s6], $0xF7A  }
0x23: {  	s9 =	sor.u32 $0xD0000000, s2;
	s6 =	simm.s32 $0x108;
	_ =	swait.ge @!p0 [sflag:s8], $0x0  }
0x24: {  	s3 =	sadd.s32 $0x88, s3;
	s6 =	simm.s32 @!p1 $0x1082;
	[sflag:s4] =	ssyncset.s32 $0xFFFFF086  }
0x25: {  	[simem:s6], [sflag:s4] =	dma.local [hbm:s3], $0xF7A  }
0x26: {  	[smem:$0x3F92] =	sst s1;
	(tag) =	ssettag s2;
	_ =	strace s9  }
0x27: {  	s1 =	sld [smem:$0x3FA2]  }
0x28: {  	s2 =	sld [smem:$0x3FA3]  }
0x29: {  	s4 =	sld [smem:$0x3FA5]  }
0x2a: {  	p0 =	seq.s32 s5, $0x0;
	s5 =	sld [smem:$0x3FA6]  }
0x2b: {  	s6 =	sld [smem:$0x3FA7]  }
0x2c: {  	s7 =	sld [smem:$0x3FA8]  }
0x2d: {  	s3 =	simm.s32 $0x108;
	s8 =	sld [smem:$0x3FA9]  }
0x2e: {  	s3 =	simm.s32 @!p0 $0x1082;
	s9 =	sld [smem:$0x3FAA]  }
0x2f: {  	lr =	sadd.s32 s0, s3;
	s0 =	sld [smem:$0x3FA1]  }
0x30: {  	s3 =	sld [smem:$0x3FA4]  }
0x31: {  	[smem:$0x3FAD] =	sst s10  }
0x32: {  	s10 =	sld [smem:$0x3FAB];
	_ =	sdelay $0x3  }
0x33: {  	p0 =	seq.s32 s10, $0x1;
	s10 =	sld [smem:$0x3FAD];
	_ =	sdelay $0x3  }
0x34: {  	[smem:$0x3FAD] =	sst s10  }
0x35: {  	s10 =	sld [smem:$0x3FAC];
	_ =	sdelay $0x3  }
0x36: {  	p1 =	seq.s32 s10, $0x1;
	s10 =	sld [smem:$0x3FAD];
	_ =	sdelay $0x3  }
0x37: {  	[smem:$0x3FAD] =	sst s10  }
0x38: {  	s10 =	sld [smem:$0x3FAE]  }
0x39: {  	_ = 	snop;
	(pc) =	sbr.ind lr, $3  }
0x3a: {  	_ = 	snop  }
0x3b: {  	_ = 	snop  }
0x3c: {  	p2 =	seq.s32 s10, $0x1;
	s10 =	sld [smem:$0x3FAD]  }
0x3d: {  	_ =	shalt  }
0x3e: {  	_ =	shalt  }
0x3f: {  	_ =	shalt  }
0x40: {  	_ =	shalt  }
0x41: {  	_ =	shalt  }
0x42: {  	_ =	shalt  }
0x43: {  	_ =	shalt  }
0x44: {  	_ =	shalt  }
0x45: {  	_ =	shalt  }
0x46: {  	_ =	shalt  }
0x47: {  	_ =	shalt  }
0x48: {  	_ =	shalt  }
0x49: {  	_ =	shalt  }
0x4a: {  	_ =	shalt  }
0x4b: {  	_ =	shalt  }
0x4c: {  	_ =	shalt  }
0x4d: {  	_ =	shalt  }
0x4e: {  	_ =	shalt  }
0x4f: {  	_ =	shalt  }
0x50: {  	_ =	shalt  }
0x51: {  	_ =	shalt  }
0x52: {  	_ =	shalt  }
0x53: {  	_ =	shalt  }
0x54: {  	_ =	shalt  }
0x55: {  	_ =	shalt  }
0x56: {  	_ =	shalt  }
0x57: {  	_ =	shalt  }
0x58: {  	_ =	shalt  }
0x59: {  	_ =	shalt  }
0x5a: {  	_ =	shalt  }
0x5b: {  	_ =	shalt  }
0x5c: {  	_ =	shalt  }
0x5d: {  	_ =	shalt  }
0x5e: {  	_ =	shalt  }
0x5f: {  	_ =	shalt  }
0x60: {  	_ =	shalt  }
0x61: {  	_ =	shalt  }
0x62: {  	_ =	shalt  }
0x63: {  	_ =	shalt  }
0x64: {  	_ =	shalt  }
0x65: {  	_ =	shalt  }
0x66: {  	_ =	shalt  }
0x67: {  	_ =	shalt  }
0x68: {  	_ =	shalt  }
0x69: {  	_ =	shalt  }
0x6a: {  	_ =	shalt  }
0x6b: {  	_ =	shalt  }
0x6c: {  	_ =	shalt  }
0x6d: {  	_ =	shalt  }
0x6e: {  	_ =	shalt  }
0x6f: {  	_ =	shalt  }
0x70: {  	_ =	shalt  }
0x71: {  	_ =	shalt  }
0x72: {  	_ =	shalt  }
0x73: {  	_ =	shalt  }
0x74: {  	_ =	shalt  }
0x75: {  	_ =	shalt  }
0x76: {  	_ =	shalt  }
0x77: {  	_ =	shalt  }
0x78: {  	_ =	shalt  }
0x79: {  	_ =	shalt  }
0x7a: {  	_ =	shalt  }
0x7b: {  	_ =	shalt  }
0x7c: {  	_ =	shalt  }
0x7d: {  	_ =	shalt  }
0x7e: {  	_ =	shalt  }
0x7f: {  	_ =	shalt  }
0x80: {  	_ =	shalt  }
0x81: {  	_ =	shalt  }
0x82: {  	_ =	shalt  }
0x83: {  	_ =	shalt  }
0x84: {  	_ =	shalt  }
0x85: {  	_ =	shalt  }
0x86: {  	_ =	shalt  }
0x87: {  	_ =	shalt  }
.Lfunc_end0:
.L_simem_size_0:
called_computation_lowered:
.L_overlay_start_0:
0x88: {  	s2 =	sld [smem:$0x3FD9]  }
0x89: {  	s3 =	sld [smem:$0x3FFE];
	_ =	sdelay $0x1  }
0x8a: {  	s1 =	srdreg.scid  }
0x8b: {  	s0 =	sand.u32 $0x1, s1  }
0x8c: {  	s17 =	sshll.u32 s0, $0xA;
	s2 =	sadd.s32 s3, s2  }
0x8d: {  	s2 =	sadd.s32 s2, s17  }
0x8e: {  	[smem:$0x3FB9] =	sst s2  }
0x8f: {  	_ = 	snop  }
0x90: {  	s2 =	sld [smem:$0x3FC9];
	(tm) =	ssettm $0x1  }
0x91: {  	s18 =	sld [smem:$0x3FFB];
	_ =	sdelay $0x3  }
0x92: {  	_ =	strace s18  }
0x93: {  	s3 =	sld [smem:$0x3FFC];
	_ =	sdelay $0x3  }
0x94: {  	_ =	strace s3  }
0x95: {  	s3 =	sld [smem:$0x3FFD];
	_ =	sdelay $0x3  }
0x96: {  	_ =	strace s3  }
0x97: {  	_ =	strace $0x8FFFFFFF  }
0x98: {  	s19 =	sld [smem:$0x3FDB];
	_ =	sdelay $0x1  }
0x99: {  	s4 =	simm.s32 $_scs_section_size  }
0x9a: {  	s5 =	simm.s32 $_size__tile_overlayer_lowered;
	s6 =	simm.s32 $_tile_overlayer_lowered  }
0x9b: {  	s22 =	simm.s32 $0x1BFF;
	s21 =	sshll.u32 s6, $0x1;
	s3 =	sadd.s32 s4, s19  }
0x9c: {  	s7 =	simm.s32 $0x0;
	s20 =	sshll.u32 s5, $0x1;
	s5 =	sadd.s32 s21, s3  }
0x9d: {  	[timem:s7], [sflag:s22] =	dma.local [hbm:s5], s20  }
0x9e: {  	_ =	swait.ge [sflag:s22], s20  }
0x9f: {  	s4 =	ssub.s32 $0x0, s20;
	[sflag:s22] =	ssyncset.done $0x0  }
0xa0: {  	[sflag:s22] =	ssyncadd.s32 s4;
	_ =	sdelay $0x1  }
0xa1: {  	s23 =	simm.s32 $0x1B8B  }
0xa2: {  	_ =	swait.ge [sflag:s23], $0x1  }
0xa3: {  	[sflag:s23] =	ssyncset.done $0x0  }
0xa4: {  	s25 =	simm.s32 $0x1B8E;
	s24 =	sld [smem:$0x3FFE];
	[sflag:s23] =	ssyncadd.s32 $0xFFFFFFFF  }
0xa5: {  	s26 =	simm.s32 $execute0_lowered;
	[smem:$0x3FD2] =	sst s25  }
0xa6: {  	s5 =	sshll.u32 s26, $0x1;
	_ =	strace $0x80000046;
	[dreg:$0x1] =	wrdreg $0xFFFFFFFF  }
0xa7: {  	s28 =	simm.s32 $_size_execute0_lowered;
	s3 =	sadd.s32 s3, s5;
	[dreg:$0x0] =	wrdreg $0x0  }
0xa8: {  	s5 =	sshll.u32 s28, $0x1;
	[dreg:$0x2] =	wrdreg s3  }
0xa9: {  	[dreg:$0x3] =	wrdreg s5  }
0xaa: {  	[dreg:$0x4] =	wrdreg $0xC0  }
0xab: {  	_ =	task [dreg:s7], $0x5FFFF  }
0xac: {  	[dreg:$0x1] =	wrdreg $0xFFFFFFFF  }
0xad: {  	[dreg:$0x0] =	wrdreg $0x60  }
0xae: {  	[dreg:$0x2] =	wrdreg s2  }
0xaf: {  	[dreg:$0x3] =	wrdreg s24  }
0xb0: {  	[dreg:$0x4] =	wrdreg $0xB8000  }
0xb1: {  	[dreg:$0x5] =	wrdreg $0x9  }
0xb2: {  	_ =	task.clear_ibuf [dreg:s7], $0x6FFFF;
	_ =	strace $0x90000046  }
0xb3: {  	s29 =	simm.s32 $0x9;
	_ =	strace $0x80000048  }
0xb4: {  	_ =	swait.ge [sflag:s29], $0x1  }
0xb5: {  	[sflag:s29] =	ssyncadd.s32 $0xFFFFFFFF  }
0xb6: {  	_ =	strace $0x90000048  }
0xb7: {  	_ =	sfence  }
0xb8: {  	s30 =	sld [smem:$0x0];
	_ =	sdelay $0x2  }
0xb9: {  	s31 =	sshll.u32 s1, $0xD;
	s1 =	sshrl.u32 s1, $0x2  }
0xba: {  	s3 =	sand.u32 $0x4000, s31;
	s1 =	sadd.s32 s1, s30  }
0xbb: {  	s0 =	sor.u32 s3, s0;
	s1 =	sshll.u32 s1, $0x11  }
0xbc: {  	s0 =	sor.u32 s1, s0  }
0xbd: {  	s0 =	sadd.s32 $0x8F2B, s0  }
0xbe: {  	[sflag:s0] =	ssyncadd.remote.s32 $0x1  }
0xbf: {  	_ =	sfence.sel $0xFFFF  }
0xc0: {  	[dreg:$0x0] =	wrdreg $0xFFFFFFFF;
	(pc) =	sbr.abs _section_cstart, $3  }
0xc1: {  	[dreg:$0x1] =	wrdreg $0xFFFFFFFF  }
0xc2: {  	_ =	task.clear_ibuf [dreg:s7], $0x2FFFF;
	_ =	strace $0x9FFFFFFF  }
0xc3: {  	(tm) =	ssettm $0x7FFFFFFF  }
tec
execute0_lowered:
.L_overlay_start_1:
0x0: {  	(tag) =	ssettag $0x1  }
0x1: {  	s31 =	rddreg [dreg:$0x0]  }
0x2: {  	s0 =	rddreg [dreg:$0x1]  }
0x3: {  	s2 =	rddreg [dreg:$0x2];
	s9 =	stileid.u32  }
0x4: {  	s3 =	srdreg.scid;
	s6 =	smul.u32 $0x14000, s9  }
0x5: {  	s4 =	simm.s32 $0x0;
	s5 =	sand.u32 $0x1, s3;
	s23 =	smul.u32 $0x50000, s9  }
0x6: {  	[smem:$0x7FF] =	sst s4;
	s7 =	sshll.u32 s9, $0x1;
	s9 =	smul.u32 $0x4E20, s9  }
0x7: {  	s11 =	sadd.s32 $0xC800, s0;
	s3 =	smul.u32 $0x140000, s5;
	s7 =	sor.u32 s5, s7  }
0x8: {  	s12 =	sadd.s32 $0x2A00, s0;
	_ =	strace $0x80000047;
	s17 =	smul.u32 $0x2710, s7  }
0x9: {  	s18 =	ssub.s32 $0x2, s5;
	s5 =	smul.u32 $0x2710, s5;
	[dreg:$0x13] =	wrdreg s12  }
0xa: {  	[dreg:$0x12] =	wrdreg s11;
	s3 =	sadd.s32 s6, s3;
	s6 =	sshrl.u32 s17, $0x3  }
0xb: {  	s19 =	sshrl.u32 s18, $0x1;
	s5 =	sadd.s32 s5, s9;
	s20 =	sadd.s32 s11, s6  }
0xc: {  	s21 =	sadd.s32 $0xA, s6;
	s8 =	sadd.s32 s12, s6;
	[dreg:$0x14] =	wrdreg s20  }
0xd: {  	s3 =	sshrl.u32 s3, $0x3;
	[dreg:$0x15] =	wrdreg s8;
	s22 =	sadd.s32 s11, s21  }
0xe: {  	s24 =	sadd.s32 $0x14, s6;
	s7 =	sadd.s32 s12, s21;
	[dreg:$0x16] =	wrdreg s22  }
0xf: {  	s25 =	sadd.s32 $0x1E, s6;
	s10 =	sadd.s32 s11, s24;
	[dreg:$0x17] =	wrdreg s7  }
0x10: {  	s14 =	sadd.s32 $0x2D0, s5;
	s26 =	sadd.s32 s11, s25;
	[dreg:$0x18] =	wrdreg s10  }
0x11: {  	s6 =	sadd.s32 $0x28, s6;
	s1 =	sadd.s32 s12, s25;
	[dreg:$0x1a] =	wrdreg s26  }
0x12: {  	s0 =	sadd.s32 s3, s0;
	s13 =	sadd.s32 s11, s6;
	[dreg:$0x1b] =	wrdreg s1  }
0x13: {  	s16 =	sshrl.u32 s14, $0x3;
	s6 =	sadd.s32 s12, s6;
	[dreg:$0x1c] =	wrdreg s13  }
0x14: {  	s3 =	ssub.s32 s18, s19;
	s18 =	sadd.s32 s16, s12;
	[dreg:$0x1e] =	wrdreg s6  }
0x15: {  	s0 =	sadd.s32 $0x16600, s0;
	[dreg:$0x4] =	wrdreg s18  }
0x16: {  	s20 =	sadd.s32 $0x320, s5;
	s7 =	sadd.s32 s12, s24;
	[smem:$0x7EC] =	sst s0  }
0x17: {  	s6 =	sadd.s32 s16, s11;
	s21 =	sshrl.u32 s20, $0x3;
	[dreg:$0x19] =	wrdreg s7  }
0x18: {  	[dreg:$0x5] =	wrdreg s6;
	s22 =	sadd.s32 s21, s12  }
0x19: {  	s10 =	sshrl.u32 s23, $0x2;
	s24 =	sadd.s32 s21, s11;
	[dreg:$0x6] =	wrdreg s22  }
0x1a: {  	s19 =	sadd.s32 s10, s2;
	[dreg:$0x7] =	wrdreg s24  }
0x1b: {  	s23 =	sadd.s32 $0x370, s5;
	s15 =	sadd.s32 $0x1000, s19;
	[dreg:$0x1d] =	wrdreg s19  }
0x1c: {  	s25 =	sshrl.u32 s23, $0x3;
	s17 =	sadd.s32 $0x2000, s19;
	[dreg:$0x1f] =	wrdreg s15  }
0x1d: {  	s1 =	sadd.s32 $0x3C0, s5;
	s26 =	sadd.s32 s25, s12;
	[smem:$0x7E8] =	sst s17  }
0x1e: {  	s9 =	sshrl.u32 s1, $0x3;
	s7 =	sadd.s32 s25, s11;
	[dreg:$0x8] =	wrdreg s26  }
0x1f: {  	s10 =	sadd.s32 s9, s12;
	[dreg:$0x9] =	wrdreg s7  }
0x20: {  	s30 =	simm.s32 $0x800;
	s14 =	sadd.s32 s9, s11;
	[dreg:$0xa] =	wrdreg s10  }
0x21: {  	s28 =	simm.s32 $0x2;
	s25 =	sadd.s32 $0x3000, s19;
	[dreg:$0xb] =	wrdreg s14  }
0x22: {  	s29 =	simm.s32 $0x3;
	s1 =	sadd.s32 $0x4000, s19;
	[smem:$0x7E9] =	sst s25  }
0x23: {  	s13 =	sadd.s32 $0x230, s5;
	s9 =	sadd.s32 $0x5000, s19;
	[smem:$0x7EA] =	sst s1  }
0x24: {  	s0 =	simm.s32 $0x3000;
	[smem:$0x7EB] =	sst s9;
	s10 =	smax.u32 s3, $0x1  }
0x25: {  	s15 =	sshrl.u32 s13, $0x3;
	s13 =	sadd.s32 $0x7000, s19;
	[smem:$0x7ED] =	sst s10  }
0x26: {  	s22 =	sadd.s32 $0x190, s5;
	s14 =	sadd.s32 $0x8000, s19;
	[smem:$0x7F0] =	sst s13  }
0x27: {  	s24 =	sshrl.u32 s22, $0x3;
	s22 =	sadd.s32 $0xF000, s19;
	[smem:$0x7F1] =	sst s14  }
0x28: {  	s6 =	simm.s32 $0x80;
	s25 =	sadd.s32 $0x12000, s19;
	[smem:$0x7F8] =	sst s22  }
0x29: {  	s17 =	sadd.s32 $0x1E0, s5;
	s16 =	sadd.s32 s15, s12;
	[smem:$0x7FB] =	sst s25  }
0x2a: {  	s9 =	simm.s32 $0x5800;
	s18 =	sadd.s32 s15, s11;
	[dreg:$0xc] =	wrdreg s16  }
0x2b: {  	s7 =	simm.s32 $0xD;
	s26 =	sadd.s32 s24, s12;
	[dreg:$0xd] =	wrdreg s18  }
0x2c: {  	s3 =	simm.s32 $0x5;
	s8 =	sadd.s32 s24, s11;
	[dreg:$0x10] =	wrdreg s26  }
0x2d: {  	s1 =	simm.s32 $0x8;
	s15 =	sadd.s32 $0x9000, s19;
	[dreg:$0x11] =	wrdreg s8  }
0x2e: {  	s20 =	sshrl.u32 s17, $0x3;
	s17 =	sadd.s32 $0xB000, s19;
	[smem:$0x7F2] =	sst s15  }
0x2f: {  	s24 =	sadd.s32 $0x11000, s19;
	s14 =	simm.s32 $0x480;
	[smem:$0x7F4] =	sst s17  }
0x30: {  	s22 =	simm.s32 $0x580;
	s10 =	simm.s32 $0x0;
	[smem:$0x7FA] =	sst s24  }
0x31: {  	s25 =	simm.s32 $0x600;
	s21 =	sadd.s32 s20, s12;
	[smem:$0x7FD] =	sst s10  }
0x32: {  	s13 =	simm.s32 $0x6;
	s23 =	sadd.s32 s20, s11;
	[dreg:$0xe] =	wrdreg s21  }
0x33: {  	s11 =	sadd.s32 $0x280, s5;
	s12 =	sadd.s32 $0x6000, s19;
	[dreg:$0xf] =	wrdreg s23  }
0x34: {  	s16 =	sadd.s32 $0xA000, s19;
	s18 =	sadd.s32 $0xC000, s19;
	[smem:$0x7EE] =	sst s11  }
0x35: {  	s20 =	sadd.s32 $0xD000, s19;
	s26 =	sadd.s32 $0x13000, s19;
	[smem:$0x7EF] =	sst s12  }
0x36: {  	s24 =	simm.s32 $0x1;
	s8 =	simm.s32 $0x4;
	[smem:$0x7F3] =	sst s16  }
0x37: {  	s5 =	simm.s32 $0xA;
	s15 =	simm.s32 $0xB;
	[smem:$0x7F5] =	sst s18  }
0x38: {  	s17 =	simm.s32 $0x7;
	[smem:$0x7F6] =	sst s20;
	s21 =	sadd.s32 $0xE000, s19  }
0x39: {  	s23 =	sadd.s32 $0x10000, s19;
	[smem:$0x7FC] =	sst s26;
	s11 =	simm.s32 $0x400  }
0x3a: {  	s16 =	simm.s32 $0x100;
	s20 =	simm.s32 $0x500;
	s26 =	simm.s32 $0x50  }
0x3b: {  	s12 =	simm.s32 $0x9;
	s18 =	simm.s32 $0xC;
	[smem:$0x7F7] =	sst s21  }
0x3c: {  	v0 =	vimm.f32 $0.0e+00;
	[smem:$0x7F9] =	sst s23;
	s21 =	simm.s32 $0x180;
	s23 =	simm.s32 $0x200  }
.LBB2_1:
0x3d: {  	s10 =	rddreg [dreg:$0x14]  }
0x3e: {  	[tilespmem:s4], [sflag:$0x1] =	stream.linear.gather [hbm4b:s10+s4], $0x50, $0x38;
	[tilespmem:$0x1F800] =	vst v63  }
0x3f: {  	s10 =	rddreg [dreg:$0x15]  }
0x40: {  	[tilespmem:s11], [sflag:$0x1] =	stream.linear.gather [hbm4b:s10+s4], $0x50, $0x38;
	[tilespmem:$0x1F800] =	vst v63  }
0x41: {  	s11 =	rddreg [dreg:$0x16]  }
0x42: {  	[tilespmem:s6], [sflag:$0x2] =	stream.linear.gather [hbm4b:s11+s4], $0x50, $0x38;
	[tilespmem:$0x1F800] =	vst v63  }
0x43: {  	s11 =	rddreg [dreg:$0x17]  }
0x44: {  	[tilespmem:s14], [sflag:$0x2] =	stream.linear.gather [hbm4b:s11+s4], $0x50, $0x38;
	[tilespmem:$0x1F800] =	vst v63  }
0x45: {  	s11 =	rddreg [dreg:$0x18]  }
0x46: {  	[tilespmem:s16], [sflag:$0x3] =	stream.linear.gather [hbm4b:s11+s4], $0x50, $0x38;
	[tilespmem:$0x1F800] =	vst v63  }
0x47: {  	s14 =	rddreg [dreg:$0x19]  }
0x48: {  	[tilespmem:s20], [sflag:$0x3] =	stream.linear.gather [hbm4b:s14+s4], $0x50, $0x38;
	[tilespmem:$0x1F800] =	vst v63  }
0x49: {  	s11 =	rddreg [dreg:$0x1a]  }
0x4a: {  	[tilespmem:s21], [sflag:$0x4] =	stream.linear.gather [hbm4b:s11+s4], $0x50, $0x38;
	[tilespmem:$0x1F800] =	vst v63  }
0x4b: {  	s14 =	rddreg [dreg:$0x1b]  }
0x4c: {  	[tilespmem:s22], [sflag:$0x4] =	stream.linear.gather [hbm4b:s14+s4], $0x50, $0x38;
	[tilespmem:$0x1F800] =	vst v63  }
0x4d: {  	s20 =	rddreg [dreg:$0x1c]  }
0x4e: {  	[tilespmem:s23], [sflag:$0x5] =	stream.linear.gather [hbm4b:s20+s4], $0x50, $0x38;
	[tilespmem:$0x1F800] =	vst v63  }
0x4f: {  	s21 =	rddreg [dreg:$0x1e]  }
0x50: {  	[tilespmem:s25], [sflag:$0x5] =	stream.linear.gather [hbm4b:s21+s4], $0x50, $0x38;
	[tilespmem:$0x1F800] =	vst v63  }
0x51: {  	_ =	swait.ge [sflag:s24], $0x50  }
0x52: {  	[sflag:s24] =	ssyncset.done $0x0  }
0x53: {  	[sflag:s24] =	ssyncadd.s32 $0xFFFFFFB0  }
0x54: {  	_ =	swait.ge [sflag:s24], $0x50  }
0x55: {  	[sflag:s24] =	ssyncset.done $0x0  }
0x56: {  	[sflag:s24] =	ssyncadd.s32 $0xFFFFFFB0  }
0x57: {  	[tilespmem:s30], [sflag:$0x9] =	stream.indirect.gather [hbm4b:s31+s26], $0x80, s4, s26, $0xb8;
	[tilespmem:$0x1F800] =	vst v63  }
0x58: {  	_ =	swait.ge [sflag:s28], $0x50  }
0x59: {  	[sflag:s28] =	ssyncset.done $0x0  }
0x5a: {  	[sflag:s28] =	ssyncadd.s32 $0xFFFFFFB0  }
0x5b: {  	_ =	swait.ge [sflag:s28], $0x50  }
0x5c: {  	[sflag:s28] =	ssyncset.done $0x0  }
0x5d: {  	[sflag:s28] =	ssyncadd.s32 $0xFFFFFFB0  }
0x5e: {  	[tilespmem:s0], [sflag:$0xA] =	stream.indirect.gather [hbm4b:s31+s26], $0x80, s6, s26, $0xb8;
	[tilespmem:$0x1F800] =	vst v63  }
0x5f: {  	s22 =	simm.s32 $0x0;
	_ =	swait.ge [sflag:s29], $0x50  }
0x60: {  	s23 =	sand.u32 $0xFFFFFF80, s22;
	[sflag:s29] =	ssyncset.done $0x0  }
0x61: {  	s21 =	ssub.s32 $0x0, s23;
	[sflag:s29] =	ssyncadd.s32 $0xFFFFFFB0  }
0x62: {  	s20 =	sand.u32 $0x3FFFFF80, s22;
	s21 =	sand.u32 $0xFFFFFF80, s21;
	_ =	swait.ge [sflag:s29], $0x50  }
0x63: {  	s25 =	sand.u32 $0x70, s4;
	s21 =	sadd.s32 s21, s20;
	[sflag:s29] =	ssyncset.done $0x0  }
0x64: {  	s20 =	simm.s32 $0x1;
	s22 =	sor.u32 s25, s21;
	[sflag:s29] =	ssyncadd.s32 $0xFFFFFFB0  }
0x65: {  	[tilespmem:s9], [sflag:$0xB] =	stream.indirect.gather [hbm4b:s31+s26], $0x80, s16, s26, $0xb8;
	[tilespmem:$0x1F800] =	vst v63  }
0x66: {  	s21 =	simm.s32 $0x0;
	s0 =	simm.s32 $0x3000;
	s9 =	simm.s32 $0x5800  }
.LBB2_2:
0x67: {  	s23 =	sshll.u32 s20, $0x4;
	p0 =	sne.s32 s20, $0xFF;
	s20 =	sadd.s32 $0x1, s20;
	[tilespmem:s22+$0xA800] =	vst v0  }
.Ltmp0:
0x68: {  	s21 =	sadd.s32 $0x10, s21;
	s22 =	sand.u32 $0xFFFFFF80, s23;
	(pc) =	sbr.rel @p0 .LBB2_2-.Ltmp0, $4  }
0x69: {  	s22 =	ssub.s32 s21, s22  }
0x6a: {  	s23 =	sand.u32 $0x3FFFFF80, s23;
	s22 =	sand.u32 $0xFFFFFF80, s22  }
0x6b: {  	s10 =	sand.u32 $0x70, s21;
	s22 =	sadd.s32 s22, s23  }
0x6c: {  	s22 =	sor.u32 s10, s22  }
0x6d: {  	[tilespmem:s22+$0xA800] =	vst v0;
	s6 =	simm.s32 $0xA800  }
0x6e: {  	[spmem:s19] =	stream.linear.scatter [tilespmem:s6], [sflag:$0xD], $0x1000, $0x38;
	[tilespmem:$0x1F800] =	vst v63  }
0x6f: {  	_ =	swait.ge [sflag:s7], $0x1000  }
0x70: {  	[sflag:s7] =	ssyncset.done $0x0  }
0x71: {  	s10 =	rddreg [dreg:$0x1f];
	[sflag:s7] =	ssyncadd.s32 $0xFFFFF000  }
0x72: {  	[spmem:s10] =	stream.linear.scatter [tilespmem:s6], [sflag:$0xD], $0x1000, $0x38;
	[tilespmem:$0x1F800] =	vst v63  }
0x73: {  	_ =	swait.ge [sflag:s7], $0x1000  }
0x74: {  	s19 =	sld [smem:$0x7E8]  }
0x75: {  	[sflag:s7] =	ssyncset.done $0x0  }
0x76: {  	[sflag:s7] =	ssyncadd.s32 $0xFFFFF000  }
0x77: {  	[spmem:s19] =	stream.linear.scatter [tilespmem:s6], [sflag:$0xD], $0x1000, $0x38;
	[tilespmem:$0x1F800] =	vst v63  }
0x78: {  	_ =	swait.ge [sflag:s7], $0x1000  }
0x79: {  	s20 =	sld [smem:$0x7E9]  }
0x7a: {  	[sflag:s7] =	ssyncset.done $0x0  }
0x7b: {  	[sflag:s7] =	ssyncadd.s32 $0xFFFFF000  }
0x7c: {  	[spmem:s20] =	stream.linear.scatter [tilespmem:s6], [sflag:$0xD], $0x1000, $0x38;
	[tilespmem:$0x1F800] =	vst v63  }
0x7d: {  	_ =	swait.ge [sflag:s7], $0x1000  }
0x7e: {  	s21 =	sld [smem:$0x7EA]  }
0x7f: {  	[sflag:s7] =	ssyncset.done $0x0  }
0x80: {  	[sflag:s7] =	ssyncadd.s32 $0xFFFFF000  }
0x81: {  	[spmem:s21] =	stream.linear.scatter [tilespmem:s6], [sflag:$0xD], $0x1000, $0x38;
	[tilespmem:$0x1F800] =	vst v63  }
0x82: {  	_ =	swait.ge [sflag:s7], $0x1000  }
0x83: {  	s22 =	sld [smem:$0x7EB]  }
0x84: {  	[sflag:s7] =	ssyncset.done $0x0  }
0x85: {  	[sflag:s7] =	ssyncadd.s32 $0xFFFFF000  }
0x86: {  	[spmem:s22] =	stream.linear.scatter [tilespmem:s6], [sflag:$0xD], $0x1000, $0x38;
	[tilespmem:$0x1F800] =	vst v63  }
0x87: {  	_ =	swait.ge [sflag:s7], $0x1000  }
0x88: {  	s23 =	sld [smem:$0x7EF]  }
0x89: {  	[sflag:s7] =	ssyncset.done $0x0  }
0x8a: {  	[sflag:s7] =	ssyncadd.s32 $0xFFFFF000  }
0x8b: {  	[spmem:s23] =	stream.linear.scatter [tilespmem:s6], [sflag:$0xD], $0x1000, $0x38;
	[tilespmem:$0x1F800] =	vst v63  }
0x8c: {  	_ =	swait.ge [sflag:s7], $0x1000  }
0x8d: {  	s25 =	sld [smem:$0x7F0]  }
0x8e: {  	[sflag:s7] =	ssyncset.done $0x0  }
0x8f: {  	[sflag:s7] =	ssyncadd.s32 $0xFFFFF000  }
0x90: {  	[spmem:s25] =	stream.linear.scatter [tilespmem:s6], [sflag:$0xD], $0x1000, $0x38;
	[tilespmem:$0x1F800] =	vst v63  }
0x91: {  	_ =	swait.ge [sflag:s7], $0x1000  }
0x92: {  	s11 =	sld [smem:$0x7F1]  }
0x93: {  	[sflag:s7] =	ssyncset.done $0x0  }
0x94: {  	[sflag:s7] =	ssyncadd.s32 $0xFFFFF000  }
0x95: {  	[spmem:s11] =	stream.linear.scatter [tilespmem:s6], [sflag:$0xD], $0x1000, $0x38;
	[tilespmem:$0x1F800] =	vst v63  }
0x96: {  	_ =	swait.ge [sflag:s7], $0x1000  }
0x97: {  	s14 =	sld [smem:$0x7F2]  }
0x98: {  	[sflag:s7] =	ssyncset.done $0x0  }
0x99: {  	[sflag:s7] =	ssyncadd.s32 $0xFFFFF000  }
0x9a: {  	[spmem:s14] =	stream.linear.scatter [tilespmem:s6], [sflag:$0xD], $0x1000, $0x38;
	[tilespmem:$0x1F800] =	vst v63  }
0x9b: {  	_ =	swait.ge [sflag:s7], $0x1000  }
0x9c: {  	s16 =	sld [smem:$0x7F3]  }
0x9d: {  	[sflag:s7] =	ssyncset.done $0x0  }
0x9e: {  	[sflag:s7] =	ssyncadd.s32 $0xFFFFF000  }
0x9f: {  	[spmem:s16] =	stream.linear.scatter [tilespmem:s6], [sflag:$0xD], $0x1000, $0x38;
	[tilespmem:$0x1F800] =	vst v63  }
0xa0: {  	_ =	swait.ge [sflag:s7], $0x1000  }
0xa1: {  	s19 =	sld [smem:$0x7F4]  }
0xa2: {  	[sflag:s7] =	ssyncset.done $0x0  }
0xa3: {  	[sflag:s7] =	ssyncadd.s32 $0xFFFFF000  }
0xa4: {  	[spmem:s19] =	stream.linear.scatter [tilespmem:s6], [sflag:$0xD], $0x1000, $0x38;
	[tilespmem:$0x1F800] =	vst v63  }
0xa5: {  	_ =	swait.ge [sflag:s7], $0x1000  }
0xa6: {  	s20 =	sld [smem:$0x7F5]  }
0xa7: {  	[sflag:s7] =	ssyncset.done $0x0  }
0xa8: {  	[sflag:s7] =	ssyncadd.s32 $0xFFFFF000  }
0xa9: {  	[spmem:s20] =	stream.linear.scatter [tilespmem:s6], [sflag:$0xD], $0x1000, $0x38;
	[tilespmem:$0x1F800] =	vst v63  }
0xaa: {  	_ =	swait.ge [sflag:s7], $0x1000  }
0xab: {  	s21 =	sld [smem:$0x7F6]  }
0xac: {  	[sflag:s7] =	ssyncset.done $0x0  }
0xad: {  	[sflag:s7] =	ssyncadd.s32 $0xFFFFF000  }
0xae: {  	[spmem:s21] =	stream.linear.scatter [tilespmem:s6], [sflag:$0xD], $0x1000, $0x38;
	[tilespmem:$0x1F800] =	vst v63  }
0xaf: {  	_ =	swait.ge [sflag:s7], $0x1000  }
0xb0: {  	s22 =	sld [smem:$0x7F7]  }
0xb1: {  	[sflag:s7] =	ssyncset.done $0x0  }
0xb2: {  	[sflag:s7] =	ssyncadd.s32 $0xFFFFF000  }
0xb3: {  	[spmem:s22] =	stream.linear.scatter [tilespmem:s6], [sflag:$0xD], $0x1000, $0x38;
	[tilespmem:$0x1F800] =	vst v63  }
0xb4: {  	_ =	swait.ge [sflag:s7], $0x1000  }
0xb5: {  	s23 =	sld [smem:$0x7F8]  }
0xb6: {  	[sflag:s7] =	ssyncset.done $0x0  }
0xb7: {  	[sflag:s7] =	ssyncadd.s32 $0xFFFFF000  }
0xb8: {  	[spmem:s23] =	stream.linear.scatter [tilespmem:s6], [sflag:$0xD], $0x1000, $0x38;
	[tilespmem:$0x1F800] =	vst v63  }
0xb9: {  	_ =	swait.ge [sflag:s7], $0x1000  }
0xba: {  	s25 =	sld [smem:$0x7F9]  }
0xbb: {  	[sflag:s7] =	ssyncset.done $0x0  }
0xbc: {  	[sflag:s7] =	ssyncadd.s32 $0xFFFFF000  }
0xbd: {  	[spmem:s25] =	stream.linear.scatter [tilespmem:s6], [sflag:$0xD], $0x1000, $0x38;
	[tilespmem:$0x1F800] =	vst v63  }
0xbe: {  	_ =	swait.ge [sflag:s7], $0x1000  }
0xbf: {  	s11 =	sld [smem:$0x7FA]  }
0xc0: {  	[sflag:s7] =	ssyncset.done $0x0  }
0xc1: {  	[sflag:s7] =	ssyncadd.s32 $0xFFFFF000  }
0xc2: {  	[spmem:s11] =	stream.linear.scatter [tilespmem:s6], [sflag:$0xD], $0x1000, $0x38;
	[tilespmem:$0x1F800] =	vst v63  }
0xc3: {  	_ =	swait.ge [sflag:s7], $0x1000  }
0xc4: {  	s14 =	sld [smem:$0x7FB]  }
0xc5: {  	[sflag:s7] =	ssyncset.done $0x0  }
0xc6: {  	[sflag:s7] =	ssyncadd.s32 $0xFFFFF000  }
0xc7: {  	[spmem:s14] =	stream.linear.scatter [tilespmem:s6], [sflag:$0xD], $0x1000, $0x38;
	[tilespmem:$0x1F800] =	vst v63  }
0xc8: {  	_ =	swait.ge [sflag:s7], $0x1000  }
0xc9: {  	s16 =	sld [smem:$0x7FC]  }
0xca: {  	[sflag:s7] =	ssyncset.done $0x0  }
0xcb: {  	[sflag:s7] =	ssyncadd.s32 $0xFFFFF000  }
0xcc: {  	[spmem:s16] =	stream.linear.scatter [tilespmem:s6], [sflag:$0xD], $0x1000, $0x38;
	[tilespmem:$0x1F800] =	vst v63  }
0xcd: {  	_ =	swait.ge [sflag:s7], $0x1000  }
0xce: {  	[sflag:s7] =	ssyncset.done $0x0  }
0xcf: {  	[sflag:s7] =	ssyncadd.s32 $0xFFFFF000  }
0xd0: {  	[bflag:$0x0] =	sbarrier.arrive $0xFFFF  }
0xd1: {  	_ =	swait.ge [sflag:s8], $0x50  }
0xd2: {  	[sflag:s8] =	ssyncset.done $0x0  }
0xd3: {  	[sflag:s8] =	ssyncadd.s32 $0xFFFFFFB0  }
0xd4: {  	_ =	swait.ge [sflag:s8], $0x50  }
0xd5: {  	s22 =	simm.s32 $0x8000;
	[sflag:s8] =	ssyncset.done $0x0  }
0xd6: {  	s11 =	simm.s32 $0x180;
	s19 =	rddreg [dreg:$0x11];
	[sflag:s8] =	ssyncadd.s32 $0xFFFFFFB0  }
0xd7: {  	[tilespmem:s22], [sflag:$0xC] =	stream.indirect.gather [hbm4b:s31+s26], $0x80, s11, s26, $0xb8;
	[tilespmem:$0x1F800] =	vst v63  }
0xd8: {  	s21 =	simm.s32 $0x280;
	s20 =	rddreg [dreg:$0x10];
	s10 =	sadd.s32 $0x0, s19  }
0xd9: {  	[tilespmem:s21], [sflag:$0x6] =	stream.linear.gather [hbm4b:s10+s4], $0x50, $0x38;
	[tilespmem:$0x1F800] =	vst v63  }
0xda: {  	s23 =	simm.s32 $0x680;
	s20 =	sadd.s32 $0x0, s20  }
0xdb: {  	[tilespmem:s23], [sflag:$0x6] =	stream.linear.gather [hbm4b:s20+s4], $0x50, $0x38;
	[tilespmem:$0x1F800] =	vst v63  }
0xdc: {  	_ =	swait.ge [sflag:s12], $0x2800  }
0xdd: {  	[sflag:s12] =	ssyncset.done $0x0  }
0xde: {  	s6 =	simm.s32 $0x400;
	[sflag:s12] =	ssyncadd.s32 $0xFFFFD800  }
0xdf: {  	[spmem:s2] =	stream.indirect.scatter.add.f32 [tilespmem:s30], [sflag:$0xD], $0x80, s6, s26, $0xb8;
	[tilespmem:$0x1F800] =	vst v63  }
0xe0: {  	_ =	swait.ge [sflag:s7], $0x2800  }
0xe1: {  	[sflag:s7] =	ssyncset.done $0x0  }
0xe2: {  	[sflag:s7] =	ssyncadd.s32 $0xFFFFD800  }
0xe3: {  	_ =	swait.ge [sflag:s3], $0x50  }
0xe4: {  	[sflag:s3] =	ssyncset.done $0x0  }
0xe5: {  	[sflag:s3] =	ssyncadd.s32 $0xFFFFFFB0  }
0xe6: {  	_ =	swait.ge [sflag:s3], $0x50  }
0xe7: {  	[sflag:s3] =	ssyncset.done $0x0  }
0xe8: {  	s16 =	simm.s32 $0x200;
	s25 =	rddreg [dreg:$0xf];
	[sflag:s3] =	ssyncadd.s32 $0xFFFFFFB0  }
0xe9: {  	[tilespmem:s30], [sflag:$0x9] =	stream.indirect.gather [hbm4b:s31+s26], $0x80, s16, s26, $0xb8;
	[tilespmem:$0x1F800] =	vst v63  }
0xea: {  	s8 =	simm.s32 $0x300;
	s3 =	rddreg [dreg:$0xe];
	s10 =	sadd.s32 $0x0, s25  }
0xeb: {  	[tilespmem:s8], [sflag:$0x7] =	stream.linear.gather [hbm4b:s10+s4], $0x50, $0x38;
	[tilespmem:$0x1F800] =	vst v63  }
0xec: {  	s19 =	simm.s32 $0x700;
	s14 =	sadd.s32 $0x0, s3  }
0xed: {  	[tilespmem:s19], [sflag:$0x7] =	stream.linear.gather [hbm4b:s14+s4], $0x50, $0x38;
	[tilespmem:$0x1F800] =	vst v63  }
0xee: {  	_ =	swait.ge [sflag:s5], $0x2800  }
0xef: {  	[sflag:s5] =	ssyncset.done $0x0  }
0xf0: {  	s14 =	simm.s32 $0x480;
	[sflag:s5] =	ssyncadd.s32 $0xFFFFD800  }
0xf1: {  	[spmem:s2] =	stream.indirect.scatter.add.f32 [tilespmem:s0], [sflag:$0xD], $0x80, s14, s26, $0xb8;
	[tilespmem:$0x1F800] =	vst v63  }
0xf2: {  	_ =	swait.ge [sflag:s7], $0x2800  }
0xf3: {  	[sflag:s7] =	ssyncset.done $0x0  }
0xf4: {  	[sflag:s7] =	ssyncadd.s32 $0xFFFFD800  }
0xf5: {  	_ =	swait.ge [sflag:s13], $0x50  }
0xf6: {  	[sflag:s13] =	ssyncset.done $0x0  }
0xf7: {  	[sflag:s13] =	ssyncadd.s32 $0xFFFFFFB0  }
0xf8: {  	_ =	swait.ge [sflag:s13], $0x50  }
0xf9: {  	[sflag:s13] =	ssyncset.done $0x0  }
0xfa: {  	s20 =	rddreg [dreg:$0xd];
	[sflag:s13] =	ssyncadd.s32 $0xFFFFFFB0  }
0xfb: {  	[tilespmem:s0], [sflag:$0xA] =	stream.indirect.gather [hbm4b:s31+s26], $0x80, s21, s26, $0xb8;
	[tilespmem:$0x1F800] =	vst v63  }
0xfc: {  	s25 =	rddreg [dreg:$0xc];
	s10 =	sadd.s32 $0x0, s20;
	s13 =	simm.s32 $0x380  }
0xfd: {  	[tilespmem:s13], [sflag:$0x8] =	stream.linear.gather [hbm4b:s10+s4], $0x50, $0x38;
	[tilespmem:$0x1F800] =	vst v63  }
0xfe: {  	s3 =	sadd.s32 $0x0, s25;
	s25 =	simm.s32 $0x780  }
0xff: {  	[tilespmem:s25], [sflag:$0x8] =	stream.linear.gather [hbm4b:s3+s4], $0x50, $0x38;
	[tilespmem:$0x1F800] =	vst v63  }
0x100: {  	_ =	swait.ge [sflag:s15], $0x2800  }
0x101: {  	[sflag:s15] =	ssyncset.done $0x0  }
0x102: {  	s3 =	simm.s32 $0x500;
	[sflag:s15] =	ssyncadd.s32 $0xFFFFD800  }
0x103: {  	[spmem:s2] =	stream.indirect.scatter.add.f32 [tilespmem:s9], [sflag:$0xD], $0x80, s3, s26, $0xb8;
	[tilespmem:$0x1F800] =	vst v63  }
0x104: {  	_ =	swait.ge [sflag:s7], $0x2800  }
0x105: {  	[sflag:s7] =	ssyncset.done $0x0  }
0x106: {  	[sflag:s7] =	ssyncadd.s32 $0xFFFFD800  }
0x107: {  	_ =	swait.ge [sflag:s17], $0x50  }
0x108: {  	[sflag:s17] =	ssyncset.done $0x0  }
0x109: {  	[sflag:s17] =	ssyncadd.s32 $0xFFFFFFB0  }
0x10a: {  	_ =	swait.ge [sflag:s17], $0x50  }
0x10b: {  	[sflag:s17] =	ssyncset.done $0x0;
	s21 =	sld [smem:$0x7EE]  }
0x10c: {  	[sflag:s17] =	ssyncadd.s32 $0xFFFFFFB0  }
0x10d: {  	[tilespmem:s9], [sflag:$0xB] =	stream.indirect.gather [hbm4b:s31+s26], $0x80, s8, s26, $0xb8;
	[tilespmem:$0x1F800] =	vst v63  }
0x10e: {  	s20 =	rddreg [dreg:$0x12];
	s10 =	sshrl.u32 s21, $0x3  }
0x10f: {  	s17 =	sadd.s32 s20, s10;
	s20 =	rddreg [dreg:$0x13]  }
0x110: {  	[tilespmem:s4], [sflag:$0x1] =	stream.linear.gather [hbm4b:s17+s4], $0x50, $0x38;
	[tilespmem:$0x1F800] =	vst v63  }
0x111: {  	s10 =	sadd.s32 s20, s10  }
0x112: {  	[tilespmem:s6], [sflag:$0x1] =	stream.linear.gather [hbm4b:s10+s4], $0x50, $0x38;
	[tilespmem:$0x1F800] =	vst v63  }
0x113: {  	_ =	swait.ge [sflag:s18], $0x2800  }
0x114: {  	[sflag:s18] =	ssyncset.done $0x0  }
0x115: {  	s6 =	simm.s32 $0x580;
	[sflag:s18] =	ssyncadd.s32 $0xFFFFD800  }
0x116: {  	[spmem:s2] =	stream.indirect.scatter.add.f32 [tilespmem:s22], [sflag:$0xD], $0x80, s6, s26, $0xb8;
	[tilespmem:$0x1F800] =	vst v63  }
0x117: {  	_ =	swait.ge [sflag:s7], $0x2800  }
0x118: {  	[sflag:s7] =	ssyncset.done $0x0  }
0x119: {  	[sflag:s7] =	ssyncadd.s32 $0xFFFFD800  }
0x11a: {  	_ =	swait.ge [sflag:s1], $0x50  }
0x11b: {  	[sflag:s1] =	ssyncset.done $0x0  }
0x11c: {  	[sflag:s1] =	ssyncadd.s32 $0xFFFFFFB0  }
0x11d: {  	_ =	swait.ge [sflag:s1], $0x50  }
0x11e: {  	[sflag:s1] =	ssyncset.done $0x0  }
0x11f: {  	s8 =	rddreg [dreg:$0x5];
	[sflag:s1] =	ssyncadd.s32 $0xFFFFFFB0  }
0x120: {  	[tilespmem:s22], [sflag:$0xC] =	stream.indirect.gather [hbm4b:s31+s26], $0x80, s13, s26, $0xb8;
	[tilespmem:$0x1F800] =	vst v63  }
0x121: {  	s17 =	rddreg [dreg:$0x4];
	s10 =	sadd.s32 $0x0, s8;
	s1 =	simm.s32 $0x80  }
0x122: {  	[tilespmem:s1], [sflag:$0x2] =	stream.linear.gather [hbm4b:s10+s4], $0x50, $0x38;
	[tilespmem:$0x1F800] =	vst v63  }
0x123: {  	s20 =	sadd.s32 $0x0, s17  }
0x124: {  	[tilespmem:s14], [sflag:$0x2] =	stream.linear.gather [hbm4b:s20+s4], $0x50, $0x38;
	[tilespmem:$0x1F800] =	vst v63  }
0x125: {  	_ =	swait.ge [sflag:s12], $0x2800  }
0x126: {  	[sflag:s12] =	ssyncset.done $0x0  }
0x127: {  	s14 =	simm.s32 $0x600;
	[sflag:s12] =	ssyncadd.s32 $0xFFFFD800  }
0x128: {  	[spmem:s2] =	stream.indirect.scatter.add.f32 [tilespmem:s30], [sflag:$0xD], $0x80, s14, s26, $0xb8;
	[tilespmem:$0x1F800] =	vst v63  }
0x129: {  	_ =	swait.ge [sflag:s7], $0x2800  }
0x12a: {  	[sflag:s7] =	ssyncset.done $0x0  }
0x12b: {  	[sflag:s7] =	ssyncadd.s32 $0xFFFFD800  }
0x12c: {  	_ =	swait.ge [sflag:s24], $0x50  }
0x12d: {  	[sflag:s24] =	ssyncset.done $0x0  }
0x12e: {  	[sflag:s24] =	ssyncadd.s32 $0xFFFFFFB0  }
0x12f: {  	_ =	swait.ge [sflag:s24], $0x50  }
0x130: {  	[sflag:s24] =	ssyncset.done $0x0  }
0x131: {  	s22 =	rddreg [dreg:$0x7];
	[sflag:s24] =	ssyncadd.s32 $0xFFFFFFB0  }
0x132: {  	[tilespmem:s30], [sflag:$0x9] =	stream.indirect.gather [hbm4b:s31+s26], $0x80, s4, s26, $0xb8;
	[tilespmem:$0x1F800] =	vst v63  }
0x133: {  	s8 =	simm.s32 $0x100;
	s24 =	rddreg [dreg:$0x6];
	s10 =	sadd.s32 $0x0, s22  }
0x134: {  	[tilespmem:s8], [sflag:$0x3] =	stream.linear.gather [hbm4b:s10+s4], $0x50, $0x38;
	[tilespmem:$0x1F800] =	vst v63  }
0x135: {  	s12 =	sadd.s32 $0x0, s24  }
0x136: {  	[tilespmem:s3], [sflag:$0x3] =	stream.linear.gather [hbm4b:s12+s4], $0x50, $0x38;
	[tilespmem:$0x1F800] =	vst v63  }
0x137: {  	_ =	swait.ge [sflag:s5], $0x2800  }
0x138: {  	[sflag:s5] =	ssyncset.done $0x0  }
0x139: {  	[sflag:s5] =	ssyncadd.s32 $0xFFFFD800  }
0x13a: {  	[spmem:s2] =	stream.indirect.scatter.add.f32 [tilespmem:s0], [sflag:$0xD], $0x80, s23, s26, $0xb8;
	[tilespmem:$0x1F800] =	vst v63  }
0x13b: {  	_ =	swait.ge [sflag:s7], $0x2800  }
0x13c: {  	[sflag:s7] =	ssyncset.done $0x0  }
0x13d: {  	[sflag:s7] =	ssyncadd.s32 $0xFFFFD800  }
0x13e: {  	_ =	swait.ge [sflag:s28], $0x50  }
0x13f: {  	[sflag:s28] =	ssyncset.done $0x0  }
0x140: {  	[sflag:s28] =	ssyncadd.s32 $0xFFFFFFB0  }
0x141: {  	_ =	swait.ge [sflag:s28], $0x50  }
0x142: {  	[sflag:s28] =	ssyncset.done $0x0  }
0x143: {  	s13 =	rddreg [dreg:$0x9];
	[sflag:s28] =	ssyncadd.s32 $0xFFFFFFB0  }
0x144: {  	[tilespmem:s0], [sflag:$0xA] =	stream.indirect.gather [hbm4b:s31+s26], $0x80, s1, s26, $0xb8;
	[tilespmem:$0x1F800] =	vst v63  }
0x145: {  	s17 =	rddreg [dreg:$0x8];
	s10 =	sadd.s32 $0x0, s13  }
0x146: {  	[tilespmem:s11], [sflag:$0x4] =	stream.linear.gather [hbm4b:s10+s4], $0x50, $0x38;
	[tilespmem:$0x1F800] =	vst v63  }
0x147: {  	s22 =	sadd.s32 $0x0, s17  }
0x148: {  	[tilespmem:s6], [sflag:$0x4] =	stream.linear.gather [hbm4b:s22+s4], $0x50, $0x38;
	[tilespmem:$0x1F800] =	vst v63  }
0x149: {  	_ =	swait.ge [sflag:s15], $0x2800  }
0x14a: {  	[sflag:s15] =	ssyncset.done $0x0  }
0x14b: {  	[sflag:s15] =	ssyncadd.s32 $0xFFFFD800  }
0x14c: {  	[spmem:s2] =	stream.indirect.scatter.add.f32 [tilespmem:s9], [sflag:$0xD], $0x80, s19, s26, $0xb8;
	[tilespmem:$0x1F800] =	vst v63  }
0x14d: {  	_ =	swait.ge [sflag:s7], $0x2800  }
0x14e: {  	[sflag:s7] =	ssyncset.done $0x0  }
0x14f: {  	[sflag:s7] =	ssyncadd.s32 $0xFFFFD800  }
0x150: {  	_ =	swait.ge [sflag:s29], $0x50  }
0x151: {  	[sflag:s29] =	ssyncset.done $0x0  }
0x152: {  	[sflag:s29] =	ssyncadd.s32 $0xFFFFFFB0  }
0x153: {  	_ =	swait.ge [sflag:s29], $0x50  }
0x154: {  	[sflag:s29] =	ssyncset.done $0x0  }
0x155: {  	s23 =	rddreg [dreg:$0xb];
	[sflag:s29] =	ssyncadd.s32 $0xFFFFFFB0  }
0x156: {  	[tilespmem:s9], [sflag:$0xB] =	stream.indirect.gather [hbm4b:s31+s26], $0x80, s8, s26, $0xb8;
	[tilespmem:$0x1F800] =	vst v63  }
0x157: {  	s24 =	rddreg [dreg:$0xa];
	s10 =	sadd.s32 $0x0, s23  }
0x158: {  	[tilespmem:s16], [sflag:$0x5] =	stream.linear.gather [hbm4b:s10+s4], $0x50, $0x38;
	[tilespmem:$0x1F800] =	vst v63  }
0x159: {  	s28 =	sadd.s32 $0x0, s24  }
0x15a: {  	[tilespmem:s14], [sflag:$0x5] =	stream.linear.gather [hbm4b:s28+s4], $0x50, $0x38;
	[tilespmem:$0x1F800] =	vst v63  }
0x15b: {  	s20 =	simm.s32 $0x50;
	s0 =	simm.s32 $0x3000;
	_ =	swait.ge [sflag:s18], $0x2800  }
0x15c: {  	s1 =	simm.s32 $0x8;
	s15 =	simm.s32 $0x6;
	[sflag:s18] =	ssyncset.done $0x0  }
0x15d: {  	s29 =	simm.s32 $0x1;
	s16 =	simm.s32 $0x8000;
	[sflag:s18] =	ssyncadd.s32 $0xFFFFD800  }
0x15e: {  	[spmem:s2] =	stream.indirect.scatter.add.f32 [tilespmem:s16], [sflag:$0xD], $0x80, s25, s26, $0xb8;
	[tilespmem:$0x1F800] =	vst v63  }
0x15f: {  	s24 =	simm.s32 $0x2;
	s9 =	simm.s32 $0x5800;
	_ =	swait.ge [sflag:s7], $0x2800  }
0x160: {  	s8 =	simm.s32 $0x3;
	s18 =	simm.s32 $0x7;
	[sflag:s7] =	ssyncset.done $0x0  }
.LBB2_4:
0x161: {  	[sflag:s7] =	ssyncadd.s32 $0xFFFFD800;
	s3 =	simm.s32 $0x4  }
0x162: {  	_ =	swait.ge [sflag:s3], $0x50  }
0x163: {  	[sflag:s3] =	ssyncset.done $0x0  }
0x164: {  	[sflag:s3] =	ssyncadd.s32 $0xFFFFFFB0  }
0x165: {  	_ =	swait.ge [sflag:s3], $0x50  }
0x166: {  	s22 =	smov.u32 s20;
	[sflag:s3] =	ssyncset.done $0x0  }
0x167: {  	s25 =	simm.s32 $0x180;
	s10 =	rddreg [dreg:$0x11];
	[sflag:s3] =	ssyncadd.s32 $0xFFFFFFB0  }
0x168: {  	[tilespmem:s16], [sflag:$0xC] =	stream.indirect.gather [hbm4b:s31+s26], $0x80, s25, s26, $0xb8;
	[tilespmem:$0x1F800] =	vst v63  }
0x169: {  	s6 =	simm.s32 $0x280;
	s23 =	rddreg [dreg:$0x10];
	s10 =	sadd.s32 s22, s10  }
0x16a: {  	[tilespmem:s6], [sflag:$0x6] =	stream.linear.gather [hbm4b:s10+s4], $0x50, $0x38;
	[tilespmem:$0x1F800] =	vst v63  }
0x16b: {  	s11 =	simm.s32 $0x680;
	s17 =	simm.s32 $0x9;
	s5 =	sadd.s32 s22, s23  }
0x16c: {  	[tilespmem:s11], [sflag:$0x6] =	stream.linear.gather [hbm4b:s5+s4], $0x50, $0x38;
	[tilespmem:$0x1F800] =	vst v63  }
0x16d: {  	_ =	swait.ge [sflag:s17], $0x2800  }
0x16e: {  	[sflag:s17] =	ssyncset.done $0x0  }
0x16f: {  	s25 =	simm.s32 $0x400;
	[sflag:s17] =	ssyncadd.s32 $0xFFFFD800  }
0x170: {  	[spmem:s2] =	stream.indirect.scatter.add.f32 [tilespmem:s30], [sflag:$0xD], $0x80, s25, s26, $0xb8;
	[tilespmem:$0x1F800] =	vst v63  }
0x171: {  	_ =	swait.ge [sflag:s7], $0x2800  }
0x172: {  	[sflag:s7] =	ssyncset.done $0x0  }
0x173: {  	s12 =	simm.s32 $0x5;
	[sflag:s7] =	ssyncadd.s32 $0xFFFFD800  }
0x174: {  	_ =	swait.ge [sflag:s12], $0x50  }
0x175: {  	[sflag:s12] =	ssyncset.done $0x0  }
0x176: {  	[sflag:s12] =	ssyncadd.s32 $0xFFFFFFB0  }
0x177: {  	_ =	swait.ge [sflag:s12], $0x50  }
0x178: {  	[sflag:s12] =	ssyncset.done $0x0  }
0x179: {  	s16 =	simm.s32 $0x200;
	s13 =	rddreg [dreg:$0xf];
	[sflag:s12] =	ssyncadd.s32 $0xFFFFFFB0  }
0x17a: {  	[tilespmem:s30], [sflag:$0x9] =	stream.indirect.gather [hbm4b:s31+s26], $0x80, s16, s26, $0xb8;
	[tilespmem:$0x1F800] =	vst v63  }
0x17b: {  	s19 =	simm.s32 $0x300;
	s14 =	rddreg [dreg:$0xe];
	s10 =	sadd.s32 s22, s13  }
0x17c: {  	[tilespmem:s19], [sflag:$0x7] =	stream.linear.gather [hbm4b:s10+s4], $0x50, $0x38;
	[tilespmem:$0x1F800] =	vst v63  }
0x17d: {  	s23 =	sadd.s32 s22, s14;
	s14 =	simm.s32 $0x700;
	s12 =	simm.s32 $0xA  }
0x17e: {  	[tilespmem:s14], [sflag:$0x7] =	stream.linear.gather [hbm4b:s23+s4], $0x50, $0x38;
	[tilespmem:$0x1F800] =	vst v63  }
0x17f: {  	_ =	swait.ge [sflag:s12], $0x2800  }
0x180: {  	[sflag:s12] =	ssyncset.done $0x0  }
0x181: {  	s30 =	simm.s32 $0x480;
	[sflag:s12] =	ssyncadd.s32 $0xFFFFD800  }
0x182: {  	[spmem:s2] =	stream.indirect.scatter.add.f32 [tilespmem:s0], [sflag:$0xD], $0x80, s30, s26, $0xb8;
	[tilespmem:$0x1F800] =	vst v63  }
0x183: {  	_ =	swait.ge [sflag:s7], $0x2800  }
0x184: {  	[sflag:s7] =	ssyncset.done $0x0  }
0x185: {  	[sflag:s7] =	ssyncadd.s32 $0xFFFFD800  }
0x186: {  	_ =	swait.ge [sflag:s15], $0x50  }
0x187: {  	[sflag:s15] =	ssyncset.done $0x0  }
0x188: {  	[sflag:s15] =	ssyncadd.s32 $0xFFFFFFB0  }
0x189: {  	_ =	swait.ge [sflag:s15], $0x50  }
0x18a: {  	[sflag:s15] =	ssyncset.done $0x0  }
0x18b: {  	s3 =	rddreg [dreg:$0xd];
	[sflag:s15] =	ssyncadd.s32 $0xFFFFFFB0  }
0x18c: {  	[tilespmem:s0], [sflag:$0xA] =	stream.indirect.gather [hbm4b:s31+s26], $0x80, s6, s26, $0xb8;
	[tilespmem:$0x1F800] =	vst v63  }
0x18d: {  	s5 =	rddreg [dreg:$0xc];
	s10 =	sadd.s32 s22, s3;
	s6 =	simm.s32 $0x380  }
0x18e: {  	[tilespmem:s6], [sflag:$0x8] =	stream.linear.gather [hbm4b:s10+s4], $0x50, $0x38;
	[tilespmem:$0x1F800] =	vst v63  }
0x18f: {  	s23 =	simm.s32 $0x780;
	s13 =	sadd.s32 s22, s5;
	s3 =	simm.s32 $0xB  }
0x190: {  	[tilespmem:s23], [sflag:$0x8] =	stream.linear.gather [hbm4b:s13+s4], $0x50, $0x38;
	[tilespmem:$0x1F800] =	vst v63  }
0x191: {  	_ =	swait.ge [sflag:s3], $0x2800  }
0x192: {  	[sflag:s3] =	ssyncset.done $0x0  }
0x193: {  	s13 =	simm.s32 $0x500;
	[sflag:s3] =	ssyncadd.s32 $0xFFFFD800  }
0x194: {  	[spmem:s2] =	stream.indirect.scatter.add.f32 [tilespmem:s9], [sflag:$0xD], $0x80, s13, s26, $0xb8;
	[tilespmem:$0x1F800] =	vst v63  }
0x195: {  	_ =	swait.ge [sflag:s7], $0x2800  }
0x196: {  	[sflag:s7] =	ssyncset.done $0x0  }
0x197: {  	[sflag:s7] =	ssyncadd.s32 $0xFFFFD800  }
0x198: {  	_ =	swait.ge [sflag:s18], $0x50  }
0x199: {  	[sflag:s18] =	ssyncset.done $0x0  }
0x19a: {  	[sflag:s18] =	ssyncadd.s32 $0xFFFFFFB0  }
0x19b: {  	_ =	swait.ge [sflag:s18], $0x50  }
0x19c: {  	s21 =	sadd.s32 $0x280, s21;
	[sflag:s18] =	ssyncset.done $0x0  }
0x19d: {  	s10 =	sshrl.u32 s21, $0x3;
	s5 =	rddreg [dreg:$0x12];
	[sflag:s18] =	ssyncadd.s32 $0xFFFFFFB0  }
0x19e: {  	[tilespmem:s9], [sflag:$0xB] =	stream.indirect.gather [hbm4b:s31+s26], $0x80, s19, s26, $0xb8;
	[tilespmem:$0x1F800] =	vst v63  }
0x19f: {  	s23 =	rddreg [dreg:$0x13];
	s19 =	sadd.s32 s5, s10  }
0x1a0: {  	[tilespmem:s4], [sflag:$0x1] =	stream.linear.gather [hbm4b:s19+s4], $0x50, $0x38;
	[tilespmem:$0x1F800] =	vst v63  }
0x1a1: {  	s10 =	sadd.s32 s23, s10;
	s5 =	simm.s32 $0xC  }
0x1a2: {  	[tilespmem:s25], [sflag:$0x1] =	stream.linear.gather [hbm4b:s10+s4], $0x50, $0x38;
	[tilespmem:$0x1F800] =	vst v63  }
0x1a3: {  	_ =	swait.ge [sflag:s5], $0x2800  }
0x1a4: {  	[sflag:s5] =	ssyncset.done $0x0  }
0x1a5: {  	s28 =	simm.s32 $0x8000;
	s19 =	simm.s32 $0x580;
	[sflag:s5] =	ssyncadd.s32 $0xFFFFD800  }
0x1a6: {  	[spmem:s2] =	stream.indirect.scatter.add.f32 [tilespmem:s28], [sflag:$0xD], $0x80, s19, s26, $0xb8;
	[tilespmem:$0x1F800] =	vst v63  }
0x1a7: {  	_ =	swait.ge [sflag:s7], $0x2800  }
0x1a8: {  	[sflag:s7] =	ssyncset.done $0x0  }
0x1a9: {  	[sflag:s7] =	ssyncadd.s32 $0xFFFFD800  }
0x1aa: {  	_ =	swait.ge [sflag:s1], $0x50  }
0x1ab: {  	[sflag:s1] =	ssyncset.done $0x0  }
0x1ac: {  	[sflag:s1] =	ssyncadd.s32 $0xFFFFFFB0  }
0x1ad: {  	_ =	swait.ge [sflag:s1], $0x50  }
0x1ae: {  	[sflag:s1] =	ssyncset.done $0x0  }
0x1af: {  	s25 =	rddreg [dreg:$0x5];
	[sflag:s1] =	ssyncadd.s32 $0xFFFFFFB0  }
0x1b0: {  	[tilespmem:s28], [sflag:$0xC] =	stream.indirect.gather [hbm4b:s31+s26], $0x80, s6, s26, $0xb8;
	[tilespmem:$0x1F800] =	vst v63  }
0x1b1: {  	s23 =	rddreg [dreg:$0x4];
	s10 =	sadd.s32 s22, s25;
	s25 =	simm.s32 $0x80  }
0x1b2: {  	[tilespmem:s25], [sflag:$0x2] =	stream.linear.gather [hbm4b:s10+s4], $0x50, $0x38;
	[tilespmem:$0x1F800] =	vst v63  }
0x1b3: {  	s6 =	sadd.s32 s22, s23  }
0x1b4: {  	[tilespmem:s30], [sflag:$0x2] =	stream.linear.gather [hbm4b:s6+s4], $0x50, $0x38;
	[tilespmem:$0x1F800] =	vst v63  }
0x1b5: {  	_ =	swait.ge [sflag:s17], $0x2800  }
0x1b6: {  	[sflag:s17] =	ssyncset.done $0x0  }
0x1b7: {  	s30 =	simm.s32 $0x800;
	[sflag:s17] =	ssyncadd.s32 $0xFFFFD800;
	s17 =	simm.s32 $0x600  }
0x1b8: {  	[spmem:s2] =	stream.indirect.scatter.add.f32 [tilespmem:s30], [sflag:$0xD], $0x80, s17, s26, $0xb8;
	[tilespmem:$0x1F800] =	vst v63  }
0x1b9: {  	_ =	swait.ge [sflag:s7], $0x2800  }
0x1ba: {  	[sflag:s7] =	ssyncset.done $0x0  }
0x1bb: {  	[sflag:s7] =	ssyncadd.s32 $0xFFFFD800  }
0x1bc: {  	_ =	swait.ge [sflag:s29], $0x50  }
0x1bd: {  	[sflag:s29] =	ssyncset.done $0x0  }
0x1be: {  	[sflag:s29] =	ssyncadd.s32 $0xFFFFFFB0  }
0x1bf: {  	_ =	swait.ge [sflag:s29], $0x50  }
0x1c0: {  	[sflag:s29] =	ssyncset.done $0x0  }
0x1c1: {  	s23 =	rddreg [dreg:$0x7];
	[sflag:s29] =	ssyncadd.s32 $0xFFFFFFB0  }
0x1c2: {  	[tilespmem:s30], [sflag:$0x9] =	stream.indirect.gather [hbm4b:s31+s26], $0x80, s4, s26, $0xb8;
	[tilespmem:$0x1F800] =	vst v63  }
0x1c3: {  	s17 =	simm.s32 $0x100;
	s6 =	rddreg [dreg:$0x6];
	s10 =	sadd.s32 s22, s23  }
0x1c4: {  	[tilespmem:s17], [sflag:$0x3] =	stream.linear.gather [hbm4b:s10+s4], $0x50, $0x38;
	[tilespmem:$0x1F800] =	vst v63  }
0x1c5: {  	s23 =	sadd.s32 s22, s6  }
0x1c6: {  	[tilespmem:s13], [sflag:$0x3] =	stream.linear.gather [hbm4b:s23+s4], $0x50, $0x38;
	[tilespmem:$0x1F800] =	vst v63  }
0x1c7: {  	_ =	swait.ge [sflag:s12], $0x2800  }
0x1c8: {  	[sflag:s12] =	ssyncset.done $0x0  }
0x1c9: {  	[sflag:s12] =	ssyncadd.s32 $0xFFFFD800  }
0x1ca: {  	[spmem:s2] =	stream.indirect.scatter.add.f32 [tilespmem:s0], [sflag:$0xD], $0x80, s11, s26, $0xb8;
	[tilespmem:$0x1F800] =	vst v63  }
0x1cb: {  	_ =	swait.ge [sflag:s7], $0x2800  }
0x1cc: {  	[sflag:s7] =	ssyncset.done $0x0  }
0x1cd: {  	[sflag:s7] =	ssyncadd.s32 $0xFFFFD800  }
0x1ce: {  	_ =	swait.ge [sflag:s24], $0x50  }
0x1cf: {  	[sflag:s24] =	ssyncset.done $0x0  }
0x1d0: {  	[sflag:s24] =	ssyncadd.s32 $0xFFFFFFB0  }
0x1d1: {  	_ =	swait.ge [sflag:s24], $0x50  }
0x1d2: {  	[sflag:s24] =	ssyncset.done $0x0  }
0x1d3: {  	s11 =	rddreg [dreg:$0x9];
	[sflag:s24] =	ssyncadd.s32 $0xFFFFFFB0  }
0x1d4: {  	[tilespmem:s0], [sflag:$0xA] =	stream.indirect.gather [hbm4b:s31+s26], $0x80, s25, s26, $0xb8;
	[tilespmem:$0x1F800] =	vst v63  }
0x1d5: {  	s13 =	simm.s32 $0x180;
	s12 =	rddreg [dreg:$0x8];
	s10 =	sadd.s32 s22, s11  }
0x1d6: {  	[tilespmem:s13], [sflag:$0x4] =	stream.linear.gather [hbm4b:s10+s4], $0x50, $0x38;
	[tilespmem:$0x1F800] =	vst v63  }
0x1d7: {  	s12 =	sadd.s32 s22, s12  }
0x1d8: {  	[tilespmem:s19], [sflag:$0x4] =	stream.linear.gather [hbm4b:s12+s4], $0x50, $0x38;
	[tilespmem:$0x1F800] =	vst v63  }
0x1d9: {  	_ =	swait.ge [sflag:s3], $0x2800  }
0x1da: {  	[sflag:s3] =	ssyncset.done $0x0  }
0x1db: {  	[sflag:s3] =	ssyncadd.s32 $0xFFFFD800  }
0x1dc: {  	[spmem:s2] =	stream.indirect.scatter.add.f32 [tilespmem:s9], [sflag:$0xD], $0x80, s14, s26, $0xb8;
	[tilespmem:$0x1F800] =	vst v63  }
0x1dd: {  	_ =	swait.ge [sflag:s7], $0x2800  }
0x1de: {  	[sflag:s7] =	ssyncset.done $0x0  }
0x1df: {  	[sflag:s7] =	ssyncadd.s32 $0xFFFFD800  }
0x1e0: {  	_ =	swait.ge [sflag:s8], $0x50  }
0x1e1: {  	[sflag:s8] =	ssyncset.done $0x0  }
0x1e2: {  	[sflag:s8] =	ssyncadd.s32 $0xFFFFFFB0  }
0x1e3: {  	_ =	swait.ge [sflag:s8], $0x50  }
0x1e4: {  	[sflag:s8] =	ssyncset.done $0x0  }
0x1e5: {  	s14 =	rddreg [dreg:$0xb];
	[sflag:s8] =	ssyncadd.s32 $0xFFFFFFB0  }
0x1e6: {  	[tilespmem:s9], [sflag:$0xB] =	stream.indirect.gather [hbm4b:s31+s26], $0x80, s17, s26, $0xb8;
	[tilespmem:$0x1F800] =	vst v63  }
0x1e7: {  	s19 =	rddreg [dreg:$0xa];
	s10 =	sadd.s32 s22, s14  }
0x1e8: {  	[tilespmem:s16], [sflag:$0x5] =	stream.linear.gather [hbm4b:s10+s4], $0x50, $0x38;
	[tilespmem:$0x1F800] =	vst v63  }
0x1e9: {  	s22 =	sadd.s32 s22, s19;
	s14 =	simm.s32 $0x600  }
0x1ea: {  	[tilespmem:s14], [sflag:$0x5] =	stream.linear.gather [hbm4b:s22+s4], $0x50, $0x38;
	[tilespmem:$0x1F800] =	vst v63  }
0x1eb: {  	p0 =	sne.s32 s20, $0x460;
	s20 =	sadd.s32 $0x50, s20;
	_ =	swait.ge [sflag:s5], $0x2800  }
.Ltmp1:
0x1ec: {  	s28 =	simm.s32 $0x480;
	[sflag:s5] =	ssyncset.done $0x0;
	(pc) =	sbr.rel @p0 .LBB2_4-.Ltmp1, $4  }
0x1ed: {  	s23 =	simm.s32 $0x780;
	s16 =	simm.s32 $0x8000;
	[sflag:s5] =	ssyncadd.s32 $0xFFFFD800  }
0x1ee: {  	[spmem:s2] =	stream.indirect.scatter.add.f32 [tilespmem:s16], [sflag:$0xD], $0x80, s23, s26, $0xb8;
	[tilespmem:$0x1F800] =	vst v63  }
0x1ef: {  	s6 =	simm.s32 $0x500;
	s11 =	simm.s32 $0x200;
	_ =	swait.ge [sflag:s7], $0x2800  }
0x1f0: {  	s25 =	simm.s32 $0x180;
	s13 =	simm.s32 $0x580;
	[sflag:s7] =	ssyncset.done $0x0  }
0x1f1: {  	[sflag:s7] =	ssyncadd.s32 $0xFFFFD800;
	s1 =	simm.s32 $0x4  }
0x1f2: {  	_ =	swait.ge [sflag:s1], $0x50  }
0x1f3: {  	[sflag:s1] =	ssyncset.done $0x0  }
0x1f4: {  	[sflag:s1] =	ssyncadd.s32 $0xFFFFFFB0  }
0x1f5: {  	_ =	swait.ge [sflag:s1], $0x50  }
0x1f6: {  	[sflag:s1] =	ssyncset.done $0x0  }
0x1f7: {  	s8 =	simm.s32 $0x9;
	[sflag:s1] =	ssyncadd.s32 $0xFFFFFFB0  }
0x1f8: {  	[tilespmem:s16], [sflag:$0xC] =	stream.indirect.gather [hbm4b:s31+s26], $0x80, s25, s26, $0xb8;
	[tilespmem:$0x1F800] =	vst v63  }
0x1f9: {  	_ =	swait.ge [sflag:s8], $0x2800  }
0x1fa: {  	[sflag:s8] =	ssyncset.done $0x0  }
0x1fb: {  	s18 =	simm.s32 $0x400;
	[sflag:s8] =	ssyncadd.s32 $0xFFFFD800  }
0x1fc: {  	[spmem:s2] =	stream.indirect.scatter.add.f32 [tilespmem:s30], [sflag:$0xD], $0x80, s18, s26, $0xb8;
	[tilespmem:$0x1F800] =	vst v63  }
0x1fd: {  	_ =	swait.ge [sflag:s7], $0x2800  }
0x1fe: {  	[sflag:s7] =	ssyncset.done $0x0  }
0x1ff: {  	s19 =	simm.s32 $0x5;
	[sflag:s7] =	ssyncadd.s32 $0xFFFFD800  }
0x200: {  	_ =	swait.ge [sflag:s19], $0x50  }
0x201: {  	[sflag:s19] =	ssyncset.done $0x0  }
0x202: {  	[sflag:s19] =	ssyncadd.s32 $0xFFFFFFB0  }
0x203: {  	_ =	swait.ge [sflag:s19], $0x50  }
0x204: {  	[sflag:s19] =	ssyncset.done $0x0  }
0x205: {  	s20 =	simm.s32 $0xA;
	[sflag:s19] =	ssyncadd.s32 $0xFFFFFFB0  }
0x206: {  	[tilespmem:s30], [sflag:$0x9] =	stream.indirect.gather [hbm4b:s31+s26], $0x80, s11, s26, $0xb8;
	[tilespmem:$0x1F800] =	vst v63  }
0x207: {  	_ =	swait.ge [sflag:s20], $0x2800  }
0x208: {  	[sflag:s20] =	ssyncset.done $0x0  }
0x209: {  	[sflag:s20] =	ssyncadd.s32 $0xFFFFD800  }
0x20a: {  	[spmem:s2] =	stream.indirect.scatter.add.f32 [tilespmem:s0], [sflag:$0xD], $0x80, s28, s26, $0xb8;
	[tilespmem:$0x1F800] =	vst v63  }
0x20b: {  	_ =	swait.ge [sflag:s7], $0x2800  }
0x20c: {  	[sflag:s7] =	ssyncset.done $0x0  }
0x20d: {  	s21 =	simm.s32 $0xB;
	[sflag:s7] =	ssyncadd.s32 $0xFFFFD800  }
0x20e: {  	_ =	swait.ge [sflag:s21], $0x2800  }
0x20f: {  	[sflag:s21] =	ssyncset.done $0x0  }
0x210: {  	[sflag:s21] =	ssyncadd.s32 $0xFFFFD800  }
0x211: {  	[spmem:s2] =	stream.indirect.scatter.add.f32 [tilespmem:s9], [sflag:$0xD], $0x80, s6, s26, $0xb8;
	[tilespmem:$0x1F800] =	vst v63  }
0x212: {  	_ =	swait.ge [sflag:s7], $0x2800  }
0x213: {  	[sflag:s7] =	ssyncset.done $0x0  }
0x214: {  	s22 =	simm.s32 $0xC;
	[sflag:s7] =	ssyncadd.s32 $0xFFFFD800  }
0x215: {  	_ =	swait.ge [sflag:s22], $0x2800  }
0x216: {  	[sflag:s22] =	ssyncset.done $0x0  }
0x217: {  	[sflag:s22] =	ssyncadd.s32 $0xFFFFD800  }
0x218: {  	[spmem:s2] =	stream.indirect.scatter.add.f32 [tilespmem:s16], [sflag:$0xD], $0x80, s13, s26, $0xb8;
	[tilespmem:$0x1F800] =	vst v63  }
0x219: {  	_ =	swait.ge [sflag:s7], $0x2800  }
0x21a: {  	[sflag:s7] =	ssyncset.done $0x0  }
0x21b: {  	[sflag:s7] =	ssyncadd.s32 $0xFFFFD800  }
0x21c: {  	_ =	swait.ge [sflag:s8], $0x2800  }
0x21d: {  	[sflag:s8] =	ssyncset.done $0x0  }
0x21e: {  	[sflag:s8] =	ssyncadd.s32 $0xFFFFD800  }
0x21f: {  	[spmem:s2] =	stream.indirect.scatter.add.f32 [tilespmem:s30], [sflag:$0xD], $0x80, s14, s26, $0xb8;
	[tilespmem:$0x1F800] =	vst v63  }
0x220: {  	_ =	swait.ge [sflag:s7], $0x2800  }
0x221: {  	[sflag:s7] =	ssyncset.done $0x0  }
0x222: {  	[sflag:s7] =	ssyncadd.s32 $0xFFFFD800  }
0x223: {  	[bflag:$0x0] =	sbarrier.arrive $0xFFFF  }
0x224: {  	s10 =	stileid.u32;
	s23 =	sld [smem:$0x7EC]  }
0x225: {  	s10 =	sshll.u32 s10, $0x6;
	s19 =	rddreg [dreg:$0x1d]  }
0x226: {  	s10 =	sor.u32 $0x1C0D, s10;
	s20 =	sshrl.u32 s19, $0x3  }
0x227: {  	[hbm:s23], [sflag:s10] =	dma.local [spmem:s20], $0x2800  }
0x228: {  	_ =	swait.ge [sflag:s7], $0x2800  }
0x229: {  	s29 =	simm.s32 $0x3;
	s24 =	sld [smem:$0x7FD]  }
0x22a: {  	s12 =	simm.s32 $0x9;
	s3 =	simm.s32 $0x5;
	s25 =	sld [smem:$0x7ED]  }
0x22b: {  	s5 =	simm.s32 $0xA;
	s15 =	simm.s32 $0xB;
	s17 =	simm.s32 $0x7  }
0x22c: {  	s1 =	simm.s32 $0x8;
	s18 =	simm.s32 $0xC;
	s6 =	sadd.s32 $0x1, s24  }
0x22d: {  	s11 =	simm.s32 $0x400;
	s28 =	simm.s32 $0x2;
	p0 =	sne.s32 s6, s25  }
.Ltmp2:
0x22e: {  	s21 =	simm.s32 $0x180;
	s22 =	simm.s32 $0x580;
	(pc) =	sbr.rel @p0 .LBB2_1-.Ltmp2, $4  }
0x22f: {  	s16 =	simm.s32 $0x100;
	s13 =	simm.s32 $0x6;
	s8 =	simm.s32 $0x4  }
0x230: {  	s14 =	simm.s32 $0x480;
	s20 =	simm.s32 $0x500;
	[sflag:s7] =	ssyncset.done $0x0  }
0x231: {  	s23 =	simm.s32 $0x200;
	[sflag:s7] =	ssyncadd.s32 $0xFFFFD800;
	s24 =	simm.s32 $0x1  }
0x232: {  	[smem:$0x7FD] =	sst s6;
	s6 =	simm.s32 $0x80;
	s25 =	simm.s32 $0x600  }
0x233: {  	_ =	sfence.sel $0x180000  }
0x234: {  	[bflag:$0x0] =	sbarrier.arrive $0xFFFF  }
0x235: {  	_ =	strace $0x90000047  }
0x236: {  	s0 =	stileid.u32;
	[bflag:$0x2] =	sbarrier.arrive $0xFFFF  }
0x237: {  	p0 =	sne.s32 s0, $0x0;
	s0 =	rddreg [dreg:$0x3]  }
0x238: {  	s0 =	sadd.s32 @!p0 $0x100000, s0  }
0x239: {  	[sflag:s0] =	ssyncadd.tile.s32 @!p0 $0x1;
	_ =	shalt  }
.Lfunc_end2:
_tile_overlayer_lowered:
.L_overlay_start_2:
0x23a: {  	(tag) =	ssettag $0x2  }
0x23b: {  	s0 =	rddreg [dreg:$0x0];
	s2 =	stileid.u32  }
0x23c: {  	s1 =	rddreg [dreg:$0x1];
	p0 =	sne.s32 s2, $0x0  }
0x23d: {  	s3 =	rddreg [dreg:$0x2];
	[bflag:$0x3] =	sbarrier.arrive $0xFFFF;
	s2 =	simm.s32 @!p0 $0x1C0D  }
0x23e: {  	[timem:s3], [sflag:s2] =	dma.local @!p0 [hbm:s0], s1  }
0x23f: {  	s0 =	simm.s32 @!p0 $0xD  }
0x240: {  	_ =	swait.ge @!p0 [sflag:s0], s1  }
0x241: {  	s1 =	ssub.s32 @!p0 $0x0, s1;
	[sflag:s0] =	ssyncset.done @!p0 $0x0  }
0x242: {  	[sflag:s0] =	ssyncadd.s32 @!p0 s1  }
0x243: {  	[bflag:$0x3] =	sbarrier.arrive $0xFFFF  }
0x244: {  	_ =	shalt  }

// kernel: kernel.9.cloned.1.call-start
scs
__scs_entry_jumppad:
0x0: {  	(pc) =	sbr.rel $0x88, $3  }
0x1: {  	(tag) =	ssettag $0x0;
	lr =	simm.s32 $0x1  }
0x2: {  	[smem:$0x3F92] =	sst lr;
	_ =	strace $0xD0000000  }
0x3: {  	_ = 	snop  }
0x4: {  	_ = 	snop  }
0x5: {  	_ = 	snop  }
0x6: {  	_ = 	snop  }
0x7: {  	_ = 	snop  }
__scs_overlays_trampoline_lowered:
0x8: {  	[smem:$0x3FA1] =	sst s0  }
0x9: {  	[smem:$0x3FA2] =	sst s1  }
0xa: {  	[smem:$0x3FA3] =	sst s2  }
0xb: {  	[smem:$0x3FA4] =	sst s3  }
0xc: {  	[smem:$0x3FA5] =	sst s4  }
0xd: {  	[smem:$0x3FA6] =	sst s5  }
0xe: {  	[smem:$0x3FA7] =	sst s6  }
0xf: {  	[smem:$0x3FA8] =	sst s7  }
0x10: {  	[smem:$0x3FA9] =	sst s8  }
0x11: {  	[smem:$0x3FAA] =	sst s9;
	s0 =	simm.s32 @!p0 $0x0  }
0x12: {  	s1 =	sld [smem:$0x3F90];
	s0 =	simm.s32 @p0 $0x1  }
0x13: {  	[smem:$0x3FAB] =	sst s0;
	s0 =	simm.s32 @!p1 $0x0  }
0x14: {  	s2 =	sld [smem:$0x3F8F];
	s0 =	simm.s32 @p1 $0x1  }
0x15: {  	[smem:$0x3FAC] =	sst s0;
	s0 =	simm.s32 @!p2 $0x0  }
0x16: {  	s3 =	sld [smem:$0x3FDB];
	s0 =	simm.s32 @p2 $0x1  }
0x17: {  	s4 =	simm.s32 $0x1BF5;
	[smem:$0x3FAE] =	sst s0  }
0x18: {  	s0 =	sld [smem:$0x3F91];
	_ =	swait.ge [sflag:s4], $0x0  }
0x19: {  	s7 =	sld [smem:$0x3F92]  }
0x1a: {  	s8 =	sadd.s32 $0xFFFFE003, lr  }
0x1b: {  	s9 =	sadd.s32 $0xFFFFFEF7, lr;
	s5 =	simm.s32 $0xFFFFFFFF;
	p2 =	slt.u32 s8, $0xFFFFF086  }
0x1c: {  	p1 =	slt.u32 s9, $0xF7A;
	s5 =	simm.s32 @!p2 $0x0  }
0x1d: {  	s5 =	simm.s32 @p1 $0x1;
	p0 =	seq.s32 s7, s2  }
0x1e: {  	s7 =	smul.u32 @!p0 $0xF7A, s2;
	p2 =	seq.s32 @!p0 s5, $0x0  }
0x1f: {  	s9 =	smul.u32 $0xF7A, s1;
	s8 =	simm.s32 @!p0 $0x1BF5;
	p2 =	por !p2, p0  }
0x20: {  	[sflag:s8] =	ssyncset.s32 @!p0 $0xFFFFF086;
	s6 =	sadd.s32 @!p0 s3, s7;
	s7 =	simm.s32 @!p0 $0x108  }
0x21: {  	s3 =	sadd.s32 s3, s9;
	s6 =	sadd.s32 @!p0 $0x88, s6;
	s7 =	simm.s32 @p2 $0x1082  }
0x22: {  	[simem:s7], [sflag:s8] =	dma.local @!p0 [hbm:s6], $0xF7A  }
0x23: {  	s9 =	sor.u32 $0xD0000000, s2;
	s6 =	simm.s32 $0x108;
	_ =	swait.ge @!p0 [sflag:s8], $0x0  }
0x24: {  	s3 =	sadd.s32 $0x88, s3;
	s6 =	simm.s32 @!p1 $0x1082;
	[sflag:s4] =	ssyncset.s32 $0xFFFFF086  }
0x25: {  	[simem:s6], [sflag:s4] =	dma.local [hbm:s3], $0xF7A  }
0x26: {  	[smem:$0x3F92] =	sst s1;
	(tag) =	ssettag s2;
	_ =	strace s9  }
0x27: {  	s1 =	sld [smem:$0x3FA2]  }
0x28: {  	s2 =	sld [smem:$0x3FA3]  }
0x29: {  	s4 =	sld [smem:$0x3FA5]  }
0x2a: {  	p0 =	seq.s32 s5, $0x0;
	s5 =	sld [smem:$0x3FA6]  }
0x2b: {  	s6 =	sld [smem:$0x3FA7]  }
0x2c: {  	s7 =	sld [smem:$0x3FA8]  }
0x2d: {  	s3 =	simm.s32 $0x108;
	s8 =	sld [smem:$0x3FA9]  }
0x2e: {  	s3 =	simm.s32 @!p0 $0x1082;
	s9 =	sld [smem:$0x3FAA]  }
0x2f: {  	lr =	sadd.s32 s0, s3;
	s0 =	sld [smem:$0x3FA1]  }
0x30: {  	s3 =	sld [smem:$0x3FA4]  }
0x31: {  	[smem:$0x3FAD] =	sst s10  }
0x32: {  	s10 =	sld [smem:$0x3FAB];
	_ =	sdelay $0x3  }
0x33: {  	p0 =	seq.s32 s10, $0x1;
	s10 =	sld [smem:$0x3FAD];
	_ =	sdelay $0x3  }
0x34: {  	[smem:$0x3FAD] =	sst s10  }
0x35: {  	s10 =	sld [smem:$0x3FAC];
	_ =	sdelay $0x3  }
0x36: {  	p1 =	seq.s32 s10, $0x1;
	s10 =	sld [smem:$0x3FAD];
	_ =	sdelay $0x3  }
0x37: {  	[smem:$0x3FAD] =	sst s10  }
0x38: {  	s10 =	sld [smem:$0x3FAE]  }
0x39: {  	_ = 	snop;
	(pc) =	sbr.ind lr, $3  }
0x3a: {  	_ = 	snop  }
0x3b: {  	_ = 	snop  }
0x3c: {  	p2 =	seq.s32 s10, $0x1;
	s10 =	sld [smem:$0x3FAD]  }
0x3d: {  	_ =	shalt  }
0x3e: {  	_ =	shalt  }
0x3f: {  	_ =	shalt  }
0x40: {  	_ =	shalt  }
0x41: {  	_ =	shalt  }
0x42: {  	_ =	shalt  }
0x43: {  	_ =	shalt  }
0x44: {  	_ =	shalt  }
0x45: {  	_ =	shalt  }
0x46: {  	_ =	shalt  }
0x47: {  	_ =	shalt  }
0x48: {  	_ =	shalt  }
0x49: {  	_ =	shalt  }
0x4a: {  	_ =	shalt  }
0x4b: {  	_ =	shalt  }
0x4c: {  	_ =	shalt  }
0x4d: {  	_ =	shalt  }
0x4e: {  	_ =	shalt  }
0x4f: {  	_ =	shalt  }
0x50: {  	_ =	shalt  }
0x51: {  	_ =	shalt  }
0x52: {  	_ =	shalt  }
0x53: {  	_ =	shalt  }
0x54: {  	_ =	shalt  }
0x55: {  	_ =	shalt  }
0x56: {  	_ =	shalt  }
0x57: {  	_ =	shalt  }
0x58: {  	_ =	shalt  }
0x59: {  	_ =	shalt  }
0x5a: {  	_ =	shalt  }
0x5b: {  	_ =	shalt  }
0x5c: {  	_ =	shalt  }
0x5d: {  	_ =	shalt  }
0x5e: {  	_ =	shalt  }
0x5f: {  	_ =	shalt  }
0x60: {  	_ =	shalt  }
0x61: {  	_ =	shalt  }
0x62: {  	_ =	shalt  }
0x63: {  	_ =	shalt  }
0x64: {  	_ =	shalt  }
0x65: {  	_ =	shalt  }
0x66: {  	_ =	shalt  }
0x67: {  	_ =	shalt  }
0x68: {  	_ =	shalt  }
0x69: {  	_ =	shalt  }
0x6a: {  	_ =	shalt  }
0x6b: {  	_ =	shalt  }
0x6c: {  	_ =	shalt  }
0x6d: {  	_ =	shalt  }
0x6e: {  	_ =	shalt  }
0x6f: {  	_ =	shalt  }
0x70: {  	_ =	shalt  }
0x71: {  	_ =	shalt  }
0x72: {  	_ =	shalt  }
0x73: {  	_ =	shalt  }
0x74: {  	_ =	shalt  }
0x75: {  	_ =	shalt  }
0x76: {  	_ =	shalt  }
0x77: {  	_ =	shalt  }
0x78: {  	_ =	shalt  }
0x79: {  	_ =	shalt  }
0x7a: {  	_ =	shalt  }
0x7b: {  	_ =	shalt  }
0x7c: {  	_ =	shalt  }
0x7d: {  	_ =	shalt  }
0x7e: {  	_ =	shalt  }
0x7f: {  	_ =	shalt  }
0x80: {  	_ =	shalt  }
0x81: {  	_ =	shalt  }
0x82: {  	_ =	shalt  }
0x83: {  	_ =	shalt  }
0x84: {  	_ =	shalt  }
0x85: {  	_ =	shalt  }
0x86: {  	_ =	shalt  }
0x87: {  	_ =	shalt  }
.Lfunc_end0:
.L_simem_size_0:
called_computation.1_lowered:
.L_overlay_start_0:
0x88: {  	s2 =	sld [smem:$0x3FD9]  }
0x89: {  	s3 =	sld [smem:$0x3FFE];
	_ =	sdelay $0x1  }
0x8a: {  	s1 =	srdreg.scid  }
0x8b: {  	s0 =	sand.u32 $0x1, s1  }
0x8c: {  	s16 =	sshll.u32 s0, $0xA;
	s2 =	sadd.s32 s3, s2  }
0x8d: {  	s2 =	sadd.s32 s2, s16  }
0x8e: {  	[smem:$0x3FB9] =	sst s2  }
0x8f: {  	_ = 	snop  }
0x90: {  	(tm) =	ssettm $0x1  }
0x91: {  	s17 =	sld [smem:$0x3FFB];
	_ =	sdelay $0x3  }
0x92: {  	_ =	strace s17  }
0x93: {  	s2 =	sld [smem:$0x3FFC];
	_ =	sdelay $0x3  }
0x94: {  	_ =	strace s2  }
0x95: {  	s2 =	sld [smem:$0x3FFD];
	_ =	sdelay $0x3  }
0x96: {  	_ =	strace s2  }
0x97: {  	_ =	strace $0x8FFFFFFF  }
0x98: {  	s18 =	sld [smem:$0x3FDB];
	_ =	sdelay $0x1  }
0x99: {  	s19 =	simm.s32 $_scs_section_size  }
0x9a: {  	s4 =	simm.s32 $_size__tile_overlayer_lowered;
	s5 =	simm.s32 $_tile_overlayer_lowered  }
0x9b: {  	s22 =	simm.s32 $0x1BFF;
	s21 =	sshll.u32 s5, $0x1;
	s2 =	sadd.s32 s19, s18  }
0x9c: {  	s6 =	simm.s32 $0x0;
	s20 =	sshll.u32 s4, $0x1;
	s4 =	sadd.s32 s21, s2  }
0x9d: {  	[timem:s6], [sflag:s22] =	dma.local [hbm:s4], s20  }
0x9e: {  	_ =	swait.ge [sflag:s22], s20  }
0x9f: {  	s3 =	ssub.s32 $0x0, s20;
	[sflag:s22] =	ssyncset.done $0x0  }
0xa0: {  	[sflag:s22] =	ssyncadd.s32 s3;
	_ =	sdelay $0x1  }
0xa1: {  	s23 =	simm.s32 $0x1B8B  }
0xa2: {  	_ =	swait.ge [sflag:s23], $0x1  }
0xa3: {  	[sflag:s23] =	ssyncset.done $0x0  }
0xa4: {  	s25 =	simm.s32 $0x1B8E;
	s24 =	sld [smem:$0x3FFE];
	[sflag:s23] =	ssyncadd.s32 $0xFFFFFFFF  }
0xa5: {  	s26 =	simm.s32 $execute0_lowered;
	[smem:$0x3FD2] =	sst s25  }
0xa6: {  	s4 =	sshll.u32 s26, $0x1;
	_ =	strace $0x80000049;
	[dreg:$0x1] =	wrdreg $0xFFFFFFFF  }
0xa7: {  	s28 =	simm.s32 $_size_execute0_lowered;
	s2 =	sadd.s32 s2, s4;
	[dreg:$0x0] =	wrdreg $0x0  }
0xa8: {  	s4 =	sshll.u32 s28, $0x1;
	[dreg:$0x2] =	wrdreg s2  }
0xa9: {  	[dreg:$0x3] =	wrdreg s4  }
0xaa: {  	[dreg:$0x4] =	wrdreg $0xC0  }
0xab: {  	_ =	task [dreg:s6], $0x5FFFF  }
0xac: {  	[dreg:$0x1] =	wrdreg $0xFFFFFFFF  }
0xad: {  	[dreg:$0x0] =	wrdreg $0x60  }
0xae: {  	[dreg:$0x2] =	wrdreg s24  }
0xaf: {  	[dreg:$0x3] =	wrdreg $0xB8000  }
0xb0: {  	[dreg:$0x4] =	wrdreg $0x9  }
0xb1: {  	_ =	task.clear_ibuf [dreg:s6], $0x5FFFF;
	_ =	strace $0x90000049  }
0xb2: {  	s29 =	simm.s32 $0x9;
	_ =	strace $0x8000004B  }
0xb3: {  	_ =	swait.ge [sflag:s29], $0x1  }
0xb4: {  	[sflag:s29] =	ssyncadd.s32 $0xFFFFFFFF  }
0xb5: {  	_ =	strace $0x9000004B  }
0xb6: {  	_ =	sfence  }
0xb7: {  	s30 =	sld [smem:$0x0];
	_ =	sdelay $0x2  }
0xb8: {  	s31 =	sshll.u32 s1, $0xD;
	s1 =	sshrl.u32 s1, $0x2  }
0xb9: {  	s3 =	sand.u32 $0x4000, s31;
	s1 =	sadd.s32 s1, s30  }
0xba: {  	s0 =	sor.u32 s3, s0;
	s1 =	sshll.u32 s1, $0x11  }
0xbb: {  	s0 =	sor.u32 s1, s0  }
0xbc: {  	s0 =	sadd.s32 $0x8F2B, s0  }
0xbd: {  	[sflag:s0] =	ssyncadd.remote.s32 $0x1  }
0xbe: {  	_ =	sfence.sel $0xFFFF  }
0xbf: {  	[dreg:$0x0] =	wrdreg $0xFFFFFFFF;
	(pc) =	sbr.abs _section_cstart, $3  }
0xc0: {  	[dreg:$0x1] =	wrdreg $0xFFFFFFFF  }
0xc1: {  	_ =	task.clear_ibuf [dreg:s6], $0x2FFFF;
	_ =	strace $0x9FFFFFFF  }
0xc2: {  	(tm) =	ssettm $0x7FFFFFFF  }
0xc3: {  	_ =	shalt  }
tec
execute0_lowered:
.L_overlay_start_1:
0x0: {  	(tag) =	ssettag $0x1  }
0x1: {  	s0 =	rddreg [dreg:$0x0]  }
0x2: {  	s31 =	rddreg [dreg:$0x1];
	s9 =	stileid.u32  }
0x3: {  	s2 =	srdreg.scid;
	s3 =	simm.s32 $0x0;
	s6 =	smul.u32 $0x14000, s9  }
0x4: {  	s5 =	sand.u32 $0x1, s2;
	[smem:$0x7FF] =	sst s3;
	s23 =	smul.u32 $0x50000, s9  }
0x5: {  	s7 =	sshll.u32 s9, $0x1;
	s4 =	sadd.s32 $0x16600, s0;
	s9 =	smul.u32 $0x4E20, s9  }
0x6: {  	s11 =	sadd.s32 $0xC800, s0;
	s2 =	smul.u32 $0x140000, s5;
	s7 =	sor.u32 s5, s7  }
0x7: {  	s12 =	sadd.s32 $0x2A00, s0;
	_ =	strace $0x8000004A;
	s17 =	smul.u32 $0x2710, s7  }
0x8: {  	s18 =	ssub.s32 $0x2, s5;
	s5 =	smul.u32 $0x2710, s5;
	[dreg:$0x12] =	wrdreg s12  }
0x9: {  	[dreg:$0x11] =	wrdreg s11;
	s2 =	sadd.s32 s6, s2;
	s6 =	sshrl.u32 s17, $0x3  }
0xa: {  	s19 =	sshrl.u32 s18, $0x1;
	s5 =	sadd.s32 s5, s9;
	s20 =	sadd.s32 s11, s6  }
0xb: {  	s21 =	sadd.s32 $0xA, s6;
	s8 =	sadd.s32 s12, s6;
	[dreg:$0x13] =	wrdreg s20  }
0xc: {  	s2 =	sshrl.u32 s2, $0x3;
	[dreg:$0x14] =	wrdreg s8;
	s22 =	sadd.s32 s11, s21  }
0xd: {  	s24 =	sadd.s32 $0x14, s6;
	s7 =	sadd.s32 s12, s21;
	[dreg:$0x15] =	wrdreg s22  }
0xe: {  	s25 =	sadd.s32 $0x1E, s6;
	s10 =	sadd.s32 s11, s24;
	[dreg:$0x16] =	wrdreg s7  }
0xf: {  	s14 =	sadd.s32 $0x2D0, s5;
	s26 =	sadd.s32 s11, s25;
	[dreg:$0x17] =	wrdreg s10  }
0x10: {  	s6 =	sadd.s32 $0x28, s6;
	s1 =	sadd.s32 s12, s25;
	[dreg:$0x19] =	wrdreg s26  }
0x11: {  	s0 =	sadd.s32 s2, s0;
	s13 =	sadd.s32 s11, s6;
	[dreg:$0x1a] =	wrdreg s1  }
0x12: {  	s16 =	sshrl.u32 s14, $0x3;
	s6 =	sadd.s32 s12, s6;
	[dreg:$0x1b] =	wrdreg s13  }
0x13: {  	s2 =	ssub.s32 s18, s19;
	s18 =	sadd.s32 s16, s12;
	[dreg:$0x1d] =	wrdreg s6  }
0x14: {  	s0 =	sadd.s32 $0x3D800, s0;
	[dreg:$0x3] =	wrdreg s18  }
0x15: {  	s20 =	sadd.s32 $0x320, s5;
	s7 =	sadd.s32 s12, s24;
	[smem:$0x7EC] =	sst s0  }
0x16: {  	s6 =	sadd.s32 s16, s11;
	s21 =	sshrl.u32 s20, $0x3;
	[dreg:$0x18] =	wrdreg s7  }
0x17: {  	[dreg:$0x4] =	wrdreg s6;
	s22 =	sadd.s32 s21, s12  }
0x18: {  	s10 =	sshrl.u32 s23, $0x2;
	s24 =	sadd.s32 s21, s11;
	[dreg:$0x5] =	wrdreg s22  }
0x19: {  	s19 =	sadd.s32 s10, s31;
	[dreg:$0x6] =	wrdreg s24  }
0x1a: {  	s23 =	sadd.s32 $0x370, s5;
	s15 =	sadd.s32 $0x1000, s19;
	[dreg:$0x1c] =	wrdreg s19  }
0x1b: {  	s25 =	sshrl.u32 s23, $0x3;
	s17 =	sadd.s32 $0x2000, s19;
	[dreg:$0x1e] =	wrdreg s15  }
0x1c: {  	s1 =	sadd.s32 $0x3C0, s5;
	s26 =	sadd.s32 s25, s12;
	[dreg:$0x1f] =	wrdreg s17  }
0x1d: {  	s9 =	sshrl.u32 s1, $0x3;
	s7 =	sadd.s32 s25, s11;
	[dreg:$0x7] =	wrdreg s26  }
0x1e: {  	s10 =	sadd.s32 s9, s12;
	[dreg:$0x8] =	wrdreg s7  }
0x1f: {  	s30 =	simm.s32 $0x800;
	s14 =	sadd.s32 s9, s11;
	[dreg:$0x9] =	wrdreg s10  }
0x20: {  	s28 =	simm.s32 $0x2;
	s25 =	sadd.s32 $0x3000, s19;
	[dreg:$0xa] =	wrdreg s14  }
0x21: {  	s29 =	simm.s32 $0x3;
	s1 =	sadd.s32 $0x4000, s19;
	[smem:$0x7E9] =	sst s25  }
0x22: {  	s13 =	sadd.s32 $0x230, s5;
	s9 =	sadd.s32 $0x5000, s19;
	[smem:$0x7EA] =	sst s1  }
0x23: {  	s0 =	simm.s32 $0x3000;
	[smem:$0x7EB] =	sst s9;
	s10 =	smax.u32 s2, $0x1  }
0x24: {  	s15 =	sshrl.u32 s13, $0x3;
	s13 =	sadd.s32 $0x7000, s19;
	[smem:$0x7ED] =	sst s10  }
0x25: {  	s22 =	sadd.s32 $0x190, s5;
	s14 =	sadd.s32 $0x8000, s19;
	[smem:$0x7F0] =	sst s13  }
0x26: {  	s24 =	sshrl.u32 s22, $0x3;
	s22 =	sadd.s32 $0xF000, s19;
	[smem:$0x7F1] =	sst s14  }
0x27: {  	s6 =	simm.s32 $0x80;
	s25 =	sadd.s32 $0x12000, s19;
	[smem:$0x7F8] =	sst s22  }
0x28: {  	s17 =	sadd.s32 $0x1E0, s5;
	s16 =	sadd.s32 s15, s12;
	[smem:$0x7FB] =	sst s25  }
0x29: {  	s9 =	simm.s32 $0x5800;
	s18 =	sadd.s32 s15, s11;
	[dreg:$0xb] =	wrdreg s16  }
0x2a: {  	s7 =	simm.s32 $0xD;
	s26 =	sadd.s32 s24, s12;
	[dreg:$0xc] =	wrdreg s18  }
0x2b: {  	s2 =	simm.s32 $0x5;
	s8 =	sadd.s32 s24, s11;
	[dreg:$0xf] =	wrdreg s26  }
0x2c: {  	s1 =	simm.s32 $0x8;
	s15 =	sadd.s32 $0x9000, s19;
	[dreg:$0x10] =	wrdreg s8  }
0x2d: {  	s20 =	sshrl.u32 s17, $0x3;
	s17 =	sadd.s32 $0xB000, s19;
	[smem:$0x7F2] =	sst s15  }
0x2e: {  	s24 =	sadd.s32 $0x11000, s19;
	s14 =	simm.s32 $0x480;
	[smem:$0x7F4] =	sst s17  }
0x2f: {  	s22 =	simm.s32 $0x580;
	s10 =	simm.s32 $0x0;
	[smem:$0x7FA] =	sst s24  }
0x30: {  	s25 =	simm.s32 $0x600;
	s21 =	sadd.s32 s20, s12;
	[smem:$0x7FD] =	sst s10  }
0x31: {  	s13 =	simm.s32 $0x6;
	s23 =	sadd.s32 s20, s11;
	[dreg:$0xd] =	wrdreg s21  }
0x32: {  	s11 =	sadd.s32 $0x280, s5;
	s12 =	sadd.s32 $0x6000, s19;
	[dreg:$0xe] =	wrdreg s23  }
0x33: {  	s16 =	sadd.s32 $0xA000, s19;
	s18 =	sadd.s32 $0xC000, s19;
	[smem:$0x7EE] =	sst s11  }
0x34: {  	s20 =	sadd.s32 $0xD000, s19;
	s26 =	sadd.s32 $0x13000, s19;
	[smem:$0x7EF] =	sst s12  }
0x35: {  	s24 =	simm.s32 $0x1;
	s8 =	simm.s32 $0x4;
	[smem:$0x7F3] =	sst s16  }
0x36: {  	s5 =	simm.s32 $0xA;
	s15 =	simm.s32 $0xB;
	[smem:$0x7F5] =	sst s18  }
0x37: {  	s17 =	simm.s32 $0x7;
	[smem:$0x7F6] =	sst s20;
	s21 =	sadd.s32 $0xE000, s19  }
0x38: {  	s23 =	sadd.s32 $0x10000, s19;
	[smem:$0x7FC] =	sst s26;
	s11 =	simm.s32 $0x400  }
0x39: {  	s16 =	simm.s32 $0x100;
	s20 =	simm.s32 $0x500;
	s26 =	simm.s32 $0x50  }
0x3a: {  	s12 =	simm.s32 $0x9;
	s18 =	simm.s32 $0xC;
	[smem:$0x7F7] =	sst s21  }
0x3b: {  	v0 =	vimm.f32 $0.0e+00;
	[smem:$0x7F9] =	sst s23;
	s21 =	simm.s32 $0x180;
	s23 =	simm.s32 $0x200  }
.LBB2_1:
0x3c: {  	s10 =	rddreg [dreg:$0x13]  }
0x3d: {  	[tilespmem:s3], [sflag:$0x1] =	stream.linear.gather [hbm4b:s10+s3], $0x50, $0x38;
	[tilespmem:$0x1F800] =	vst v63  }
0x3e: {  	s10 =	rddreg [dreg:$0x14]  }
0x3f: {  	[tilespmem:s11], [sflag:$0x1] =	stream.linear.gather [hbm4b:s10+s3], $0x50, $0x38;
	[tilespmem:$0x1F800] =	vst v63  }
0x40: {  	s11 =	rddreg [dreg:$0x15]  }
0x41: {  	[tilespmem:s6], [sflag:$0x2] =	stream.linear.gather [hbm4b:s11+s3], $0x50, $0x38;
	[tilespmem:$0x1F800] =	vst v63  }
0x42: {  	s11 =	rddreg [dreg:$0x16]  }
0x43: {  	[tilespmem:s14], [sflag:$0x2] =	stream.linear.gather [hbm4b:s11+s3], $0x50, $0x38;
	[tilespmem:$0x1F800] =	vst v63  }
0x44: {  	s11 =	rddreg [dreg:$0x17]  }
0x45: {  	[tilespmem:s16], [sflag:$0x3] =	stream.linear.gather [hbm4b:s11+s3], $0x50, $0x38;
	[tilespmem:$0x1F800] =	vst v63  }
0x46: {  	s14 =	rddreg [dreg:$0x18]  }
0x47: {  	[tilespmem:s20], [sflag:$0x3] =	stream.linear.gather [hbm4b:s14+s3], $0x50, $0x38;
	[tilespmem:$0x1F800] =	vst v63  }
0x48: {  	s11 =	rddreg [dreg:$0x19]  }
0x49: {  	[tilespmem:s21], [sflag:$0x4] =	stream.linear.gather [hbm4b:s11+s3], $0x50, $0x38;
	[tilespmem:$0x1F800] =	vst v63  }
0x4a: {  	s14 =	rddreg [dreg:$0x1a]  }
0x4b: {  	[tilespmem:s22], [sflag:$0x4] =	stream.linear.gather [hbm4b:s14+s3], $0x50, $0x38;
	[tilespmem:$0x1F800] =	vst v63  }
0x4c: {  	s20 =	rddreg [dreg:$0x1b]  }
0x4d: {  	[tilespmem:s23], [sflag:$0x5] =	stream.linear.gather [hbm4b:s20+s3], $0x50, $0x38;
	[tilespmem:$0x1F800] =	vst v63  }
0x4e: {  	s21 =	rddreg [dreg:$0x1d]  }
0x4f: {  	[tilespmem:s25], [sflag:$0x5] =	stream.linear.gather [hbm4b:s21+s3], $0x50, $0x38;
	[tilespmem:$0x1F800] =	vst v63  }
0x50: {  	_ =	swait.ge [sflag:s24], $0x50  }
0x51: {  	[sflag:s24] =	ssyncset.done $0x0  }
0x52: {  	[sflag:s24] =	ssyncadd.s32 $0xFFFFFFB0  }
0x53: {  	_ =	swait.ge [sflag:s24], $0x50  }
0x54: {  	[sflag:s24] =	ssyncset.done $0x0  }
0x55: {  	[sflag:s24] =	ssyncadd.s32 $0xFFFFFFB0  }
0x56: {  	[tilespmem:s30], [sflag:$0x9] =	stream.indirect.gather [hbm4b:s4+s26], $0x80, s3, s26, $0xb8;
	[tilespmem:$0x1F800] =	vst v63  }
0x57: {  	_ =	swait.ge [sflag:s28], $0x50  }
0x58: {  	[sflag:s28] =	ssyncset.done $0x0  }
0x59: {  	[sflag:s28] =	ssyncadd.s32 $0xFFFFFFB0  }
0x5a: {  	_ =	swait.ge [sflag:s28], $0x50  }
0x5b: {  	[sflag:s28] =	ssyncset.done $0x0  }
0x5c: {  	[sflag:s28] =	ssyncadd.s32 $0xFFFFFFB0  }
0x5d: {  	[tilespmem:s0], [sflag:$0xA] =	stream.indirect.gather [hbm4b:s4+s26], $0x80, s6, s26, $0xb8;
	[tilespmem:$0x1F800] =	vst v63  }
0x5e: {  	s22 =	simm.s32 $0x0;
	_ =	swait.ge [sflag:s29], $0x50  }
0x5f: {  	s23 =	sand.u32 $0xFFFFFF80, s22;
	[sflag:s29] =	ssyncset.done $0x0  }
0x60: {  	s21 =	ssub.s32 $0x0, s23;
	[sflag:s29] =	ssyncadd.s32 $0xFFFFFFB0  }
0x61: {  	s20 =	sand.u32 $0x3FFFFF80, s22;
	s21 =	sand.u32 $0xFFFFFF80, s21;
	_ =	swait.ge [sflag:s29], $0x50  }
0x62: {  	s25 =	sand.u32 $0x70, s3;
	s21 =	sadd.s32 s21, s20;
	[sflag:s29] =	ssyncset.done $0x0  }
0x63: {  	s20 =	simm.s32 $0x1;
	s22 =	sor.u32 s25, s21;
	[sflag:s29] =	ssyncadd.s32 $0xFFFFFFB0  }
0x64: {  	[tilespmem:s9], [sflag:$0xB] =	stream.indirect.gather [hbm4b:s4+s26], $0x80, s16, s26, $0xb8;
	[tilespmem:$0x1F800] =	vst v63  }
0x65: {  	s21 =	simm.s32 $0x0;
	s0 =	simm.s32 $0x3000;
	s9 =	simm.s32 $0x5800  }
.LBB2_2:
0x66: {  	s23 =	sshll.u32 s20, $0x4;
	p0 =	sne.s32 s20, $0xFF;
	s20 =	sadd.s32 $0x1, s20;
	[tilespmem:s22+$0xA800] =	vst v0  }
.Ltmp0:
0x67: {  	s21 =	sadd.s32 $0x10, s21;
	s22 =	sand.u32 $0xFFFFFF80, s23;
	(pc) =	sbr.rel @p0 .LBB2_2-.Ltmp0, $4  }
0x68: {  	s22 =	ssub.s32 s21, s22  }
0x69: {  	s23 =	sand.u32 $0x3FFFFF80, s23;
	s22 =	sand.u32 $0xFFFFFF80, s22  }
0x6a: {  	s10 =	sand.u32 $0x70, s21;
	s22 =	sadd.s32 s22, s23  }
0x6b: {  	s22 =	sor.u32 s10, s22  }
0x6c: {  	[tilespmem:s22+$0xA800] =	vst v0;
	s6 =	simm.s32 $0xA800  }
0x6d: {  	[spmem:s19] =	stream.linear.scatter [tilespmem:s6], [sflag:$0xD], $0x1000, $0x38;
	[tilespmem:$0x1F800] =	vst v63  }
0x6e: {  	_ =	swait.ge [sflag:s7], $0x1000  }
0x6f: {  	[sflag:s7] =	ssyncset.done $0x0  }
0x70: {  	s10 =	rddreg [dreg:$0x1e];
	[sflag:s7] =	ssyncadd.s32 $0xFFFFF000  }
0x71: {  	[spmem:s10] =	stream.linear.scatter [tilespmem:s6], [sflag:$0xD], $0x1000, $0x38;
	[tilespmem:$0x1F800] =	vst v63  }
0x72: {  	_ =	swait.ge [sflag:s7], $0x1000  }
0x73: {  	[sflag:s7] =	ssyncset.done $0x0  }
0x74: {  	s19 =	rddreg [dreg:$0x1f];
	[sflag:s7] =	ssyncadd.s32 $0xFFFFF000  }
0x75: {  	[spmem:s19] =	stream.linear.scatter [tilespmem:s6], [sflag:$0xD], $0x1000, $0x38;
	[tilespmem:$0x1F800] =	vst v63  }
0x76: {  	_ =	swait.ge [sflag:s7], $0x1000  }
0x77: {  	s20 =	sld [smem:$0x7E9]  }
0x78: {  	[sflag:s7] =	ssyncset.done $0x0  }
0x79: {  	[sflag:s7] =	ssyncadd.s32 $0xFFFFF000  }
0x7a: {  	[spmem:s20] =	stream.linear.scatter [tilespmem:s6], [sflag:$0xD], $0x1000, $0x38;
	[tilespmem:$0x1F800] =	vst v63  }
0x7b: {  	_ =	swait.ge [sflag:s7], $0x1000  }
0x7c: {  	s21 =	sld [smem:$0x7EA]  }
0x7d: {  	[sflag:s7] =	ssyncset.done $0x0  }
0x7e: {  	[sflag:s7] =	ssyncadd.s32 $0xFFFFF000  }
0x7f: {  	[spmem:s21] =	stream.linear.scatter [tilespmem:s6], [sflag:$0xD], $0x1000, $0x38;
	[tilespmem:$0x1F800] =	vst v63  }
0x80: {  	_ =	swait.ge [sflag:s7], $0x1000  }
0x81: {  	s22 =	sld [smem:$0x7EB]  }
0x82: {  	[sflag:s7] =	ssyncset.done $0x0  }
0x83: {  	[sflag:s7] =	ssyncadd.s32 $0xFFFFF000  }
0x84: {  	[spmem:s22] =	stream.linear.scatter [tilespmem:s6], [sflag:$0xD], $0x1000, $0x38;
	[tilespmem:$0x1F800] =	vst v63  }
0x85: {  	_ =	swait.ge [sflag:s7], $0x1000  }
0x86: {  	s23 =	sld [smem:$0x7EF]  }
0x87: {  	[sflag:s7] =	ssyncset.done $0x0  }
0x88: {  	[sflag:s7] =	ssyncadd.s32 $0xFFFFF000  }
0x89: {  	[spmem:s23] =	stream.linear.scatter [tilespmem:s6], [sflag:$0xD], $0x1000, $0x38;
	[tilespmem:$0x1F800] =	vst v63  }
0x8a: {  	_ =	swait.ge [sflag:s7], $0x1000  }
0x8b: {  	s25 =	sld [smem:$0x7F0]  }
0x8c: {  	[sflag:s7] =	ssyncset.done $0x0  }
0x8d: {  	[sflag:s7] =	ssyncadd.s32 $0xFFFFF000  }
0x8e: {  	[spmem:s25] =	stream.linear.scatter [tilespmem:s6], [sflag:$0xD], $0x1000, $0x38;
	[tilespmem:$0x1F800] =	vst v63  }
0x8f: {  	_ =	swait.ge [sflag:s7], $0x1000  }
0x90: {  	s11 =	sld [smem:$0x7F1]  }
0x91: {  	[sflag:s7] =	ssyncset.done $0x0  }
0x92: {  	[sflag:s7] =	ssyncadd.s32 $0xFFFFF000  }
0x93: {  	[spmem:s11] =	stream.linear.scatter [tilespmem:s6], [sflag:$0xD], $0x1000, $0x38;
	[tilespmem:$0x1F800] =	vst v63  }
0x94: {  	_ =	swait.ge [sflag:s7], $0x1000  }
0x95: {  	s14 =	sld [smem:$0x7F2]  }
0x96: {  	[sflag:s7] =	ssyncset.done $0x0  }
0x97: {  	[sflag:s7] =	ssyncadd.s32 $0xFFFFF000  }
0x98: {  	[spmem:s14] =	stream.linear.scatter [tilespmem:s6], [sflag:$0xD], $0x1000, $0x38;
	[tilespmem:$0x1F800] =	vst v63  }
0x99: {  	_ =	swait.ge [sflag:s7], $0x1000  }
0x9a: {  	s16 =	sld [smem:$0x7F3]  }
0x9b: {  	[sflag:s7] =	ssyncset.done $0x0  }
0x9c: {  	[sflag:s7] =	ssyncadd.s32 $0xFFFFF000  }
0x9d: {  	[spmem:s16] =	stream.linear.scatter [tilespmem:s6], [sflag:$0xD], $0x1000, $0x38;
	[tilespmem:$0x1F800] =	vst v63  }
0x9e: {  	_ =	swait.ge [sflag:s7], $0x1000  }
0x9f: {  	s19 =	sld [smem:$0x7F4]  }
0xa0: {  	[sflag:s7] =	ssyncset.done $0x0  }
0xa1: {  	[sflag:s7] =	ssyncadd.s32 $0xFFFFF000  }
0xa2: {  	[spmem:s19] =	stream.linear.scatter [tilespmem:s6], [sflag:$0xD], $0x1000, $0x38;
	[tilespmem:$0x1F800] =	vst v63  }
0xa3: {  	_ =	swait.ge [sflag:s7], $0x1000  }
0xa4: {  	s20 =	sld [smem:$0x7F5]  }
0xa5: {  	[sflag:s7] =	ssyncset.done $0x0  }
0xa6: {  	[sflag:s7] =	ssyncadd.s32 $0xFFFFF000  }
0xa7: {  	[spmem:s20] =	stream.linear.scatter [tilespmem:s6], [sflag:$0xD], $0x1000, $0x38;
	[tilespmem:$0x1F800] =	vst v63  }
0xa8: {  	_ =	swait.ge [sflag:s7], $0x1000  }
0xa9: {  	s21 =	sld [smem:$0x7F6]  }
0xaa: {  	[sflag:s7] =	ssyncset.done $0x0  }
0xab: {  	[sflag:s7] =	ssyncadd.s32 $0xFFFFF000  }
0xac: {  	[spmem:s21] =	stream.linear.scatter [tilespmem:s6], [sflag:$0xD], $0x1000, $0x38;
	[tilespmem:$0x1F800] =	vst v63  }
0xad: {  	_ =	swait.ge [sflag:s7], $0x1000  }
0xae: {  	s22 =	sld [smem:$0x7F7]  }
0xaf: {  	[sflag:s7] =	ssyncset.done $0x0  }
0xb0: {  	[sflag:s7] =	ssyncadd.s32 $0xFFFFF000  }
0xb1: {  	[spmem:s22] =	stream.linear.scatter [tilespmem:s6], [sflag:$0xD], $0x1000, $0x38;
	[tilespmem:$0x1F800] =	vst v63  }
0xb2: {  	_ =	swait.ge [sflag:s7], $0x1000  }
0xb3: {  	s23 =	sld [smem:$0x7F8]  }
0xb4: {  	[sflag:s7] =	ssyncset.done $0x0  }
0xb5: {  	[sflag:s7] =	ssyncadd.s32 $0xFFFFF000  }
0xb6: {  	[spmem:s23] =	stream.linear.scatter [tilespmem:s6], [sflag:$0xD], $0x1000, $0x38;
	[tilespmem:$0x1F800] =	vst v63  }
0xb7: {  	_ =	swait.ge [sflag:s7], $0x1000  }
0xb8: {  	s25 =	sld [smem:$0x7F9]  }
0xb9: {  	[sflag:s7] =	ssyncset.done $0x0  }
0xba: {  	[sflag:s7] =	ssyncadd.s32 $0xFFFFF000  }
0xbb: {  	[spmem:s25] =	stream.linear.scatter [tilespmem:s6], [sflag:$0xD], $0x1000, $0x38;
	[tilespmem:$0x1F800] =	vst v63  }
0xbc: {  	_ =	swait.ge [sflag:s7], $0x1000  }
0xbd: {  	s11 =	sld [smem:$0x7FA]  }
0xbe: {  	[sflag:s7] =	ssyncset.done $0x0  }
0xbf: {  	[sflag:s7] =	ssyncadd.s32 $0xFFFFF000  }
0xc0: {  	[spmem:s11] =	stream.linear.scatter [tilespmem:s6], [sflag:$0xD], $0x1000, $0x38;
	[tilespmem:$0x1F800] =	vst v63  }
0xc1: {  	_ =	swait.ge [sflag:s7], $0x1000  }
0xc2: {  	s14 =	sld [smem:$0x7FB]  }
0xc3: {  	[sflag:s7] =	ssyncset.done $0x0  }
0xc4: {  	[sflag:s7] =	ssyncadd.s32 $0xFFFFF000  }
0xc5: {  	[spmem:s14] =	stream.linear.scatter [tilespmem:s6], [sflag:$0xD], $0x1000, $0x38;
	[tilespmem:$0x1F800] =	vst v63  }
0xc6: {  	_ =	swait.ge [sflag:s7], $0x1000  }
0xc7: {  	s16 =	sld [smem:$0x7FC]  }
0xc8: {  	[sflag:s7] =	ssyncset.done $0x0  }
0xc9: {  	[sflag:s7] =	ssyncadd.s32 $0xFFFFF000  }
0xca: {  	[spmem:s16] =	stream.linear.scatter [tilespmem:s6], [sflag:$0xD], $0x1000, $0x38;
	[tilespmem:$0x1F800] =	vst v63  }
0xcb: {  	_ =	swait.ge [sflag:s7], $0x1000  }
0xcc: {  	[sflag:s7] =	ssyncset.done $0x0  }
0xcd: {  	[sflag:s7] =	ssyncadd.s32 $0xFFFFF000  }
0xce: {  	[bflag:$0x0] =	sbarrier.arrive $0xFFFF  }
0xcf: {  	_ =	swait.ge [sflag:s8], $0x50  }
0xd0: {  	[sflag:s8] =	ssyncset.done $0x0  }
0xd1: {  	[sflag:s8] =	ssyncadd.s32 $0xFFFFFFB0  }
0xd2: {  	_ =	swait.ge [sflag:s8], $0x50  }
0xd3: {  	s22 =	simm.s32 $0x8000;
	[sflag:s8] =	ssyncset.done $0x0  }
0xd4: {  	s11 =	simm.s32 $0x180;
	s19 =	rddreg [dreg:$0x10];
	[sflag:s8] =	ssyncadd.s32 $0xFFFFFFB0  }
0xd5: {  	[tilespmem:s22], [sflag:$0xC] =	stream.indirect.gather [hbm4b:s4+s26], $0x80, s11, s26, $0xb8;
	[tilespmem:$0x1F800] =	vst v63  }
0xd6: {  	s21 =	simm.s32 $0x280;
	s20 =	rddreg [dreg:$0xf];
	s10 =	sadd.s32 $0x0, s19  }
0xd7: {  	[tilespmem:s21], [sflag:$0x6] =	stream.linear.gather [hbm4b:s10+s3], $0x50, $0x38;
	[tilespmem:$0x1F800] =	vst v63  }
0xd8: {  	s23 =	simm.s32 $0x680;
	s20 =	sadd.s32 $0x0, s20  }
0xd9: {  	[tilespmem:s23], [sflag:$0x6] =	stream.linear.gather [hbm4b:s20+s3], $0x50, $0x38;
	[tilespmem:$0x1F800] =	vst v63  }
0xda: {  	_ =	swait.ge [sflag:s12], $0x2800  }
0xdb: {  	[sflag:s12] =	ssyncset.done $0x0  }
0xdc: {  	s6 =	simm.s32 $0x400;
	[sflag:s12] =	ssyncadd.s32 $0xFFFFD800  }
0xdd: {  	[spmem:s31] =	stream.indirect.scatter.add.f32 [tilespmem:s30], [sflag:$0xD], $0x80, s6, s26, $0xb8;
	[tilespmem:$0x1F800] =	vst v63  }
0xde: {  	_ =	swait.ge [sflag:s7], $0x2800  }
0xdf: {  	[sflag:s7] =	ssyncset.done $0x0  }
0xe0: {  	[sflag:s7] =	ssyncadd.s32 $0xFFFFD800  }
0xe1: {  	_ =	swait.ge [sflag:s2], $0x50  }
0xe2: {  	[sflag:s2] =	ssyncset.done $0x0  }
0xe3: {  	[sflag:s2] =	ssyncadd.s32 $0xFFFFFFB0  }
0xe4: {  	_ =	swait.ge [sflag:s2], $0x50  }
0xe5: {  	[sflag:s2] =	ssyncset.done $0x0  }
0xe6: {  	s16 =	simm.s32 $0x200;
	s25 =	rddreg [dreg:$0xe];
	[sflag:s2] =	ssyncadd.s32 $0xFFFFFFB0  }
0xe7: {  	[tilespmem:s30], [sflag:$0x9] =	stream.indirect.gather [hbm4b:s4+s26], $0x80, s16, s26, $0xb8;
	[tilespmem:$0x1F800] =	vst v63  }
0xe8: {  	s8 =	simm.s32 $0x300;
	s2 =	rddreg [dreg:$0xd];
	s10 =	sadd.s32 $0x0, s25  }
0xe9: {  	[tilespmem:s8], [sflag:$0x7] =	stream.linear.gather [hbm4b:s10+s3], $0x50, $0x38;
	[tilespmem:$0x1F800] =	vst v63  }
0xea: {  	s19 =	simm.s32 $0x700;
	s14 =	sadd.s32 $0x0, s2  }
0xeb: {  	[tilespmem:s19], [sflag:$0x7] =	stream.linear.gather [hbm4b:s14+s3], $0x50, $0x38;
	[tilespmem:$0x1F800] =	vst v63  }
0xec: {  	_ =	swait.ge [sflag:s5], $0x2800  }
0xed: {  	[sflag:s5] =	ssyncset.done $0x0  }
0xee: {  	s14 =	simm.s32 $0x480;
	[sflag:s5] =	ssyncadd.s32 $0xFFFFD800  }
0xef: {  	[spmem:s31] =	stream.indirect.scatter.add.f32 [tilespmem:s0], [sflag:$0xD], $0x80, s14, s26, $0xb8;
	[tilespmem:$0x1F800] =	vst v63  }
0xf0: {  	_ =	swait.ge [sflag:s7], $0x2800  }
0xf1: {  	[sflag:s7] =	ssyncset.done $0x0  }
0xf2: {  	[sflag:s7] =	ssyncadd.s32 $0xFFFFD800  }
0xf3: {  	_ =	swait.ge [sflag:s13], $0x50  }
0xf4: {  	[sflag:s13] =	ssyncset.done $0x0  }
0xf5: {  	[sflag:s13] =	ssyncadd.s32 $0xFFFFFFB0  }
0xf6: {  	_ =	swait.ge [sflag:s13], $0x50  }
0xf7: {  	[sflag:s13] =	ssyncset.done $0x0  }
0xf8: {  	s20 =	rddreg [dreg:$0xc];
	[sflag:s13] =	ssyncadd.s32 $0xFFFFFFB0  }
0xf9: {  	[tilespmem:s0], [sflag:$0xA] =	stream.indirect.gather [hbm4b:s4+s26], $0x80, s21, s26, $0xb8;
	[tilespmem:$0x1F800] =	vst v63  }
0xfa: {  	s25 =	rddreg [dreg:$0xb];
	s10 =	sadd.s32 $0x0, s20;
	s13 =	simm.s32 $0x380  }
0xfb: {  	[tilespmem:s13], [sflag:$0x8] =	stream.linear.gather [hbm4b:s10+s3], $0x50, $0x38;
	[tilespmem:$0x1F800] =	vst v63  }
0xfc: {  	s2 =	sadd.s32 $0x0, s25;
	s25 =	simm.s32 $0x780  }
0xfd: {  	[tilespmem:s25], [sflag:$0x8] =	stream.linear.gather [hbm4b:s2+s3], $0x50, $0x38;
	[tilespmem:$0x1F800] =	vst v63  }
0xfe: {  	_ =	swait.ge [sflag:s15], $0x2800  }
0xff: {  	[sflag:s15] =	ssyncset.done $0x0  }
0x100: {  	s2 =	simm.s32 $0x500;
	[sflag:s15] =	ssyncadd.s32 $0xFFFFD800  }
0x101: {  	[spmem:s31] =	stream.indirect.scatter.add.f32 [tilespmem:s9], [sflag:$0xD], $0x80, s2, s26, $0xb8;
	[tilespmem:$0x1F800] =	vst v63  }
0x102: {  	_ =	swait.ge [sflag:s7], $0x2800  }
0x103: {  	[sflag:s7] =	ssyncset.done $0x0  }
0x104: {  	[sflag:s7] =	ssyncadd.s32 $0xFFFFD800  }
0x105: {  	_ =	swait.ge [sflag:s17], $0x50  }
0x106: {  	[sflag:s17] =	ssyncset.done $0x0  }
0x107: {  	[sflag:s17] =	ssyncadd.s32 $0xFFFFFFB0  }
0x108: {  	_ =	swait.ge [sflag:s17], $0x50  }
0x109: {  	[sflag:s17] =	ssyncset.done $0x0;
	s21 =	sld [smem:$0x7EE]  }
0x10a: {  	[sflag:s17] =	ssyncadd.s32 $0xFFFFFFB0  }
0x10b: {  	[tilespmem:s9], [sflag:$0xB] =	stream.indirect.gather [hbm4b:s4+s26], $0x80, s8, s26, $0xb8;
	[tilespmem:$0x1F800] =	vst v63  }
0x10c: {  	s20 =	rddreg [dreg:$0x11];
	s10 =	sshrl.u32 s21, $0x3  }
0x10d: {  	s17 =	sadd.s32 s20, s10;
	s20 =	rddreg [dreg:$0x12]  }
0x10e: {  	[tilespmem:s3], [sflag:$0x1] =	stream.linear.gather [hbm4b:s17+s3], $0x50, $0x38;
	[tilespmem:$0x1F800] =	vst v63  }
0x10f: {  	s10 =	sadd.s32 s20, s10  }
0x110: {  	[tilespmem:s6], [sflag:$0x1] =	stream.linear.gather [hbm4b:s10+s3], $0x50, $0x38;
	[tilespmem:$0x1F800] =	vst v63  }
0x111: {  	_ =	swait.ge [sflag:s18], $0x2800  }
0x112: {  	[sflag:s18] =	ssyncset.done $0x0  }
0x113: {  	s6 =	simm.s32 $0x580;
	[sflag:s18] =	ssyncadd.s32 $0xFFFFD800  }
0x114: {  	[spmem:s31] =	stream.indirect.scatter.add.f32 [tilespmem:s22], [sflag:$0xD], $0x80, s6, s26, $0xb8;
	[tilespmem:$0x1F800] =	vst v63  }
0x115: {  	_ =	swait.ge [sflag:s7], $0x2800  }
0x116: {  	[sflag:s7] =	ssyncset.done $0x0  }
0x117: {  	[sflag:s7] =	ssyncadd.s32 $0xFFFFD800  }
0x118: {  	_ =	swait.ge [sflag:s1], $0x50  }
0x119: {  	[sflag:s1] =	ssyncset.done $0x0  }
0x11a: {  	[sflag:s1] =	ssyncadd.s32 $0xFFFFFFB0  }
0x11b: {  	_ =	swait.ge [sflag:s1], $0x50  }
0x11c: {  	[sflag:s1] =	ssyncset.done $0x0  }
0x11d: {  	s8 =	rddreg [dreg:$0x4];
	[sflag:s1] =	ssyncadd.s32 $0xFFFFFFB0  }
0x11e: {  	[tilespmem:s22], [sflag:$0xC] =	stream.indirect.gather [hbm4b:s4+s26], $0x80, s13, s26, $0xb8;
	[tilespmem:$0x1F800] =	vst v63  }
0x11f: {  	s17 =	rddreg [dreg:$0x3];
	s10 =	sadd.s32 $0x0, s8;
	s1 =	simm.s32 $0x80  }
0x120: {  	[tilespmem:s1], [sflag:$0x2] =	stream.linear.gather [hbm4b:s10+s3], $0x50, $0x38;
	[tilespmem:$0x1F800] =	vst v63  }
0x121: {  	s20 =	sadd.s32 $0x0, s17  }
0x122: {  	[tilespmem:s14], [sflag:$0x2] =	stream.linear.gather [hbm4b:s20+s3], $0x50, $0x38;
	[tilespmem:$0x1F800] =	vst v63  }
0x123: {  	_ =	swait.ge [sflag:s12], $0x2800  }
0x124: {  	[sflag:s12] =	ssyncset.done $0x0  }
0x125: {  	s14 =	simm.s32 $0x600;
	[sflag:s12] =	ssyncadd.s32 $0xFFFFD800  }
0x126: {  	[spmem:s31] =	stream.indirect.scatter.add.f32 [tilespmem:s30], [sflag:$0xD], $0x80, s14, s26, $0xb8;
	[tilespmem:$0x1F800] =	vst v63  }
0x127: {  	_ =	swait.ge [sflag:s7], $0x2800  }
0x128: {  	[sflag:s7] =	ssyncset.done $0x0  }
0x129: {  	[sflag:s7] =	ssyncadd.s32 $0xFFFFD800  }
0x12a: {  	_ =	swait.ge [sflag:s24], $0x50  }
0x12b: {  	[sflag:s24] =	ssyncset.done $0x0  }
0x12c: {  	[sflag:s24] =	ssyncadd.s32 $0xFFFFFFB0  }
0x12d: {  	_ =	swait.ge [sflag:s24], $0x50  }
0x12e: {  	[sflag:s24] =	ssyncset.done $0x0  }
0x12f: {  	s22 =	rddreg [dreg:$0x6];
	[sflag:s24] =	ssyncadd.s32 $0xFFFFFFB0  }
0x130: {  	[tilespmem:s30], [sflag:$0x9] =	stream.indirect.gather [hbm4b:s4+s26], $0x80, s3, s26, $0xb8;
	[tilespmem:$0x1F800] =	vst v63  }
0x131: {  	s8 =	simm.s32 $0x100;
	s24 =	rddreg [dreg:$0x5];
	s10 =	sadd.s32 $0x0, s22  }
0x132: {  	[tilespmem:s8], [sflag:$0x3] =	stream.linear.gather [hbm4b:s10+s3], $0x50, $0x38;
	[tilespmem:$0x1F800] =	vst v63  }
0x133: {  	s12 =	sadd.s32 $0x0, s24  }
0x134: {  	[tilespmem:s2], [sflag:$0x3] =	stream.linear.gather [hbm4b:s12+s3], $0x50, $0x38;
	[tilespmem:$0x1F800] =	vst v63  }
0x135: {  	_ =	swait.ge [sflag:s5], $0x2800  }
0x136: {  	[sflag:s5] =	ssyncset.done $0x0  }
0x137: {  	[sflag:s5] =	ssyncadd.s32 $0xFFFFD800  }
0x138: {  	[spmem:s31] =	stream.indirect.scatter.add.f32 [tilespmem:s0], [sflag:$0xD], $0x80, s23, s26, $0xb8;
	[tilespmem:$0x1F800] =	vst v63  }
0x139: {  	_ =	swait.ge [sflag:s7], $0x2800  }
0x13a: {  	[sflag:s7] =	ssyncset.done $0x0  }
0x13b: {  	[sflag:s7] =	ssyncadd.s32 $0xFFFFD800  }
0x13c: {  	_ =	swait.ge [sflag:s28], $0x50  }
0x13d: {  	[sflag:s28] =	ssyncset.done $0x0  }
0x13e: {  	[sflag:s28] =	ssyncadd.s32 $0xFFFFFFB0  }
0x13f: {  	_ =	swait.ge [sflag:s28], $0x50  }
0x140: {  	[sflag:s28] =	ssyncset.done $0x0  }
0x141: {  	s13 =	rddreg [dreg:$0x8];
	[sflag:s28] =	ssyncadd.s32 $0xFFFFFFB0  }
0x142: {  	[tilespmem:s0], [sflag:$0xA] =	stream.indirect.gather [hbm4b:s4+s26], $0x80, s1, s26, $0xb8;
	[tilespmem:$0x1F800] =	vst v63  }
0x143: {  	s17 =	rddreg [dreg:$0x7];
	s10 =	sadd.s32 $0x0, s13  }
0x144: {  	[tilespmem:s11], [sflag:$0x4] =	stream.linear.gather [hbm4b:s10+s3], $0x50, $0x38;
	[tilespmem:$0x1F800] =	vst v63  }
0x145: {  	s22 =	sadd.s32 $0x0, s17  }
0x146: {  	[tilespmem:s6], [sflag:$0x4] =	stream.linear.gather [hbm4b:s22+s3], $0x50, $0x38;
	[tilespmem:$0x1F800] =	vst v63  }
0x147: {  	_ =	swait.ge [sflag:s15], $0x2800  }
0x148: {  	[sflag:s15] =	ssyncset.done $0x0  }
0x149: {  	[sflag:s15] =	ssyncadd.s32 $0xFFFFD800  }
0x14a: {  	[spmem:s31] =	stream.indirect.scatter.add.f32 [tilespmem:s9], [sflag:$0xD], $0x80, s19, s26, $0xb8;
	[tilespmem:$0x1F800] =	vst v63  }
0x14b: {  	_ =	swait.ge [sflag:s7], $0x2800  }
0x14c: {  	[sflag:s7] =	ssyncset.done $0x0  }
0x14d: {  	[sflag:s7] =	ssyncadd.s32 $0xFFFFD800  }
0x14e: {  	_ =	swait.ge [sflag:s29], $0x50  }
0x14f: {  	[sflag:s29] =	ssyncset.done $0x0  }
0x150: {  	[sflag:s29] =	ssyncadd.s32 $0xFFFFFFB0  }
0x151: {  	_ =	swait.ge [sflag:s29], $0x50  }
0x152: {  	[sflag:s29] =	ssyncset.done $0x0  }
0x153: {  	s23 =	rddreg [dreg:$0xa];
	[sflag:s29] =	ssyncadd.s32 $0xFFFFFFB0  }
0x154: {  	[tilespmem:s9], [sflag:$0xB] =	stream.indirect.gather [hbm4b:s4+s26], $0x80, s8, s26, $0xb8;
	[tilespmem:$0x1F800] =	vst v63  }
0x155: {  	s24 =	rddreg [dreg:$0x9];
	s10 =	sadd.s32 $0x0, s23  }
0x156: {  	[tilespmem:s16], [sflag:$0x5] =	stream.linear.gather [hbm4b:s10+s3], $0x50, $0x38;
	[tilespmem:$0x1F800] =	vst v63  }
0x157: {  	s28 =	sadd.s32 $0x0, s24  }
0x158: {  	[tilespmem:s14], [sflag:$0x5] =	stream.linear.gather [hbm4b:s28+s3], $0x50, $0x38;
	[tilespmem:$0x1F800] =	vst v63  }
0x159: {  	s20 =	simm.s32 $0x50;
	s0 =	simm.s32 $0x3000;
	_ =	swait.ge [sflag:s18], $0x2800  }
0x15a: {  	s1 =	simm.s32 $0x8;
	s15 =	simm.s32 $0x6;
	[sflag:s18] =	ssyncset.done $0x0  }
0x15b: {  	s29 =	simm.s32 $0x1;
	s16 =	simm.s32 $0x8000;
	[sflag:s18] =	ssyncadd.s32 $0xFFFFD800  }
0x15c: {  	[spmem:s31] =	stream.indirect.scatter.add.f32 [tilespmem:s16], [sflag:$0xD], $0x80, s25, s26, $0xb8;
	[tilespmem:$0x1F800] =	vst v63  }
0x15d: {  	s24 =	simm.s32 $0x2;
	s9 =	simm.s32 $0x5800;
	_ =	swait.ge [sflag:s7], $0x2800  }
0x15e: {  	s8 =	simm.s32 $0x3;
	s18 =	simm.s32 $0x7;
	[sflag:s7] =	ssyncset.done $0x0  }
.LBB2_4:
0x15f: {  	[sflag:s7] =	ssyncadd.s32 $0xFFFFD800;
	s2 =	simm.s32 $0x4  }
0x160: {  	_ =	swait.ge [sflag:s2], $0x50  }
0x161: {  	[sflag:s2] =	ssyncset.done $0x0  }
0x162: {  	[sflag:s2] =	ssyncadd.s32 $0xFFFFFFB0  }
0x163: {  	_ =	swait.ge [sflag:s2], $0x50  }
0x164: {  	s22 =	smov.u32 s20;
	[sflag:s2] =	ssyncset.done $0x0  }
0x165: {  	s25 =	simm.s32 $0x180;
	s10 =	rddreg [dreg:$0x10];
	[sflag:s2] =	ssyncadd.s32 $0xFFFFFFB0  }
0x166: {  	[tilespmem:s16], [sflag:$0xC] =	stream.indirect.gather [hbm4b:s4+s26], $0x80, s25, s26, $0xb8;
	[tilespmem:$0x1F800] =	vst v63  }
0x167: {  	s6 =	simm.s32 $0x280;
	s23 =	rddreg [dreg:$0xf];
	s10 =	sadd.s32 s22, s10  }
0x168: {  	[tilespmem:s6], [sflag:$0x6] =	stream.linear.gather [hbm4b:s10+s3], $0x50, $0x38;
	[tilespmem:$0x1F800] =	vst v63  }
0x169: {  	s11 =	simm.s32 $0x680;
	s17 =	simm.s32 $0x9;
	s5 =	sadd.s32 s22, s23  }
0x16a: {  	[tilespmem:s11], [sflag:$0x6] =	stream.linear.gather [hbm4b:s5+s3], $0x50, $0x38;
	[tilespmem:$0x1F800] =	vst v63  }
0x16b: {  	_ =	swait.ge [sflag:s17], $0x2800  }
0x16c: {  	[sflag:s17] =	ssyncset.done $0x0  }
0x16d: {  	s25 =	simm.s32 $0x400;
	[sflag:s17] =	ssyncadd.s32 $0xFFFFD800  }
0x16e: {  	[spmem:s31] =	stream.indirect.scatter.add.f32 [tilespmem:s30], [sflag:$0xD], $0x80, s25, s26, $0xb8;
	[tilespmem:$0x1F800] =	vst v63  }
0x16f: {  	_ =	swait.ge [sflag:s7], $0x2800  }
0x170: {  	[sflag:s7] =	ssyncset.done $0x0  }
0x171: {  	s12 =	simm.s32 $0x5;
	[sflag:s7] =	ssyncadd.s32 $0xFFFFD800  }
0x172: {  	_ =	swait.ge [sflag:s12], $0x50  }
0x173: {  	[sflag:s12] =	ssyncset.done $0x0  }
0x174: {  	[sflag:s12] =	ssyncadd.s32 $0xFFFFFFB0  }
0x175: {  	_ =	swait.ge [sflag:s12], $0x50  }
0x176: {  	[sflag:s12] =	ssyncset.done $0x0  }
0x177: {  	s16 =	simm.s32 $0x200;
	s13 =	rddreg [dreg:$0xe];
	[sflag:s12] =	ssyncadd.s32 $0xFFFFFFB0  }
0x178: {  	[tilespmem:s30], [sflag:$0x9] =	stream.indirect.gather [hbm4b:s4+s26], $0x80, s16, s26, $0xb8;
	[tilespmem:$0x1F800] =	vst v63  }
0x179: {  	s19 =	simm.s32 $0x300;
	s14 =	rddreg [dreg:$0xd];
	s10 =	sadd.s32 s22, s13  }
0x17a: {  	[tilespmem:s19], [sflag:$0x7] =	stream.linear.gather [hbm4b:s10+s3], $0x50, $0x38;
	[tilespmem:$0x1F800] =	vst v63  }
0x17b: {  	s23 =	sadd.s32 s22, s14;
	s14 =	simm.s32 $0x700;
	s12 =	simm.s32 $0xA  }
0x17c: {  	[tilespmem:s14], [sflag:$0x7] =	stream.linear.gather [hbm4b:s23+s3], $0x50, $0x38;
	[tilespmem:$0x1F800] =	vst v63  }
0x17d: {  	_ =	swait.ge [sflag:s12], $0x2800  }
0x17e: {  	[sflag:s12] =	ssyncset.done $0x0  }
0x17f: {  	s30 =	simm.s32 $0x480;
	[sflag:s12] =	ssyncadd.s32 $0xFFFFD800  }
0x180: {  	[spmem:s31] =	stream.indirect.scatter.add.f32 [tilespmem:s0], [sflag:$0xD], $0x80, s30, s26, $0xb8;
	[tilespmem:$0x1F800] =	vst v63  }
0x181: {  	_ =	swait.ge [sflag:s7], $0x2800  }
0x182: {  	[sflag:s7] =	ssyncset.done $0x0  }
0x183: {  	[sflag:s7] =	ssyncadd.s32 $0xFFFFD800  }
0x184: {  	_ =	swait.ge [sflag:s15], $0x50  }
0x185: {  	[sflag:s15] =	ssyncset.done $0x0  }
0x186: {  	[sflag:s15] =	ssyncadd.s32 $0xFFFFFFB0  }
0x187: {  	_ =	swait.ge [sflag:s15], $0x50  }
0x188: {  	[sflag:s15] =	ssyncset.done $0x0  }
0x189: {  	s2 =	rddreg [dreg:$0xc];
	[sflag:s15] =	ssyncadd.s32 $0xFFFFFFB0  }
0x18a: {  	[tilespmem:s0], [sflag:$0xA] =	stream.indirect.gather [hbm4b:s4+s26], $0x80, s6, s26, $0xb8;
	[tilespmem:$0x1F800] =	vst v63  }
0x18b: {  	s5 =	rddreg [dreg:$0xb];
	s10 =	sadd.s32 s22, s2;
	s6 =	simm.s32 $0x380  }
0x18c: {  	[tilespmem:s6], [sflag:$0x8] =	stream.linear.gather [hbm4b:s10+s3], $0x50, $0x38;
	[tilespmem:$0x1F800] =	vst v63  }
0x18d: {  	s23 =	simm.s32 $0x780;
	s13 =	sadd.s32 s22, s5;
	s2 =	simm.s32 $0xB  }
0x18e: {  	[tilespmem:s23], [sflag:$0x8] =	stream.linear.gather [hbm4b:s13+s3], $0x50, $0x38;
	[tilespmem:$0x1F800] =	vst v63  }
0x18f: {  	_ =	swait.ge [sflag:s2], $0x2800  }
0x190: {  	[sflag:s2] =	ssyncset.done $0x0  }
0x191: {  	s13 =	simm.s32 $0x500;
	[sflag:s2] =	ssyncadd.s32 $0xFFFFD800  }
0x192: {  	[spmem:s31] =	stream.indirect.scatter.add.f32 [tilespmem:s9], [sflag:$0xD], $0x80, s13, s26, $0xb8;
	[tilespmem:$0x1F800] =	vst v63  }
0x193: {  	_ =	swait.ge [sflag:s7], $0x2800  }
0x194: {  	[sflag:s7] =	ssyncset.done $0x0  }
0x195: {  	[sflag:s7] =	ssyncadd.s32 $0xFFFFD800  }
0x196: {  	_ =	swait.ge [sflag:s18], $0x50  }
0x197: {  	[sflag:s18] =	ssyncset.done $0x0  }
0x198: {  	[sflag:s18] =	ssyncadd.s32 $0xFFFFFFB0  }
0x199: {  	_ =	swait.ge [sflag:s18], $0x50  }
0x19a: {  	s21 =	sadd.s32 $0x280, s21;
	[sflag:s18] =	ssyncset.done $0x0  }
0x19b: {  	s10 =	sshrl.u32 s21, $0x3;
	s5 =	rddreg [dreg:$0x11];
	[sflag:s18] =	ssyncadd.s32 $0xFFFFFFB0  }
0x19c: {  	[tilespmem:s9], [sflag:$0xB] =	stream.indirect.gather [hbm4b:s4+s26], $0x80, s19, s26, $0xb8;
	[tilespmem:$0x1F800] =	vst v63  }
0x19d: {  	s23 =	rddreg [dreg:$0x12];
	s19 =	sadd.s32 s5, s10  }
0x19e: {  	[tilespmem:s3], [sflag:$0x1] =	stream.linear.gather [hbm4b:s19+s3], $0x50, $0x38;
	[tilespmem:$0x1F800] =	vst v63  }
0x19f: {  	s10 =	sadd.s32 s23, s10;
	s5 =	simm.s32 $0xC  }
0x1a0: {  	[tilespmem:s25], [sflag:$0x1] =	stream.linear.gather [hbm4b:s10+s3], $0x50, $0x38;
	[tilespmem:$0x1F800] =	vst v63  }
0x1a1: {  	_ =	swait.ge [sflag:s5], $0x2800  }
0x1a2: {  	[sflag:s5] =	ssyncset.done $0x0  }
0x1a3: {  	s28 =	simm.s32 $0x8000;
	s19 =	simm.s32 $0x580;
	[sflag:s5] =	ssyncadd.s32 $0xFFFFD800  }
0x1a4: {  	[spmem:s31] =	stream.indirect.scatter.add.f32 [tilespmem:s28], [sflag:$0xD], $0x80, s19, s26, $0xb8;
	[tilespmem:$0x1F800] =	vst v63  }
0x1a5: {  	_ =	swait.ge [sflag:s7], $0x2800  }
0x1a6: {  	[sflag:s7] =	ssyncset.done $0x0  }
0x1a7: {  	[sflag:s7] =	ssyncadd.s32 $0xFFFFD800  }
0x1a8: {  	_ =	swait.ge [sflag:s1], $0x50  }
0x1a9: {  	[sflag:s1] =	ssyncset.done $0x0  }
0x1aa: {  	[sflag:s1] =	ssyncadd.s32 $0xFFFFFFB0  }
0x1ab: {  	_ =	swait.ge [sflag:s1], $0x50  }
0x1ac: {  	[sflag:s1] =	ssyncset.done $0x0  }
0x1ad: {  	s25 =	rddreg [dreg:$0x4];
	[sflag:s1] =	ssyncadd.s32 $0xFFFFFFB0  }
0x1ae: {  	[tilespmem:s28], [sflag:$0xC] =	stream.indirect.gather [hbm4b:s4+s26], $0x80, s6, s26, $0xb8;
	[tilespmem:$0x1F800] =	vst v63  }
0x1af: {  	s23 =	rddreg [dreg:$0x3];
	s10 =	sadd.s32 s22, s25;
	s25 =	simm.s32 $0x80  }
0x1b0: {  	[tilespmem:s25], [sflag:$0x2] =	stream.linear.gather [hbm4b:s10+s3], $0x50, $0x38;
	[tilespmem:$0x1F800] =	vst v63  }
0x1b1: {  	s6 =	sadd.s32 s22, s23  }
0x1b2: {  	[tilespmem:s30], [sflag:$0x2] =	stream.linear.gather [hbm4b:s6+s3], $0x50, $0x38;
	[tilespmem:$0x1F800] =	vst v63  }
0x1b3: {  	_ =	swait.ge [sflag:s17], $0x2800  }
0x1b4: {  	[sflag:s17] =	ssyncset.done $0x0  }
0x1b5: {  	s30 =	simm.s32 $0x800;
	[sflag:s17] =	ssyncadd.s32 $0xFFFFD800;
	s17 =	simm.s32 $0x600  }
0x1b6: {  	[spmem:s31] =	stream.indirect.scatter.add.f32 [tilespmem:s30], [sflag:$0xD], $0x80, s17, s26, $0xb8;
	[tilespmem:$0x1F800] =	vst v63  }
0x1b7: {  	_ =	swait.ge [sflag:s7], $0x2800  }
0x1b8: {  	[sflag:s7] =	ssyncset.done $0x0  }
0x1b9: {  	[sflag:s7] =	ssyncadd.s32 $0xFFFFD800  }
0x1ba: {  	_ =	swait.ge [sflag:s29], $0x50  }
0x1bb: {  	[sflag:s29] =	ssyncset.done $0x0  }
0x1bc: {  	[sflag:s29] =	ssyncadd.s32 $0xFFFFFFB0  }
0x1bd: {  	_ =	swait.ge [sflag:s29], $0x50  }
0x1be: {  	[sflag:s29] =	ssyncset.done $0x0  }
0x1bf: {  	s23 =	rddreg [dreg:$0x6];
	[sflag:s29] =	ssyncadd.s32 $0xFFFFFFB0  }
0x1c0: {  	[tilespmem:s30], [sflag:$0x9] =	stream.indirect.gather [hbm4b:s4+s26], $0x80, s3, s26, $0xb8;
	[tilespmem:$0x1F800] =	vst v63  }
0x1c1: {  	s17 =	simm.s32 $0x100;
	s6 =	rddreg [dreg:$0x5];
	s10 =	sadd.s32 s22, s23  }
0x1c2: {  	[tilespmem:s17], [sflag:$0x3] =	stream.linear.gather [hbm4b:s10+s3], $0x50, $0x38;
	[tilespmem:$0x1F800] =	vst v63  }
0x1c3: {  	s23 =	sadd.s32 s22, s6  }
0x1c4: {  	[tilespmem:s13], [sflag:$0x3] =	stream.linear.gather [hbm4b:s23+s3], $0x50, $0x38;
	[tilespmem:$0x1F800] =	vst v63  }
0x1c5: {  	_ =	swait.ge [sflag:s12], $0x2800  }
0x1c6: {  	[sflag:s12] =	ssyncset.done $0x0  }
0x1c7: {  	[sflag:s12] =	ssyncadd.s32 $0xFFFFD800  }
0x1c8: {  	[spmem:s31] =	stream.indirect.scatter.add.f32 [tilespmem:s0], [sflag:$0xD], $0x80, s11, s26, $0xb8;
	[tilespmem:$0x1F800] =	vst v63  }
0x1c9: {  	_ =	swait.ge [sflag:s7], $0x2800  }
0x1ca: {  	[sflag:s7] =	ssyncset.done $0x0  }
0x1cb: {  	[sflag:s7] =	ssyncadd.s32 $0xFFFFD800  }
0x1cc: {  	_ =	swait.ge [sflag:s24], $0x50  }
0x1cd: {  	[sflag:s24] =	ssyncset.done $0x0  }
0x1ce: {  	[sflag:s24] =	ssyncadd.s32 $0xFFFFFFB0  }
0x1cf: {  	_ =	swait.ge [sflag:s24], $0x50  }
0x1d0: {  	[sflag:s24] =	ssyncset.done $0x0  }
0x1d1: {  	s11 =	rddreg [dreg:$0x8];
	[sflag:s24] =	ssyncadd.s32 $0xFFFFFFB0  }
0x1d2: {  	[tilespmem:s0], [sflag:$0xA] =	stream.indirect.gather [hbm4b:s4+s26], $0x80, s25, s26, $0xb8;
	[tilespmem:$0x1F800] =	vst v63  }
0x1d3: {  	s13 =	simm.s32 $0x180;
	s12 =	rddreg [dreg:$0x7];
	s10 =	sadd.s32 s22, s11  }
0x1d4: {  	[tilespmem:s13], [sflag:$0x4] =	stream.linear.gather [hbm4b:s10+s3], $0x50, $0x38;
	[tilespmem:$0x1F800] =	vst v63  }
0x1d5: {  	s12 =	sadd.s32 s22, s12  }
0x1d6: {  	[tilespmem:s19], [sflag:$0x4] =	stream.linear.gather [hbm4b:s12+s3], $0x50, $0x38;
	[tilespmem:$0x1F800] =	vst v63  }
0x1d7: {  	_ =	swait.ge [sflag:s2], $0x2800  }
0x1d8: {  	[sflag:s2] =	ssyncset.done $0x0  }
0x1d9: {  	[sflag:s2] =	ssyncadd.s32 $0xFFFFD800  }
0x1da: {  	[spmem:s31] =	stream.indirect.scatter.add.f32 [tilespmem:s9], [sflag:$0xD], $0x80, s14, s26, $0xb8;
	[tilespmem:$0x1F800] =	vst v63  }
0x1db: {  	_ =	swait.ge [sflag:s7], $0x2800  }
0x1dc: {  	[sflag:s7] =	ssyncset.done $0x0  }
0x1dd: {  	[sflag:s7] =	ssyncadd.s32 $0xFFFFD800  }
0x1de: {  	_ =	swait.ge [sflag:s8], $0x50  }
0x1df: {  	[sflag:s8] =	ssyncset.done $0x0  }
0x1e0: {  	[sflag:s8] =	ssyncadd.s32 $0xFFFFFFB0  }
0x1e1: {  	_ =	swait.ge [sflag:s8], $0x50  }
0x1e2: {  	[sflag:s8] =	ssyncset.done $0x0  }
0x1e3: {  	s14 =	rddreg [dreg:$0xa];
	[sflag:s8] =	ssyncadd.s32 $0xFFFFFFB0  }
0x1e4: {  	[tilespmem:s9], [sflag:$0xB] =	stream.indirect.gather [hbm4b:s4+s26], $0x80, s17, s26, $0xb8;
	[tilespmem:$0x1F800] =	vst v63  }
0x1e5: {  	s19 =	rddreg [dreg:$0x9];
	s10 =	sadd.s32 s22, s14  }
0x1e6: {  	[tilespmem:s16], [sflag:$0x5] =	stream.linear.gather [hbm4b:s10+s3], $0x50, $0x38;
	[tilespmem:$0x1F800] =	vst v63  }
0x1e7: {  	s22 =	sadd.s32 s22, s19;
	s14 =	simm.s32 $0x600  }
0x1e8: {  	[tilespmem:s14], [sflag:$0x5] =	stream.linear.gather [hbm4b:s22+s3], $0x50, $0x38;
	[tilespmem:$0x1F800] =	vst v63  }
0x1e9: {  	p0 =	sne.s32 s20, $0x460;
	s20 =	sadd.s32 $0x50, s20;
	_ =	swait.ge [sflag:s5], $0x2800  }
.Ltmp1:
0x1ea: {  	s28 =	simm.s32 $0x480;
	[sflag:s5] =	ssyncset.done $0x0;
	(pc) =	sbr.rel @p0 .LBB2_4-.Ltmp1, $4  }
0x1eb: {  	s23 =	simm.s32 $0x780;
	s16 =	simm.s32 $0x8000;
	[sflag:s5] =	ssyncadd.s32 $0xFFFFD800  }
0x1ec: {  	[spmem:s31] =	stream.indirect.scatter.add.f32 [tilespmem:s16], [sflag:$0xD], $0x80, s23, s26, $0xb8;
	[tilespmem:$0x1F800] =	vst v63  }
0x1ed: {  	s6 =	simm.s32 $0x500;
	s11 =	simm.s32 $0x200;
	_ =	swait.ge [sflag:s7], $0x2800  }
0x1ee: {  	s25 =	simm.s32 $0x180;
	s13 =	simm.s32 $0x580;
	[sflag:s7] =	ssyncset.done $0x0  }
0x1ef: {  	[sflag:s7] =	ssyncadd.s32 $0xFFFFD800;
	s1 =	simm.s32 $0x4  }
0x1f0: {  	_ =	swait.ge [sflag:s1], $0x50  }
0x1f1: {  	[sflag:s1] =	ssyncset.done $0x0  }
0x1f2: {  	[sflag:s1] =	ssyncadd.s32 $0xFFFFFFB0  }
0x1f3: {  	_ =	swait.ge [sflag:s1], $0x50  }
0x1f4: {  	[sflag:s1] =	ssyncset.done $0x0  }
0x1f5: {  	s8 =	simm.s32 $0x9;
	[sflag:s1] =	ssyncadd.s32 $0xFFFFFFB0  }
0x1f6: {  	[tilespmem:s16], [sflag:$0xC] =	stream.indirect.gather [hbm4b:s4+s26], $0x80, s25, s26, $0xb8;
	[tilespmem:$0x1F800] =	vst v63  }
0x1f7: {  	_ =	swait.ge [sflag:s8], $0x2800  }
0x1f8: {  	[sflag:s8] =	ssyncset.done $0x0  }
0x1f9: {  	s18 =	simm.s32 $0x400;
	[sflag:s8] =	ssyncadd.s32 $0xFFFFD800  }
0x1fa: {  	[spmem:s31] =	stream.indirect.scatter.add.f32 [tilespmem:s30], [sflag:$0xD], $0x80, s18, s26, $0xb8;
	[tilespmem:$0x1F800] =	vst v63  }
0x1fb: {  	_ =	swait.ge [sflag:s7], $0x2800  }
0x1fc: {  	[sflag:s7] =	ssyncset.done $0x0  }
0x1fd: {  	s19 =	simm.s32 $0x5;
	[sflag:s7] =	ssyncadd.s32 $0xFFFFD800  }
0x1fe: {  	_ =	swait.ge [sflag:s19], $0x50  }
0x1ff: {  	[sflag:s19] =	ssyncset.done $0x0  }
0x200: {  	[sflag:s19] =	ssyncadd.s32 $0xFFFFFFB0  }
0x201: {  	_ =	swait.ge [sflag:s19], $0x50  }
0x202: {  	[sflag:s19] =	ssyncset.done $0x0  }
0x203: {  	s20 =	simm.s32 $0xA;
	[sflag:s19] =	ssyncadd.s32 $0xFFFFFFB0  }
0x204: {  	[tilespmem:s30], [sflag:$0x9] =	stream.indirect.gather [hbm4b:s4+s26], $0x80, s11, s26, $0xb8;
	[tilespmem:$0x1F800] =	vst v63  }
0x205: {  	_ =	swait.ge [sflag:s20], $0x2800  }
0x206: {  	[sflag:s20] =	ssyncset.done $0x0  }
0x207: {  	[sflag:s20] =	ssyncadd.s32 $0xFFFFD800  }
0x208: {  	[spmem:s31] =	stream.indirect.scatter.add.f32 [tilespmem:s0], [sflag:$0xD], $0x80, s28, s26, $0xb8;
	[tilespmem:$0x1F800] =	vst v63  }
0x209: {  	_ =	swait.ge [sflag:s7], $0x2800  }
0x20a: {  	[sflag:s7] =	ssyncset.done $0x0  }
0x20b: {  	s21 =	simm.s32 $0xB;
	[sflag:s7] =	ssyncadd.s32 $0xFFFFD800  }
0x20c: {  	_ =	swait.ge [sflag:s21], $0x2800  }
0x20d: {  	[sflag:s21] =	ssyncset.done $0x0  }
0x20e: {  	[sflag:s21] =	ssyncadd.s32 $0xFFFFD800  }
0x20f: {  	[spmem:s31] =	stream.indirect.scatter.add.f32 [tilespmem:s9], [sflag:$0xD], $0x80, s6, s26, $0xb8;
	[tilespmem:$0x1F800] =	vst v63  }
0x210: {  	_ =	swait.ge [sflag:s7], $0x2800  }
0x211: {  	[sflag:s7] =	ssyncset.done $0x0  }
0x212: {  	s22 =	simm.s32 $0xC;
	[sflag:s7] =	ssyncadd.s32 $0xFFFFD800  }
0x213: {  	_ =	swait.ge [sflag:s22], $0x2800  }
0x214: {  	[sflag:s22] =	ssyncset.done $0x0  }
0x215: {  	[sflag:s22] =	ssyncadd.s32 $0xFFFFD800  }
0x216: {  	[spmem:s31] =	stream.indirect.scatter.add.f32 [tilespmem:s16], [sflag:$0xD], $0x80, s13, s26, $0xb8;
	[tilespmem:$0x1F800] =	vst v63  }
0x217: {  	_ =	swait.ge [sflag:s7], $0x2800  }
0x218: {  	[sflag:s7] =	ssyncset.done $0x0  }
0x219: {  	[sflag:s7] =	ssyncadd.s32 $0xFFFFD800  }
0x21a: {  	_ =	swait.ge [sflag:s8], $0x2800  }
0x21b: {  	[sflag:s8] =	ssyncset.done $0x0  }
0x21c: {  	[sflag:s8] =	ssyncadd.s32 $0xFFFFD800  }
0x21d: {  	[spmem:s31] =	stream.indirect.scatter.add.f32 [tilespmem:s30], [sflag:$0xD], $0x80, s14, s26, $0xb8;
	[tilespmem:$0x1F800] =	vst v63  }
0x21e: {  	_ =	swait.ge [sflag:s7], $0x2800  }
0x21f: {  	[sflag:s7] =	ssyncset.done $0x0  }
0x220: {  	[sflag:s7] =	ssyncadd.s32 $0xFFFFD800  }
0x221: {  	[bflag:$0x0] =	sbarrier.arrive $0xFFFF  }
0x222: {  	s10 =	stileid.u32;
	s23 =	sld [smem:$0x7EC]  }
0x223: {  	s10 =	sshll.u32 s10, $0x6;
	s19 =	rddreg [dreg:$0x1c]  }
0x224: {  	s10 =	sor.u32 $0x1C0D, s10;
	s20 =	sshrl.u32 s19, $0x3  }
0x225: {  	[hbm:s23], [sflag:s10] =	dma.local [spmem:s20], $0x2800  }
0x226: {  	_ =	swait.ge [sflag:s7], $0x2800  }
0x227: {  	s29 =	simm.s32 $0x3;
	s24 =	sld [smem:$0x7FD]  }
0x228: {  	s12 =	simm.s32 $0x9;
	s2 =	simm.s32 $0x5;
	s25 =	sld [smem:$0x7ED]  }
0x229: {  	s5 =	simm.s32 $0xA;
	s15 =	simm.s32 $0xB;
	s17 =	simm.s32 $0x7  }
0x22a: {  	s1 =	simm.s32 $0x8;
	s18 =	simm.s32 $0xC;
	s6 =	sadd.s32 $0x1, s24  }
0x22b: {  	s11 =	simm.s32 $0x400;
	s28 =	simm.s32 $0x2;
	p0 =	sne.s32 s6, s25  }
.Ltmp2:
0x22c: {  	s21 =	simm.s32 $0x180;
	s22 =	simm.s32 $0x580;
	(pc) =	sbr.rel @p0 .LBB2_1-.Ltmp2, $4  }
0x22d: {  	s16 =	simm.s32 $0x100;
	s13 =	simm.s32 $0x6;
	s8 =	simm.s32 $0x4  }
0x22e: {  	s14 =	simm.s32 $0x480;
	s20 =	simm.s32 $0x500;
	[sflag:s7] =	ssyncset.done $0x0  }
0x22f: {  	s23 =	simm.s32 $0x200;
	[sflag:s7] =	ssyncadd.s32 $0xFFFFD800;
	s24 =	simm.s32 $0x1  }
0x230: {  	[smem:$0x7FD] =	sst s6;
	s6 =	simm.s32 $0x80;
	s25 =	simm.s32 $0x600  }
0x231: {  	_ =	sfence.sel $0x180000  }
0x232: {  	[bflag:$0x0] =	sbarrier.arrive $0xFFFF  }
0x233: {  	_ =	strace $0x9000004A  }
0x234: {  	s0 =	stileid.u32;
	[bflag:$0x2] =	sbarrier.arrive $0xFFFF  }
0x235: {  	p0 =	sne.s32 s0, $0x0;
	s0 =	rddreg [dreg:$0x2]  }
0x236: {  	s0 =	sadd.s32 @!p0 $0x100000, s0  }
0x237: {  	[sflag:s0] =	ssyncadd.tile.s32 @!p0 $0x1;
	_ =	shalt  }
.Lfunc_end2:
_tile_overlayer_lowered:
.L_overlay_start_2:
0x238: {  	(tag) =	ssettag $0x2  }
0x239: {  	s0 =	rddreg [dreg:$0x0];
	s2 =	stileid.u32  }
0x23a: {  	s1 =	rddreg [dreg:$0x1];
	p0 =	sne.s32 s2, $0x0  }
0x23b: {  	s3 =	rddreg [dreg:$0x2];
	[bflag:$0x3] =	sbarrier.arrive $0xFFFF;
	s2 =	simm.s32 @!p0 $0x1C0D  }
0x23c: {  	[timem:s3], [sflag:s2] =	dma.local @!p0 [hbm:s0], s1  }
0x23d: {  	s0 =	simm.s32 @!p0 $0xD  }
0x23e: {  	_ =	swait.ge @!p0 [sflag:s0], s1  }
0x23f: {  	s1 =	ssub.s32 @!p0 $0x0, s1;
	[sflag:s0] =	ssyncset.done @!p0 $0x0  }
0x240: {  	[sflag:s0] =	ssyncadd.s32 @!p0 s1  }
0x241: {  	[bflag:$0x3] =	sbarrier.arrive $0xFFFF  }
0x242: {  	_ =	shalt  }

</sc_bundles>
